<compile_context>
chip_gen: v7x
topology: tpu7x:2x2x1
jax: 0.10.2.dev20260603
libtpu: 0.0.44.dev20260713+nightly
codegen_flags: <defaults>
</compile_context>

<pallas_src>
import functools

import jax
import jax.numpy as jnp
from jax import lax
from jax.experimental import pallas as pl
from jax.experimental.pallas import tpu as pltpu
from jax.experimental.pallas import tpu_sc as plsc

N = 10000
D = 128
E = 320000
NC = 2
NS = 16
NW = NC * NS
CH = 128
CPT = 79
CHUNKS = NW * CPT
E_PAD = CHUNKS * CH
NPAD = 10112
RPT = NPAD // NS
DUMMY_DST = N + 8

_mesh = plsc.VectorSubcoreMesh(core_axis_name="c", subcore_axis_name="s",
                               num_cores=NC, num_subcores=NS)



@functools.partial(
    pl.kernel,
    out_type=jax.ShapeDtypeStruct((NC, NPAD, D), jnp.float32),
    mesh=_mesh,
    scratch_types=[
        pltpu.VMEM_SHARED((NPAD, D), jnp.float32),
        pltpu.VMEM((40, CH), jnp.int32),
        pltpu.VMEM((40, CH), jnp.int32),
        pltpu.VMEM((CH, D), jnp.float32),
        pltpu.VMEM((CH, D), jnp.float32),
        pltpu.SemaphoreType.DMA,
        pltpu.SemaphoreType.DMA,
        pltpu.SemaphoreType.DMA,
        pltpu.SemaphoreType.DMA,
    ],
)
def _agg(h_hbm, srcs_hbm, dsts_hbm, zeros_hbm, out_hbm,
         acc_sh, src_v, dst_v, buf_a, buf_b, gsa, gsb, ssa, ssb):
    cid = lax.axis_index("c")
    sid = lax.axis_index("s")
    wid = sid * NC + cid
    pltpu.sync_copy(zeros_hbm, acc_sh.at[pl.ds(sid * RPT, RPT)])
    plsc.subcore_barrier()
    HSTG = 40
    for st, nch in ((0, HSTG), (HSTG, CPT - HSTG)):
        pltpu.sync_copy(srcs_hbm.at[wid, pl.ds(st, nch)],
                        src_v.at[pl.ds(0, nch)])
        pltpu.sync_copy(dsts_hbm.at[wid, pl.ds(st, nch)],
                        dst_v.at[pl.ds(0, nch)])

        NI = nch // 2
        pltpu.async_copy(h_hbm.at[src_v.at[0]], buf_a, gsa)

        @pl.loop(0, NI)
        def _pair(i):
            j0 = i * 2
            j1 = j0 + 1

            @pl.when(i > 0)
            def _drain_sb():
                pltpu.make_async_copy(buf_b, acc_sh.at[dst_v.at[j0 - 1]],
                                      ssb).wait()

            pltpu.make_async_copy(h_hbm.at[src_v.at[j0]], buf_a, gsa).wait()
            sa = pltpu.async_copy(buf_a, acc_sh.at[dst_v.at[j0]], ssa,
                                  add=True)
            gb = pltpu.async_copy(h_hbm.at[src_v.at[j1]], buf_b, gsb)
            sa.wait()
            gb.wait()
            pltpu.async_copy(buf_b, acc_sh.at[dst_v.at[j1]], ssb, add=True)

            @pl.when(i + 1 < NI)
            def _prefetch_ga():
                pltpu.async_copy(h_hbm.at[src_v.at[j0 + 2]], buf_a, gsa)

        pltpu.make_async_copy(buf_b, acc_sh.at[dst_v.at[NI * 2 - 1]],
                              ssb).wait()
        if nch % 2:
            j = nch - 1
            pltpu.async_copy(h_hbm.at[src_v.at[j]], buf_a, gsa).wait()
            pltpu.sync_copy(buf_a, acc_sh.at[dst_v.at[j]], add=True)

    plsc.subcore_barrier()
    pltpu.sync_copy(acc_sh.at[pl.ds(sid * RPT, RPT)],
                    out_hbm.at[cid, pl.ds(sid * RPT, RPT)])


@functools.partial(
    pl.kernel,
    out_type=jax.ShapeDtypeStruct((NC, NPAD, D), jnp.float32),
    mesh=_mesh,
    scratch_types=[
        pltpu.VMEM_SHARED((NPAD, D), jnp.float32),
        pltpu.VMEM((CPT, CH), jnp.int32),
        pltpu.VMEM((CH, D), jnp.float32),
        pltpu.SemaphoreType.DMA,
    ],
)
def _cnt(dsts_hbm, zeros_hbm, ones_hbm, out_hbm, cnt_sh, dst_v, ones_v, ssem):
    cid = lax.axis_index("c")
    sid = lax.axis_index("s")
    wid = sid * NC + cid
    pltpu.sync_copy(zeros_hbm, cnt_sh.at[pl.ds(sid * RPT, RPT)])
    pltpu.sync_copy(dsts_hbm.at[wid], dst_v)
    pltpu.sync_copy(ones_hbm, ones_v)
    plsc.subcore_barrier()

    @pl.loop(0, CPT)
    def _edges(j):
        pltpu.sync_copy(ones_v, cnt_sh.at[dst_v.at[j]], add=True)

    plsc.subcore_barrier()
    pltpu.sync_copy(cnt_sh.at[pl.ds(sid * RPT, RPT)],
                    out_hbm.at[cid, pl.ds(sid * RPT, RPT)])


@functools.partial(
    pl.kernel,
    out_type=jax.ShapeDtypeStruct((E_PAD, D), jnp.float32),
    mesh=_mesh,
    scratch_types=[
        pltpu.VMEM((CPT, CH), jnp.int32),
        pltpu.VMEM((CPT, CH), jnp.int32),
        pltpu.VMEM((CH, D), jnp.float32),
        pltpu.VMEM((CH, D), jnp.float32),
        pltpu.VMEM((CH, D), jnp.float32),
        pltpu.SemaphoreType.DMA,
        pltpu.SemaphoreType.DMA,
        pltpu.SemaphoreType.DMA,
        pltpu.SemaphoreType.DMA,
    ],
)
def _pairsum(u_hbm, v_hbm, srcs_hbm, dsts_hbm, out_hbm,
             src_v, dst_v, a0_v, a1_v, b_v, sem_a, sem_b, os0, os1):
    cid = lax.axis_index("c")
    sid = lax.axis_index("s")
    wid = sid * NC + cid
    base_c = wid * CPT
    pltpu.sync_copy(srcs_hbm.at[wid], src_v)
    pltpu.sync_copy(dsts_hbm.at[wid], dst_v)

    def _add(a_v):
        @pl.loop(0, CH)
        def _rows(r):
            for k in range(D // 16):
                sl = pl.ds(k * 16, 16)
                a_v[r, sl] = a_v[r, sl] + b_v[r, sl]

    def _rows_out(j):
        return pl.ds((base_c + j) * CH, CH)

    @pl.loop(0, CPT // 2)
    def _pair(i):
        j0 = i * 2

        ca = pltpu.async_copy(u_hbm.at[src_v.at[j0]], a0_v, sem_a)
        cb = pltpu.async_copy(v_hbm.at[dst_v.at[j0]], b_v, sem_b)
        ca.wait()
        cb.wait()

        @pl.when(i > 0)
        def _drain_prev_odd():
            pltpu.make_async_copy(a1_v, out_hbm.at[_rows_out(j0 - 1)],
                                  os1).wait()

        _add(a0_v)
        pltpu.async_copy(a0_v, out_hbm.at[_rows_out(j0)], os0)

        ca1 = pltpu.async_copy(u_hbm.at[src_v.at[j0 + 1]], a1_v, sem_a)
        cb1 = pltpu.async_copy(v_hbm.at[dst_v.at[j0 + 1]], b_v, sem_b)
        ca1.wait()
        cb1.wait()
        pltpu.make_async_copy(a0_v, out_hbm.at[_rows_out(j0)], os0).wait()
        _add(a1_v)
        pltpu.async_copy(a1_v, out_hbm.at[_rows_out(j0 + 1)], os1)

    pltpu.make_async_copy(a1_v, out_hbm.at[_rows_out(CPT // 2 * 2 - 1)],
                          os1).wait()
    j = CPT - 1
    pltpu.async_copy(u_hbm.at[src_v.at[j]], a0_v, sem_a).wait()
    pltpu.async_copy(v_hbm.at[dst_v.at[j]], b_v, sem_b).wait()
    _add(a0_v)
    pltpu.sync_copy(a0_v, out_hbm.at[_rows_out(j)])



_NB = 10
_RB = N // _NB


def _norm_body(x_ref, o_ref):
    x = x_ref[...]
    n = jnp.sqrt(jnp.sum(x * x, axis=1, keepdims=True))
    o_ref[...] = x / jnp.maximum(n, 1e-12)


_normalize = pl.pallas_call(
    _norm_body,
    grid=(_NB,),
    in_specs=[pl.BlockSpec((_RB, D), lambda i: (i, 0))],
    out_specs=pl.BlockSpec((_RB, D), lambda i: (i, 0)),
    out_shape=jax.ShapeDtypeStruct((N, D), jnp.float32),
)


def _mean(aggA, aggB, cntA, cntB):
    s = aggA[0] + aggB[0]
    c = cntA[0, :, 0:1] + cntB[0, :, 0:1]
    return s / jnp.maximum(c, 1.0)


def _dense_body(aggA, aggB, cntA, cntB, h_ref, wl, wr, b, o_ref):
    mean = _mean(aggA, aggB, cntA, cntB)
    o = (jnp.dot(mean, wl[...], preferred_element_type=jnp.float32)
         + jnp.dot(h_ref[...], wr[...], preferred_element_type=jnp.float32)
         + b[...])
    o_ref[...] = jnp.maximum(o, 0.0)


def _dense3_body(aggA, aggB, cntA, cntB, h_ref, wl, wr, b, w0a, w0b, b0,
                 u_ref, v_ref):
    mean = _mean(aggA, aggB, cntA, cntB)
    z = (jnp.dot(mean, wl[...], preferred_element_type=jnp.float32)
         + jnp.dot(h_ref[...], wr[...], preferred_element_type=jnp.float32)
         + b[...])
    z = jnp.maximum(z, 0.0)
    u_ref[...] = jnp.dot(z, w0a[...], preferred_element_type=jnp.float32) + b0[...]
    v_ref[...] = jnp.dot(z, w0b[...], preferred_element_type=jnp.float32)


_agg_spec = pl.BlockSpec((1, _RB, D), lambda i: (0, i, 0))
_agg_spec2 = pl.BlockSpec((1, _RB, D), lambda i: (1, i, 0))
_cnt_spec = pl.BlockSpec((1, _RB, D), lambda i: (0, i, 0))
_cnt_spec2 = pl.BlockSpec((1, _RB, D), lambda i: (1, i, 0))
_row_spec = pl.BlockSpec((_RB, D), lambda i: (i, 0))


def _full(shape):
    return pl.BlockSpec(shape, lambda i: tuple(0 for _ in shape))


_dense = pl.pallas_call(
    _dense_body,
    grid=(_NB,),
    in_specs=[_agg_spec, _agg_spec2, _cnt_spec, _cnt_spec2, _row_spec,
              _full((D, D)), _full((D, D)), _full((1, D))],
    out_specs=_row_spec,
    out_shape=jax.ShapeDtypeStruct((N, D), jnp.float32),
)

_dense3 = pl.pallas_call(
    _dense3_body,
    grid=(_NB,),
    in_specs=[_agg_spec, _agg_spec2, _cnt_spec, _cnt_spec2, _row_spec,
              _full((D, D)), _full((D, D)), _full((1, D)),
              _full((D, D)), _full((D, D)), _full((1, D))],
    out_specs=[_row_spec, _row_spec],
    out_shape=[jax.ShapeDtypeStruct((N, D), jnp.float32),
               jax.ShapeDtypeStruct((N, D), jnp.float32)],
)


def _leaky(x):
    return jnp.maximum(x, 0.01 * x)


def _mlp_body(p_ref, w1, b1, w2, b2, w3, b3, o_ref):
    p = _leaky(p_ref[...])
    a = _leaky(jnp.dot(p, w1[...], preferred_element_type=jnp.float32) + b1[...])
    a = _leaky(jnp.dot(a, w2[...], preferred_element_type=jnp.float32) + b2[...])
    o_ref[...] = jnp.dot(a, w3[...], preferred_element_type=jnp.float32) + b3[...]


_EB = 1000

_mlp = pl.pallas_call(
    _mlp_body,
    grid=(E // _EB,),
    in_specs=[pl.BlockSpec((_EB, D), lambda i: (i, 0)),
              _full((D, 64)), _full((1, 64)),
              _full((64, 16)), _full((1, 16)),
              _full((16, 1)), _full((1, 1))],
    out_specs=pl.BlockSpec((_EB, 1), lambda i: (i, 0)),
    out_shape=jax.ShapeDtypeStruct((E, 1), jnp.float32),
)



def _pad_idx(a, fill):
    pad = jnp.full((E_PAD - E,), fill, jnp.int32)
    return jnp.concatenate([a.astype(jnp.int32), pad]).reshape(NW, CPT, CH)


def kernel(x, edge_index, src, dst,
           Wl0, Wr0, bs0, Wl1, Wr1, bs1, Wl2, Wr2, bs2, Wl3, Wr3, bs3,
           fcw0, fcb0, fcw1, fcb1, fcw2, fcb2, fcw3, fcb3):
    srcE = _pad_idx(edge_index[0], 0)
    dstE = _pad_idx(edge_index[1], DUMMY_DST)
    srcD = _pad_idx(src, 0)
    dstD = _pad_idx(dst, 0)
    zD = jnp.zeros((RPT, D), jnp.float32)

    h = _normalize(x)
    cnt = _cnt(dstE, zD, jnp.ones((CH, D), jnp.float32))

    Wls = (Wl0, Wl1, Wl2)
    Wrs = (Wr0, Wr1, Wr2)
    bss = (bs0, bs1, bs2)
    for i in range(3):
        agg = _agg(h, srcE, dstE, zD)
        h = _dense(agg, agg, cnt, cnt, h,
                   Wls[i], Wrs[i], bss[i].reshape(1, D))
    agg = _agg(h, srcE, dstE, zD)
    U, V = _dense3(agg, agg, cnt, cnt, h,
                   Wl3, Wr3, bs3.reshape(1, D),
                   fcw0[:D], fcw0[D:], fcb0.reshape(1, D))
    P = _pairsum(U, V, srcD, dstD)
    return _mlp(P, fcw1, fcb1.reshape(1, 64), fcw2, fcb2.reshape(1, 16),
                fcw3, fcb3.reshape(1, 1))

# --- scband reference (transcript-rebuilt; emitter-appended) ---
"""Pipeline reference for scband-gcn-74457553044379 (READ-ONLY COPY).

The authoritative reference and input builder live on the scoring server;
editing this copy changes nothing except your own understanding.
"""

import jax, jax.numpy as jnp
import numpy as np

N_NODES = 10000
N_EDGES = 320000
D_IN = 128
D_HID = 128

def setup_inputs(seed: int = 0):
    key = jax.random.key(seed)
    ks = jax.random.split(key, 30)
    inp = {}
    inp["x"] = jax.random.normal(ks[0], (N_NODES, D_IN), dtype=jnp.float32)
    inp["edge_index"] = jax.random.randint(ks[1], (2, N_EDGES), 0, N_NODES, dtype=jnp.int32)
    inp["src"] = jax.random.randint(ks[2], (N_EDGES,), 0, N_NODES, dtype=jnp.int32)
    inp["dst"] = jax.random.randint(ks[3], (N_EDGES,), 0, N_NODES, dtype=jnp.int32)
    dims = [(D_IN, D_HID), (D_HID, D_HID), (D_HID, D_HID), (D_HID, D_HID)]
    for i, (di, do) in enumerate(dims):
        inp[f"Wl{i}"] = jax.random.normal(ks[4 + 3 * i], (di, do), dtype=jnp.float32) / np.sqrt(di)
        inp[f"Wr{i}"] = jax.random.normal(ks[5 + 3 * i], (di, do), dtype=jnp.float32) / np.sqrt(di)
        inp[f"bs{i}"] = jnp.zeros((do,), dtype=jnp.float32)
    fc_dims = [(2 * D_HID, 128), (128, 64), (64, 16), (16, 1)]
    for i, (di, do) in enumerate(fc_dims):
        inp[f"fcw{i}"] = jax.random.normal(ks[16 + 2 * i], (di, do), dtype=jnp.float32) / np.sqrt(di)
        inp[f"fcb{i}"] = jnp.zeros((do,), dtype=jnp.float32)
    return inp

def _sage_conv(h, src_e, dst_e, Wl, Wr, b):
    # PyG SAGEConv with mean aggregation: out = lin_l(mean_{j in N(i)} x_j) + lin_r(x_i)
    msgs = h[src_e]
    s = jax.ops.segment_sum(msgs, dst_e, num_segments=N_NODES)
    cnt = jax.ops.segment_sum(jnp.ones((dst_e.shape[0], 1), h.dtype), dst_e, num_segments=N_NODES)
    mean = s / jnp.maximum(cnt, 1.0)
    return mean @ Wl + h @ Wr + b

def reference(x, edge_index, src, dst,
              Wl0, Wr0, bs0, Wl1, Wr1, bs1, Wl2, Wr2, bs2, Wl3, Wr3, bs3,
              fcw0, fcb0, fcw1, fcb1, fcw2, fcb2, fcw3, fcb3):
    # feature normalization (F.normalize p=2, dim=-1)
    h = x / jnp.maximum(jnp.linalg.norm(x, axis=-1, keepdims=True), 1e-12)
    src_e = edge_index[0]
    dst_e = edge_index[1]
    Wls = [Wl0, Wl1, Wl2, Wl3]
    Wrs = [Wr0, Wr1, Wr2, Wr3]
    bss = [bs0, bs1, bs2, bs3]
    for i in range(4):
        h = _sage_conv(h, src_e, dst_e, Wls[i], Wrs[i], bss[i])
        if i < 3:
            h = jax.nn.relu(h)
    z = jax.nn.relu(h)  # encode: conv1(x, edge_index).relu()
    # decode: concat gathered src/dst embeddings -> MLP
    hc = jnp.concatenate([z[src], z[dst]], axis=-1)
    hc = jax.nn.leaky_relu(hc @ fcw0 + fcb0)
    hc = jax.nn.leaky_relu(hc @ fcw1 + fcb1)
    hc = jax.nn.leaky_relu(hc @ fcw2 + fcb2)
    out = hc @ fcw3 + fcb3
    return out

if __name__ == "__main__":
    import jax
    _d = setup_inputs()
    print(jax.jit(kernel)(*tuple(_d.values())))

</pallas_src>

<mosaic_0001>
#map = affine_map<(d0, d1) -> (0, 0, 0)>
#map1 = affine_map<(d0, d1) -> (0, 0)>
module attributes {stable_mosaic.version = 14 : i64} {
  func.func @_cnt(%arg0: i32, %arg1: i32, %arg2: memref<32x79x128xi32, #tpu.memory_space<hbm>>, %arg3: memref<632x128xf32, #tpu.memory_space<hbm>>, %arg4: memref<128x128xf32, #tpu.memory_space<hbm>>, %arg5: memref<2x10112x128xf32, #tpu.memory_space<hbm>>, %arg6: memref<10112x128xf32, #tpu.memory_space<vmem_shared>>, %arg7: memref<79x128xi32, #tpu.memory_space<vmem>>, %arg8: memref<128x128xf32, #tpu.memory_space<vmem>>, %arg9: memref<!tpu.dma_semaphore, #tpu.memory_space<semaphore_mem>>) attributes {dimension_semantics = [#tpu.dimension_semantics<core_parallel>, #tpu.dimension_semantics<subcore_parallel>], iteration_bounds = array<i64: 2, 16>, scalar_prefetch = 0 : i64, scratch_operands = 4 : i64, tpu.core_type = #tpu.core_type<sc_vector_subcore>, window_params = [{transform_indices = #map}, {transform_indices = #map1}, {transform_indices = #map1}, {transform_indices = #map}]} {
    %mul3A = arith.constant 2 : i32
    %mul3A_0 = arith.muli %arg1, %mul3A : i32
    %add3A = arith.addi %mul3A_0, %arg0 : i32
    %mul3A_1 = arith.constant 632 : i32
    %mul3A_2 = arith.muli %arg1, %mul3A_1 : i32
    "tpu.region"() ({
      %run_scoped3A = tpu.sem_alloc : memref<!tpu.dma_semaphore, #tpu.memory_space<semaphore_mem>>
      %dma_start3A = arith.constant 0 : i32
      %dma_start3A_12 = tpu.memref_slice %arg6[%mul3A_2, %dma_start3A] : memref<10112x128xf32, #tpu.memory_space<vmem_shared>> -> memref<632x128xf32, #tpu.memory_space<vmem_shared>>
      tpu.enqueue_dma source(%arg3 : memref<632x128xf32, #tpu.memory_space<hbm>>) target(%dma_start3A_12 : memref<632x128xf32, #tpu.memory_space<vmem_shared>>) target_semaphore(%run_scoped3A : memref<!tpu.dma_semaphore, #tpu.memory_space<semaphore_mem>>)
      %dma_wait3A = arith.constant 0 : i32
      %dma_wait3A_13 = tpu.memref_slice %arg6[%mul3A_2, %dma_wait3A] : memref<10112x128xf32, #tpu.memory_space<vmem_shared>> -> memref<632x128xf32, #tpu.memory_space<vmem_shared>>
      tpu.wait_dma2 semaphore(%run_scoped3A : memref<!tpu.dma_semaphore, #tpu.memory_space<semaphore_mem>>) src(%arg3 : memref<632x128xf32, #tpu.memory_space<hbm>>) dst(%dma_wait3A_13 : memref<632x128xf32, #tpu.memory_space<vmem_shared>>)
      tpu.yield
    }) : () -> ()
    "tpu.region"() ({
      %run_scoped3A = tpu.sem_alloc : memref<!tpu.dma_semaphore, #tpu.memory_space<semaphore_mem>>
      %dma_start3A = arith.constant 0 : i32
      %dma_start3A_12 = arith.constant 0 : i32
      %dma_start3A_13 = tpu.memref_slice %arg2[%add3A, %dma_start3A, %dma_start3A_12] : memref<32x79x128xi32, #tpu.memory_space<hbm>> -> memref<1x79x128xi32, #tpu.memory_space<hbm>>
      %dma_start3A_14 = tpu.memref_squeeze %dma_start3A_13 : memref<1x79x128xi32, #tpu.memory_space<hbm>> -> memref<79x128xi32, #tpu.memory_space<hbm>>
      %dma_start3A_15 = arith.constant 0 : i32
      %dma_start3A_16 = arith.constant 0 : i32
      %dma_start3A_17 = tpu.memref_slice %arg2[%add3A, %dma_start3A_15, %dma_start3A_16] : memref<32x79x128xi32, #tpu.memory_space<hbm>> -> memref<1x79x128xi32, #tpu.memory_space<hbm>>
      %dma_start3A_18 = tpu.memref_squeeze %dma_start3A_17 : memref<1x79x128xi32, #tpu.memory_space<hbm>> -> memref<79x128xi32, #tpu.memory_space<hbm>>
      tpu.enqueue_dma source(%dma_start3A_18 : memref<79x128xi32, #tpu.memory_space<hbm>>) target(%arg7 : memref<79x128xi32, #tpu.memory_space<vmem>>) target_semaphore(%run_scoped3A : memref<!tpu.dma_semaphore, #tpu.memory_space<semaphore_mem>>)
      %dma_wait3A = arith.constant 0 : i32
      %dma_wait3A_19 = arith.constant 0 : i32
      %dma_wait3A_20 = tpu.memref_slice %arg2[%add3A, %dma_wait3A, %dma_wait3A_19] : memref<32x79x128xi32, #tpu.memory_space<hbm>> -> memref<1x79x128xi32, #tpu.memory_space<hbm>>
      %dma_wait3A_21 = tpu.memref_squeeze %dma_wait3A_20 : memref<1x79x128xi32, #tpu.memory_space<hbm>> -> memref<79x128xi32, #tpu.memory_space<hbm>>
      %dma_wait3A_22 = arith.constant 0 : i32
      %dma_wait3A_23 = arith.constant 0 : i32
      %dma_wait3A_24 = tpu.memref_slice %arg2[%add3A, %dma_wait3A_22, %dma_wait3A_23] : memref<32x79x128xi32, #tpu.memory_space<hbm>> -> memref<1x79x128xi32, #tpu.memory_space<hbm>>
      %dma_wait3A_25 = tpu.memref_squeeze %dma_wait3A_24 : memref<1x79x128xi32, #tpu.memory_space<hbm>> -> memref<79x128xi32, #tpu.memory_space<hbm>>
      tpu.wait_dma2 semaphore(%run_scoped3A : memref<!tpu.dma_semaphore, #tpu.memory_space<semaphore_mem>>) src(%dma_wait3A_25 : memref<79x128xi32, #tpu.memory_space<hbm>>) dst(%arg7 : memref<79x128xi32, #tpu.memory_space<vmem>>)
      tpu.yield
    }) : () -> ()
    "tpu.region"() ({
      %run_scoped3A = tpu.sem_alloc : memref<!tpu.dma_semaphore, #tpu.memory_space<semaphore_mem>>
      tpu.enqueue_dma source(%arg4 : memref<128x128xf32, #tpu.memory_space<hbm>>) target(%arg8 : memref<128x128xf32, #tpu.memory_space<vmem>>) target_semaphore(%run_scoped3A : memref<!tpu.dma_semaphore, #tpu.memory_space<semaphore_mem>>)
      tpu.wait_dma2 semaphore(%run_scoped3A : memref<!tpu.dma_semaphore, #tpu.memory_space<semaphore_mem>>) src(%arg4 : memref<128x128xf32, #tpu.memory_space<hbm>>) dst(%arg8 : memref<128x128xf32, #tpu.memory_space<vmem>>)
      tpu.yield
    }) : () -> ()
    %barrier3A = arith.constant 0 : index
    tpu.barrier barrier_id(%barrier3A)
    %scan3A = arith.constant 0 : i32
    %scan3A_3 = arith.constant 79 : i32
    %scan3A_4 = arith.addi %scan3A, %scan3A_3 : i32
    %scan3A_5 = arith.constant 1 : i32
    scf.for %scan3A_12 = %scan3A to %scan3A_4 step %scan3A_5  : i32 {
      %mul3A_13 = arith.constant 1 : i32
      %mul3A_14 = arith.muli %scan3A_12, %mul3A_13 : i32
      %add3A_15 = arith.constant 0 : i32
      %add3A_16 = arith.addi %add3A_15, %mul3A_14 : i32
      "tpu.region"() ({
        %run_scoped3A = tpu.sem_alloc : memref<!tpu.dma_semaphore, #tpu.memory_space<semaphore_mem>>
        %dma_start3A = arith.constant 0 : i32
        %dma_start3A_17 = tpu.memref_slice %arg7[%add3A_16, %dma_start3A] : memref<79x128xi32, #tpu.memory_space<vmem>> -> memref<1x128xi32, #tpu.memory_space<vmem>>
        %dma_start3A_18 = tpu.memref_squeeze %dma_start3A_17 : memref<1x128xi32, #tpu.memory_space<vmem>> -> memref<128xi32, #tpu.memory_space<vmem>>
        %dma_start3A_19 = arith.constant 0 : i32
        %dma_start3A_20 = arith.constant 0 : i32
        %dma_start3A_21 = tpu.memref_slice %arg6[%dma_start3A_19, %dma_start3A_20] : memref<10112x128xf32, #tpu.memory_space<vmem_shared>> -> memref<10112x128xf32, #tpu.memory_space<vmem_shared>>
        tpu.enqueue_indirect_dma source(%arg8 : memref<128x128xf32, #tpu.memory_space<vmem>>) target(%dma_start3A_21 : memref<10112x128xf32, #tpu.memory_space<vmem_shared>>) offsets(%dma_start3A_18 : memref<128xi32, #tpu.memory_space<vmem>>) semaphore(%run_scoped3A : memref<!tpu.dma_semaphore, #tpu.memory_space<semaphore_mem>>) {add = true}
        %dma_wait3A = arith.constant 0 : i32
        %dma_wait3A_22 = tpu.memref_slice %arg7[%add3A_16, %dma_wait3A] : memref<79x128xi32, #tpu.memory_space<vmem>> -> memref<1x128xi32, #tpu.memory_space<vmem>>
        %dma_wait3A_23 = tpu.memref_squeeze %dma_wait3A_22 : memref<1x128xi32, #tpu.memory_space<vmem>> -> memref<128xi32, #tpu.memory_space<vmem>>
        %dma_wait3A_24 = arith.constant 0 : i32
        %dma_wait3A_25 = arith.constant 0 : i32
        %dma_wait3A_26 = tpu.memref_slice %arg6[%dma_wait3A_24, %dma_wait3A_25] : memref<10112x128xf32, #tpu.memory_space<vmem_shared>> -> memref<10112x128xf32, #tpu.memory_space<vmem_shared>>
        tpu.wait_indirect_dma semaphore(%run_scoped3A : memref<!tpu.dma_semaphore, #tpu.memory_space<semaphore_mem>>) src(%arg8 : memref<128x128xf32, #tpu.memory_space<vmem>>) dst(%dma_wait3A_26 : memref<10112x128xf32, #tpu.memory_space<vmem_shared>>)
        tpu.yield
      }) : () -> ()
    }
    %scan3A_6 = arith.constant 79 : i32
    %barrier3A_7 = arith.constant 0 : index
    tpu.barrier barrier_id(%barrier3A_7)
    %mul3A_8 = arith.constant 632 : i32
    %mul3A_9 = arith.muli %arg1, %mul3A_8 : i32
    %mul3A_10 = arith.constant 632 : i32
    %mul3A_11 = arith.muli %arg1, %mul3A_10 : i32
    "tpu.region"() ({
      %run_scoped3A = tpu.sem_alloc : memref<!tpu.dma_semaphore, #tpu.memory_space<semaphore_mem>>
      %dma_start3A = arith.constant 0 : i32
      %dma_start3A_12 = tpu.memref_slice %arg5[%arg0, %mul3A_11, %dma_start3A] : memref<2x10112x128xf32, #tpu.memory_space<hbm>> -> memref<1x632x128xf32, #tpu.memory_space<hbm>>
      %dma_start3A_13 = tpu.memref_squeeze %dma_start3A_12 : memref<1x632x128xf32, #tpu.memory_space<hbm>> -> memref<632x128xf32, #tpu.memory_space<hbm>>
      %dma_start3A_14 = arith.constant 0 : i32
      %dma_start3A_15 = tpu.memref_slice %arg6[%mul3A_9, %dma_start3A_14] : memref<10112x128xf32, #tpu.memory_space<vmem_shared>> -> memref<632x128xf32, #tpu.memory_space<vmem_shared>>
      tpu.enqueue_dma source(%dma_start3A_15 : memref<632x128xf32, #tpu.memory_space<vmem_shared>>) target(%dma_start3A_13 : memref<632x128xf32, #tpu.memory_space<hbm>>) target_semaphore(%run_scoped3A : memref<!tpu.dma_semaphore, #tpu.memory_space<semaphore_mem>>)
      %dma_wait3A = arith.constant 0 : i32
      %dma_wait3A_16 = tpu.memref_slice %arg5[%arg0, %mul3A_11, %dma_wait3A] : memref<2x10112x128xf32, #tpu.memory_space<hbm>> -> memref<1x632x128xf32, #tpu.memory_space<hbm>>
      %dma_wait3A_17 = tpu.memref_squeeze %dma_wait3A_16 : memref<1x632x128xf32, #tpu.memory_space<hbm>> -> memref<632x128xf32, #tpu.memory_space<hbm>>
      %dma_wait3A_18 = arith.constant 0 : i32
      %dma_wait3A_19 = tpu.memref_slice %arg6[%mul3A_9, %dma_wait3A_18] : memref<10112x128xf32, #tpu.memory_space<vmem_shared>> -> memref<632x128xf32, #tpu.memory_space<vmem_shared>>
      tpu.wait_dma2 semaphore(%run_scoped3A : memref<!tpu.dma_semaphore, #tpu.memory_space<semaphore_mem>>) src(%dma_wait3A_19 : memref<632x128xf32, #tpu.memory_space<vmem_shared>>) dst(%dma_wait3A_17 : memref<632x128xf32, #tpu.memory_space<hbm>>)
      tpu.yield
    }) : () -> ()
    return
  }
}

#map = affine_map<(d0, d1) -> (0, 0)>
#map1 = affine_map<(d0, d1) -> (0, 0, 0)>
module attributes {stable_mosaic.version = 14 : i64} {
  func.func @_agg(%arg0: i32, %arg1: i32, %arg2: memref<10000x128xf32, #tpu.memory_space<hbm>>, %arg3: memref<32x79x128xi32, #tpu.memory_space<hbm>>, %arg4: memref<32x79x128xi32, #tpu.memory_space<hbm>>, %arg5: memref<632x128xf32, #tpu.memory_space<hbm>>, %arg6: memref<2x10112x128xf32, #tpu.memory_space<hbm>>, %arg7: memref<10112x128xf32, #tpu.memory_space<vmem_shared>>, %arg8: memref<40x128xi32, #tpu.memory_space<vmem>>, %arg9: memref<40x128xi32, #tpu.memory_space<vmem>>, %arg10: memref<128x128xf32, #tpu.memory_space<vmem>>, %arg11: memref<128x128xf32, #tpu.memory_space<vmem>>, %arg12: memref<!tpu.dma_semaphore, #tpu.memory_space<semaphore_mem>>, %arg13: memref<!tpu.dma_semaphore, #tpu.memory_space<semaphore_mem>>, %arg14: memref<!tpu.dma_semaphore, #tpu.memory_space<semaphore_mem>>, %arg15: memref<!tpu.dma_semaphore, #tpu.memory_space<semaphore_mem>>) attributes {dimension_semantics = [#tpu.dimension_semantics<core_parallel>, #tpu.dimension_semantics<subcore_parallel>], iteration_bounds = array<i64: 2, 16>, scalar_prefetch = 0 : i64, scratch_operands = 9 : i64, tpu.core_type = #tpu.core_type<sc_vector_subcore>, window_params = [{transform_indices = #map}, {transform_indices = #map1}, {transform_indices = #map1}, {transform_indices = #map}, {transform_indices = #map1}]} {
    %mul3A = arith.constant 2 : i32
    %mul3A_0 = arith.muli %arg1, %mul3A : i32
    %add3A = arith.addi %mul3A_0, %arg0 : i32
    %mul3A_1 = arith.constant 632 : i32
    %mul3A_2 = arith.muli %arg1, %mul3A_1 : i32
    "tpu.region"() ({
      %run_scoped3A_57 = tpu.sem_alloc : memref<!tpu.dma_semaphore, #tpu.memory_space<semaphore_mem>>
      %dma_start3A_58 = arith.constant 0 : i32
      %dma_start3A_59 = tpu.memref_slice %arg7[%mul3A_2, %dma_start3A_58] : memref<10112x128xf32, #tpu.memory_space<vmem_shared>> -> memref<632x128xf32, #tpu.memory_space<vmem_shared>>
      tpu.enqueue_dma source(%arg5 : memref<632x128xf32, #tpu.memory_space<hbm>>) target(%dma_start3A_59 : memref<632x128xf32, #tpu.memory_space<vmem_shared>>) target_semaphore(%run_scoped3A_57 : memref<!tpu.dma_semaphore, #tpu.memory_space<semaphore_mem>>)
      %dma_wait3A_60 = arith.constant 0 : i32
      %dma_wait3A_61 = tpu.memref_slice %arg7[%mul3A_2, %dma_wait3A_60] : memref<10112x128xf32, #tpu.memory_space<vmem_shared>> -> memref<632x128xf32, #tpu.memory_space<vmem_shared>>
      tpu.wait_dma2 semaphore(%run_scoped3A_57 : memref<!tpu.dma_semaphore, #tpu.memory_space<semaphore_mem>>) src(%arg5 : memref<632x128xf32, #tpu.memory_space<hbm>>) dst(%dma_wait3A_61 : memref<632x128xf32, #tpu.memory_space<vmem_shared>>)
      tpu.yield
    }) : () -> ()
    %barrier3A = arith.constant 0 : index
    tpu.barrier barrier_id(%barrier3A)
    "tpu.region"() ({
      %run_scoped3A_57 = tpu.sem_alloc : memref<!tpu.dma_semaphore, #tpu.memory_space<semaphore_mem>>
      %dma_start3A_58 = arith.constant 0 : i32
      %dma_start3A_59 = arith.constant 0 : i32
      %dma_start3A_60 = tpu.memref_slice %arg8[%dma_start3A_58, %dma_start3A_59] : memref<40x128xi32, #tpu.memory_space<vmem>> -> memref<40x128xi32, #tpu.memory_space<vmem>>
      %dma_start3A_61 = arith.constant 0 : i32
      %dma_start3A_62 = arith.constant 0 : i32
      %dma_start3A_63 = tpu.memref_slice %arg3[%add3A, %dma_start3A_61, %dma_start3A_62] : memref<32x79x128xi32, #tpu.memory_space<hbm>> -> memref<1x40x128xi32, #tpu.memory_space<hbm>>
      %dma_start3A_64 = tpu.memref_squeeze %dma_start3A_63 : memref<1x40x128xi32, #tpu.memory_space<hbm>> -> memref<40x128xi32, #tpu.memory_space<hbm>>
      %dma_start3A_65 = arith.constant 0 : i32
      %dma_start3A_66 = arith.constant 0 : i32
      %dma_start3A_67 = tpu.memref_slice %arg8[%dma_start3A_65, %dma_start3A_66] : memref<40x128xi32, #tpu.memory_space<vmem>> -> memref<40x128xi32, #tpu.memory_space<vmem>>
      %dma_start3A_68 = arith.constant 0 : i32
      %dma_start3A_69 = arith.constant 0 : i32
      %dma_start3A_70 = tpu.memref_slice %arg3[%add3A, %dma_start3A_68, %dma_start3A_69] : memref<32x79x128xi32, #tpu.memory_space<hbm>> -> memref<1x40x128xi32, #tpu.memory_space<hbm>>
      %dma_start3A_71 = tpu.memref_squeeze %dma_start3A_70 : memref<1x40x128xi32, #tpu.memory_space<hbm>> -> memref<40x128xi32, #tpu.memory_space<hbm>>
      tpu.enqueue_dma source(%dma_start3A_71 : memref<40x128xi32, #tpu.memory_space<hbm>>) target(%dma_start3A_67 : memref<40x128xi32, #tpu.memory_space<vmem>>) target_semaphore(%run_scoped3A_57 : memref<!tpu.dma_semaphore, #tpu.memory_space<semaphore_mem>>)
      %dma_wait3A_72 = arith.constant 0 : i32
      %dma_wait3A_73 = arith.constant 0 : i32
      %dma_wait3A_74 = tpu.memref_slice %arg8[%dma_wait3A_72, %dma_wait3A_73] : memref<40x128xi32, #tpu.memory_space<vmem>> -> memref<40x128xi32, #tpu.memory_space<vmem>>
      %dma_wait3A_75 = arith.constant 0 : i32
      %dma_wait3A_76 = arith.constant 0 : i32
      %dma_wait3A_77 = tpu.memref_slice %arg3[%add3A, %dma_wait3A_75, %dma_wait3A_76] : memref<32x79x128xi32, #tpu.memory_space<hbm>> -> memref<1x40x128xi32, #tpu.memory_space<hbm>>
      %dma_wait3A_78 = tpu.memref_squeeze %dma_wait3A_77 : memref<1x40x128xi32, #tpu.memory_space<hbm>> -> memref<40x128xi32, #tpu.memory_space<hbm>>
      %dma_wait3A_79 = arith.constant 0 : i32
      %dma_wait3A_80 = arith.constant 0 : i32
      %dma_wait3A_81 = tpu.memref_slice %arg8[%dma_wait3A_79, %dma_wait3A_80] : memref<40x128xi32, #tpu.memory_space<vmem>> -> memref<40x128xi32, #tpu.memory_space<vmem>>
      %dma_wait3A_82 = arith.constant 0 : i32
      %dma_wait3A_83 = arith.constant 0 : i32
      %dma_wait3A_84 = tpu.memref_slice %arg3[%add3A, %dma_wait3A_82, %dma_wait3A_83] : memref<32x79x128xi32, #tpu.memory_space<hbm>> -> memref<1x40x128xi32, #tpu.memory_space<hbm>>
      %dma_wait3A_85 = tpu.memref_squeeze %dma_wait3A_84 : memref<1x40x128xi32, #tpu.memory_space<hbm>> -> memref<40x128xi32, #tpu.memory_space<hbm>>
      tpu.wait_dma2 semaphore(%run_scoped3A_57 : memref<!tpu.dma_semaphore, #tpu.memory_space<semaphore_mem>>) src(%dma_wait3A_85 : memref<40x128xi32, #tpu.memory_space<hbm>>) dst(%dma_wait3A_81 : memref<40x128xi32, #tpu.memory_space<vmem>>)
      tpu.yield
    }) : () -> ()
    "tpu.region"() ({
      %run_scoped3A_57 = tpu.sem_alloc : memref<!tpu.dma_semaphore, #tpu.memory_space<semaphore_mem>>
      %dma_start3A_58 = arith.constant 0 : i32
      %dma_start3A_59 = arith.constant 0 : i32
      %dma_start3A_60 = tpu.memref_slice %arg9[%dma_start3A_58, %dma_start3A_59] : memref<40x128xi32, #tpu.memory_space<vmem>> -> memref<40x128xi32, #tpu.memory_space<vmem>>
      %dma_start3A_61 = arith.constant 0 : i32
      %dma_start3A_62 = arith.constant 0 : i32
      %dma_start3A_63 = tpu.memref_slice %arg4[%add3A, %dma_start3A_61, %dma_start3A_62] : memref<32x79x128xi32, #tpu.memory_space<hbm>> -> memref<1x40x128xi32, #tpu.memory_space<hbm>>
      %dma_start3A_64 = tpu.memref_squeeze %dma_start3A_63 : memref<1x40x128xi32, #tpu.memory_space<hbm>> -> memref<40x128xi32, #tpu.memory_space<hbm>>
      %dma_start3A_65 = arith.constant 0 : i32
      %dma_start3A_66 = arith.constant 0 : i32
      %dma_start3A_67 = tpu.memref_slice %arg9[%dma_start3A_65, %dma_start3A_66] : memref<40x128xi32, #tpu.memory_space<vmem>> -> memref<40x128xi32, #tpu.memory_space<vmem>>
      %dma_start3A_68 = arith.constant 0 : i32
      %dma_start3A_69 = arith.constant 0 : i32
      %dma_start3A_70 = tpu.memref_slice %arg4[%add3A, %dma_start3A_68, %dma_start3A_69] : memref<32x79x128xi32, #tpu.memory_space<hbm>> -> memref<1x40x128xi32, #tpu.memory_space<hbm>>
      %dma_start3A_71 = tpu.memref_squeeze %dma_start3A_70 : memref<1x40x128xi32, #tpu.memory_space<hbm>> -> memref<40x128xi32, #tpu.memory_space<hbm>>
      tpu.enqueue_dma source(%dma_start3A_71 : memref<40x128xi32, #tpu.memory_space<hbm>>) target(%dma_start3A_67 : memref<40x128xi32, #tpu.memory_space<vmem>>) target_semaphore(%run_scoped3A_57 : memref<!tpu.dma_semaphore, #tpu.memory_space<semaphore_mem>>)
      %dma_wait3A_72 = arith.constant 0 : i32
      %dma_wait3A_73 = arith.constant 0 : i32
      %dma_wait3A_74 = tpu.memref_slice %arg9[%dma_wait3A_72, %dma_wait3A_73] : memref<40x128xi32, #tpu.memory_space<vmem>> -> memref<40x128xi32, #tpu.memory_space<vmem>>
      %dma_wait3A_75 = arith.constant 0 : i32
      %dma_wait3A_76 = arith.constant 0 : i32
      %dma_wait3A_77 = tpu.memref_slice %arg4[%add3A, %dma_wait3A_75, %dma_wait3A_76] : memref<32x79x128xi32, #tpu.memory_space<hbm>> -> memref<1x40x128xi32, #tpu.memory_space<hbm>>
      %dma_wait3A_78 = tpu.memref_squeeze %dma_wait3A_77 : memref<1x40x128xi32, #tpu.memory_space<hbm>> -> memref<40x128xi32, #tpu.memory_space<hbm>>
      %dma_wait3A_79 = arith.constant 0 : i32
      %dma_wait3A_80 = arith.constant 0 : i32
      %dma_wait3A_81 = tpu.memref_slice %arg9[%dma_wait3A_79, %dma_wait3A_80] : memref<40x128xi32, #tpu.memory_space<vmem>> -> memref<40x128xi32, #tpu.memory_space<vmem>>
      %dma_wait3A_82 = arith.constant 0 : i32
      %dma_wait3A_83 = arith.constant 0 : i32
      %dma_wait3A_84 = tpu.memref_slice %arg4[%add3A, %dma_wait3A_82, %dma_wait3A_83] : memref<32x79x128xi32, #tpu.memory_space<hbm>> -> memref<1x40x128xi32, #tpu.memory_space<hbm>>
      %dma_wait3A_85 = tpu.memref_squeeze %dma_wait3A_84 : memref<1x40x128xi32, #tpu.memory_space<hbm>> -> memref<40x128xi32, #tpu.memory_space<hbm>>
      tpu.wait_dma2 semaphore(%run_scoped3A_57 : memref<!tpu.dma_semaphore, #tpu.memory_space<semaphore_mem>>) src(%dma_wait3A_85 : memref<40x128xi32, #tpu.memory_space<hbm>>) dst(%dma_wait3A_81 : memref<40x128xi32, #tpu.memory_space<vmem>>)
      tpu.yield
    }) : () -> ()
    %dma_start3A = arith.constant 0 : i32
    %dma_start3A_3 = arith.constant 0 : i32
    %dma_start3A_4 = tpu.memref_slice %arg8[%dma_start3A, %dma_start3A_3] : memref<40x128xi32, #tpu.memory_space<vmem>> -> memref<1x128xi32, #tpu.memory_space<vmem>>
    %dma_start3A_5 = tpu.memref_squeeze %dma_start3A_4 : memref<1x128xi32, #tpu.memory_space<vmem>> -> memref<128xi32, #tpu.memory_space<vmem>>
    %dma_start3A_6 = arith.constant 0 : i32
    %dma_start3A_7 = arith.constant 0 : i32
    %dma_start3A_8 = tpu.memref_slice %arg2[%dma_start3A_6, %dma_start3A_7] : memref<10000x128xf32, #tpu.memory_space<hbm>> -> memref<10000x128xf32, #tpu.memory_space<hbm>>
    tpu.enqueue_indirect_dma source(%dma_start3A_8 : memref<10000x128xf32, #tpu.memory_space<hbm>>) target(%arg10 : memref<128x128xf32, #tpu.memory_space<vmem>>) offsets(%dma_start3A_5 : memref<128xi32, #tpu.memory_space<vmem>>) semaphore(%arg12 : memref<!tpu.dma_semaphore, #tpu.memory_space<semaphore_mem>>)
    %scan3A = arith.constant 0 : i32
    %scan3A_9 = arith.constant 20 : i32
    %scan3A_10 = arith.addi %scan3A, %scan3A_9 : i32
    %scan3A_11 = arith.constant 1 : i32
    scf.for %scan3A_57 = %scan3A to %scan3A_10 step %scan3A_11  : i32 {
      %mul3A_58 = arith.constant 1 : i32
      %mul3A_59 = arith.muli %scan3A_57, %mul3A_58 : i32
      %add3A_60 = arith.constant 0 : i32
      %add3A_61 = arith.addi %add3A_60, %mul3A_59 : i32
      %mul3A_62 = arith.constant 2 : i32
      %mul3A_63 = arith.muli %add3A_61, %mul3A_62 : i32
      %add3A_64 = arith.constant 1 : i32
      %add3A_65 = arith.addi %mul3A_63, %add3A_64 : i32
      %gt3A = arith.constant 0 : i32
      %gt3A_66 = arith.cmpi sgt, %add3A_61, %gt3A : i32
      %convert_element_type3A = arith.extui %gt3A_66 : i1 to i32
      %cond3A = arith.constant 0 : i32
      %cond3A_67 = arith.cmpi ne, %convert_element_type3A, %cond3A : i32
      scf.if %cond3A_67 {
        %sub3A = arith.constant 1 : i32
        %sub3A_110 = arith.subi %mul3A_63, %sub3A : i32
        %dma_wait3A_111 = arith.constant 0 : i32
        %dma_wait3A_112 = tpu.memref_slice %arg9[%sub3A_110, %dma_wait3A_111] : memref<40x128xi32, #tpu.memory_space<vmem>> -> memref<1x128xi32, #tpu.memory_space<vmem>>
        %dma_wait3A_113 = tpu.memref_squeeze %dma_wait3A_112 : memref<1x128xi32, #tpu.memory_space<vmem>> -> memref<128xi32, #tpu.memory_space<vmem>>
        %dma_wait3A_114 = arith.constant 0 : i32
        %dma_wait3A_115 = arith.constant 0 : i32
        %dma_wait3A_116 = tpu.memref_slice %arg7[%dma_wait3A_114, %dma_wait3A_115] : memref<10112x128xf32, #tpu.memory_space<vmem_shared>> -> memref<10112x128xf32, #tpu.memory_space<vmem_shared>>
        tpu.wait_indirect_dma semaphore(%arg15 : memref<!tpu.dma_semaphore, #tpu.memory_space<semaphore_mem>>) src(%arg11 : memref<128x128xf32, #tpu.memory_space<vmem>>) dst(%dma_wait3A_116 : memref<10112x128xf32, #tpu.memory_space<vmem_shared>>)
      } else {
      }
      %dma_wait3A_68 = arith.constant 0 : i32
      %dma_wait3A_69 = tpu.memref_slice %arg8[%mul3A_63, %dma_wait3A_68] : memref<40x128xi32, #tpu.memory_space<vmem>> -> memref<1x128xi32, #tpu.memory_space<vmem>>
      %dma_wait3A_70 = tpu.memref_squeeze %dma_wait3A_69 : memref<1x128xi32, #tpu.memory_space<vmem>> -> memref<128xi32, #tpu.memory_space<vmem>>
      %dma_wait3A_71 = arith.constant 0 : i32
      %dma_wait3A_72 = arith.constant 0 : i32
      %dma_wait3A_73 = tpu.memref_slice %arg2[%dma_wait3A_71, %dma_wait3A_72] : memref<10000x128xf32, #tpu.memory_space<hbm>> -> memref<10000x128xf32, #tpu.memory_space<hbm>>
      tpu.wait_indirect_dma semaphore(%arg12 : memref<!tpu.dma_semaphore, #tpu.memory_space<semaphore_mem>>) src(%dma_wait3A_73 : memref<10000x128xf32, #tpu.memory_space<hbm>>) dst(%arg10 : memref<128x128xf32, #tpu.memory_space<vmem>>)
      %dma_start3A_74 = arith.constant 0 : i32
      %dma_start3A_75 = tpu.memref_slice %arg9[%mul3A_63, %dma_start3A_74] : memref<40x128xi32, #tpu.memory_space<vmem>> -> memref<1x128xi32, #tpu.memory_space<vmem>>
      %dma_start3A_76 = tpu.memref_squeeze %dma_start3A_75 : memref<1x128xi32, #tpu.memory_space<vmem>> -> memref<128xi32, #tpu.memory_space<vmem>>
      %dma_start3A_77 = arith.constant 0 : i32
      %dma_start3A_78 = arith.constant 0 : i32
      %dma_start3A_79 = tpu.memref_slice %arg7[%dma_start3A_77, %dma_start3A_78] : memref<10112x128xf32, #tpu.memory_space<vmem_shared>> -> memref<10112x128xf32, #tpu.memory_space<vmem_shared>>
      tpu.enqueue_indirect_dma source(%arg10 : memref<128x128xf32, #tpu.memory_space<vmem>>) target(%dma_start3A_79 : memref<10112x128xf32, #tpu.memory_space<vmem_shared>>) offsets(%dma_start3A_76 : memref<128xi32, #tpu.memory_space<vmem>>) semaphore(%arg14 : memref<!tpu.dma_semaphore, #tpu.memory_space<semaphore_mem>>) {add = true}
      %dma_start3A_80 = arith.constant 0 : i32
      %dma_start3A_81 = tpu.memref_slice %arg8[%add3A_65, %dma_start3A_80] : memref<40x128xi32, #tpu.memory_space<vmem>> -> memref<1x128xi32, #tpu.memory_space<vmem>>
      %dma_start3A_82 = tpu.memref_squeeze %dma_start3A_81 : memref<1x128xi32, #tpu.memory_space<vmem>> -> memref<128xi32, #tpu.memory_space<vmem>>
      %dma_start3A_83 = arith.constant 0 : i32
      %dma_start3A_84 = arith.constant 0 : i32
      %dma_start3A_85 = tpu.memref_slice %arg2[%dma_start3A_83, %dma_start3A_84] : memref<10000x128xf32, #tpu.memory_space<hbm>> -> memref<10000x128xf32, #tpu.memory_space<hbm>>
      tpu.enqueue_indirect_dma source(%dma_start3A_85 : memref<10000x128xf32, #tpu.memory_space<hbm>>) target(%arg11 : memref<128x128xf32, #tpu.memory_space<vmem>>) offsets(%dma_start3A_82 : memref<128xi32, #tpu.memory_space<vmem>>) semaphore(%arg13 : memref<!tpu.dma_semaphore, #tpu.memory_space<semaphore_mem>>)
      %dma_wait3A_86 = arith.constant 0 : i32
      %dma_wait3A_87 = tpu.memref_slice %arg9[%mul3A_63, %dma_wait3A_86] : memref<40x128xi32, #tpu.memory_space<vmem>> -> memref<1x128xi32, #tpu.memory_space<vmem>>
      %dma_wait3A_88 = tpu.memref_squeeze %dma_wait3A_87 : memref<1x128xi32, #tpu.memory_space<vmem>> -> memref<128xi32, #tpu.memory_space<vmem>>
      %dma_wait3A_89 = arith.constant 0 : i32
      %dma_wait3A_90 = arith.constant 0 : i32
      %dma_wait3A_91 = tpu.memref_slice %arg7[%dma_wait3A_89, %dma_wait3A_90] : memref<10112x128xf32, #tpu.memory_space<vmem_shared>> -> memref<10112x128xf32, #tpu.memory_space<vmem_shared>>
      tpu.wait_indirect_dma semaphore(%arg14 : memref<!tpu.dma_semaphore, #tpu.memory_space<semaphore_mem>>) src(%arg10 : memref<128x128xf32, #tpu.memory_space<vmem>>) dst(%dma_wait3A_91 : memref<10112x128xf32, #tpu.memory_space<vmem_shared>>)
      %dma_wait3A_92 = arith.constant 0 : i32
      %dma_wait3A_93 = tpu.memref_slice %arg8[%add3A_65, %dma_wait3A_92] : memref<40x128xi32, #tpu.memory_space<vmem>> -> memref<1x128xi32, #tpu.memory_space<vmem>>
      %dma_wait3A_94 = tpu.memref_squeeze %dma_wait3A_93 : memref<1x128xi32, #tpu.memory_space<vmem>> -> memref<128xi32, #tpu.memory_space<vmem>>
      %dma_wait3A_95 = arith.constant 0 : i32
      %dma_wait3A_96 = arith.constant 0 : i32
      %dma_wait3A_97 = tpu.memref_slice %arg2[%dma_wait3A_95, %dma_wait3A_96] : memref<10000x128xf32, #tpu.memory_space<hbm>> -> memref<10000x128xf32, #tpu.memory_space<hbm>>
      tpu.wait_indirect_dma semaphore(%arg13 : memref<!tpu.dma_semaphore, #tpu.memory_space<semaphore_mem>>) src(%dma_wait3A_97 : memref<10000x128xf32, #tpu.memory_space<hbm>>) dst(%arg11 : memref<128x128xf32, #tpu.memory_space<vmem>>)
      %dma_start3A_98 = arith.constant 0 : i32
      %dma_start3A_99 = tpu.memref_slice %arg9[%add3A_65, %dma_start3A_98] : memref<40x128xi32, #tpu.memory_space<vmem>> -> memref<1x128xi32, #tpu.memory_space<vmem>>
      %dma_start3A_100 = tpu.memref_squeeze %dma_start3A_99 : memref<1x128xi32, #tpu.memory_space<vmem>> -> memref<128xi32, #tpu.memory_space<vmem>>
      %dma_start3A_101 = arith.constant 0 : i32
      %dma_start3A_102 = arith.constant 0 : i32
      %dma_start3A_103 = tpu.memref_slice %arg7[%dma_start3A_101, %dma_start3A_102] : memref<10112x128xf32, #tpu.memory_space<vmem_shared>> -> memref<10112x128xf32, #tpu.memory_space<vmem_shared>>
      tpu.enqueue_indirect_dma source(%arg11 : memref<128x128xf32, #tpu.memory_space<vmem>>) target(%dma_start3A_103 : memref<10112x128xf32, #tpu.memory_space<vmem_shared>>) offsets(%dma_start3A_100 : memref<128xi32, #tpu.memory_space<vmem>>) semaphore(%arg15 : memref<!tpu.dma_semaphore, #tpu.memory_space<semaphore_mem>>) {add = true}
      %add3A_104 = arith.constant 1 : i32
      %add3A_105 = arith.addi %add3A_61, %add3A_104 : i32
      %lt3A = arith.constant 20 : i32
      %lt3A_106 = arith.cmpi slt, %add3A_105, %lt3A : i32
      %convert_element_type3A_107 = arith.extui %lt3A_106 : i1 to i32
      %cond3A_108 = arith.constant 0 : i32
      %cond3A_109 = arith.cmpi ne, %convert_element_type3A_107, %cond3A_108 : i32
      scf.if %cond3A_109 {
        %add3A_110 = arith.constant 2 : i32
        %add3A_111 = arith.addi %mul3A_63, %add3A_110 : i32
        %dma_start3A_112 = arith.constant 0 : i32
        %dma_start3A_113 = tpu.memref_slice %arg8[%add3A_111, %dma_start3A_112] : memref<40x128xi32, #tpu.memory_space<vmem>> -> memref<1x128xi32, #tpu.memory_space<vmem>>
        %dma_start3A_114 = tpu.memref_squeeze %dma_start3A_113 : memref<1x128xi32, #tpu.memory_space<vmem>> -> memref<128xi32, #tpu.memory_space<vmem>>
        %dma_start3A_115 = arith.constant 0 : i32
        %dma_start3A_116 = arith.constant 0 : i32
        %dma_start3A_117 = tpu.memref_slice %arg2[%dma_start3A_115, %dma_start3A_116] : memref<10000x128xf32, #tpu.memory_space<hbm>> -> memref<10000x128xf32, #tpu.memory_space<hbm>>
        tpu.enqueue_indirect_dma source(%dma_start3A_117 : memref<10000x128xf32, #tpu.memory_space<hbm>>) target(%arg10 : memref<128x128xf32, #tpu.memory_space<vmem>>) offsets(%dma_start3A_114 : memref<128xi32, #tpu.memory_space<vmem>>) semaphore(%arg12 : memref<!tpu.dma_semaphore, #tpu.memory_space<semaphore_mem>>)
      } else {
      }
    }
    %scan3A_12 = arith.constant 20 : i32
    %dma_wait3A = arith.constant 39 : i32
    %dma_wait3A_13 = arith.constant 0 : i32
    %dma_wait3A_14 = tpu.memref_slice %arg9[%dma_wait3A, %dma_wait3A_13] : memref<40x128xi32, #tpu.memory_space<vmem>> -> memref<1x128xi32, #tpu.memory_space<vmem>>
    %dma_wait3A_15 = tpu.memref_squeeze %dma_wait3A_14 : memref<1x128xi32, #tpu.memory_space<vmem>> -> memref<128xi32, #tpu.memory_space<vmem>>
    %dma_wait3A_16 = arith.constant 0 : i32
    %dma_wait3A_17 = arith.constant 0 : i32
    %dma_wait3A_18 = tpu.memref_slice %arg7[%dma_wait3A_16, %dma_wait3A_17] : memref<10112x128xf32, #tpu.memory_space<vmem_shared>> -> memref<10112x128xf32, #tpu.memory_space<vmem_shared>>
    tpu.wait_indirect_dma semaphore(%arg15 : memref<!tpu.dma_semaphore, #tpu.memory_space<semaphore_mem>>) src(%arg11 : memref<128x128xf32, #tpu.memory_space<vmem>>) dst(%dma_wait3A_18 : memref<10112x128xf32, #tpu.memory_space<vmem_shared>>)
    "tpu.region"() ({
      %run_scoped3A_57 = tpu.sem_alloc : memref<!tpu.dma_semaphore, #tpu.memory_space<semaphore_mem>>
      %dma_start3A_58 = arith.constant 0 : i32
      %dma_start3A_59 = arith.constant 0 : i32
      %dma_start3A_60 = tpu.memref_slice %arg8[%dma_start3A_58, %dma_start3A_59] : memref<40x128xi32, #tpu.memory_space<vmem>> -> memref<39x128xi32, #tpu.memory_space<vmem>>
      %dma_start3A_61 = arith.constant 40 : i32
      %dma_start3A_62 = arith.constant 0 : i32
      %dma_start3A_63 = tpu.memref_slice %arg3[%add3A, %dma_start3A_61, %dma_start3A_62] : memref<32x79x128xi32, #tpu.memory_space<hbm>> -> memref<1x39x128xi32, #tpu.memory_space<hbm>>
      %dma_start3A_64 = tpu.memref_squeeze %dma_start3A_63 : memref<1x39x128xi32, #tpu.memory_space<hbm>> -> memref<39x128xi32, #tpu.memory_space<hbm>>
      %dma_start3A_65 = arith.constant 0 : i32
      %dma_start3A_66 = arith.constant 0 : i32
      %dma_start3A_67 = tpu.memref_slice %arg8[%dma_start3A_65, %dma_start3A_66] : memref<40x128xi32, #tpu.memory_space<vmem>> -> memref<39x128xi32, #tpu.memory_space<vmem>>
      %dma_start3A_68 = arith.constant 40 : i32
      %dma_start3A_69 = arith.constant 0 : i32
      %dma_start3A_70 = tpu.memref_slice %arg3[%add3A, %dma_start3A_68, %dma_start3A_69] : memref<32x79x128xi32, #tpu.memory_space<hbm>> -> memref<1x39x128xi32, #tpu.memory_space<hbm>>
      %dma_start3A_71 = tpu.memref_squeeze %dma_start3A_70 : memref<1x39x128xi32, #tpu.memory_space<hbm>> -> memref<39x128xi32, #tpu.memory_space<hbm>>
      tpu.enqueue_dma source(%dma_start3A_71 : memref<39x128xi32, #tpu.memory_space<hbm>>) target(%dma_start3A_67 : memref<39x128xi32, #tpu.memory_space<vmem>>) target_semaphore(%run_scoped3A_57 : memref<!tpu.dma_semaphore, #tpu.memory_space<semaphore_mem>>)
      %dma_wait3A_72 = arith.constant 0 : i32
      %dma_wait3A_73 = arith.constant 0 : i32
      %dma_wait3A_74 = tpu.memref_slice %arg8[%dma_wait3A_72, %dma_wait3A_73] : memref<40x128xi32, #tpu.memory_space<vmem>> -> memref<39x128xi32, #tpu.memory_space<vmem>>
      %dma_wait3A_75 = arith.constant 40 : i32
      %dma_wait3A_76 = arith.constant 0 : i32
      %dma_wait3A_77 = tpu.memref_slice %arg3[%add3A, %dma_wait3A_75, %dma_wait3A_76] : memref<32x79x128xi32, #tpu.memory_space<hbm>> -> memref<1x39x128xi32, #tpu.memory_space<hbm>>
      %dma_wait3A_78 = tpu.memref_squeeze %dma_wait3A_77 : memref<1x39x128xi32, #tpu.memory_space<hbm>> -> memref<39x128xi32, #tpu.memory_space<hbm>>
      %dma_wait3A_79 = arith.constant 0 : i32
      %dma_wait3A_80 = arith.constant 0 : i32
      %dma_wait3A_81 = tpu.memref_slice %arg8[%dma_wait3A_79, %dma_wait3A_80] : memref<40x128xi32, #tpu.memory_space<vmem>> -> memref<39x128xi32, #tpu.memory_space<vmem>>
      %dma_wait3A_82 = arith.constant 40 : i32
      %dma_wait3A_83 = arith.constant 0 : i32
      %dma_wait3A_84 = tpu.memref_slice %arg3[%add3A, %dma_wait3A_82, %dma_wait3A_83] : memref<32x79x128xi32, #tpu.memory_space<hbm>> -> memref<1x39x128xi32, #tpu.memory_space<hbm>>
      %dma_wait3A_85 = tpu.memref_squeeze %dma_wait3A_84 : memref<1x39x128xi32, #tpu.memory_space<hbm>> -> memref<39x128xi32, #tpu.memory_space<hbm>>
      tpu.wait_dma2 semaphore(%run_scoped3A_57 : memref<!tpu.dma_semaphore, #tpu.memory_space<semaphore_mem>>) src(%dma_wait3A_85 : memref<39x128xi32, #tpu.memory_space<hbm>>) dst(%dma_wait3A_81 : memref<39x128xi32, #tpu.memory_space<vmem>>)
      tpu.yield
    }) : () -> ()
    "tpu.region"() ({
      %run_scoped3A_57 = tpu.sem_alloc : memref<!tpu.dma_semaphore, #tpu.memory_space<semaphore_mem>>
      %dma_start3A_58 = arith.constant 0 : i32
      %dma_start3A_59 = arith.constant 0 : i32
      %dma_start3A_60 = tpu.memref_slice %arg9[%dma_start3A_58, %dma_start3A_59] : memref<40x128xi32, #tpu.memory_space<vmem>> -> memref<39x128xi32, #tpu.memory_space<vmem>>
      %dma_start3A_61 = arith.constant 40 : i32
      %dma_start3A_62 = arith.constant 0 : i32
      %dma_start3A_63 = tpu.memref_slice %arg4[%add3A, %dma_start3A_61, %dma_start3A_62] : memref<32x79x128xi32, #tpu.memory_space<hbm>> -> memref<1x39x128xi32, #tpu.memory_space<hbm>>
      %dma_start3A_64 = tpu.memref_squeeze %dma_start3A_63 : memref<1x39x128xi32, #tpu.memory_space<hbm>> -> memref<39x128xi32, #tpu.memory_space<hbm>>
      %dma_start3A_65 = arith.constant 0 : i32
      %dma_start3A_66 = arith.constant 0 : i32
      %dma_start3A_67 = tpu.memref_slice %arg9[%dma_start3A_65, %dma_start3A_66] : memref<40x128xi32, #tpu.memory_space<vmem>> -> memref<39x128xi32, #tpu.memory_space<vmem>>
      %dma_start3A_68 = arith.constant 40 : i32
      %dma_start3A_69 = arith.constant 0 : i32
      %dma_start3A_70 = tpu.memref_slice %arg4[%add3A, %dma_start3A_68, %dma_start3A_69] : memref<32x79x128xi32, #tpu.memory_space<hbm>> -> memref<1x39x128xi32, #tpu.memory_space<hbm>>
      %dma_start3A_71 = tpu.memref_squeeze %dma_start3A_70 : memref<1x39x128xi32, #tpu.memory_space<hbm>> -> memref<39x128xi32, #tpu.memory_space<hbm>>
      tpu.enqueue_dma source(%dma_start3A_71 : memref<39x128xi32, #tpu.memory_space<hbm>>) target(%dma_start3A_67 : memref<39x128xi32, #tpu.memory_space<vmem>>) target_semaphore(%run_scoped3A_57 : memref<!tpu.dma_semaphore, #tpu.memory_space<semaphore_mem>>)
      %dma_wait3A_72 = arith.constant 0 : i32
      %dma_wait3A_73 = arith.constant 0 : i32
      %dma_wait3A_74 = tpu.memref_slice %arg9[%dma_wait3A_72, %dma_wait3A_73] : memref<40x128xi32, #tpu.memory_space<vmem>> -> memref<39x128xi32, #tpu.memory_space<vmem>>
      %dma_wait3A_75 = arith.constant 40 : i32
      %dma_wait3A_76 = arith.constant 0 : i32
      %dma_wait3A_77 = tpu.memref_slice %arg4[%add3A, %dma_wait3A_75, %dma_wait3A_76] : memref<32x79x128xi32, #tpu.memory_space<hbm>> -> memref<1x39x128xi32, #tpu.memory_space<hbm>>
      %dma_wait3A_78 = tpu.memref_squeeze %dma_wait3A_77 : memref<1x39x128xi32, #tpu.memory_space<hbm>> -> memref<39x128xi32, #tpu.memory_space<hbm>>
      %dma_wait3A_79 = arith.constant 0 : i32
      %dma_wait3A_80 = arith.constant 0 : i32
      %dma_wait3A_81 = tpu.memref_slice %arg9[%dma_wait3A_79, %dma_wait3A_80] : memref<40x128xi32, #tpu.memory_space<vmem>> -> memref<39x128xi32, #tpu.memory_space<vmem>>
      %dma_wait3A_82 = arith.constant 40 : i32
      %dma_wait3A_83 = arith.constant 0 : i32
      %dma_wait3A_84 = tpu.memref_slice %arg4[%add3A, %dma_wait3A_82, %dma_wait3A_83] : memref<32x79x128xi32, #tpu.memory_space<hbm>> -> memref<1x39x128xi32, #tpu.memory_space<hbm>>
      %dma_wait3A_85 = tpu.memref_squeeze %dma_wait3A_84 : memref<1x39x128xi32, #tpu.memory_space<hbm>> -> memref<39x128xi32, #tpu.memory_space<hbm>>
      tpu.wait_dma2 semaphore(%run_scoped3A_57 : memref<!tpu.dma_semaphore, #tpu.memory_space<semaphore_mem>>) src(%dma_wait3A_85 : memref<39x128xi32, #tpu.memory_space<hbm>>) dst(%dma_wait3A_81 : memref<39x128xi32, #tpu.memory_space<vmem>>)
      tpu.yield
    }) : () -> ()
    %dma_start3A_19 = arith.constant 0 : i32
    %dma_start3A_20 = arith.constant 0 : i32
    %dma_start3A_21 = tpu.memref_slice %arg8[%dma_start3A_19, %dma_start3A_20] : memref<40x128xi32, #tpu.memory_space<vmem>> -> memref<1x128xi32, #tpu.memory_space<vmem>>
    %dma_start3A_22 = tpu.memref_squeeze %dma_start3A_21 : memref<1x128xi32, #tpu.memory_space<vmem>> -> memref<128xi32, #tpu.memory_space<vmem>>
    %dma_start3A_23 = arith.constant 0 : i32
    %dma_start3A_24 = arith.constant 0 : i32
    %dma_start3A_25 = tpu.memref_slice %arg2[%dma_start3A_23, %dma_start3A_24] : memref<10000x128xf32, #tpu.memory_space<hbm>> -> memref<10000x128xf32, #tpu.memory_space<hbm>>
    tpu.enqueue_indirect_dma source(%dma_start3A_25 : memref<10000x128xf32, #tpu.memory_space<hbm>>) target(%arg10 : memref<128x128xf32, #tpu.memory_space<vmem>>) offsets(%dma_start3A_22 : memref<128xi32, #tpu.memory_space<vmem>>) semaphore(%arg12 : memref<!tpu.dma_semaphore, #tpu.memory_space<semaphore_mem>>)
    %scan3A_26 = arith.constant 0 : i32
    %scan3A_27 = arith.constant 19 : i32
    %scan3A_28 = arith.addi %scan3A_26, %scan3A_27 : i32
    %scan3A_29 = arith.constant 1 : i32
    scf.for %scan3A_57 = %scan3A_26 to %scan3A_28 step %scan3A_29  : i32 {
      %mul3A_58 = arith.constant 1 : i32
      %mul3A_59 = arith.muli %scan3A_57, %mul3A_58 : i32
      %add3A_60 = arith.constant 0 : i32
      %add3A_61 = arith.addi %add3A_60, %mul3A_59 : i32
      %mul3A_62 = arith.constant 2 : i32
      %mul3A_63 = arith.muli %add3A_61, %mul3A_62 : i32
      %add3A_64 = arith.constant 1 : i32
      %add3A_65 = arith.addi %mul3A_63, %add3A_64 : i32
      %gt3A = arith.constant 0 : i32
      %gt3A_66 = arith.cmpi sgt, %add3A_61, %gt3A : i32
      %convert_element_type3A = arith.extui %gt3A_66 : i1 to i32
      %cond3A = arith.constant 0 : i32
      %cond3A_67 = arith.cmpi ne, %convert_element_type3A, %cond3A : i32
      scf.if %cond3A_67 {
        %sub3A = arith.constant 1 : i32
        %sub3A_110 = arith.subi %mul3A_63, %sub3A : i32
        %dma_wait3A_111 = arith.constant 0 : i32
        %dma_wait3A_112 = tpu.memref_slice %arg9[%sub3A_110, %dma_wait3A_111] : memref<40x128xi32, #tpu.memory_space<vmem>> -> memref<1x128xi32, #tpu.memory_space<vmem>>
        %dma_wait3A_113 = tpu.memref_squeeze %dma_wait3A_112 : memref<1x128xi32, #tpu.memory_space<vmem>> -> memref<128xi32, #tpu.memory_space<vmem>>
        %dma_wait3A_114 = arith.constant 0 : i32
        %dma_wait3A_115 = arith.constant 0 : i32
        %dma_wait3A_116 = tpu.memref_slice %arg7[%dma_wait3A_114, %dma_wait3A_115] : memref<10112x128xf32, #tpu.memory_space<vmem_shared>> -> memref<10112x128xf32, #tpu.memory_space<vmem_shared>>
        tpu.wait_indirect_dma semaphore(%arg15 : memref<!tpu.dma_semaphore, #tpu.memory_space<semaphore_mem>>) src(%arg11 : memref<128x128xf32, #tpu.memory_space<vmem>>) dst(%dma_wait3A_116 : memref<10112x128xf32, #tpu.memory_space<vmem_shared>>)
      } else {
      }
      %dma_wait3A_68 = arith.constant 0 : i32
      %dma_wait3A_69 = tpu.memref_slice %arg8[%mul3A_63, %dma_wait3A_68] : memref<40x128xi32, #tpu.memory_space<vmem>> -> memref<1x128xi32, #tpu.memory_space<vmem>>
      %dma_wait3A_70 = tpu.memref_squeeze %dma_wait3A_69 : memref<1x128xi32, #tpu.memory_space<vmem>> -> memref<128xi32, #tpu.memory_space<vmem>>
      %dma_wait3A_71 = arith.constant 0 : i32
      %dma_wait3A_72 = arith.constant 0 : i32
      %dma_wait3A_73 = tpu.memref_slice %arg2[%dma_wait3A_71, %dma_wait3A_72] : memref<10000x128xf32, #tpu.memory_space<hbm>> -> memref<10000x128xf32, #tpu.memory_space<hbm>>
      tpu.wait_indirect_dma semaphore(%arg12 : memref<!tpu.dma_semaphore, #tpu.memory_space<semaphore_mem>>) src(%dma_wait3A_73 : memref<10000x128xf32, #tpu.memory_space<hbm>>) dst(%arg10 : memref<128x128xf32, #tpu.memory_space<vmem>>)
      %dma_start3A_74 = arith.constant 0 : i32
      %dma_start3A_75 = tpu.memref_slice %arg9[%mul3A_63, %dma_start3A_74] : memref<40x128xi32, #tpu.memory_space<vmem>> -> memref<1x128xi32, #tpu.memory_space<vmem>>
      %dma_start3A_76 = tpu.memref_squeeze %dma_start3A_75 : memref<1x128xi32, #tpu.memory_space<vmem>> -> memref<128xi32, #tpu.memory_space<vmem>>
      %dma_start3A_77 = arith.constant 0 : i32
      %dma_start3A_78 = arith.constant 0 : i32
      %dma_start3A_79 = tpu.memref_slice %arg7[%dma_start3A_77, %dma_start3A_78] : memref<10112x128xf32, #tpu.memory_space<vmem_shared>> -> memref<10112x128xf32, #tpu.memory_space<vmem_shared>>
      tpu.enqueue_indirect_dma source(%arg10 : memref<128x128xf32, #tpu.memory_space<vmem>>) target(%dma_start3A_79 : memref<10112x128xf32, #tpu.memory_space<vmem_shared>>) offsets(%dma_start3A_76 : memref<128xi32, #tpu.memory_space<vmem>>) semaphore(%arg14 : memref<!tpu.dma_semaphore, #tpu.memory_space<semaphore_mem>>) {add = true}
      %dma_start3A_80 = arith.constant 0 : i32
      %dma_start3A_81 = tpu.memref_slice %arg8[%add3A_65, %dma_start3A_80] : memref<40x128xi32, #tpu.memory_space<vmem>> -> memref<1x128xi32, #tpu.memory_space<vmem>>
      %dma_start3A_82 = tpu.memref_squeeze %dma_start3A_81 : memref<1x128xi32, #tpu.memory_space<vmem>> -> memref<128xi32, #tpu.memory_space<vmem>>
      %dma_start3A_83 = arith.constant 0 : i32
      %dma_start3A_84 = arith.constant 0 : i32
      %dma_start3A_85 = tpu.memref_slice %arg2[%dma_start3A_83, %dma_start3A_84] : memref<10000x128xf32, #tpu.memory_space<hbm>> -> memref<10000x128xf32, #tpu.memory_space<hbm>>
      tpu.enqueue_indirect_dma source(%dma_start3A_85 : memref<10000x128xf32, #tpu.memory_space<hbm>>) target(%arg11 : memref<128x128xf32, #tpu.memory_space<vmem>>) offsets(%dma_start3A_82 : memref<128xi32, #tpu.memory_space<vmem>>) semaphore(%arg13 : memref<!tpu.dma_semaphore, #tpu.memory_space<semaphore_mem>>)
      %dma_wait3A_86 = arith.constant 0 : i32
      %dma_wait3A_87 = tpu.memref_slice %arg9[%mul3A_63, %dma_wait3A_86] : memref<40x128xi32, #tpu.memory_space<vmem>> -> memref<1x128xi32, #tpu.memory_space<vmem>>
      %dma_wait3A_88 = tpu.memref_squeeze %dma_wait3A_87 : memref<1x128xi32, #tpu.memory_space<vmem>> -> memref<128xi32, #tpu.memory_space<vmem>>
      %dma_wait3A_89 = arith.constant 0 : i32
      %dma_wait3A_90 = arith.constant 0 : i32
      %dma_wait3A_91 = tpu.memref_slice %arg7[%dma_wait3A_89, %dma_wait3A_90] : memref<10112x128xf32, #tpu.memory_space<vmem_shared>> -> memref<10112x128xf32, #tpu.memory_space<vmem_shared>>
      tpu.wait_indirect_dma semaphore(%arg14 : memref<!tpu.dma_semaphore, #tpu.memory_space<semaphore_mem>>) src(%arg10 : memref<128x128xf32, #tpu.memory_space<vmem>>) dst(%dma_wait3A_91 : memref<10112x128xf32, #tpu.memory_space<vmem_shared>>)
      %dma_wait3A_92 = arith.constant 0 : i32
      %dma_wait3A_93 = tpu.memref_slice %arg8[%add3A_65, %dma_wait3A_92] : memref<40x128xi32, #tpu.memory_space<vmem>> -> memref<1x128xi32, #tpu.memory_space<vmem>>
      %dma_wait3A_94 = tpu.memref_squeeze %dma_wait3A_93 : memref<1x128xi32, #tpu.memory_space<vmem>> -> memref<128xi32, #tpu.memory_space<vmem>>
      %dma_wait3A_95 = arith.constant 0 : i32
      %dma_wait3A_96 = arith.constant 0 : i32
      %dma_wait3A_97 = tpu.memref_slice %arg2[%dma_wait3A_95, %dma_wait3A_96] : memref<10000x128xf32, #tpu.memory_space<hbm>> -> memref<10000x128xf32, #tpu.memory_space<hbm>>
      tpu.wait_indirect_dma semaphore(%arg13 : memref<!tpu.dma_semaphore, #tpu.memory_space<semaphore_mem>>) src(%dma_wait3A_97 : memref<10000x128xf32, #tpu.memory_space<hbm>>) dst(%arg11 : memref<128x128xf32, #tpu.memory_space<vmem>>)
      %dma_start3A_98 = arith.constant 0 : i32
      %dma_start3A_99 = tpu.memref_slice %arg9[%add3A_65, %dma_start3A_98] : memref<40x128xi32, #tpu.memory_space<vmem>> -> memref<1x128xi32, #tpu.memory_space<vmem>>
      %dma_start3A_100 = tpu.memref_squeeze %dma_start3A_99 : memref<1x128xi32, #tpu.memory_space<vmem>> -> memref<128xi32, #tpu.memory_space<vmem>>
      %dma_start3A_101 = arith.constant 0 : i32
      %dma_start3A_102 = arith.constant 0 : i32
      %dma_start3A_103 = tpu.memref_slice %arg7[%dma_start3A_101, %dma_start3A_102] : memref<10112x128xf32, #tpu.memory_space<vmem_shared>> -> memref<10112x128xf32, #tpu.memory_space<vmem_shared>>
      tpu.enqueue_indirect_dma source(%arg11 : memref<128x128xf32, #tpu.memory_space<vmem>>) target(%dma_start3A_103 : memref<10112x128xf32, #tpu.memory_space<vmem_shared>>) offsets(%dma_start3A_100 : memref<128xi32, #tpu.memory_space<vmem>>) semaphore(%arg15 : memref<!tpu.dma_semaphore, #tpu.memory_space<semaphore_mem>>) {add = true}
      %add3A_104 = arith.constant 1 : i32
      %add3A_105 = arith.addi %add3A_61, %add3A_104 : i32
      %lt3A = arith.constant 19 : i32
      %lt3A_106 = arith.cmpi slt, %add3A_105, %lt3A : i32
      %convert_element_type3A_107 = arith.extui %lt3A_106 : i1 to i32
      %cond3A_108 = arith.constant 0 : i32
      %cond3A_109 = arith.cmpi ne, %convert_element_type3A_107, %cond3A_108 : i32
      scf.if %cond3A_109 {
        %add3A_110 = arith.constant 2 : i32
        %add3A_111 = arith.addi %mul3A_63, %add3A_110 : i32
        %dma_start3A_112 = arith.constant 0 : i32
        %dma_start3A_113 = tpu.memref_slice %arg8[%add3A_111, %dma_start3A_112] : memref<40x128xi32, #tpu.memory_space<vmem>> -> memref<1x128xi32, #tpu.memory_space<vmem>>
        %dma_start3A_114 = tpu.memref_squeeze %dma_start3A_113 : memref<1x128xi32, #tpu.memory_space<vmem>> -> memref<128xi32, #tpu.memory_space<vmem>>
        %dma_start3A_115 = arith.constant 0 : i32
        %dma_start3A_116 = arith.constant 0 : i32
        %dma_start3A_117 = tpu.memref_slice %arg2[%dma_start3A_115, %dma_start3A_116] : memref<10000x128xf32, #tpu.memory_space<hbm>> -> memref<10000x128xf32, #tpu.memory_space<hbm>>
        tpu.enqueue_indirect_dma source(%dma_start3A_117 : memref<10000x128xf32, #tpu.memory_space<hbm>>) target(%arg10 : memref<128x128xf32, #tpu.memory_space<vmem>>) offsets(%dma_start3A_114 : memref<128xi32, #tpu.memory_space<vmem>>) semaphore(%arg12 : memref<!tpu.dma_semaphore, #tpu.memory_space<semaphore_mem>>)
      } else {
      }
    }
    %scan3A_30 = arith.constant 19 : i32
    %dma_wait3A_31 = arith.constant 37 : i32
    %dma_wait3A_32 = arith.constant 0 : i32
    %dma_wait3A_33 = tpu.memref_slice %arg9[%dma_wait3A_31, %dma_wait3A_32] : memref<40x128xi32, #tpu.memory_space<vmem>> -> memref<1x128xi32, #tpu.memory_space<vmem>>
    %dma_wait3A_34 = tpu.memref_squeeze %dma_wait3A_33 : memref<1x128xi32, #tpu.memory_space<vmem>> -> memref<128xi32, #tpu.memory_space<vmem>>
    %dma_wait3A_35 = arith.constant 0 : i32
    %dma_wait3A_36 = arith.constant 0 : i32
    %dma_wait3A_37 = tpu.memref_slice %arg7[%dma_wait3A_35, %dma_wait3A_36] : memref<10112x128xf32, #tpu.memory_space<vmem_shared>> -> memref<10112x128xf32, #tpu.memory_space<vmem_shared>>
    tpu.wait_indirect_dma semaphore(%arg15 : memref<!tpu.dma_semaphore, #tpu.memory_space<semaphore_mem>>) src(%arg11 : memref<128x128xf32, #tpu.memory_space<vmem>>) dst(%dma_wait3A_37 : memref<10112x128xf32, #tpu.memory_space<vmem_shared>>)
    %dma_start3A_38 = arith.constant 38 : i32
    %dma_start3A_39 = arith.constant 0 : i32
    %dma_start3A_40 = tpu.memref_slice %arg8[%dma_start3A_38, %dma_start3A_39] : memref<40x128xi32, #tpu.memory_space<vmem>> -> memref<1x128xi32, #tpu.memory_space<vmem>>
    %dma_start3A_41 = tpu.memref_squeeze %dma_start3A_40 : memref<1x128xi32, #tpu.memory_space<vmem>> -> memref<128xi32, #tpu.memory_space<vmem>>
    %dma_start3A_42 = arith.constant 0 : i32
    %dma_start3A_43 = arith.constant 0 : i32
    %dma_start3A_44 = tpu.memref_slice %arg2[%dma_start3A_42, %dma_start3A_43] : memref<10000x128xf32, #tpu.memory_space<hbm>> -> memref<10000x128xf32, #tpu.memory_space<hbm>>
    tpu.enqueue_indirect_dma source(%dma_start3A_44 : memref<10000x128xf32, #tpu.memory_space<hbm>>) target(%arg10 : memref<128x128xf32, #tpu.memory_space<vmem>>) offsets(%dma_start3A_41 : memref<128xi32, #tpu.memory_space<vmem>>) semaphore(%arg12 : memref<!tpu.dma_semaphore, #tpu.memory_space<semaphore_mem>>)
    %dma_wait3A_45 = arith.constant 38 : i32
    %dma_wait3A_46 = arith.constant 0 : i32
    %dma_wait3A_47 = tpu.memref_slice %arg8[%dma_wait3A_45, %dma_wait3A_46] : memref<40x128xi32, #tpu.memory_space<vmem>> -> memref<1x128xi32, #tpu.memory_space<vmem>>
    %dma_wait3A_48 = tpu.memref_squeeze %dma_wait3A_47 : memref<1x128xi32, #tpu.memory_space<vmem>> -> memref<128xi32, #tpu.memory_space<vmem>>
    %dma_wait3A_49 = arith.constant 0 : i32
    %dma_wait3A_50 = arith.constant 0 : i32
    %dma_wait3A_51 = tpu.memref_slice %arg2[%dma_wait3A_49, %dma_wait3A_50] : memref<10000x128xf32, #tpu.memory_space<hbm>> -> memref<10000x128xf32, #tpu.memory_space<hbm>>
    tpu.wait_indirect_dma semaphore(%arg12 : memref<!tpu.dma_semaphore, #tpu.memory_space<semaphore_mem>>) src(%dma_wait3A_51 : memref<10000x128xf32, #tpu.memory_space<hbm>>) dst(%arg10 : memref<128x128xf32, #tpu.memory_space<vmem>>)
    %run_scoped3A = arith.constant 38 : i32
    "tpu.region"() ({
      %run_scoped3A_57 = tpu.sem_alloc : memref<!tpu.dma_semaphore, #tpu.memory_space<semaphore_mem>>
      %dma_start3A_58 = arith.constant 0 : i32
      %dma_start3A_59 = tpu.memref_slice %arg9[%run_scoped3A, %dma_start3A_58] : memref<40x128xi32, #tpu.memory_space<vmem>> -> memref<1x128xi32, #tpu.memory_space<vmem>>
      %dma_start3A_60 = tpu.memref_squeeze %dma_start3A_59 : memref<1x128xi32, #tpu.memory_space<vmem>> -> memref<128xi32, #tpu.memory_space<vmem>>
      %dma_start3A_61 = arith.constant 0 : i32
      %dma_start3A_62 = arith.constant 0 : i32
      %dma_start3A_63 = tpu.memref_slice %arg7[%dma_start3A_61, %dma_start3A_62] : memref<10112x128xf32, #tpu.memory_space<vmem_shared>> -> memref<10112x128xf32, #tpu.memory_space<vmem_shared>>
      tpu.enqueue_indirect_dma source(%arg10 : memref<128x128xf32, #tpu.memory_space<vmem>>) target(%dma_start3A_63 : memref<10112x128xf32, #tpu.memory_space<vmem_shared>>) offsets(%dma_start3A_60 : memref<128xi32, #tpu.memory_space<vmem>>) semaphore(%run_scoped3A_57 : memref<!tpu.dma_semaphore, #tpu.memory_space<semaphore_mem>>) {add = true}
      %dma_wait3A_64 = arith.constant 0 : i32
      %dma_wait3A_65 = tpu.memref_slice %arg9[%run_scoped3A, %dma_wait3A_64] : memref<40x128xi32, #tpu.memory_space<vmem>> -> memref<1x128xi32, #tpu.memory_space<vmem>>
      %dma_wait3A_66 = tpu.memref_squeeze %dma_wait3A_65 : memref<1x128xi32, #tpu.memory_space<vmem>> -> memref<128xi32, #tpu.memory_space<vmem>>
      %dma_wait3A_67 = arith.constant 0 : i32
      %dma_wait3A_68 = arith.constant 0 : i32
      %dma_wait3A_69 = tpu.memref_slice %arg7[%dma_wait3A_67, %dma_wait3A_68] : memref<10112x128xf32, #tpu.memory_space<vmem_shared>> -> memref<10112x128xf32, #tpu.memory_space<vmem_shared>>
      tpu.wait_indirect_dma semaphore(%run_scoped3A_57 : memref<!tpu.dma_semaphore, #tpu.memory_space<semaphore_mem>>) src(%arg10 : memref<128x128xf32, #tpu.memory_space<vmem>>) dst(%dma_wait3A_69 : memref<10112x128xf32, #tpu.memory_space<vmem_shared>>)
      tpu.yield
    }) : () -> ()
    %barrier3A_52 = arith.constant 0 : index
    tpu.barrier barrier_id(%barrier3A_52)
    %mul3A_53 = arith.constant 632 : i32
    %mul3A_54 = arith.muli %arg1, %mul3A_53 : i32
    %mul3A_55 = arith.constant 632 : i32
    %mul3A_56 = arith.muli %arg1, %mul3A_55 : i32
    "tpu.region"() ({
      %run_scoped3A_57 = tpu.sem_alloc : memref<!tpu.dma_semaphore, #tpu.memory_space<semaphore_mem>>
      %dma_start3A_58 = arith.constant 0 : i32
      %dma_start3A_59 = tpu.memref_slice %arg6[%arg0, %mul3A_56, %dma_start3A_58] : memref<2x10112x128xf32, #tpu.memory_space<hbm>> -> memref<1x632x128xf32, #tpu.memory_space<hbm>>
      %dma_start3A_60 = tpu.memref_squeeze %dma_start3A_59 : memref<1x632x128xf32, #tpu.memory_space<hbm>> -> memref<632x128xf32, #tpu.memory_space<hbm>>
      %dma_start3A_61 = arith.constant 0 : i32
      %dma_start3A_62 = tpu.memref_slice %arg7[%mul3A_54, %dma_start3A_61] : memref<10112x128xf32, #tpu.memory_space<vmem_shared>> -> memref<632x128xf32, #tpu.memory_space<vmem_shared>>
      tpu.enqueue_dma source(%dma_start3A_62 : memref<632x128xf32, #tpu.memory_space<vmem_shared>>) target(%dma_start3A_60 : memref<632x128xf32, #tpu.memory_space<hbm>>) target_semaphore(%run_scoped3A_57 : memref<!tpu.dma_semaphore, #tpu.memory_space<semaphore_mem>>)
      %dma_wait3A_63 = arith.constant 0 : i32
      %dma_wait3A_64 = tpu.memref_slice %arg6[%arg0, %mul3A_56, %dma_wait3A_63] : memref<2x10112x128xf32, #tpu.memory_space<hbm>> -> memref<1x632x128xf32, #tpu.memory_space<hbm>>
      %dma_wait3A_65 = tpu.memref_squeeze %dma_wait3A_64 : memref<1x632x128xf32, #tpu.memory_space<hbm>> -> memref<632x128xf32, #tpu.memory_space<hbm>>
      %dma_wait3A_66 = arith.constant 0 : i32
      %dma_wait3A_67 = tpu.memref_slice %arg7[%mul3A_54, %dma_wait3A_66] : memref<10112x128xf32, #tpu.memory_space<vmem_shared>> -> memref<632x128xf32, #tpu.memory_space<vmem_shared>>
      tpu.wait_dma2 semaphore(%run_scoped3A_57 : memref<!tpu.dma_semaphore, #tpu.memory_space<semaphore_mem>>) src(%dma_wait3A_67 : memref<632x128xf32, #tpu.memory_space<vmem_shared>>) dst(%dma_wait3A_65 : memref<632x128xf32, #tpu.memory_space<hbm>>)
      tpu.yield
    }) : () -> ()
    return
  }
}

#map = affine_map<(d0, d1) -> (0, 0)>
#map1 = affine_map<(d0, d1) -> (0, 0, 0)>
module attributes {stable_mosaic.version = 14 : i64} {
  func.func @_agg(%arg0: i32, %arg1: i32, %arg2: memref<10000x128xf32, #tpu.memory_space<hbm>>, %arg3: memref<32x79x128xi32, #tpu.memory_space<hbm>>, %arg4: memref<32x79x128xi32, #tpu.memory_space<hbm>>, %arg5: memref<632x128xf32, #tpu.memory_space<hbm>>, %arg6: memref<2x10112x128xf32, #tpu.memory_space<hbm>>, %arg7: memref<10112x128xf32, #tpu.memory_space<vmem_shared>>, %arg8: memref<40x128xi32, #tpu.memory_space<vmem>>, %arg9: memref<40x128xi32, #tpu.memory_space<vmem>>, %arg10: memref<128x128xf32, #tpu.memory_space<vmem>>, %arg11: memref<128x128xf32, #tpu.memory_space<vmem>>, %arg12: memref<!tpu.dma_semaphore, #tpu.memory_space<semaphore_mem>>, %arg13: memref<!tpu.dma_semaphore, #tpu.memory_space<semaphore_mem>>, %arg14: memref<!tpu.dma_semaphore, #tpu.memory_space<semaphore_mem>>, %arg15: memref<!tpu.dma_semaphore, #tpu.memory_space<semaphore_mem>>) attributes {dimension_semantics = [#tpu.dimension_semantics<core_parallel>, #tpu.dimension_semantics<subcore_parallel>], iteration_bounds = array<i64: 2, 16>, scalar_prefetch = 0 : i64, scratch_operands = 9 : i64, tpu.core_type = #tpu.core_type<sc_vector_subcore>, window_params = [{transform_indices = #map}, {transform_indices = #map1}, {transform_indices = #map1}, {transform_indices = #map}, {transform_indices = #map1}]} {
    %mul3A = arith.constant 2 : i32
    %mul3A_0 = arith.muli %arg1, %mul3A : i32
    %add3A = arith.addi %mul3A_0, %arg0 : i32
    %mul3A_1 = arith.constant 632 : i32
    %mul3A_2 = arith.muli %arg1, %mul3A_1 : i32
    "tpu.region"() ({
      %run_scoped3A_57 = tpu.sem_alloc : memref<!tpu.dma_semaphore, #tpu.memory_space<semaphore_mem>>
      %dma_start3A_58 = arith.constant 0 : i32
      %dma_start3A_59 = tpu.memref_slice %arg7[%mul3A_2, %dma_start3A_58] : memref<10112x128xf32, #tpu.memory_space<vmem_shared>> -> memref<632x128xf32, #tpu.memory_space<vmem_shared>>
      tpu.enqueue_dma source(%arg5 : memref<632x128xf32, #tpu.memory_space<hbm>>) target(%dma_start3A_59 : memref<632x128xf32, #tpu.memory_space<vmem_shared>>) target_semaphore(%run_scoped3A_57 : memref<!tpu.dma_semaphore, #tpu.memory_space<semaphore_mem>>)
      %dma_wait3A_60 = arith.constant 0 : i32
      %dma_wait3A_61 = tpu.memref_slice %arg7[%mul3A_2, %dma_wait3A_60] : memref<10112x128xf32, #tpu.memory_space<vmem_shared>> -> memref<632x128xf32, #tpu.memory_space<vmem_shared>>
      tpu.wait_dma2 semaphore(%run_scoped3A_57 : memref<!tpu.dma_semaphore, #tpu.memory_space<semaphore_mem>>) src(%arg5 : memref<632x128xf32, #tpu.memory_space<hbm>>) dst(%dma_wait3A_61 : memref<632x128xf32, #tpu.memory_space<vmem_shared>>)
      tpu.yield
    }) : () -> ()
    %barrier3A = arith.constant 0 : index
    tpu.barrier barrier_id(%barrier3A)
    "tpu.region"() ({
      %run_scoped3A_57 = tpu.sem_alloc : memref<!tpu.dma_semaphore, #tpu.memory_space<semaphore_mem>>
      %dma_start3A_58 = arith.constant 0 : i32
      %dma_start3A_59 = arith.constant 0 : i32
      %dma_start3A_60 = tpu.memref_slice %arg8[%dma_start3A_58, %dma_start3A_59] : memref<40x128xi32, #tpu.memory_space<vmem>> -> memref<40x128xi32, #tpu.memory_space<vmem>>
      %dma_start3A_61 = arith.constant 0 : i32
      %dma_start3A_62 = arith.constant 0 : i32
      %dma_start3A_63 = tpu.memref_slice %arg3[%add3A, %dma_start3A_61, %dma_start3A_62] : memref<32x79x128xi32, #tpu.memory_space<hbm>> -> memref<1x40x128xi32, #tpu.memory_space<hbm>>
      %dma_start3A_64 = tpu.memref_squeeze %dma_start3A_63 : memref<1x40x128xi32, #tpu.memory_space<hbm>> -> memref<40x128xi32, #tpu.memory_space<hbm>>
      %dma_start3A_65 = arith.constant 0 : i32
      %dma_start3A_66 = arith.constant 0 : i32
      %dma_start3A_67 = tpu.memref_slice %arg8[%dma_start3A_65, %dma_start3A_66] : memref<40x128xi32, #tpu.memory_space<vmem>> -> memref<40x128xi32, #tpu.memory_space<vmem>>
      %dma_start3A_68 = arith.constant 0 : i32
      %dma_start3A_69 = arith.constant 0 : i32
      %dma_start3A_70 = tpu.memref_slice %arg3[%add3A, %dma_start3A_68, %dma_start3A_69] : memref<32x79x128xi32, #tpu.memory_space<hbm>> -> memref<1x40x128xi32, #tpu.memory_space<hbm>>
      %dma_start3A_71 = tpu.memref_squeeze %dma_start3A_70 : memref<1x40x128xi32, #tpu.memory_space<hbm>> -> memref<40x128xi32, #tpu.memory_space<hbm>>
      tpu.enqueue_dma source(%dma_start3A_71 : memref<40x128xi32, #tpu.memory_space<hbm>>) target(%dma_start3A_67 : memref<40x128xi32, #tpu.memory_space<vmem>>) target_semaphore(%run_scoped3A_57 : memref<!tpu.dma_semaphore, #tpu.memory_space<semaphore_mem>>)
      %dma_wait3A_72 = arith.constant 0 : i32
      %dma_wait3A_73 = arith.constant 0 : i32
      %dma_wait3A_74 = tpu.memref_slice %arg8[%dma_wait3A_72, %dma_wait3A_73] : memref<40x128xi32, #tpu.memory_space<vmem>> -> memref<40x128xi32, #tpu.memory_space<vmem>>
      %dma_wait3A_75 = arith.constant 0 : i32
      %dma_wait3A_76 = arith.constant 0 : i32
      %dma_wait3A_77 = tpu.memref_slice %arg3[%add3A, %dma_wait3A_75, %dma_wait3A_76] : memref<32x79x128xi32, #tpu.memory_space<hbm>> -> memref<1x40x128xi32, #tpu.memory_space<hbm>>
      %dma_wait3A_78 = tpu.memref_squeeze %dma_wait3A_77 : memref<1x40x128xi32, #tpu.memory_space<hbm>> -> memref<40x128xi32, #tpu.memory_space<hbm>>
      %dma_wait3A_79 = arith.constant 0 : i32
      %dma_wait3A_80 = arith.constant 0 : i32
      %dma_wait3A_81 = tpu.memref_slice %arg8[%dma_wait3A_79, %dma_wait3A_80] : memref<40x128xi32, #tpu.memory_space<vmem>> -> memref<40x128xi32, #tpu.memory_space<vmem>>
      %dma_wait3A_82 = arith.constant 0 : i32
      %dma_wait3A_83 = arith.constant 0 : i32
      %dma_wait3A_84 = tpu.memref_slice %arg3[%add3A, %dma_wait3A_82, %dma_wait3A_83] : memref<32x79x128xi32, #tpu.memory_space<hbm>> -> memref<1x40x128xi32, #tpu.memory_space<hbm>>
      %dma_wait3A_85 = tpu.memref_squeeze %dma_wait3A_84 : memref<1x40x128xi32, #tpu.memory_space<hbm>> -> memref<40x128xi32, #tpu.memory_space<hbm>>
      tpu.wait_dma2 semaphore(%run_scoped3A_57 : memref<!tpu.dma_semaphore, #tpu.memory_space<semaphore_mem>>) src(%dma_wait3A_85 : memref<40x128xi32, #tpu.memory_space<hbm>>) dst(%dma_wait3A_81 : memref<40x128xi32, #tpu.memory_space<vmem>>)
      tpu.yield
    }) : () -> ()
    "tpu.region"() ({
      %run_scoped3A_57 = tpu.sem_alloc : memref<!tpu.dma_semaphore, #tpu.memory_space<semaphore_mem>>
      %dma_start3A_58 = arith.constant 0 : i32
      %dma_start3A_59 = arith.constant 0 : i32
      %dma_start3A_60 = tpu.memref_slice %arg9[%dma_start3A_58, %dma_start3A_59] : memref<40x128xi32, #tpu.memory_space<vmem>> -> memref<40x128xi32, #tpu.memory_space<vmem>>
      %dma_start3A_61 = arith.constant 0 : i32
      %dma_start3A_62 = arith.constant 0 : i32
      %dma_start3A_63 = tpu.memref_slice %arg4[%add3A, %dma_start3A_61, %dma_start3A_62] : memref<32x79x128xi32, #tpu.memory_space<hbm>> -> memref<1x40x128xi32, #tpu.memory_space<hbm>>
      %dma_start3A_64 = tpu.memref_squeeze %dma_start3A_63 : memref<1x40x128xi32, #tpu.memory_space<hbm>> -> memref<40x128xi32, #tpu.memory_space<hbm>>
      %dma_start3A_65 = arith.constant 0 : i32
      %dma_start3A_66 = arith.constant 0 : i32
      %dma_start3A_67 = tpu.memref_slice %arg9[%dma_start3A_65, %dma_start3A_66] : memref<40x128xi32, #tpu.memory_space<vmem>> -> memref<40x128xi32, #tpu.memory_space<vmem>>
      %dma_start3A_68 = arith.constant 0 : i32
      %dma_start3A_69 = arith.constant 0 : i32
      %dma_start3A_70 = tpu.memref_slice %arg4[%add3A, %dma_start3A_68, %dma_start3A_69] : memref<32x79x128xi32, #tpu.memory_space<hbm>> -> memref<1x40x128xi32, #tpu.memory_space<hbm>>
      %dma_start3A_71 = tpu.memref_squeeze %dma_start3A_70 : memref<1x40x128xi32, #tpu.memory_space<hbm>> -> memref<40x128xi32, #tpu.memory_space<hbm>>
      tpu.enqueue_dma source(%dma_start3A_71 : memref<40x128xi32, #tpu.memory_space<hbm>>) target(%dma_start3A_67 : memref<40x128xi32, #tpu.memory_space<vmem>>) target_semaphore(%run_scoped3A_57 : memref<!tpu.dma_semaphore, #tpu.memory_space<semaphore_mem>>)
      %dma_wait3A_72 = arith.constant 0 : i32
      %dma_wait3A_73 = arith.constant 0 : i32
      %dma_wait3A_74 = tpu.memref_slice %arg9[%dma_wait3A_72, %dma_wait3A_73] : memref<40x128xi32, #tpu.memory_space<vmem>> -> memref<40x128xi32, #tpu.memory_space<vmem>>
      %dma_wait3A_75 = arith.constant 0 : i32
      %dma_wait3A_76 = arith.constant 0 : i32
      %dma_wait3A_77 = tpu.memref_slice %arg4[%add3A, %dma_wait3A_75, %dma_wait3A_76] : memref<32x79x128xi32, #tpu.memory_space<hbm>> -> memref<1x40x128xi32, #tpu.memory_space<hbm>>
      %dma_wait3A_78 = tpu.memref_squeeze %dma_wait3A_77 : memref<1x40x128xi32, #tpu.memory_space<hbm>> -> memref<40x128xi32, #tpu.memory_space<hbm>>
      %dma_wait3A_79 = arith.constant 0 : i32
      %dma_wait3A_80 = arith.constant 0 : i32
      %dma_wait3A_81 = tpu.memref_slice %arg9[%dma_wait3A_79, %dma_wait3A_80] : memref<40x128xi32, #tpu.memory_space<vmem>> -> memref<40x128xi32, #tpu.memory_space<vmem>>
      %dma_wait3A_82 = arith.constant 0 : i32
      %dma_wait3A_83 = arith.constant 0 : i32
      %dma_wait3A_84 = tpu.memref_slice %arg4[%add3A, %dma_wait3A_82, %dma_wait3A_83] : memref<32x79x128xi32, #tpu.memory_space<hbm>> -> memref<1x40x128xi32, #tpu.memory_space<hbm>>
      %dma_wait3A_85 = tpu.memref_squeeze %dma_wait3A_84 : memref<1x40x128xi32, #tpu.memory_space<hbm>> -> memref<40x128xi32, #tpu.memory_space<hbm>>
      tpu.wait_dma2 semaphore(%run_scoped3A_57 : memref<!tpu.dma_semaphore, #tpu.memory_space<semaphore_mem>>) src(%dma_wait3A_85 : memref<40x128xi32, #tpu.memory_space<hbm>>) dst(%dma_wait3A_81 : memref<40x128xi32, #tpu.memory_space<vmem>>)
      tpu.yield
    }) : () -> ()
    %dma_start3A = arith.constant 0 : i32
    %dma_start3A_3 = arith.constant 0 : i32
    %dma_start3A_4 = tpu.memref_slice %arg8[%dma_start3A, %dma_start3A_3] : memref<40x128xi32, #tpu.memory_space<vmem>> -> memref<1x128xi32, #tpu.memory_space<vmem>>
    %dma_start3A_5 = tpu.memref_squeeze %dma_start3A_4 : memref<1x128xi32, #tpu.memory_space<vmem>> -> memref<128xi32, #tpu.memory_space<vmem>>
    %dma_start3A_6 = arith.constant 0 : i32
    %dma_start3A_7 = arith.constant 0 : i32
    %dma_start3A_8 = tpu.memref_slice %arg2[%dma_start3A_6, %dma_start3A_7] : memref<10000x128xf32, #tpu.memory_space<hbm>> -> memref<10000x128xf32, #tpu.memory_space<hbm>>
    tpu.enqueue_indirect_dma source(%dma_start3A_8 : memref<10000x128xf32, #tpu.memory_space<hbm>>) target(%arg10 : memref<128x128xf32, #tpu.memory_space<vmem>>) offsets(%dma_start3A_5 : memref<128xi32, #tpu.memory_space<vmem>>) semaphore(%arg12 : memref<!tpu.dma_semaphore, #tpu.memory_space<semaphore_mem>>)
    %scan3A = arith.constant 0 : i32
    %scan3A_9 = arith.constant 20 : i32
    %scan3A_10 = arith.addi %scan3A, %scan3A_9 : i32
    %scan3A_11 = arith.constant 1 : i32
    scf.for %scan3A_57 = %scan3A to %scan3A_10 step %scan3A_11  : i32 {
      %mul3A_58 = arith.constant 1 : i32
      %mul3A_59 = arith.muli %scan3A_57, %mul3A_58 : i32
      %add3A_60 = arith.constant 0 : i32
      %add3A_61 = arith.addi %add3A_60, %mul3A_59 : i32
      %mul3A_62 = arith.constant 2 : i32
      %mul3A_63 = arith.muli %add3A_61, %mul3A_62 : i32
      %add3A_64 = arith.constant 1 : i32
      %add3A_65 = arith.addi %mul3A_63, %add3A_64 : i32
      %gt3A = arith.constant 0 : i32
      %gt3A_66 = arith.cmpi sgt, %add3A_61, %gt3A : i32
      %convert_element_type3A = arith.extui %gt3A_66 : i1 to i32
      %cond3A = arith.constant 0 : i32
      %cond3A_67 = arith.cmpi ne, %convert_element_type3A, %cond3A : i32
      scf.if %cond3A_67 {
        %sub3A = arith.constant 1 : i32
        %sub3A_110 = arith.subi %mul3A_63, %sub3A : i32
        %dma_wait3A_111 = arith.constant 0 : i32
        %dma_wait3A_112 = tpu.memref_slice %arg9[%sub3A_110, %dma_wait3A_111] : memref<40x128xi32, #tpu.memory_space<vmem>> -> memref<1x128xi32, #tpu.memory_space<vmem>>
        %dma_wait3A_113 = tpu.memref_squeeze %dma_wait3A_112 : memref<1x128xi32, #tpu.memory_space<vmem>> -> memref<128xi32, #tpu.memory_space<vmem>>
        %dma_wait3A_114 = arith.constant 0 : i32
        %dma_wait3A_115 = arith.constant 0 : i32
        %dma_wait3A_116 = tpu.memref_slice %arg7[%dma_wait3A_114, %dma_wait3A_115] : memref<10112x128xf32, #tpu.memory_space<vmem_shared>> -> memref<10112x128xf32, #tpu.memory_space<vmem_shared>>
        tpu.wait_indirect_dma semaphore(%arg15 : memref<!tpu.dma_semaphore, #tpu.memory_space<semaphore_mem>>) src(%arg11 : memref<128x128xf32, #tpu.memory_space<vmem>>) dst(%dma_wait3A_116 : memref<10112x128xf32, #tpu.memory_space<vmem_shared>>)
      } else {
      }
      %dma_wait3A_68 = arith.constant 0 : i32
      %dma_wait3A_69 = tpu.memref_slice %arg8[%mul3A_63, %dma_wait3A_68] : memref<40x128xi32, #tpu.memory_space<vmem>> -> memref<1x128xi32, #tpu.memory_space<vmem>>
      %dma_wait3A_70 = tpu.memref_squeeze %dma_wait3A_69 : memref<1x128xi32, #tpu.memory_space<vmem>> -> memref<128xi32, #tpu.memory_space<vmem>>
      %dma_wait3A_71 = arith.constant 0 : i32
      %dma_wait3A_72 = arith.constant 0 : i32
      %dma_wait3A_73 = tpu.memref_slice %arg2[%dma_wait3A_71, %dma_wait3A_72] : memref<10000x128xf32, #tpu.memory_space<hbm>> -> memref<10000x128xf32, #tpu.memory_space<hbm>>
      tpu.wait_indirect_dma semaphore(%arg12 : memref<!tpu.dma_semaphore, #tpu.memory_space<semaphore_mem>>) src(%dma_wait3A_73 : memref<10000x128xf32, #tpu.memory_space<hbm>>) dst(%arg10 : memref<128x128xf32, #tpu.memory_space<vmem>>)
      %dma_start3A_74 = arith.constant 0 : i32
      %dma_start3A_75 = tpu.memref_slice %arg9[%mul3A_63, %dma_start3A_74] : memref<40x128xi32, #tpu.memory_space<vmem>> -> memref<1x128xi32, #tpu.memory_space<vmem>>
      %dma_start3A_76 = tpu.memref_squeeze %dma_start3A_75 : memref<1x128xi32, #tpu.memory_space<vmem>> -> memref<128xi32, #tpu.memory_space<vmem>>
      %dma_start3A_77 = arith.constant 0 : i32
      %dma_start3A_78 = arith.constant 0 : i32
      %dma_start3A_79 = tpu.memref_slice %arg7[%dma_start3A_77, %dma_start3A_78] : memref<10112x128xf32, #tpu.memory_space<vmem_shared>> -> memref<10112x128xf32, #tpu.memory_space<vmem_shared>>
      tpu.enqueue_indirect_dma source(%arg10 : memref<128x128xf32, #tpu.memory_space<vmem>>) target(%dma_start3A_79 : memref<10112x128xf32, #tpu.memory_space<vmem_shared>>) offsets(%dma_start3A_76 : memref<128xi32, #tpu.memory_space<vmem>>) semaphore(%arg14 : memref<!tpu.dma_semaphore, #tpu.memory_space<semaphore_mem>>) {add = true}
      %dma_start3A_80 = arith.constant 0 : i32
      %dma_start3A_81 = tpu.memref_slice %arg8[%add3A_65, %dma_start3A_80] : memref<40x128xi32, #tpu.memory_space<vmem>> -> memref<1x128xi32, #tpu.memory_space<vmem>>
      %dma_start3A_82 = tpu.memref_squeeze %dma_start3A_81 : memref<1x128xi32, #tpu.memory_space<vmem>> -> memref<128xi32, #tpu.memory_space<vmem>>
      %dma_start3A_83 = arith.constant 0 : i32
      %dma_start3A_84 = arith.constant 0 : i32
      %dma_start3A_85 = tpu.memref_slice %arg2[%dma_start3A_83, %dma_start3A_84] : memref<10000x128xf32, #tpu.memory_space<hbm>> -> memref<10000x128xf32, #tpu.memory_space<hbm>>
      tpu.enqueue_indirect_dma source(%dma_start3A_85 : memref<10000x128xf32, #tpu.memory_space<hbm>>) target(%arg11 : memref<128x128xf32, #tpu.memory_space<vmem>>) offsets(%dma_start3A_82 : memref<128xi32, #tpu.memory_space<vmem>>) semaphore(%arg13 : memref<!tpu.dma_semaphore, #tpu.memory_space<semaphore_mem>>)
      %dma_wait3A_86 = arith.constant 0 : i32
      %dma_wait3A_87 = tpu.memref_slice %arg9[%mul3A_63, %dma_wait3A_86] : memref<40x128xi32, #tpu.memory_space<vmem>> -> memref<1x128xi32, #tpu.memory_space<vmem>>
      %dma_wait3A_88 = tpu.memref_squeeze %dma_wait3A_87 : memref<1x128xi32, #tpu.memory_space<vmem>> -> memref<128xi32, #tpu.memory_space<vmem>>
      %dma_wait3A_89 = arith.constant 0 : i32
      %dma_wait3A_90 = arith.constant 0 : i32
      %dma_wait3A_91 = tpu.memref_slice %arg7[%dma_wait3A_89, %dma_wait3A_90] : memref<10112x128xf32, #tpu.memory_space<vmem_shared>> -> memref<10112x128xf32, #tpu.memory_space<vmem_shared>>
      tpu.wait_indirect_dma semaphore(%arg14 : memref<!tpu.dma_semaphore, #tpu.memory_space<semaphore_mem>>) src(%arg10 : memref<128x128xf32, #tpu.memory_space<vmem>>) dst(%dma_wait3A_91 : memref<10112x128xf32, #tpu.memory_space<vmem_shared>>)
      %dma_wait3A_92 = arith.constant 0 : i32
      %dma_wait3A_93 = tpu.memref_slice %arg8[%add3A_65, %dma_wait3A_92] : memref<40x128xi32, #tpu.memory_space<vmem>> -> memref<1x128xi32, #tpu.memory_space<vmem>>
      %dma_wait3A_94 = tpu.memref_squeeze %dma_wait3A_93 : memref<1x128xi32, #tpu.memory_space<vmem>> -> memref<128xi32, #tpu.memory_space<vmem>>
      %dma_wait3A_95 = arith.constant 0 : i32
      %dma_wait3A_96 = arith.constant 0 : i32
      %dma_wait3A_97 = tpu.memref_slice %arg2[%dma_wait3A_95, %dma_wait3A_96] : memref<10000x128xf32, #tpu.memory_space<hbm>> -> memref<10000x128xf32, #tpu.memory_space<hbm>>
      tpu.wait_indirect_dma semaphore(%arg13 : memref<!tpu.dma_semaphore, #tpu.memory_space<semaphore_mem>>) src(%dma_wait3A_97 : memref<10000x128xf32, #tpu.memory_space<hbm>>) dst(%arg11 : memref<128x128xf32, #tpu.memory_space<vmem>>)
      %dma_start3A_98 = arith.constant 0 : i32
      %dma_start3A_99 = tpu.memref_slice %arg9[%add3A_65, %dma_start3A_98] : memref<40x128xi32, #tpu.memory_space<vmem>> -> memref<1x128xi32, #tpu.memory_space<vmem>>
      %dma_start3A_100 = tpu.memref_squeeze %dma_start3A_99 : memref<1x128xi32, #tpu.memory_space<vmem>> -> memref<128xi32, #tpu.memory_space<vmem>>
      %dma_start3A_101 = arith.constant 0 : i32
      %dma_start3A_102 = arith.constant 0 : i32
      %dma_start3A_103 = tpu.memref_slice %arg7[%dma_start3A_101, %dma_start3A_102] : memref<10112x128xf32, #tpu.memory_space<vmem_shared>> -> memref<10112x128xf32, #tpu.memory_space<vmem_shared>>
      tpu.enqueue_indirect_dma source(%arg11 : memref<128x128xf32, #tpu.memory_space<vmem>>) target(%dma_start3A_103 : memref<10112x128xf32, #tpu.memory_space<vmem_shared>>) offsets(%dma_start3A_100 : memref<128xi32, #tpu.memory_space<vmem>>) semaphore(%arg15 : memref<!tpu.dma_semaphore, #tpu.memory_space<semaphore_mem>>) {add = true}
      %add3A_104 = arith.constant 1 : i32
      %add3A_105 = arith.addi %add3A_61, %add3A_104 : i32
      %lt3A = arith.constant 20 : i32
      %lt3A_106 = arith.cmpi slt, %add3A_105, %lt3A : i32
      %convert_element_type3A_107 = arith.extui %lt3A_106 : i1 to i32
      %cond3A_108 = arith.constant 0 : i32
      %cond3A_109 = arith.cmpi ne, %convert_element_type3A_107, %cond3A_108 : i32
      scf.if %cond3A_109 {
        %add3A_110 = arith.constant 2 : i32
        %add3A_111 = arith.addi %mul3A_63, %add3A_110 : i32
        %dma_start3A_112 = arith.constant 0 : i32
        %dma_start3A_113 = tpu.memref_slice %arg8[%add3A_111, %dma_start3A_112] : memref<40x128xi32, #tpu.memory_space<vmem>> -> memref<1x128xi32, #tpu.memory_space<vmem>>
        %dma_start3A_114 = tpu.memref_squeeze %dma_start3A_113 : memref<1x128xi32, #tpu.memory_space<vmem>> -> memref<128xi32, #tpu.memory_space<vmem>>
        %dma_start3A_115 = arith.constant 0 : i32
        %dma_start3A_116 = arith.constant 0 : i32
        %dma_start3A_117 = tpu.memref_slice %arg2[%dma_start3A_115, %dma_start3A_116] : memref<10000x128xf32, #tpu.memory_space<hbm>> -> memref<10000x128xf32, #tpu.memory_space<hbm>>
        tpu.enqueue_indirect_dma source(%dma_start3A_117 : memref<10000x128xf32, #tpu.memory_space<hbm>>) target(%arg10 : memref<128x128xf32, #tpu.memory_space<vmem>>) offsets(%dma_start3A_114 : memref<128xi32, #tpu.memory_space<vmem>>) semaphore(%arg12 : memref<!tpu.dma_semaphore, #tpu.memory_space<semaphore_mem>>)
      } else {
      }
    }
    %scan3A_12 = arith.constant 20 : i32
    %dma_wait3A = arith.constant 39 : i32
    %dma_wait3A_13 = arith.constant 0 : i32
    %dma_wait3A_14 = tpu.memref_slice %arg9[%dma_wait3A, %dma_wait3A_13] : memref<40x128xi32, #tpu.memory_space<vmem>> -> memref<1x128xi32, #tpu.memory_space<vmem>>
    %dma_wait3A_15 = tpu.memref_squeeze %dma_wait3A_14 : memref<1x128xi32, #tpu.memory_space<vmem>> -> memref<128xi32, #tpu.memory_space<vmem>>
    %dma_wait3A_16 = arith.constant 0 : i32
    %dma_wait3A_17 = arith.constant 0 : i32
    %dma_wait3A_18 = tpu.memref_slice %arg7[%dma_wait3A_16, %dma_wait3A_17] : memref<10112x128xf32, #tpu.memory_space<vmem_shared>> -> memref<10112x128xf32, #tpu.memory_space<vmem_shared>>
    tpu.wait_indirect_dma semaphore(%arg15 : memref<!tpu.dma_semaphore, #tpu.memory_space<semaphore_mem>>) src(%arg11 : memref<128x128xf32, #tpu.memory_space<vmem>>) dst(%dma_wait3A_18 : memref<10112x128xf32, #tpu.memory_space<vmem_shared>>)
    "tpu.region"() ({
      %run_scoped3A_57 = tpu.sem_alloc : memref<!tpu.dma_semaphore, #tpu.memory_space<semaphore_mem>>
      %dma_start3A_58 = arith.constant 0 : i32
      %dma_start3A_59 = arith.constant 0 : i32
      %dma_start3A_60 = tpu.memref_slice %arg8[%dma_start3A_58, %dma_start3A_59] : memref<40x128xi32, #tpu.memory_space<vmem>> -> memref<39x128xi32, #tpu.memory_space<vmem>>
      %dma_start3A_61 = arith.constant 40 : i32
      %dma_start3A_62 = arith.constant 0 : i32
      %dma_start3A_63 = tpu.memref_slice %arg3[%add3A, %dma_start3A_61, %dma_start3A_62] : memref<32x79x128xi32, #tpu.memory_space<hbm>> -> memref<1x39x128xi32, #tpu.memory_space<hbm>>
      %dma_start3A_64 = tpu.memref_squeeze %dma_start3A_63 : memref<1x39x128xi32, #tpu.memory_space<hbm>> -> memref<39x128xi32, #tpu.memory_space<hbm>>
      %dma_start3A_65 = arith.constant 0 : i32
      %dma_start3A_66 = arith.constant 0 : i32
      %dma_start3A_67 = tpu.memref_slice %arg8[%dma_start3A_65, %dma_start3A_66] : memref<40x128xi32, #tpu.memory_space<vmem>> -> memref<39x128xi32, #tpu.memory_space<vmem>>
      %dma_start3A_68 = arith.constant 40 : i32
      %dma_start3A_69 = arith.constant 0 : i32
      %dma_start3A_70 = tpu.memref_slice %arg3[%add3A, %dma_start3A_68, %dma_start3A_69] : memref<32x79x128xi32, #tpu.memory_space<hbm>> -> memref<1x39x128xi32, #tpu.memory_space<hbm>>
      %dma_start3A_71 = tpu.memref_squeeze %dma_start3A_70 : memref<1x39x128xi32, #tpu.memory_space<hbm>> -> memref<39x128xi32, #tpu.memory_space<hbm>>
      tpu.enqueue_dma source(%dma_start3A_71 : memref<39x128xi32, #tpu.memory_space<hbm>>) target(%dma_start3A_67 : memref<39x128xi32, #tpu.memory_space<vmem>>) target_semaphore(%run_scoped3A_57 : memref<!tpu.dma_semaphore, #tpu.memory_space<semaphore_mem>>)
      %dma_wait3A_72 = arith.constant 0 : i32
      %dma_wait3A_73 = arith.constant 0 : i32
      %dma_wait3A_74 = tpu.memref_slice %arg8[%dma_wait3A_72, %dma_wait3A_73] : memref<40x128xi32, #tpu.memory_space<vmem>> -> memref<39x128xi32, #tpu.memory_space<vmem>>
      %dma_wait3A_75 = arith.constant 40 : i32
      %dma_wait3A_76 = arith.constant 0 : i32
      %dma_wait3A_77 = tpu.memref_slice %arg3[%add3A, %dma_wait3A_75, %dma_wait3A_76] : memref<32x79x128xi32, #tpu.memory_space<hbm>> -> memref<1x39x128xi32, #tpu.memory_space<hbm>>
      %dma_wait3A_78 = tpu.memref_squeeze %dma_wait3A_77 : memref<1x39x128xi32, #tpu.memory_space<hbm>> -> memref<39x128xi32, #tpu.memory_space<hbm>>
      %dma_wait3A_79 = arith.constant 0 : i32
      %dma_wait3A_80 = arith.constant 0 : i32
      %dma_wait3A_81 = tpu.memref_slice %arg8[%dma_wait3A_79, %dma_wait3A_80] : memref<40x128xi32, #tpu.memory_space<vmem>> -> memref<39x128xi32, #tpu.memory_space<vmem>>
      %dma_wait3A_82 = arith.constant 40 : i32
      %dma_wait3A_83 = arith.constant 0 : i32
      %dma_wait3A_84 = tpu.memref_slice %arg3[%add3A, %dma_wait3A_82, %dma_wait3A_83] : memref<32x79x128xi32, #tpu.memory_space<hbm>> -> memref<1x39x128xi32, #tpu.memory_space<hbm>>
      %dma_wait3A_85 = tpu.memref_squeeze %dma_wait3A_84 : memref<1x39x128xi32, #tpu.memory_space<hbm>> -> memref<39x128xi32, #tpu.memory_space<hbm>>
      tpu.wait_dma2 semaphore(%run_scoped3A_57 : memref<!tpu.dma_semaphore, #tpu.memory_space<semaphore_mem>>) src(%dma_wait3A_85 : memref<39x128xi32, #tpu.memory_space<hbm>>) dst(%dma_wait3A_81 : memref<39x128xi32, #tpu.memory_space<vmem>>)
      tpu.yield
    }) : () -> ()
    "tpu.region"() ({
      %run_scoped3A_57 = tpu.sem_alloc : memref<!tpu.dma_semaphore, #tpu.memory_space<semaphore_mem>>
      %dma_start3A_58 = arith.constant 0 : i32
      %dma_start3A_59 = arith.constant 0 : i32
      %dma_start3A_60 = tpu.memref_slice %arg9[%dma_start3A_58, %dma_start3A_59] : memref<40x128xi32, #tpu.memory_space<vmem>> -> memref<39x128xi32, #tpu.memory_space<vmem>>
      %dma_start3A_61 = arith.constant 40 : i32
      %dma_start3A_62 = arith.constant 0 : i32
      %dma_start3A_63 = tpu.memref_slice %arg4[%add3A, %dma_start3A_61, %dma_start3A_62] : memref<32x79x128xi32, #tpu.memory_space<hbm>> -> memref<1x39x128xi32, #tpu.memory_space<hbm>>
      %dma_start3A_64 = tpu.memref_squeeze %dma_start3A_63 : memref<1x39x128xi32, #tpu.memory_space<hbm>> -> memref<39x128xi32, #tpu.memory_space<hbm>>
      %dma_start3A_65 = arith.constant 0 : i32
      %dma_start3A_66 = arith.constant 0 : i32
      %dma_start3A_67 = tpu.memref_slice %arg9[%dma_start3A_65, %dma_start3A_66] : memref<40x128xi32, #tpu.memory_space<vmem>> -> memref<39x128xi32, #tpu.memory_space<vmem>>
      %dma_start3A_68 = arith.constant 40 : i32
      %dma_start3A_69 = arith.constant 0 : i32
      %dma_start3A_70 = tpu.memref_slice %arg4[%add3A, %dma_start3A_68, %dma_start3A_69] : memref<32x79x128xi32, #tpu.memory_space<hbm>> -> memref<1x39x128xi32, #tpu.memory_space<hbm>>
      %dma_start3A_71 = tpu.memref_squeeze %dma_start3A_70 : memref<1x39x128xi32, #tpu.memory_space<hbm>> -> memref<39x128xi32, #tpu.memory_space<hbm>>
      tpu.enqueue_dma source(%dma_start3A_71 : memref<39x128xi32, #tpu.memory_space<hbm>>) target(%dma_start3A_67 : memref<39x128xi32, #tpu.memory_space<vmem>>) target_semaphore(%run_scoped3A_57 : memref<!tpu.dma_semaphore, #tpu.memory_space<semaphore_mem>>)
      %dma_wait3A_72 = arith.constant 0 : i32
      %dma_wait3A_73 = arith.constant 0 : i32
      %dma_wait3A_74 = tpu.memref_slice %arg9[%dma_wait3A_72, %dma_wait3A_73] : memref<40x128xi32, #tpu.memory_space<vmem>> -> memref<39x128xi32, #tpu.memory_space<vmem>>
      %dma_wait3A_75 = arith.constant 40 : i32
      %dma_wait3A_76 = arith.constant 0 : i32
      %dma_wait3A_77 = tpu.memref_slice %arg4[%add3A, %dma_wait3A_75, %dma_wait3A_76] : memref<32x79x128xi32, #tpu.memory_space<hbm>> -> memref<1x39x128xi32, #tpu.memory_space<hbm>>
      %dma_wait3A_78 = tpu.memref_squeeze %dma_wait3A_77 : memref<1x39x128xi32, #tpu.memory_space<hbm>> -> memref<39x128xi32, #tpu.memory_space<hbm>>
      %dma_wait3A_79 = arith.constant 0 : i32
      %dma_wait3A_80 = arith.constant 0 : i32
      %dma_wait3A_81 = tpu.memref_slice %arg9[%dma_wait3A_79, %dma_wait3A_80] : memref<40x128xi32, #tpu.memory_space<vmem>> -> memref<39x128xi32, #tpu.memory_space<vmem>>
      %dma_wait3A_82 = arith.constant 40 : i32
      %dma_wait3A_83 = arith.constant 0 : i32
      %dma_wait3A_84 = tpu.memref_slice %arg4[%add3A, %dma_wait3A_82, %dma_wait3A_83] : memref<32x79x128xi32, #tpu.memory_space<hbm>> -> memref<1x39x128xi32, #tpu.memory_space<hbm>>
      %dma_wait3A_85 = tpu.memref_squeeze %dma_wait3A_84 : memref<1x39x128xi32, #tpu.memory_space<hbm>> -> memref<39x128xi32, #tpu.memory_space<hbm>>
      tpu.wait_dma2 semaphore(%run_scoped3A_57 : memref<!tpu.dma_semaphore, #tpu.memory_space<semaphore_mem>>) src(%dma_wait3A_85 : memref<39x128xi32, #tpu.memory_space<hbm>>) dst(%dma_wait3A_81 : memref<39x128xi32, #tpu.memory_space<vmem>>)
      tpu.yield
    }) : () -> ()
    %dma_start3A_19 = arith.constant 0 : i32
    %dma_start3A_20 = arith.constant 0 : i32
    %dma_start3A_21 = tpu.memref_slice %arg8[%dma_start3A_19, %dma_start3A_20] : memref<40x128xi32, #tpu.memory_space<vmem>> -> memref<1x128xi32, #tpu.memory_space<vmem>>
    %dma_start3A_22 = tpu.memref_squeeze %dma_start3A_21 : memref<1x128xi32, #tpu.memory_space<vmem>> -> memref<128xi32, #tpu.memory_space<vmem>>
    %dma_start3A_23 = arith.constant 0 : i32
    %dma_start3A_24 = arith.constant 0 : i32
    %dma_start3A_25 = tpu.memref_slice %arg2[%dma_start3A_23, %dma_start3A_24] : memref<10000x128xf32, #tpu.memory_space<hbm>> -> memref<10000x128xf32, #tpu.memory_space<hbm>>
    tpu.enqueue_indirect_dma source(%dma_start3A_25 : memref<10000x128xf32, #tpu.memory_space<hbm>>) target(%arg10 : memref<128x128xf32, #tpu.memory_space<vmem>>) offsets(%dma_start3A_22 : memref<128xi32, #tpu.memory_space<vmem>>) semaphore(%arg12 : memref<!tpu.dma_semaphore, #tpu.memory_space<semaphore_mem>>)
    %scan3A_26 = arith.constant 0 : i32
    %scan3A_27 = arith.constant 19 : i32
    %scan3A_28 = arith.addi %scan3A_26, %scan3A_27 : i32
    %scan3A_29 = arith.constant 1 : i32
    scf.for %scan3A_57 = %scan3A_26 to %scan3A_28 step %scan3A_29  : i32 {
      %mul3A_58 = arith.constant 1 : i32
      %mul3A_59 = arith.muli %scan3A_57, %mul3A_58 : i32
      %add3A_60 = arith.constant 0 : i32
      %add3A_61 = arith.addi %add3A_60, %mul3A_59 : i32
      %mul3A_62 = arith.constant 2 : i32
      %mul3A_63 = arith.muli %add3A_61, %mul3A_62 : i32
      %add3A_64 = arith.constant 1 : i32
      %add3A_65 = arith.addi %mul3A_63, %add3A_64 : i32
      %gt3A = arith.constant 0 : i32
      %gt3A_66 = arith.cmpi sgt, %add3A_61, %gt3A : i32
      %convert_element_type3A = arith.extui %gt3A_66 : i1 to i32
      %cond3A = arith.constant 0 : i32
      %cond3A_67 = arith.cmpi ne, %convert_element_type3A, %cond3A : i32
      scf.if %cond3A_67 {
        %sub3A = arith.constant 1 : i32
        %sub3A_110 = arith.subi %mul3A_63, %sub3A : i32
        %dma_wait3A_111 = arith.constant 0 : i32
        %dma_wait3A_112 = tpu.memref_slice %arg9[%sub3A_110, %dma_wait3A_111] : memref<40x128xi32, #tpu.memory_space<vmem>> -> memref<1x128xi32, #tpu.memory_space<vmem>>
        %dma_wait3A_113 = tpu.memref_squeeze %dma_wait3A_112 : memref<1x128xi32, #tpu.memory_space<vmem>> -> memref<128xi32, #tpu.memory_space<vmem>>
        %dma_wait3A_114 = arith.constant 0 : i32
        %dma_wait3A_115 = arith.constant 0 : i32
        %dma_wait3A_116 = tpu.memref_slice %arg7[%dma_wait3A_114, %dma_wait3A_115] : memref<10112x128xf32, #tpu.memory_space<vmem_shared>> -> memref<10112x128xf32, #tpu.memory_space<vmem_shared>>
        tpu.wait_indirect_dma semaphore(%arg15 : memref<!tpu.dma_semaphore, #tpu.memory_space<semaphore_mem>>) src(%arg11 : memref<128x128xf32, #tpu.memory_space<vmem>>) dst(%dma_wait3A_116 : memref<10112x128xf32, #tpu.memory_space<vmem_shared>>)
      } else {
      }
      %dma_wait3A_68 = arith.constant 0 : i32
      %dma_wait3A_69 = tpu.memref_slice %arg8[%mul3A_63, %dma_wait3A_68] : memref<40x128xi32, #tpu.memory_space<vmem>> -> memref<1x128xi32, #tpu.memory_space<vmem>>
      %dma_wait3A_70 = tpu.memref_squeeze %dma_wait3A_69 : memref<1x128xi32, #tpu.memory_space<vmem>> -> memref<128xi32, #tpu.memory_space<vmem>>
      %dma_wait3A_71 = arith.constant 0 : i32
      %dma_wait3A_72 = arith.constant 0 : i32
      %dma_wait3A_73 = tpu.memref_slice %arg2[%dma_wait3A_71, %dma_wait3A_72] : memref<10000x128xf32, #tpu.memory_space<hbm>> -> memref<10000x128xf32, #tpu.memory_space<hbm>>
      tpu.wait_indirect_dma semaphore(%arg12 : memref<!tpu.dma_semaphore, #tpu.memory_space<semaphore_mem>>) src(%dma_wait3A_73 : memref<10000x128xf32, #tpu.memory_space<hbm>>) dst(%arg10 : memref<128x128xf32, #tpu.memory_space<vmem>>)
      %dma_start3A_74 = arith.constant 0 : i32
      %dma_start3A_75 = tpu.memref_slice %arg9[%mul3A_63, %dma_start3A_74] : memref<40x128xi32, #tpu.memory_space<vmem>> -> memref<1x128xi32, #tpu.memory_space<vmem>>
      %dma_start3A_76 = tpu.memref_squeeze %dma_start3A_75 : memref<1x128xi32, #tpu.memory_space<vmem>> -> memref<128xi32, #tpu.memory_space<vmem>>
      %dma_start3A_77 = arith.constant 0 : i32
      %dma_start3A_78 = arith.constant 0 : i32
      %dma_start3A_79 = tpu.memref_slice %arg7[%dma_start3A_77, %dma_start3A_78] : memref<10112x128xf32, #tpu.memory_space<vmem_shared>> -> memref<10112x128xf32, #tpu.memory_space<vmem_shared>>
      tpu.enqueue_indirect_dma source(%arg10 : memref<128x128xf32, #tpu.memory_space<vmem>>) target(%dma_start3A_79 : memref<10112x128xf32, #tpu.memory_space<vmem_shared>>) offsets(%dma_start3A_76 : memref<128xi32, #tpu.memory_space<vmem>>) semaphore(%arg14 : memref<!tpu.dma_semaphore, #tpu.memory_space<semaphore_mem>>) {add = true}
      %dma_start3A_80 = arith.constant 0 : i32
      %dma_start3A_81 = tpu.memref_slice %arg8[%add3A_65, %dma_start3A_80] : memref<40x128xi32, #tpu.memory_space<vmem>> -> memref<1x128xi32, #tpu.memory_space<vmem>>
      %dma_start3A_82 = tpu.memref_squeeze %dma_start3A_81 : memref<1x128xi32, #tpu.memory_space<vmem>> -> memref<128xi32, #tpu.memory_space<vmem>>
      %dma_start3A_83 = arith.constant 0 : i32
      %dma_start3A_84 = arith.constant 0 : i32
      %dma_start3A_85 = tpu.memref_slice %arg2[%dma_start3A_83, %dma_start3A_84] : memref<10000x128xf32, #tpu.memory_space<hbm>> -> memref<10000x128xf32, #tpu.memory_space<hbm>>
      tpu.enqueue_indirect_dma source(%dma_start3A_85 : memref<10000x128xf32, #tpu.memory_space<hbm>>) target(%arg11 : memref<128x128xf32, #tpu.memory_space<vmem>>) offsets(%dma_start3A_82 : memref<128xi32, #tpu.memory_space<vmem>>) semaphore(%arg13 : memref<!tpu.dma_semaphore, #tpu.memory_space<semaphore_mem>>)
      %dma_wait3A_86 = arith.constant 0 : i32
      %dma_wait3A_87 = tpu.memref_slice %arg9[%mul3A_63, %dma_wait3A_86] : memref<40x128xi32, #tpu.memory_space<vmem>> -> memref<1x128xi32, #tpu.memory_space<vmem>>
      %dma_wait3A_88 = tpu.memref_squeeze %dma_wait3A_87 : memref<1x128xi32, #tpu.memory_space<vmem>> -> memref<128xi32, #tpu.memory_space<vmem>>
      %dma_wait3A_89 = arith.constant 0 : i32
      %dma_wait3A_90 = arith.constant 0 : i32
      %dma_wait3A_91 = tpu.memref_slice %arg7[%dma_wait3A_89, %dma_wait3A_90] : memref<10112x128xf32, #tpu.memory_space<vmem_shared>> -> memref<10112x128xf32, #tpu.memory_space<vmem_shared>>
      tpu.wait_indirect_dma semaphore(%arg14 : memref<!tpu.dma_semaphore, #tpu.memory_space<semaphore_mem>>) src(%arg10 : memref<128x128xf32, #tpu.memory_space<vmem>>) dst(%dma_wait3A_91 : memref<10112x128xf32, #tpu.memory_space<vmem_shared>>)
      %dma_wait3A_92 = arith.constant 0 : i32
      %dma_wait3A_93 = tpu.memref_slice %arg8[%add3A_65, %dma_wait3A_92] : memref<40x128xi32, #tpu.memory_space<vmem>> -> memref<1x128xi32, #tpu.memory_space<vmem>>
      %dma_wait3A_94 = tpu.memref_squeeze %dma_wait3A_93 : memref<1x128xi32, #tpu.memory_space<vmem>> -> memref<128xi32, #tpu.memory_space<vmem>>
      %dma_wait3A_95 = arith.constant 0 : i32
      %dma_wait3A_96 = arith.constant 0 : i32
      %dma_wait3A_97 = tpu.memref_slice %arg2[%dma_wait3A_95, %dma_wait3A_96] : memref<10000x128xf32, #tpu.memory_space<hbm>> -> memref<10000x128xf32, #tpu.memory_space<hbm>>
      tpu.wait_indirect_dma semaphore(%arg13 : memref<!tpu.dma_semaphore, #tpu.memory_space<semaphore_mem>>) src(%dma_wait3A_97 : memref<10000x128xf32, #tpu.memory_space<hbm>>) dst(%arg11 : memref<128x128xf32, #tpu.memory_space<vmem>>)
      %dma_start3A_98 = arith.constant 0 : i32
      %dma_start3A_99 = tpu.memref_slice %arg9[%add3A_65, %dma_start3A_98] : memref<40x128xi32, #tpu.memory_space<vmem>> -> memref<1x128xi32, #tpu.memory_space<vmem>>
      %dma_start3A_100 = tpu.memref_squeeze %dma_start3A_99 : memref<1x128xi32, #tpu.memory_space<vmem>> -> memref<128xi32, #tpu.memory_space<vmem>>
      %dma_start3A_101 = arith.constant 0 : i32
      %dma_start3A_102 = arith.constant 0 : i32
      %dma_start3A_103 = tpu.memref_slice %arg7[%dma_start3A_101, %dma_start3A_102] : memref<10112x128xf32, #tpu.memory_space<vmem_shared>> -> memref<10112x128xf32, #tpu.memory_space<vmem_shared>>
      tpu.enqueue_indirect_dma source(%arg11 : memref<128x128xf32, #tpu.memory_space<vmem>>) target(%dma_start3A_103 : memref<10112x128xf32, #tpu.memory_space<vmem_shared>>) offsets(%dma_start3A_100 : memref<128xi32, #tpu.memory_space<vmem>>) semaphore(%arg15 : memref<!tpu.dma_semaphore, #tpu.memory_space<semaphore_mem>>) {add = true}
      %add3A_104 = arith.constant 1 : i32
      %add3A_105 = arith.addi %add3A_61, %add3A_104 : i32
      %lt3A = arith.constant 19 : i32
      %lt3A_106 = arith.cmpi slt, %add3A_105, %lt3A : i32
      %convert_element_type3A_107 = arith.extui %lt3A_106 : i1 to i32
      %cond3A_108 = arith.constant 0 : i32
      %cond3A_109 = arith.cmpi ne, %convert_element_type3A_107, %cond3A_108 : i32
      scf.if %cond3A_109 {
        %add3A_110 = arith.constant 2 : i32
        %add3A_111 = arith.addi %mul3A_63, %add3A_110 : i32
        %dma_start3A_112 = arith.constant 0 : i32
        %dma_start3A_113 = tpu.memref_slice %arg8[%add3A_111, %dma_start3A_112] : memref<40x128xi32, #tpu.memory_space<vmem>> -> memref<1x128xi32, #tpu.memory_space<vmem>>
        %dma_start3A_114 = tpu.memref_squeeze %dma_start3A_113 : memref<1x128xi32, #tpu.memory_space<vmem>> -> memref<128xi32, #tpu.memory_space<vmem>>
        %dma_start3A_115 = arith.constant 0 : i32
        %dma_start3A_116 = arith.constant 0 : i32
        %dma_start3A_117 = tpu.memref_slice %arg2[%dma_start3A_115, %dma_start3A_116] : memref<10000x128xf32, #tpu.memory_space<hbm>> -> memref<10000x128xf32, #tpu.memory_space<hbm>>
        tpu.enqueue_indirect_dma source(%dma_start3A_117 : memref<10000x128xf32, #tpu.memory_space<hbm>>) target(%arg10 : memref<128x128xf32, #tpu.memory_space<vmem>>) offsets(%dma_start3A_114 : memref<128xi32, #tpu.memory_space<vmem>>) semaphore(%arg12 : memref<!tpu.dma_semaphore, #tpu.memory_space<semaphore_mem>>)
      } else {
      }
    }
    %scan3A_30 = arith.constant 19 : i32
    %dma_wait3A_31 = arith.constant 37 : i32
    %dma_wait3A_32 = arith.constant 0 : i32
    %dma_wait3A_33 = tpu.memref_slice %arg9[%dma_wait3A_31, %dma_wait3A_32] : memref<40x128xi32, #tpu.memory_space<vmem>> -> memref<1x128xi32, #tpu.memory_space<vmem>>
    %dma_wait3A_34 = tpu.memref_squeeze %dma_wait3A_33 : memref<1x128xi32, #tpu.memory_space<vmem>> -> memref<128xi32, #tpu.memory_space<vmem>>
    %dma_wait3A_35 = arith.constant 0 : i32
    %dma_wait3A_36 = arith.constant 0 : i32
    %dma_wait3A_37 = tpu.memref_slice %arg7[%dma_wait3A_35, %dma_wait3A_36] : memref<10112x128xf32, #tpu.memory_space<vmem_shared>> -> memref<10112x128xf32, #tpu.memory_space<vmem_shared>>
    tpu.wait_indirect_dma semaphore(%arg15 : memref<!tpu.dma_semaphore, #tpu.memory_space<semaphore_mem>>) src(%arg11 : memref<128x128xf32, #tpu.memory_space<vmem>>) dst(%dma_wait3A_37 : memref<10112x128xf32, #tpu.memory_space<vmem_shared>>)
    %dma_start3A_38 = arith.constant 38 : i32
    %dma_start3A_39 = arith.constant 0 : i32
    %dma_start3A_40 = tpu.memref_slice %arg8[%dma_start3A_38, %dma_start3A_39] : memref<40x128xi32, #tpu.memory_space<vmem>> -> memref<1x128xi32, #tpu.memory_space<vmem>>
    %dma_start3A_41 = tpu.memref_squeeze %dma_start3A_40 : memref<1x128xi32, #tpu.memory_space<vmem>> -> memref<128xi32, #tpu.memory_space<vmem>>
    %dma_start3A_42 = arith.constant 0 : i32
    %dma_start3A_43 = arith.constant 0 : i32
    %dma_start3A_44 = tpu.memref_slice %arg2[%dma_start3A_42, %dma_start3A_43] : memref<10000x128xf32, #tpu.memory_space<hbm>> -> memref<10000x128xf32, #tpu.memory_space<hbm>>
    tpu.enqueue_indirect_dma source(%dma_start3A_44 : memref<10000x128xf32, #tpu.memory_space<hbm>>) target(%arg10 : memref<128x128xf32, #tpu.memory_space<vmem>>) offsets(%dma_start3A_41 : memref<128xi32, #tpu.memory_space<vmem>>) semaphore(%arg12 : memref<!tpu.dma_semaphore, #tpu.memory_space<semaphore_mem>>)
    %dma_wait3A_45 = arith.constant 38 : i32
    %dma_wait3A_46 = arith.constant 0 : i32
    %dma_wait3A_47 = tpu.memref_slice %arg8[%dma_wait3A_45, %dma_wait3A_46] : memref<40x128xi32, #tpu.memory_space<vmem>> -> memref<1x128xi32, #tpu.memory_space<vmem>>
    %dma_wait3A_48 = tpu.memref_squeeze %dma_wait3A_47 : memref<1x128xi32, #tpu.memory_space<vmem>> -> memref<128xi32, #tpu.memory_space<vmem>>
    %dma_wait3A_49 = arith.constant 0 : i32
    %dma_wait3A_50 = arith.constant 0 : i32
    %dma_wait3A_51 = tpu.memref_slice %arg2[%dma_wait3A_49, %dma_wait3A_50] : memref<10000x128xf32, #tpu.memory_space<hbm>> -> memref<10000x128xf32, #tpu.memory_space<hbm>>
    tpu.wait_indirect_dma semaphore(%arg12 : memref<!tpu.dma_semaphore, #tpu.memory_space<semaphore_mem>>) src(%dma_wait3A_51 : memref<10000x128xf32, #tpu.memory_space<hbm>>) dst(%arg10 : memref<128x128xf32, #tpu.memory_space<vmem>>)
    %run_scoped3A = arith.constant 38 : i32
    "tpu.region"() ({
      %run_scoped3A_57 = tpu.sem_alloc : memref<!tpu.dma_semaphore, #tpu.memory_space<semaphore_mem>>
      %dma_start3A_58 = arith.constant 0 : i32
      %dma_start3A_59 = tpu.memref_slice %arg9[%run_scoped3A, %dma_start3A_58] : memref<40x128xi32, #tpu.memory_space<vmem>> -> memref<1x128xi32, #tpu.memory_space<vmem>>
      %dma_start3A_60 = tpu.memref_squeeze %dma_start3A_59 : memref<1x128xi32, #tpu.memory_space<vmem>> -> memref<128xi32, #tpu.memory_space<vmem>>
      %dma_start3A_61 = arith.constant 0 : i32
      %dma_start3A_62 = arith.constant 0 : i32
      %dma_start3A_63 = tpu.memref_slice %arg7[%dma_start3A_61, %dma_start3A_62] : memref<10112x128xf32, #tpu.memory_space<vmem_shared>> -> memref<10112x128xf32, #tpu.memory_space<vmem_shared>>
      tpu.enqueue_indirect_dma source(%arg10 : memref<128x128xf32, #tpu.memory_space<vmem>>) target(%dma_start3A_63 : memref<10112x128xf32, #tpu.memory_space<vmem_shared>>) offsets(%dma_start3A_60 : memref<128xi32, #tpu.memory_space<vmem>>) semaphore(%run_scoped3A_57 : memref<!tpu.dma_semaphore, #tpu.memory_space<semaphore_mem>>) {add = true}
      %dma_wait3A_64 = arith.constant 0 : i32
      %dma_wait3A_65 = tpu.memref_slice %arg9[%run_scoped3A, %dma_wait3A_64] : memref<40x128xi32, #tpu.memory_space<vmem>> -> memref<1x128xi32, #tpu.memory_space<vmem>>
      %dma_wait3A_66 = tpu.memref_squeeze %dma_wait3A_65 : memref<1x128xi32, #tpu.memory_space<vmem>> -> memref<128xi32, #tpu.memory_space<vmem>>
      %dma_wait3A_67 = arith.constant 0 : i32
      %dma_wait3A_68 = arith.constant 0 : i32
      %dma_wait3A_69 = tpu.memref_slice %arg7[%dma_wait3A_67, %dma_wait3A_68] : memref<10112x128xf32, #tpu.memory_space<vmem_shared>> -> memref<10112x128xf32, #tpu.memory_space<vmem_shared>>
      tpu.wait_indirect_dma semaphore(%run_scoped3A_57 : memref<!tpu.dma_semaphore, #tpu.memory_space<semaphore_mem>>) src(%arg10 : memref<128x128xf32, #tpu.memory_space<vmem>>) dst(%dma_wait3A_69 : memref<10112x128xf32, #tpu.memory_space<vmem_shared>>)
      tpu.yield
    }) : () -> ()
    %barrier3A_52 = arith.constant 0 : index
    tpu.barrier barrier_id(%barrier3A_52)
    %mul3A_53 = arith.constant 632 : i32
    %mul3A_54 = arith.muli %arg1, %mul3A_53 : i32
    %mul3A_55 = arith.constant 632 : i32
    %mul3A_56 = arith.muli %arg1, %mul3A_55 : i32
    "tpu.region"() ({
      %run_scoped3A_57 = tpu.sem_alloc : memref<!tpu.dma_semaphore, #tpu.memory_space<semaphore_mem>>
      %dma_start3A_58 = arith.constant 0 : i32
      %dma_start3A_59 = tpu.memref_slice %arg6[%arg0, %mul3A_56, %dma_start3A_58] : memref<2x10112x128xf32, #tpu.memory_space<hbm>> -> memref<1x632x128xf32, #tpu.memory_space<hbm>>
      %dma_start3A_60 = tpu.memref_squeeze %dma_start3A_59 : memref<1x632x128xf32, #tpu.memory_space<hbm>> -> memref<632x128xf32, #tpu.memory_space<hbm>>
      %dma_start3A_61 = arith.constant 0 : i32
      %dma_start3A_62 = tpu.memref_slice %arg7[%mul3A_54, %dma_start3A_61] : memref<10112x128xf32, #tpu.memory_space<vmem_shared>> -> memref<632x128xf32, #tpu.memory_space<vmem_shared>>
      tpu.enqueue_dma source(%dma_start3A_62 : memref<632x128xf32, #tpu.memory_space<vmem_shared>>) target(%dma_start3A_60 : memref<632x128xf32, #tpu.memory_space<hbm>>) target_semaphore(%run_scoped3A_57 : memref<!tpu.dma_semaphore, #tpu.memory_space<semaphore_mem>>)
      %dma_wait3A_63 = arith.constant 0 : i32
      %dma_wait3A_64 = tpu.memref_slice %arg6[%arg0, %mul3A_56, %dma_wait3A_63] : memref<2x10112x128xf32, #tpu.memory_space<hbm>> -> memref<1x632x128xf32, #tpu.memory_space<hbm>>
      %dma_wait3A_65 = tpu.memref_squeeze %dma_wait3A_64 : memref<1x632x128xf32, #tpu.memory_space<hbm>> -> memref<632x128xf32, #tpu.memory_space<hbm>>
      %dma_wait3A_66 = arith.constant 0 : i32
      %dma_wait3A_67 = tpu.memref_slice %arg7[%mul3A_54, %dma_wait3A_66] : memref<10112x128xf32, #tpu.memory_space<vmem_shared>> -> memref<632x128xf32, #tpu.memory_space<vmem_shared>>
      tpu.wait_dma2 semaphore(%run_scoped3A_57 : memref<!tpu.dma_semaphore, #tpu.memory_space<semaphore_mem>>) src(%dma_wait3A_67 : memref<632x128xf32, #tpu.memory_space<vmem_shared>>) dst(%dma_wait3A_65 : memref<632x128xf32, #tpu.memory_space<hbm>>)
      tpu.yield
    }) : () -> ()
    return
  }
}

#map = affine_map<(d0, d1) -> (0, 0)>
#map1 = affine_map<(d0, d1) -> (0, 0, 0)>
module attributes {stable_mosaic.version = 14 : i64} {
  func.func @_agg(%arg0: i32, %arg1: i32, %arg2: memref<10000x128xf32, #tpu.memory_space<hbm>>, %arg3: memref<32x79x128xi32, #tpu.memory_space<hbm>>, %arg4: memref<32x79x128xi32, #tpu.memory_space<hbm>>, %arg5: memref<632x128xf32, #tpu.memory_space<hbm>>, %arg6: memref<2x10112x128xf32, #tpu.memory_space<hbm>>, %arg7: memref<10112x128xf32, #tpu.memory_space<vmem_shared>>, %arg8: memref<40x128xi32, #tpu.memory_space<vmem>>, %arg9: memref<40x128xi32, #tpu.memory_space<vmem>>, %arg10: memref<128x128xf32, #tpu.memory_space<vmem>>, %arg11: memref<128x128xf32, #tpu.memory_space<vmem>>, %arg12: memref<!tpu.dma_semaphore, #tpu.memory_space<semaphore_mem>>, %arg13: memref<!tpu.dma_semaphore, #tpu.memory_space<semaphore_mem>>, %arg14: memref<!tpu.dma_semaphore, #tpu.memory_space<semaphore_mem>>, %arg15: memref<!tpu.dma_semaphore, #tpu.memory_space<semaphore_mem>>) attributes {dimension_semantics = [#tpu.dimension_semantics<core_parallel>, #tpu.dimension_semantics<subcore_parallel>], iteration_bounds = array<i64: 2, 16>, scalar_prefetch = 0 : i64, scratch_operands = 9 : i64, tpu.core_type = #tpu.core_type<sc_vector_subcore>, window_params = [{transform_indices = #map}, {transform_indices = #map1}, {transform_indices = #map1}, {transform_indices = #map}, {transform_indices = #map1}]} {
    %mul3A = arith.constant 2 : i32
    %mul3A_0 = arith.muli %arg1, %mul3A : i32
    %add3A = arith.addi %mul3A_0, %arg0 : i32
    %mul3A_1 = arith.constant 632 : i32
    %mul3A_2 = arith.muli %arg1, %mul3A_1 : i32
    "tpu.region"() ({
      %run_scoped3A_57 = tpu.sem_alloc : memref<!tpu.dma_semaphore, #tpu.memory_space<semaphore_mem>>
      %dma_start3A_58 = arith.constant 0 : i32
      %dma_start3A_59 = tpu.memref_slice %arg7[%mul3A_2, %dma_start3A_58] : memref<10112x128xf32, #tpu.memory_space<vmem_shared>> -> memref<632x128xf32, #tpu.memory_space<vmem_shared>>
      tpu.enqueue_dma source(%arg5 : memref<632x128xf32, #tpu.memory_space<hbm>>) target(%dma_start3A_59 : memref<632x128xf32, #tpu.memory_space<vmem_shared>>) target_semaphore(%run_scoped3A_57 : memref<!tpu.dma_semaphore, #tpu.memory_space<semaphore_mem>>)
      %dma_wait3A_60 = arith.constant 0 : i32
      %dma_wait3A_61 = tpu.memref_slice %arg7[%mul3A_2, %dma_wait3A_60] : memref<10112x128xf32, #tpu.memory_space<vmem_shared>> -> memref<632x128xf32, #tpu.memory_space<vmem_shared>>
      tpu.wait_dma2 semaphore(%run_scoped3A_57 : memref<!tpu.dma_semaphore, #tpu.memory_space<semaphore_mem>>) src(%arg5 : memref<632x128xf32, #tpu.memory_space<hbm>>) dst(%dma_wait3A_61 : memref<632x128xf32, #tpu.memory_space<vmem_shared>>)
      tpu.yield
    }) : () -> ()
    %barrier3A = arith.constant 0 : index
    tpu.barrier barrier_id(%barrier3A)
    "tpu.region"() ({
      %run_scoped3A_57 = tpu.sem_alloc : memref<!tpu.dma_semaphore, #tpu.memory_space<semaphore_mem>>
      %dma_start3A_58 = arith.constant 0 : i32
      %dma_start3A_59 = arith.constant 0 : i32
      %dma_start3A_60 = tpu.memref_slice %arg8[%dma_start3A_58, %dma_start3A_59] : memref<40x128xi32, #tpu.memory_space<vmem>> -> memref<40x128xi32, #tpu.memory_space<vmem>>
      %dma_start3A_61 = arith.constant 0 : i32
      %dma_start3A_62 = arith.constant 0 : i32
      %dma_start3A_63 = tpu.memref_slice %arg3[%add3A, %dma_start3A_61, %dma_start3A_62] : memref<32x79x128xi32, #tpu.memory_space<hbm>> -> memref<1x40x128xi32, #tpu.memory_space<hbm>>
      %dma_start3A_64 = tpu.memref_squeeze %dma_start3A_63 : memref<1x40x128xi32, #tpu.memory_space<hbm>> -> memref<40x128xi32, #tpu.memory_space<hbm>>
      %dma_start3A_65 = arith.constant 0 : i32
      %dma_start3A_66 = arith.constant 0 : i32
      %dma_start3A_67 = tpu.memref_slice %arg8[%dma_start3A_65, %dma_start3A_66] : memref<40x128xi32, #tpu.memory_space<vmem>> -> memref<40x128xi32, #tpu.memory_space<vmem>>
      %dma_start3A_68 = arith.constant 0 : i32
      %dma_start3A_69 = arith.constant 0 : i32
      %dma_start3A_70 = tpu.memref_slice %arg3[%add3A, %dma_start3A_68, %dma_start3A_69] : memref<32x79x128xi32, #tpu.memory_space<hbm>> -> memref<1x40x128xi32, #tpu.memory_space<hbm>>
      %dma_start3A_71 = tpu.memref_squeeze %dma_start3A_70 : memref<1x40x128xi32, #tpu.memory_space<hbm>> -> memref<40x128xi32, #tpu.memory_space<hbm>>
      tpu.enqueue_dma source(%dma_start3A_71 : memref<40x128xi32, #tpu.memory_space<hbm>>) target(%dma_start3A_67 : memref<40x128xi32, #tpu.memory_space<vmem>>) target_semaphore(%run_scoped3A_57 : memref<!tpu.dma_semaphore, #tpu.memory_space<semaphore_mem>>)
      %dma_wait3A_72 = arith.constant 0 : i32
      %dma_wait3A_73 = arith.constant 0 : i32
      %dma_wait3A_74 = tpu.memref_slice %arg8[%dma_wait3A_72, %dma_wait3A_73] : memref<40x128xi32, #tpu.memory_space<vmem>> -> memref<40x128xi32, #tpu.memory_space<vmem>>
      %dma_wait3A_75 = arith.constant 0 : i32
      %dma_wait3A_76 = arith.constant 0 : i32
      %dma_wait3A_77 = tpu.memref_slice %arg3[%add3A, %dma_wait3A_75, %dma_wait3A_76] : memref<32x79x128xi32, #tpu.memory_space<hbm>> -> memref<1x40x128xi32, #tpu.memory_space<hbm>>
      %dma_wait3A_78 = tpu.memref_squeeze %dma_wait3A_77 : memref<1x40x128xi32, #tpu.memory_space<hbm>> -> memref<40x128xi32, #tpu.memory_space<hbm>>
      %dma_wait3A_79 = arith.constant 0 : i32
      %dma_wait3A_80 = arith.constant 0 : i32
      %dma_wait3A_81 = tpu.memref_slice %arg8[%dma_wait3A_79, %dma_wait3A_80] : memref<40x128xi32, #tpu.memory_space<vmem>> -> memref<40x128xi32, #tpu.memory_space<vmem>>
      %dma_wait3A_82 = arith.constant 0 : i32
      %dma_wait3A_83 = arith.constant 0 : i32
      %dma_wait3A_84 = tpu.memref_slice %arg3[%add3A, %dma_wait3A_82, %dma_wait3A_83] : memref<32x79x128xi32, #tpu.memory_space<hbm>> -> memref<1x40x128xi32, #tpu.memory_space<hbm>>
      %dma_wait3A_85 = tpu.memref_squeeze %dma_wait3A_84 : memref<1x40x128xi32, #tpu.memory_space<hbm>> -> memref<40x128xi32, #tpu.memory_space<hbm>>
      tpu.wait_dma2 semaphore(%run_scoped3A_57 : memref<!tpu.dma_semaphore, #tpu.memory_space<semaphore_mem>>) src(%dma_wait3A_85 : memref<40x128xi32, #tpu.memory_space<hbm>>) dst(%dma_wait3A_81 : memref<40x128xi32, #tpu.memory_space<vmem>>)
      tpu.yield
    }) : () -> ()
    "tpu.region"() ({
      %run_scoped3A_57 = tpu.sem_alloc : memref<!tpu.dma_semaphore, #tpu.memory_space<semaphore_mem>>
      %dma_start3A_58 = arith.constant 0 : i32
      %dma_start3A_59 = arith.constant 0 : i32
      %dma_start3A_60 = tpu.memref_slice %arg9[%dma_start3A_58, %dma_start3A_59] : memref<40x128xi32, #tpu.memory_space<vmem>> -> memref<40x128xi32, #tpu.memory_space<vmem>>
      %dma_start3A_61 = arith.constant 0 : i32
      %dma_start3A_62 = arith.constant 0 : i32
      %dma_start3A_63 = tpu.memref_slice %arg4[%add3A, %dma_start3A_61, %dma_start3A_62] : memref<32x79x128xi32, #tpu.memory_space<hbm>> -> memref<1x40x128xi32, #tpu.memory_space<hbm>>
      %dma_start3A_64 = tpu.memref_squeeze %dma_start3A_63 : memref<1x40x128xi32, #tpu.memory_space<hbm>> -> memref<40x128xi32, #tpu.memory_space<hbm>>
      %dma_start3A_65 = arith.constant 0 : i32
      %dma_start3A_66 = arith.constant 0 : i32
      %dma_start3A_67 = tpu.memref_slice %arg9[%dma_start3A_65, %dma_start3A_66] : memref<40x128xi32, #tpu.memory_space<vmem>> -> memref<40x128xi32, #tpu.memory_space<vmem>>
      %dma_start3A_68 = arith.constant 0 : i32
      %dma_start3A_69 = arith.constant 0 : i32
      %dma_start3A_70 = tpu.memref_slice %arg4[%add3A, %dma_start3A_68, %dma_start3A_69] : memref<32x79x128xi32, #tpu.memory_space<hbm>> -> memref<1x40x128xi32, #tpu.memory_space<hbm>>
      %dma_start3A_71 = tpu.memref_squeeze %dma_start3A_70 : memref<1x40x128xi32, #tpu.memory_space<hbm>> -> memref<40x128xi32, #tpu.memory_space<hbm>>
      tpu.enqueue_dma source(%dma_start3A_71 : memref<40x128xi32, #tpu.memory_space<hbm>>) target(%dma_start3A_67 : memref<40x128xi32, #tpu.memory_space<vmem>>) target_semaphore(%run_scoped3A_57 : memref<!tpu.dma_semaphore, #tpu.memory_space<semaphore_mem>>)
      %dma_wait3A_72 = arith.constant 0 : i32
      %dma_wait3A_73 = arith.constant 0 : i32
      %dma_wait3A_74 = tpu.memref_slice %arg9[%dma_wait3A_72, %dma_wait3A_73] : memref<40x128xi32, #tpu.memory_space<vmem>> -> memref<40x128xi32, #tpu.memory_space<vmem>>
      %dma_wait3A_75 = arith.constant 0 : i32
      %dma_wait3A_76 = arith.constant 0 : i32
      %dma_wait3A_77 = tpu.memref_slice %arg4[%add3A, %dma_wait3A_75, %dma_wait3A_76] : memref<32x79x128xi32, #tpu.memory_space<hbm>> -> memref<1x40x128xi32, #tpu.memory_space<hbm>>
      %dma_wait3A_78 = tpu.memref_squeeze %dma_wait3A_77 : memref<1x40x128xi32, #tpu.memory_space<hbm>> -> memref<40x128xi32, #tpu.memory_space<hbm>>
      %dma_wait3A_79 = arith.constant 0 : i32
      %dma_wait3A_80 = arith.constant 0 : i32
      %dma_wait3A_81 = tpu.memref_slice %arg9[%dma_wait3A_79, %dma_wait3A_80] : memref<40x128xi32, #tpu.memory_space<vmem>> -> memref<40x128xi32, #tpu.memory_space<vmem>>
      %dma_wait3A_82 = arith.constant 0 : i32
      %dma_wait3A_83 = arith.constant 0 : i32
      %dma_wait3A_84 = tpu.memref_slice %arg4[%add3A, %dma_wait3A_82, %dma_wait3A_83] : memref<32x79x128xi32, #tpu.memory_space<hbm>> -> memref<1x40x128xi32, #tpu.memory_space<hbm>>
      %dma_wait3A_85 = tpu.memref_squeeze %dma_wait3A_84 : memref<1x40x128xi32, #tpu.memory_space<hbm>> -> memref<40x128xi32, #tpu.memory_space<hbm>>
      tpu.wait_dma2 semaphore(%run_scoped3A_57 : memref<!tpu.dma_semaphore, #tpu.memory_space<semaphore_mem>>) src(%dma_wait3A_85 : memref<40x128xi32, #tpu.memory_space<hbm>>) dst(%dma_wait3A_81 : memref<40x128xi32, #tpu.memory_space<vmem>>)
      tpu.yield
    }) : () -> ()
    %dma_start3A = arith.constant 0 : i32
    %dma_start3A_3 = arith.constant 0 : i32
    %dma_start3A_4 = tpu.memref_slice %arg8[%dma_start3A, %dma_start3A_3] : memref<40x128xi32, #tpu.memory_space<vmem>> -> memref<1x128xi32, #tpu.memory_space<vmem>>
    %dma_start3A_5 = tpu.memref_squeeze %dma_start3A_4 : memref<1x128xi32, #tpu.memory_space<vmem>> -> memref<128xi32, #tpu.memory_space<vmem>>
    %dma_start3A_6 = arith.constant 0 : i32
    %dma_start3A_7 = arith.constant 0 : i32
    %dma_start3A_8 = tpu.memref_slice %arg2[%dma_start3A_6, %dma_start3A_7] : memref<10000x128xf32, #tpu.memory_space<hbm>> -> memref<10000x128xf32, #tpu.memory_space<hbm>>
    tpu.enqueue_indirect_dma source(%dma_start3A_8 : memref<10000x128xf32, #tpu.memory_space<hbm>>) target(%arg10 : memref<128x128xf32, #tpu.memory_space<vmem>>) offsets(%dma_start3A_5 : memref<128xi32, #tpu.memory_space<vmem>>) semaphore(%arg12 : memref<!tpu.dma_semaphore, #tpu.memory_space<semaphore_mem>>)
    %scan3A = arith.constant 0 : i32
    %scan3A_9 = arith.constant 20 : i32
    %scan3A_10 = arith.addi %scan3A, %scan3A_9 : i32
    %scan3A_11 = arith.constant 1 : i32
    scf.for %scan3A_57 = %scan3A to %scan3A_10 step %scan3A_11  : i32 {
      %mul3A_58 = arith.constant 1 : i32
      %mul3A_59 = arith.muli %scan3A_57, %mul3A_58 : i32
      %add3A_60 = arith.constant 0 : i32
      %add3A_61 = arith.addi %add3A_60, %mul3A_59 : i32
      %mul3A_62 = arith.constant 2 : i32
      %mul3A_63 = arith.muli %add3A_61, %mul3A_62 : i32
      %add3A_64 = arith.constant 1 : i32
      %add3A_65 = arith.addi %mul3A_63, %add3A_64 : i32
      %gt3A = arith.constant 0 : i32
      %gt3A_66 = arith.cmpi sgt, %add3A_61, %gt3A : i32
      %convert_element_type3A = arith.extui %gt3A_66 : i1 to i32
      %cond3A = arith.constant 0 : i32
      %cond3A_67 = arith.cmpi ne, %convert_element_type3A, %cond3A : i32
      scf.if %cond3A_67 {
        %sub3A = arith.constant 1 : i32
        %sub3A_110 = arith.subi %mul3A_63, %sub3A : i32
        %dma_wait3A_111 = arith.constant 0 : i32
        %dma_wait3A_112 = tpu.memref_slice %arg9[%sub3A_110, %dma_wait3A_111] : memref<40x128xi32, #tpu.memory_space<vmem>> -> memref<1x128xi32, #tpu.memory_space<vmem>>
        %dma_wait3A_113 = tpu.memref_squeeze %dma_wait3A_112 : memref<1x128xi32, #tpu.memory_space<vmem>> -> memref<128xi32, #tpu.memory_space<vmem>>
        %dma_wait3A_114 = arith.constant 0 : i32
        %dma_wait3A_115 = arith.constant 0 : i32
        %dma_wait3A_116 = tpu.memref_slice %arg7[%dma_wait3A_114, %dma_wait3A_115] : memref<10112x128xf32, #tpu.memory_space<vmem_shared>> -> memref<10112x128xf32, #tpu.memory_space<vmem_shared>>
        tpu.wait_indirect_dma semaphore(%arg15 : memref<!tpu.dma_semaphore, #tpu.memory_space<semaphore_mem>>) src(%arg11 : memref<128x128xf32, #tpu.memory_space<vmem>>) dst(%dma_wait3A_116 : memref<10112x128xf32, #tpu.memory_space<vmem_shared>>)
      } else {
      }
      %dma_wait3A_68 = arith.constant 0 : i32
      %dma_wait3A_69 = tpu.memref_slice %arg8[%mul3A_63, %dma_wait3A_68] : memref<40x128xi32, #tpu.memory_space<vmem>> -> memref<1x128xi32, #tpu.memory_space<vmem>>
      %dma_wait3A_70 = tpu.memref_squeeze %dma_wait3A_69 : memref<1x128xi32, #tpu.memory_space<vmem>> -> memref<128xi32, #tpu.memory_space<vmem>>
      %dma_wait3A_71 = arith.constant 0 : i32
      %dma_wait3A_72 = arith.constant 0 : i32
      %dma_wait3A_73 = tpu.memref_slice %arg2[%dma_wait3A_71, %dma_wait3A_72] : memref<10000x128xf32, #tpu.memory_space<hbm>> -> memref<10000x128xf32, #tpu.memory_space<hbm>>
      tpu.wait_indirect_dma semaphore(%arg12 : memref<!tpu.dma_semaphore, #tpu.memory_space<semaphore_mem>>) src(%dma_wait3A_73 : memref<10000x128xf32, #tpu.memory_space<hbm>>) dst(%arg10 : memref<128x128xf32, #tpu.memory_space<vmem>>)
      %dma_start3A_74 = arith.constant 0 : i32
      %dma_start3A_75 = tpu.memref_slice %arg9[%mul3A_63, %dma_start3A_74] : memref<40x128xi32, #tpu.memory_space<vmem>> -> memref<1x128xi32, #tpu.memory_space<vmem>>
      %dma_start3A_76 = tpu.memref_squeeze %dma_start3A_75 : memref<1x128xi32, #tpu.memory_space<vmem>> -> memref<128xi32, #tpu.memory_space<vmem>>
      %dma_start3A_77 = arith.constant 0 : i32
      %dma_start3A_78 = arith.constant 0 : i32
      %dma_start3A_79 = tpu.memref_slice %arg7[%dma_start3A_77, %dma_start3A_78] : memref<10112x128xf32, #tpu.memory_space<vmem_shared>> -> memref<10112x128xf32, #tpu.memory_space<vmem_shared>>
      tpu.enqueue_indirect_dma source(%arg10 : memref<128x128xf32, #tpu.memory_space<vmem>>) target(%dma_start3A_79 : memref<10112x128xf32, #tpu.memory_space<vmem_shared>>) offsets(%dma_start3A_76 : memref<128xi32, #tpu.memory_space<vmem>>) semaphore(%arg14 : memref<!tpu.dma_semaphore, #tpu.memory_space<semaphore_mem>>) {add = true}
      %dma_start3A_80 = arith.constant 0 : i32
      %dma_start3A_81 = tpu.memref_slice %arg8[%add3A_65, %dma_start3A_80] : memref<40x128xi32, #tpu.memory_space<vmem>> -> memref<1x128xi32, #tpu.memory_space<vmem>>
      %dma_start3A_82 = tpu.memref_squeeze %dma_start3A_81 : memref<1x128xi32, #tpu.memory_space<vmem>> -> memref<128xi32, #tpu.memory_space<vmem>>
      %dma_start3A_83 = arith.constant 0 : i32
      %dma_start3A_84 = arith.constant 0 : i32
      %dma_start3A_85 = tpu.memref_slice %arg2[%dma_start3A_83, %dma_start3A_84] : memref<10000x128xf32, #tpu.memory_space<hbm>> -> memref<10000x128xf32, #tpu.memory_space<hbm>>
      tpu.enqueue_indirect_dma source(%dma_start3A_85 : memref<10000x128xf32, #tpu.memory_space<hbm>>) target(%arg11 : memref<128x128xf32, #tpu.memory_space<vmem>>) offsets(%dma_start3A_82 : memref<128xi32, #tpu.memory_space<vmem>>) semaphore(%arg13 : memref<!tpu.dma_semaphore, #tpu.memory_space<semaphore_mem>>)
      %dma_wait3A_86 = arith.constant 0 : i32
      %dma_wait3A_87 = tpu.memref_slice %arg9[%mul3A_63, %dma_wait3A_86] : memref<40x128xi32, #tpu.memory_space<vmem>> -> memref<1x128xi32, #tpu.memory_space<vmem>>
      %dma_wait3A_88 = tpu.memref_squeeze %dma_wait3A_87 : memref<1x128xi32, #tpu.memory_space<vmem>> -> memref<128xi32, #tpu.memory_space<vmem>>
      %dma_wait3A_89 = arith.constant 0 : i32
      %dma_wait3A_90 = arith.constant 0 : i32
      %dma_wait3A_91 = tpu.memref_slice %arg7[%dma_wait3A_89, %dma_wait3A_90] : memref<10112x128xf32, #tpu.memory_space<vmem_shared>> -> memref<10112x128xf32, #tpu.memory_space<vmem_shared>>
      tpu.wait_indirect_dma semaphore(%arg14 : memref<!tpu.dma_semaphore, #tpu.memory_space<semaphore_mem>>) src(%arg10 : memref<128x128xf32, #tpu.memory_space<vmem>>) dst(%dma_wait3A_91 : memref<10112x128xf32, #tpu.memory_space<vmem_shared>>)
      %dma_wait3A_92 = arith.constant 0 : i32
      %dma_wait3A_93 = tpu.memref_slice %arg8[%add3A_65, %dma_wait3A_92] : memref<40x128xi32, #tpu.memory_space<vmem>> -> memref<1x128xi32, #tpu.memory_space<vmem>>
      %dma_wait3A_94 = tpu.memref_squeeze %dma_wait3A_93 : memref<1x128xi32, #tpu.memory_space<vmem>> -> memref<128xi32, #tpu.memory_space<vmem>>
      %dma_wait3A_95 = arith.constant 0 : i32
      %dma_wait3A_96 = arith.constant 0 : i32
      %dma_wait3A_97 = tpu.memref_slice %arg2[%dma_wait3A_95, %dma_wait3A_96] : memref<10000x128xf32, #tpu.memory_space<hbm>> -> memref<10000x128xf32, #tpu.memory_space<hbm>>
      tpu.wait_indirect_dma semaphore(%arg13 : memref<!tpu.dma_semaphore, #tpu.memory_space<semaphore_mem>>) src(%dma_wait3A_97 : memref<10000x128xf32, #tpu.memory_space<hbm>>) dst(%arg11 : memref<128x128xf32, #tpu.memory_space<vmem>>)
      %dma_start3A_98 = arith.constant 0 : i32
      %dma_start3A_99 = tpu.memref_slice %arg9[%add3A_65, %dma_start3A_98] : memref<40x128xi32, #tpu.memory_space<vmem>> -> memref<1x128xi32, #tpu.memory_space<vmem>>
      %dma_start3A_100 = tpu.memref_squeeze %dma_start3A_99 : memref<1x128xi32, #tpu.memory_space<vmem>> -> memref<128xi32, #tpu.memory_space<vmem>>
      %dma_start3A_101 = arith.constant 0 : i32
      %dma_start3A_102 = arith.constant 0 : i32
      %dma_start3A_103 = tpu.memref_slice %arg7[%dma_start3A_101, %dma_start3A_102] : memref<10112x128xf32, #tpu.memory_space<vmem_shared>> -> memref<10112x128xf32, #tpu.memory_space<vmem_shared>>
      tpu.enqueue_indirect_dma source(%arg11 : memref<128x128xf32, #tpu.memory_space<vmem>>) target(%dma_start3A_103 : memref<10112x128xf32, #tpu.memory_space<vmem_shared>>) offsets(%dma_start3A_100 : memref<128xi32, #tpu.memory_space<vmem>>) semaphore(%arg15 : memref<!tpu.dma_semaphore, #tpu.memory_space<semaphore_mem>>) {add = true}
      %add3A_104 = arith.constant 1 : i32
      %add3A_105 = arith.addi %add3A_61, %add3A_104 : i32
      %lt3A = arith.constant 20 : i32
      %lt3A_106 = arith.cmpi slt, %add3A_105, %lt3A : i32
      %convert_element_type3A_107 = arith.extui %lt3A_106 : i1 to i32
      %cond3A_108 = arith.constant 0 : i32
      %cond3A_109 = arith.cmpi ne, %convert_element_type3A_107, %cond3A_108 : i32
      scf.if %cond3A_109 {
        %add3A_110 = arith.constant 2 : i32
        %add3A_111 = arith.addi %mul3A_63, %add3A_110 : i32
        %dma_start3A_112 = arith.constant 0 : i32
        %dma_start3A_113 = tpu.memref_slice %arg8[%add3A_111, %dma_start3A_112] : memref<40x128xi32, #tpu.memory_space<vmem>> -> memref<1x128xi32, #tpu.memory_space<vmem>>
        %dma_start3A_114 = tpu.memref_squeeze %dma_start3A_113 : memref<1x128xi32, #tpu.memory_space<vmem>> -> memref<128xi32, #tpu.memory_space<vmem>>
        %dma_start3A_115 = arith.constant 0 : i32
        %dma_start3A_116 = arith.constant 0 : i32
        %dma_start3A_117 = tpu.memref_slice %arg2[%dma_start3A_115, %dma_start3A_116] : memref<10000x128xf32, #tpu.memory_space<hbm>> -> memref<10000x128xf32, #tpu.memory_space<hbm>>
        tpu.enqueue_indirect_dma source(%dma_start3A_117 : memref<10000x128xf32, #tpu.memory_space<hbm>>) target(%arg10 : memref<128x128xf32, #tpu.memory_space<vmem>>) offsets(%dma_start3A_114 : memref<128xi32, #tpu.memory_space<vmem>>) semaphore(%arg12 : memref<!tpu.dma_semaphore, #tpu.memory_space<semaphore_mem>>)
      } else {
      }
    }
    %scan3A_12 = arith.constant 20 : i32
    %dma_wait3A = arith.constant 39 : i32
    %dma_wait3A_13 = arith.constant 0 : i32
    %dma_wait3A_14 = tpu.memref_slice %arg9[%dma_wait3A, %dma_wait3A_13] : memref<40x128xi32, #tpu.memory_space<vmem>> -> memref<1x128xi32, #tpu.memory_space<vmem>>
    %dma_wait3A_15 = tpu.memref_squeeze %dma_wait3A_14 : memref<1x128xi32, #tpu.memory_space<vmem>> -> memref<128xi32, #tpu.memory_space<vmem>>
    %dma_wait3A_16 = arith.constant 0 : i32
    %dma_wait3A_17 = arith.constant 0 : i32
    %dma_wait3A_18 = tpu.memref_slice %arg7[%dma_wait3A_16, %dma_wait3A_17] : memref<10112x128xf32, #tpu.memory_space<vmem_shared>> -> memref<10112x128xf32, #tpu.memory_space<vmem_shared>>
    tpu.wait_indirect_dma semaphore(%arg15 : memref<!tpu.dma_semaphore, #tpu.memory_space<semaphore_mem>>) src(%arg11 : memref<128x128xf32, #tpu.memory_space<vmem>>) dst(%dma_wait3A_18 : memref<10112x128xf32, #tpu.memory_space<vmem_shared>>)
    "tpu.region"() ({
      %run_scoped3A_57 = tpu.sem_alloc : memref<!tpu.dma_semaphore, #tpu.memory_space<semaphore_mem>>
      %dma_start3A_58 = arith.constant 0 : i32
      %dma_start3A_59 = arith.constant 0 : i32
      %dma_start3A_60 = tpu.memref_slice %arg8[%dma_start3A_58, %dma_start3A_59] : memref<40x128xi32, #tpu.memory_space<vmem>> -> memref<39x128xi32, #tpu.memory_space<vmem>>
      %dma_start3A_61 = arith.constant 40 : i32
      %dma_start3A_62 = arith.constant 0 : i32
      %dma_start3A_63 = tpu.memref_slice %arg3[%add3A, %dma_start3A_61, %dma_start3A_62] : memref<32x79x128xi32, #tpu.memory_space<hbm>> -> memref<1x39x128xi32, #tpu.memory_space<hbm>>
      %dma_start3A_64 = tpu.memref_squeeze %dma_start3A_63 : memref<1x39x128xi32, #tpu.memory_space<hbm>> -> memref<39x128xi32, #tpu.memory_space<hbm>>
      %dma_start3A_65 = arith.constant 0 : i32
      %dma_start3A_66 = arith.constant 0 : i32
      %dma_start3A_67 = tpu.memref_slice %arg8[%dma_start3A_65, %dma_start3A_66] : memref<40x128xi32, #tpu.memory_space<vmem>> -> memref<39x128xi32, #tpu.memory_space<vmem>>
      %dma_start3A_68 = arith.constant 40 : i32
      %dma_start3A_69 = arith.constant 0 : i32
      %dma_start3A_70 = tpu.memref_slice %arg3[%add3A, %dma_start3A_68, %dma_start3A_69] : memref<32x79x128xi32, #tpu.memory_space<hbm>> -> memref<1x39x128xi32, #tpu.memory_space<hbm>>
      %dma_start3A_71 = tpu.memref_squeeze %dma_start3A_70 : memref<1x39x128xi32, #tpu.memory_space<hbm>> -> memref<39x128xi32, #tpu.memory_space<hbm>>
      tpu.enqueue_dma source(%dma_start3A_71 : memref<39x128xi32, #tpu.memory_space<hbm>>) target(%dma_start3A_67 : memref<39x128xi32, #tpu.memory_space<vmem>>) target_semaphore(%run_scoped3A_57 : memref<!tpu.dma_semaphore, #tpu.memory_space<semaphore_mem>>)
      %dma_wait3A_72 = arith.constant 0 : i32
      %dma_wait3A_73 = arith.constant 0 : i32
      %dma_wait3A_74 = tpu.memref_slice %arg8[%dma_wait3A_72, %dma_wait3A_73] : memref<40x128xi32, #tpu.memory_space<vmem>> -> memref<39x128xi32, #tpu.memory_space<vmem>>
      %dma_wait3A_75 = arith.constant 40 : i32
      %dma_wait3A_76 = arith.constant 0 : i32
      %dma_wait3A_77 = tpu.memref_slice %arg3[%add3A, %dma_wait3A_75, %dma_wait3A_76] : memref<32x79x128xi32, #tpu.memory_space<hbm>> -> memref<1x39x128xi32, #tpu.memory_space<hbm>>
      %dma_wait3A_78 = tpu.memref_squeeze %dma_wait3A_77 : memref<1x39x128xi32, #tpu.memory_space<hbm>> -> memref<39x128xi32, #tpu.memory_space<hbm>>
      %dma_wait3A_79 = arith.constant 0 : i32
      %dma_wait3A_80 = arith.constant 0 : i32
      %dma_wait3A_81 = tpu.memref_slice %arg8[%dma_wait3A_79, %dma_wait3A_80] : memref<40x128xi32, #tpu.memory_space<vmem>> -> memref<39x128xi32, #tpu.memory_space<vmem>>
      %dma_wait3A_82 = arith.constant 40 : i32
      %dma_wait3A_83 = arith.constant 0 : i32
      %dma_wait3A_84 = tpu.memref_slice %arg3[%add3A, %dma_wait3A_82, %dma_wait3A_83] : memref<32x79x128xi32, #tpu.memory_space<hbm>> -> memref<1x39x128xi32, #tpu.memory_space<hbm>>
      %dma_wait3A_85 = tpu.memref_squeeze %dma_wait3A_84 : memref<1x39x128xi32, #tpu.memory_space<hbm>> -> memref<39x128xi32, #tpu.memory_space<hbm>>
      tpu.wait_dma2 semaphore(%run_scoped3A_57 : memref<!tpu.dma_semaphore, #tpu.memory_space<semaphore_mem>>) src(%dma_wait3A_85 : memref<39x128xi32, #tpu.memory_space<hbm>>) dst(%dma_wait3A_81 : memref<39x128xi32, #tpu.memory_space<vmem>>)
      tpu.yield
    }) : () -> ()
    "tpu.region"() ({
      %run_scoped3A_57 = tpu.sem_alloc : memref<!tpu.dma_semaphore, #tpu.memory_space<semaphore_mem>>
      %dma_start3A_58 = arith.constant 0 : i32
      %dma_start3A_59 = arith.constant 0 : i32
      %dma_start3A_60 = tpu.memref_slice %arg9[%dma_start3A_58, %dma_start3A_59] : memref<40x128xi32, #tpu.memory_space<vmem>> -> memref<39x128xi32, #tpu.memory_space<vmem>>
      %dma_start3A_61 = arith.constant 40 : i32
      %dma_start3A_62 = arith.constant 0 : i32
      %dma_start3A_63 = tpu.memref_slice %arg4[%add3A, %dma_start3A_61, %dma_start3A_62] : memref<32x79x128xi32, #tpu.memory_space<hbm>> -> memref<1x39x128xi32, #tpu.memory_space<hbm>>
      %dma_start3A_64 = tpu.memref_squeeze %dma_start3A_63 : memref<1x39x128xi32, #tpu.memory_space<hbm>> -> memref<39x128xi32, #tpu.memory_space<hbm>>
      %dma_start3A_65 = arith.constant 0 : i32
      %dma_start3A_66 = arith.constant 0 : i32
      %dma_start3A_67 = tpu.memref_slice %arg9[%dma_start3A_65, %dma_start3A_66] : memref<40x128xi32, #tpu.memory_space<vmem>> -> memref<39x128xi32, #tpu.memory_space<vmem>>
      %dma_start3A_68 = arith.constant 40 : i32
      %dma_start3A_69 = arith.constant 0 : i32
      %dma_start3A_70 = tpu.memref_slice %arg4[%add3A, %dma_start3A_68, %dma_start3A_69] : memref<32x79x128xi32, #tpu.memory_space<hbm>> -> memref<1x39x128xi32, #tpu.memory_space<hbm>>
      %dma_start3A_71 = tpu.memref_squeeze %dma_start3A_70 : memref<1x39x128xi32, #tpu.memory_space<hbm>> -> memref<39x128xi32, #tpu.memory_space<hbm>>
      tpu.enqueue_dma source(%dma_start3A_71 : memref<39x128xi32, #tpu.memory_space<hbm>>) target(%dma_start3A_67 : memref<39x128xi32, #tpu.memory_space<vmem>>) target_semaphore(%run_scoped3A_57 : memref<!tpu.dma_semaphore, #tpu.memory_space<semaphore_mem>>)
      %dma_wait3A_72 = arith.constant 0 : i32
      %dma_wait3A_73 = arith.constant 0 : i32
      %dma_wait3A_74 = tpu.memref_slice %arg9[%dma_wait3A_72, %dma_wait3A_73] : memref<40x128xi32, #tpu.memory_space<vmem>> -> memref<39x128xi32, #tpu.memory_space<vmem>>
      %dma_wait3A_75 = arith.constant 40 : i32
      %dma_wait3A_76 = arith.constant 0 : i32
      %dma_wait3A_77 = tpu.memref_slice %arg4[%add3A, %dma_wait3A_75, %dma_wait3A_76] : memref<32x79x128xi32, #tpu.memory_space<hbm>> -> memref<1x39x128xi32, #tpu.memory_space<hbm>>
      %dma_wait3A_78 = tpu.memref_squeeze %dma_wait3A_77 : memref<1x39x128xi32, #tpu.memory_space<hbm>> -> memref<39x128xi32, #tpu.memory_space<hbm>>
      %dma_wait3A_79 = arith.constant 0 : i32
      %dma_wait3A_80 = arith.constant 0 : i32
      %dma_wait3A_81 = tpu.memref_slice %arg9[%dma_wait3A_79, %dma_wait3A_80] : memref<40x128xi32, #tpu.memory_space<vmem>> -> memref<39x128xi32, #tpu.memory_space<vmem>>
      %dma_wait3A_82 = arith.constant 40 : i32
      %dma_wait3A_83 = arith.constant 0 : i32
      %dma_wait3A_84 = tpu.memref_slice %arg4[%add3A, %dma_wait3A_82, %dma_wait3A_83] : memref<32x79x128xi32, #tpu.memory_space<hbm>> -> memref<1x39x128xi32, #tpu.memory_space<hbm>>
      %dma_wait3A_85 = tpu.memref_squeeze %dma_wait3A_84 : memref<1x39x128xi32, #tpu.memory_space<hbm>> -> memref<39x128xi32, #tpu.memory_space<hbm>>
      tpu.wait_dma2 semaphore(%run_scoped3A_57 : memref<!tpu.dma_semaphore, #tpu.memory_space<semaphore_mem>>) src(%dma_wait3A_85 : memref<39x128xi32, #tpu.memory_space<hbm>>) dst(%dma_wait3A_81 : memref<39x128xi32, #tpu.memory_space<vmem>>)
      tpu.yield
    }) : () -> ()
    %dma_start3A_19 = arith.constant 0 : i32
    %dma_start3A_20 = arith.constant 0 : i32
    %dma_start3A_21 = tpu.memref_slice %arg8[%dma_start3A_19, %dma_start3A_20] : memref<40x128xi32, #tpu.memory_space<vmem>> -> memref<1x128xi32, #tpu.memory_space<vmem>>
    %dma_start3A_22 = tpu.memref_squeeze %dma_start3A_21 : memref<1x128xi32, #tpu.memory_space<vmem>> -> memref<128xi32, #tpu.memory_space<vmem>>
    %dma_start3A_23 = arith.constant 0 : i32
    %dma_start3A_24 = arith.constant 0 : i32
    %dma_start3A_25 = tpu.memref_slice %arg2[%dma_start3A_23, %dma_start3A_24] : memref<10000x128xf32, #tpu.memory_space<hbm>> -> memref<10000x128xf32, #tpu.memory_space<hbm>>
    tpu.enqueue_indirect_dma source(%dma_start3A_25 : memref<10000x128xf32, #tpu.memory_space<hbm>>) target(%arg10 : memref<128x128xf32, #tpu.memory_space<vmem>>) offsets(%dma_start3A_22 : memref<128xi32, #tpu.memory_space<vmem>>) semaphore(%arg12 : memref<!tpu.dma_semaphore, #tpu.memory_space<semaphore_mem>>)
    %scan3A_26 = arith.constant 0 : i32
    %scan3A_27 = arith.constant 19 : i32
    %scan3A_28 = arith.addi %scan3A_26, %scan3A_27 : i32
    %scan3A_29 = arith.constant 1 : i32
    scf.for %scan3A_57 = %scan3A_26 to %scan3A_28 step %scan3A_29  : i32 {
      %mul3A_58 = arith.constant 1 : i32
      %mul3A_59 = arith.muli %scan3A_57, %mul3A_58 : i32
      %add3A_60 = arith.constant 0 : i32
      %add3A_61 = arith.addi %add3A_60, %mul3A_59 : i32
      %mul3A_62 = arith.constant 2 : i32
      %mul3A_63 = arith.muli %add3A_61, %mul3A_62 : i32
      %add3A_64 = arith.constant 1 : i32
      %add3A_65 = arith.addi %mul3A_63, %add3A_64 : i32
      %gt3A = arith.constant 0 : i32
      %gt3A_66 = arith.cmpi sgt, %add3A_61, %gt3A : i32
      %convert_element_type3A = arith.extui %gt3A_66 : i1 to i32
      %cond3A = arith.constant 0 : i32
      %cond3A_67 = arith.cmpi ne, %convert_element_type3A, %cond3A : i32
      scf.if %cond3A_67 {
        %sub3A = arith.constant 1 : i32
        %sub3A_110 = arith.subi %mul3A_63, %sub3A : i32
        %dma_wait3A_111 = arith.constant 0 : i32
        %dma_wait3A_112 = tpu.memref_slice %arg9[%sub3A_110, %dma_wait3A_111] : memref<40x128xi32, #tpu.memory_space<vmem>> -> memref<1x128xi32, #tpu.memory_space<vmem>>
        %dma_wait3A_113 = tpu.memref_squeeze %dma_wait3A_112 : memref<1x128xi32, #tpu.memory_space<vmem>> -> memref<128xi32, #tpu.memory_space<vmem>>
        %dma_wait3A_114 = arith.constant 0 : i32
        %dma_wait3A_115 = arith.constant 0 : i32
        %dma_wait3A_116 = tpu.memref_slice %arg7[%dma_wait3A_114, %dma_wait3A_115] : memref<10112x128xf32, #tpu.memory_space<vmem_shared>> -> memref<10112x128xf32, #tpu.memory_space<vmem_shared>>
        tpu.wait_indirect_dma semaphore(%arg15 : memref<!tpu.dma_semaphore, #tpu.memory_space<semaphore_mem>>) src(%arg11 : memref<128x128xf32, #tpu.memory_space<vmem>>) dst(%dma_wait3A_116 : memref<10112x128xf32, #tpu.memory_space<vmem_shared>>)
      } else {
      }
      %dma_wait3A_68 = arith.constant 0 : i32
      %dma_wait3A_69 = tpu.memref_slice %arg8[%mul3A_63, %dma_wait3A_68] : memref<40x128xi32, #tpu.memory_space<vmem>> -> memref<1x128xi32, #tpu.memory_space<vmem>>
      %dma_wait3A_70 = tpu.memref_squeeze %dma_wait3A_69 : memref<1x128xi32, #tpu.memory_space<vmem>> -> memref<128xi32, #tpu.memory_space<vmem>>
      %dma_wait3A_71 = arith.constant 0 : i32
      %dma_wait3A_72 = arith.constant 0 : i32
      %dma_wait3A_73 = tpu.memref_slice %arg2[%dma_wait3A_71, %dma_wait3A_72] : memref<10000x128xf32, #tpu.memory_space<hbm>> -> memref<10000x128xf32, #tpu.memory_space<hbm>>
      tpu.wait_indirect_dma semaphore(%arg12 : memref<!tpu.dma_semaphore, #tpu.memory_space<semaphore_mem>>) src(%dma_wait3A_73 : memref<10000x128xf32, #tpu.memory_space<hbm>>) dst(%arg10 : memref<128x128xf32, #tpu.memory_space<vmem>>)
      %dma_start3A_74 = arith.constant 0 : i32
      %dma_start3A_75 = tpu.memref_slice %arg9[%mul3A_63, %dma_start3A_74] : memref<40x128xi32, #tpu.memory_space<vmem>> -> memref<1x128xi32, #tpu.memory_space<vmem>>
      %dma_start3A_76 = tpu.memref_squeeze %dma_start3A_75 : memref<1x128xi32, #tpu.memory_space<vmem>> -> memref<128xi32, #tpu.memory_space<vmem>>
      %dma_start3A_77 = arith.constant 0 : i32
      %dma_start3A_78 = arith.constant 0 : i32
      %dma_start3A_79 = tpu.memref_slice %arg7[%dma_start3A_77, %dma_start3A_78] : memref<10112x128xf32, #tpu.memory_space<vmem_shared>> -> memref<10112x128xf32, #tpu.memory_space<vmem_shared>>
      tpu.enqueue_indirect_dma source(%arg10 : memref<128x128xf32, #tpu.memory_space<vmem>>) target(%dma_start3A_79 : memref<10112x128xf32, #tpu.memory_space<vmem_shared>>) offsets(%dma_start3A_76 : memref<128xi32, #tpu.memory_space<vmem>>) semaphore(%arg14 : memref<!tpu.dma_semaphore, #tpu.memory_space<semaphore_mem>>) {add = true}
      %dma_start3A_80 = arith.constant 0 : i32
      %dma_start3A_81 = tpu.memref_slice %arg8[%add3A_65, %dma_start3A_80] : memref<40x128xi32, #tpu.memory_space<vmem>> -> memref<1x128xi32, #tpu.memory_space<vmem>>
      %dma_start3A_82 = tpu.memref_squeeze %dma_start3A_81 : memref<1x128xi32, #tpu.memory_space<vmem>> -> memref<128xi32, #tpu.memory_space<vmem>>
      %dma_start3A_83 = arith.constant 0 : i32
      %dma_start3A_84 = arith.constant 0 : i32
      %dma_start3A_85 = tpu.memref_slice %arg2[%dma_start3A_83, %dma_start3A_84] : memref<10000x128xf32, #tpu.memory_space<hbm>> -> memref<10000x128xf32, #tpu.memory_space<hbm>>
      tpu.enqueue_indirect_dma source(%dma_start3A_85 : memref<10000x128xf32, #tpu.memory_space<hbm>>) target(%arg11 : memref<128x128xf32, #tpu.memory_space<vmem>>) offsets(%dma_start3A_82 : memref<128xi32, #tpu.memory_space<vmem>>) semaphore(%arg13 : memref<!tpu.dma_semaphore, #tpu.memory_space<semaphore_mem>>)
      %dma_wait3A_86 = arith.constant 0 : i32
      %dma_wait3A_87 = tpu.memref_slice %arg9[%mul3A_63, %dma_wait3A_86] : memref<40x128xi32, #tpu.memory_space<vmem>> -> memref<1x128xi32, #tpu.memory_space<vmem>>
      %dma_wait3A_88 = tpu.memref_squeeze %dma_wait3A_87 : memref<1x128xi32, #tpu.memory_space<vmem>> -> memref<128xi32, #tpu.memory_space<vmem>>
      %dma_wait3A_89 = arith.constant 0 : i32
      %dma_wait3A_90 = arith.constant 0 : i32
      %dma_wait3A_91 = tpu.memref_slice %arg7[%dma_wait3A_89, %dma_wait3A_90] : memref<10112x128xf32, #tpu.memory_space<vmem_shared>> -> memref<10112x128xf32, #tpu.memory_space<vmem_shared>>
      tpu.wait_indirect_dma semaphore(%arg14 : memref<!tpu.dma_semaphore, #tpu.memory_space<semaphore_mem>>) src(%arg10 : memref<128x128xf32, #tpu.memory_space<vmem>>) dst(%dma_wait3A_91 : memref<10112x128xf32, #tpu.memory_space<vmem_shared>>)
      %dma_wait3A_92 = arith.constant 0 : i32
      %dma_wait3A_93 = tpu.memref_slice %arg8[%add3A_65, %dma_wait3A_92] : memref<40x128xi32, #tpu.memory_space<vmem>> -> memref<1x128xi32, #tpu.memory_space<vmem>>
      %dma_wait3A_94 = tpu.memref_squeeze %dma_wait3A_93 : memref<1x128xi32, #tpu.memory_space<vmem>> -> memref<128xi32, #tpu.memory_space<vmem>>
      %dma_wait3A_95 = arith.constant 0 : i32
      %dma_wait3A_96 = arith.constant 0 : i32
      %dma_wait3A_97 = tpu.memref_slice %arg2[%dma_wait3A_95, %dma_wait3A_96] : memref<10000x128xf32, #tpu.memory_space<hbm>> -> memref<10000x128xf32, #tpu.memory_space<hbm>>
      tpu.wait_indirect_dma semaphore(%arg13 : memref<!tpu.dma_semaphore, #tpu.memory_space<semaphore_mem>>) src(%dma_wait3A_97 : memref<10000x128xf32, #tpu.memory_space<hbm>>) dst(%arg11 : memref<128x128xf32, #tpu.memory_space<vmem>>)
      %dma_start3A_98 = arith.constant 0 : i32
      %dma_start3A_99 = tpu.memref_slice %arg9[%add3A_65, %dma_start3A_98] : memref<40x128xi32, #tpu.memory_space<vmem>> -> memref<1x128xi32, #tpu.memory_space<vmem>>
      %dma_start3A_100 = tpu.memref_squeeze %dma_start3A_99 : memref<1x128xi32, #tpu.memory_space<vmem>> -> memref<128xi32, #tpu.memory_space<vmem>>
      %dma_start3A_101 = arith.constant 0 : i32
      %dma_start3A_102 = arith.constant 0 : i32
      %dma_start3A_103 = tpu.memref_slice %arg7[%dma_start3A_101, %dma_start3A_102] : memref<10112x128xf32, #tpu.memory_space<vmem_shared>> -> memref<10112x128xf32, #tpu.memory_space<vmem_shared>>
      tpu.enqueue_indirect_dma source(%arg11 : memref<128x128xf32, #tpu.memory_space<vmem>>) target(%dma_start3A_103 : memref<10112x128xf32, #tpu.memory_space<vmem_shared>>) offsets(%dma_start3A_100 : memref<128xi32, #tpu.memory_space<vmem>>) semaphore(%arg15 : memref<!tpu.dma_semaphore, #tpu.memory_space<semaphore_mem>>) {add = true}
      %add3A_104 = arith.constant 1 : i32
      %add3A_105 = arith.addi %add3A_61, %add3A_104 : i32
      %lt3A = arith.constant 19 : i32
      %lt3A_106 = arith.cmpi slt, %add3A_105, %lt3A : i32
      %convert_element_type3A_107 = arith.extui %lt3A_106 : i1 to i32
      %cond3A_108 = arith.constant 0 : i32
      %cond3A_109 = arith.cmpi ne, %convert_element_type3A_107, %cond3A_108 : i32
      scf.if %cond3A_109 {
        %add3A_110 = arith.constant 2 : i32
        %add3A_111 = arith.addi %mul3A_63, %add3A_110 : i32
        %dma_start3A_112 = arith.constant 0 : i32
        %dma_start3A_113 = tpu.memref_slice %arg8[%add3A_111, %dma_start3A_112] : memref<40x128xi32, #tpu.memory_space<vmem>> -> memref<1x128xi32, #tpu.memory_space<vmem>>
        %dma_start3A_114 = tpu.memref_squeeze %dma_start3A_113 : memref<1x128xi32, #tpu.memory_space<vmem>> -> memref<128xi32, #tpu.memory_space<vmem>>
        %dma_start3A_115 = arith.constant 0 : i32
        %dma_start3A_116 = arith.constant 0 : i32
        %dma_start3A_117 = tpu.memref_slice %arg2[%dma_start3A_115, %dma_start3A_116] : memref<10000x128xf32, #tpu.memory_space<hbm>> -> memref<10000x128xf32, #tpu.memory_space<hbm>>
        tpu.enqueue_indirect_dma source(%dma_start3A_117 : memref<10000x128xf32, #tpu.memory_space<hbm>>) target(%arg10 : memref<128x128xf32, #tpu.memory_space<vmem>>) offsets(%dma_start3A_114 : memref<128xi32, #tpu.memory_space<vmem>>) semaphore(%arg12 : memref<!tpu.dma_semaphore, #tpu.memory_space<semaphore_mem>>)
      } else {
      }
    }
    %scan3A_30 = arith.constant 19 : i32
    %dma_wait3A_31 = arith.constant 37 : i32
    %dma_wait3A_32 = arith.constant 0 : i32
    %dma_wait3A_33 = tpu.memref_slice %arg9[%dma_wait3A_31, %dma_wait3A_32] : memref<40x128xi32, #tpu.memory_space<vmem>> -> memref<1x128xi32, #tpu.memory_space<vmem>>
    %dma_wait3A_34 = tpu.memref_squeeze %dma_wait3A_33 : memref<1x128xi32, #tpu.memory_space<vmem>> -> memref<128xi32, #tpu.memory_space<vmem>>
    %dma_wait3A_35 = arith.constant 0 : i32
    %dma_wait3A_36 = arith.constant 0 : i32
    %dma_wait3A_37 = tpu.memref_slice %arg7[%dma_wait3A_35, %dma_wait3A_36] : memref<10112x128xf32, #tpu.memory_space<vmem_shared>> -> memref<10112x128xf32, #tpu.memory_space<vmem_shared>>
    tpu.wait_indirect_dma semaphore(%arg15 : memref<!tpu.dma_semaphore, #tpu.memory_space<semaphore_mem>>) src(%arg11 : memref<128x128xf32, #tpu.memory_space<vmem>>) dst(%dma_wait3A_37 : memref<10112x128xf32, #tpu.memory_space<vmem_shared>>)
    %dma_start3A_38 = arith.constant 38 : i32
    %dma_start3A_39 = arith.constant 0 : i32
    %dma_start3A_40 = tpu.memref_slice %arg8[%dma_start3A_38, %dma_start3A_39] : memref<40x128xi32, #tpu.memory_space<vmem>> -> memref<1x128xi32, #tpu.memory_space<vmem>>
    %dma_start3A_41 = tpu.memref_squeeze %dma_start3A_40 : memref<1x128xi32, #tpu.memory_space<vmem>> -> memref<128xi32, #tpu.memory_space<vmem>>
    %dma_start3A_42 = arith.constant 0 : i32
    %dma_start3A_43 = arith.constant 0 : i32
    %dma_start3A_44 = tpu.memref_slice %arg2[%dma_start3A_42, %dma_start3A_43] : memref<10000x128xf32, #tpu.memory_space<hbm>> -> memref<10000x128xf32, #tpu.memory_space<hbm>>
    tpu.enqueue_indirect_dma source(%dma_start3A_44 : memref<10000x128xf32, #tpu.memory_space<hbm>>) target(%arg10 : memref<128x128xf32, #tpu.memory_space<vmem>>) offsets(%dma_start3A_41 : memref<128xi32, #tpu.memory_space<vmem>>) semaphore(%arg12 : memref<!tpu.dma_semaphore, #tpu.memory_space<semaphore_mem>>)
    %dma_wait3A_45 = arith.constant 38 : i32
    %dma_wait3A_46 = arith.constant 0 : i32
    %dma_wait3A_47 = tpu.memref_slice %arg8[%dma_wait3A_45, %dma_wait3A_46] : memref<40x128xi32, #tpu.memory_space<vmem>> -> memref<1x128xi32, #tpu.memory_space<vmem>>
    %dma_wait3A_48 = tpu.memref_squeeze %dma_wait3A_47 : memref<1x128xi32, #tpu.memory_space<vmem>> -> memref<128xi32, #tpu.memory_space<vmem>>
    %dma_wait3A_49 = arith.constant 0 : i32
    %dma_wait3A_50 = arith.constant 0 : i32
    %dma_wait3A_51 = tpu.memref_slice %arg2[%dma_wait3A_49, %dma_wait3A_50] : memref<10000x128xf32, #tpu.memory_space<hbm>> -> memref<10000x128xf32, #tpu.memory_space<hbm>>
    tpu.wait_indirect_dma semaphore(%arg12 : memref<!tpu.dma_semaphore, #tpu.memory_space<semaphore_mem>>) src(%dma_wait3A_51 : memref<10000x128xf32, #tpu.memory_space<hbm>>) dst(%arg10 : memref<128x128xf32, #tpu.memory_space<vmem>>)
    %run_scoped3A = arith.constant 38 : i32
    "tpu.region"() ({
      %run_scoped3A_57 = tpu.sem_alloc : memref<!tpu.dma_semaphore, #tpu.memory_space<semaphore_mem>>
      %dma_start3A_58 = arith.constant 0 : i32
      %dma_start3A_59 = tpu.memref_slice %arg9[%run_scoped3A, %dma_start3A_58] : memref<40x128xi32, #tpu.memory_space<vmem>> -> memref<1x128xi32, #tpu.memory_space<vmem>>
      %dma_start3A_60 = tpu.memref_squeeze %dma_start3A_59 : memref<1x128xi32, #tpu.memory_space<vmem>> -> memref<128xi32, #tpu.memory_space<vmem>>
      %dma_start3A_61 = arith.constant 0 : i32
      %dma_start3A_62 = arith.constant 0 : i32
      %dma_start3A_63 = tpu.memref_slice %arg7[%dma_start3A_61, %dma_start3A_62] : memref<10112x128xf32, #tpu.memory_space<vmem_shared>> -> memref<10112x128xf32, #tpu.memory_space<vmem_shared>>
      tpu.enqueue_indirect_dma source(%arg10 : memref<128x128xf32, #tpu.memory_space<vmem>>) target(%dma_start3A_63 : memref<10112x128xf32, #tpu.memory_space<vmem_shared>>) offsets(%dma_start3A_60 : memref<128xi32, #tpu.memory_space<vmem>>) semaphore(%run_scoped3A_57 : memref<!tpu.dma_semaphore, #tpu.memory_space<semaphore_mem>>) {add = true}
      %dma_wait3A_64 = arith.constant 0 : i32
      %dma_wait3A_65 = tpu.memref_slice %arg9[%run_scoped3A, %dma_wait3A_64] : memref<40x128xi32, #tpu.memory_space<vmem>> -> memref<1x128xi32, #tpu.memory_space<vmem>>
      %dma_wait3A_66 = tpu.memref_squeeze %dma_wait3A_65 : memref<1x128xi32, #tpu.memory_space<vmem>> -> memref<128xi32, #tpu.memory_space<vmem>>
      %dma_wait3A_67 = arith.constant 0 : i32
      %dma_wait3A_68 = arith.constant 0 : i32
      %dma_wait3A_69 = tpu.memref_slice %arg7[%dma_wait3A_67, %dma_wait3A_68] : memref<10112x128xf32, #tpu.memory_space<vmem_shared>> -> memref<10112x128xf32, #tpu.memory_space<vmem_shared>>
      tpu.wait_indirect_dma semaphore(%run_scoped3A_57 : memref<!tpu.dma_semaphore, #tpu.memory_space<semaphore_mem>>) src(%arg10 : memref<128x128xf32, #tpu.memory_space<vmem>>) dst(%dma_wait3A_69 : memref<10112x128xf32, #tpu.memory_space<vmem_shared>>)
      tpu.yield
    }) : () -> ()
    %barrier3A_52 = arith.constant 0 : index
    tpu.barrier barrier_id(%barrier3A_52)
    %mul3A_53 = arith.constant 632 : i32
    %mul3A_54 = arith.muli %arg1, %mul3A_53 : i32
    %mul3A_55 = arith.constant 632 : i32
    %mul3A_56 = arith.muli %arg1, %mul3A_55 : i32
    "tpu.region"() ({
      %run_scoped3A_57 = tpu.sem_alloc : memref<!tpu.dma_semaphore, #tpu.memory_space<semaphore_mem>>
      %dma_start3A_58 = arith.constant 0 : i32
      %dma_start3A_59 = tpu.memref_slice %arg6[%arg0, %mul3A_56, %dma_start3A_58] : memref<2x10112x128xf32, #tpu.memory_space<hbm>> -> memref<1x632x128xf32, #tpu.memory_space<hbm>>
      %dma_start3A_60 = tpu.memref_squeeze %dma_start3A_59 : memref<1x632x128xf32, #tpu.memory_space<hbm>> -> memref<632x128xf32, #tpu.memory_space<hbm>>
      %dma_start3A_61 = arith.constant 0 : i32
      %dma_start3A_62 = tpu.memref_slice %arg7[%mul3A_54, %dma_start3A_61] : memref<10112x128xf32, #tpu.memory_space<vmem_shared>> -> memref<632x128xf32, #tpu.memory_space<vmem_shared>>
      tpu.enqueue_dma source(%dma_start3A_62 : memref<632x128xf32, #tpu.memory_space<vmem_shared>>) target(%dma_start3A_60 : memref<632x128xf32, #tpu.memory_space<hbm>>) target_semaphore(%run_scoped3A_57 : memref<!tpu.dma_semaphore, #tpu.memory_space<semaphore_mem>>)
      %dma_wait3A_63 = arith.constant 0 : i32
      %dma_wait3A_64 = tpu.memref_slice %arg6[%arg0, %mul3A_56, %dma_wait3A_63] : memref<2x10112x128xf32, #tpu.memory_space<hbm>> -> memref<1x632x128xf32, #tpu.memory_space<hbm>>
      %dma_wait3A_65 = tpu.memref_squeeze %dma_wait3A_64 : memref<1x632x128xf32, #tpu.memory_space<hbm>> -> memref<632x128xf32, #tpu.memory_space<hbm>>
      %dma_wait3A_66 = arith.constant 0 : i32
      %dma_wait3A_67 = tpu.memref_slice %arg7[%mul3A_54, %dma_wait3A_66] : memref<10112x128xf32, #tpu.memory_space<vmem_shared>> -> memref<632x128xf32, #tpu.memory_space<vmem_shared>>
      tpu.wait_dma2 semaphore(%run_scoped3A_57 : memref<!tpu.dma_semaphore, #tpu.memory_space<semaphore_mem>>) src(%dma_wait3A_67 : memref<632x128xf32, #tpu.memory_space<vmem_shared>>) dst(%dma_wait3A_65 : memref<632x128xf32, #tpu.memory_space<hbm>>)
      tpu.yield
    }) : () -> ()
    return
  }
}

#map = affine_map<(d0, d1) -> (0, 0)>
#map1 = affine_map<(d0, d1) -> (0, 0, 0)>
module attributes {stable_mosaic.version = 14 : i64} {
  func.func @_agg(%arg0: i32, %arg1: i32, %arg2: memref<10000x128xf32, #tpu.memory_space<hbm>>, %arg3: memref<32x79x128xi32, #tpu.memory_space<hbm>>, %arg4: memref<32x79x128xi32, #tpu.memory_space<hbm>>, %arg5: memref<632x128xf32, #tpu.memory_space<hbm>>, %arg6: memref<2x10112x128xf32, #tpu.memory_space<hbm>>, %arg7: memref<10112x128xf32, #tpu.memory_space<vmem_shared>>, %arg8: memref<40x128xi32, #tpu.memory_space<vmem>>, %arg9: memref<40x128xi32, #tpu.memory_space<vmem>>, %arg10: memref<128x128xf32, #tpu.memory_space<vmem>>, %arg11: memref<128x128xf32, #tpu.memory_space<vmem>>, %arg12: memref<!tpu.dma_semaphore, #tpu.memory_space<semaphore_mem>>, %arg13: memref<!tpu.dma_semaphore, #tpu.memory_space<semaphore_mem>>, %arg14: memref<!tpu.dma_semaphore, #tpu.memory_space<semaphore_mem>>, %arg15: memref<!tpu.dma_semaphore, #tpu.memory_space<semaphore_mem>>) attributes {dimension_semantics = [#tpu.dimension_semantics<core_parallel>, #tpu.dimension_semantics<subcore_parallel>], iteration_bounds = array<i64: 2, 16>, scalar_prefetch = 0 : i64, scratch_operands = 9 : i64, tpu.core_type = #tpu.core_type<sc_vector_subcore>, window_params = [{transform_indices = #map}, {transform_indices = #map1}, {transform_indices = #map1}, {transform_indices = #map}, {transform_indices = #map1}]} {
    %mul3A = arith.constant 2 : i32
    %mul3A_0 = arith.muli %arg1, %mul3A : i32
    %add3A = arith.addi %mul3A_0, %arg0 : i32
    %mul3A_1 = arith.constant 632 : i32
    %mul3A_2 = arith.muli %arg1, %mul3A_1 : i32
    "tpu.region"() ({
      %run_scoped3A_57 = tpu.sem_alloc : memref<!tpu.dma_semaphore, #tpu.memory_space<semaphore_mem>>
      %dma_start3A_58 = arith.constant 0 : i32
      %dma_start3A_59 = tpu.memref_slice %arg7[%mul3A_2, %dma_start3A_58] : memref<10112x128xf32, #tpu.memory_space<vmem_shared>> -> memref<632x128xf32, #tpu.memory_space<vmem_shared>>
      tpu.enqueue_dma source(%arg5 : memref<632x128xf32, #tpu.memory_space<hbm>>) target(%dma_start3A_59 : memref<632x128xf32, #tpu.memory_space<vmem_shared>>) target_semaphore(%run_scoped3A_57 : memref<!tpu.dma_semaphore, #tpu.memory_space<semaphore_mem>>)
      %dma_wait3A_60 = arith.constant 0 : i32
      %dma_wait3A_61 = tpu.memref_slice %arg7[%mul3A_2, %dma_wait3A_60] : memref<10112x128xf32, #tpu.memory_space<vmem_shared>> -> memref<632x128xf32, #tpu.memory_space<vmem_shared>>
      tpu.wait_dma2 semaphore(%run_scoped3A_57 : memref<!tpu.dma_semaphore, #tpu.memory_space<semaphore_mem>>) src(%arg5 : memref<632x128xf32, #tpu.memory_space<hbm>>) dst(%dma_wait3A_61 : memref<632x128xf32, #tpu.memory_space<vmem_shared>>)
      tpu.yield
    }) : () -> ()
    %barrier3A = arith.constant 0 : index
    tpu.barrier barrier_id(%barrier3A)
    "tpu.region"() ({
      %run_scoped3A_57 = tpu.sem_alloc : memref<!tpu.dma_semaphore, #tpu.memory_space<semaphore_mem>>
      %dma_start3A_58 = arith.constant 0 : i32
      %dma_start3A_59 = arith.constant 0 : i32
      %dma_start3A_60 = tpu.memref_slice %arg8[%dma_start3A_58, %dma_start3A_59] : memref<40x128xi32, #tpu.memory_space<vmem>> -> memref<40x128xi32, #tpu.memory_space<vmem>>
      %dma_start3A_61 = arith.constant 0 : i32
      %dma_start3A_62 = arith.constant 0 : i32
      %dma_start3A_63 = tpu.memref_slice %arg3[%add3A, %dma_start3A_61, %dma_start3A_62] : memref<32x79x128xi32, #tpu.memory_space<hbm>> -> memref<1x40x128xi32, #tpu.memory_space<hbm>>
      %dma_start3A_64 = tpu.memref_squeeze %dma_start3A_63 : memref<1x40x128xi32, #tpu.memory_space<hbm>> -> memref<40x128xi32, #tpu.memory_space<hbm>>
      %dma_start3A_65 = arith.constant 0 : i32
      %dma_start3A_66 = arith.constant 0 : i32
      %dma_start3A_67 = tpu.memref_slice %arg8[%dma_start3A_65, %dma_start3A_66] : memref<40x128xi32, #tpu.memory_space<vmem>> -> memref<40x128xi32, #tpu.memory_space<vmem>>
      %dma_start3A_68 = arith.constant 0 : i32
      %dma_start3A_69 = arith.constant 0 : i32
      %dma_start3A_70 = tpu.memref_slice %arg3[%add3A, %dma_start3A_68, %dma_start3A_69] : memref<32x79x128xi32, #tpu.memory_space<hbm>> -> memref<1x40x128xi32, #tpu.memory_space<hbm>>
      %dma_start3A_71 = tpu.memref_squeeze %dma_start3A_70 : memref<1x40x128xi32, #tpu.memory_space<hbm>> -> memref<40x128xi32, #tpu.memory_space<hbm>>
      tpu.enqueue_dma source(%dma_start3A_71 : memref<40x128xi32, #tpu.memory_space<hbm>>) target(%dma_start3A_67 : memref<40x128xi32, #tpu.memory_space<vmem>>) target_semaphore(%run_scoped3A_57 : memref<!tpu.dma_semaphore, #tpu.memory_space<semaphore_mem>>)
      %dma_wait3A_72 = arith.constant 0 : i32
      %dma_wait3A_73 = arith.constant 0 : i32
      %dma_wait3A_74 = tpu.memref_slice %arg8[%dma_wait3A_72, %dma_wait3A_73] : memref<40x128xi32, #tpu.memory_space<vmem>> -> memref<40x128xi32, #tpu.memory_space<vmem>>
      %dma_wait3A_75 = arith.constant 0 : i32
      %dma_wait3A_76 = arith.constant 0 : i32
      %dma_wait3A_77 = tpu.memref_slice %arg3[%add3A, %dma_wait3A_75, %dma_wait3A_76] : memref<32x79x128xi32, #tpu.memory_space<hbm>> -> memref<1x40x128xi32, #tpu.memory_space<hbm>>
      %dma_wait3A_78 = tpu.memref_squeeze %dma_wait3A_77 : memref<1x40x128xi32, #tpu.memory_space<hbm>> -> memref<40x128xi32, #tpu.memory_space<hbm>>
      %dma_wait3A_79 = arith.constant 0 : i32
      %dma_wait3A_80 = arith.constant 0 : i32
      %dma_wait3A_81 = tpu.memref_slice %arg8[%dma_wait3A_79, %dma_wait3A_80] : memref<40x128xi32, #tpu.memory_space<vmem>> -> memref<40x128xi32, #tpu.memory_space<vmem>>
      %dma_wait3A_82 = arith.constant 0 : i32
      %dma_wait3A_83 = arith.constant 0 : i32
      %dma_wait3A_84 = tpu.memref_slice %arg3[%add3A, %dma_wait3A_82, %dma_wait3A_83] : memref<32x79x128xi32, #tpu.memory_space<hbm>> -> memref<1x40x128xi32, #tpu.memory_space<hbm>>
      %dma_wait3A_85 = tpu.memref_squeeze %dma_wait3A_84 : memref<1x40x128xi32, #tpu.memory_space<hbm>> -> memref<40x128xi32, #tpu.memory_space<hbm>>
      tpu.wait_dma2 semaphore(%run_scoped3A_57 : memref<!tpu.dma_semaphore, #tpu.memory_space<semaphore_mem>>) src(%dma_wait3A_85 : memref<40x128xi32, #tpu.memory_space<hbm>>) dst(%dma_wait3A_81 : memref<40x128xi32, #tpu.memory_space<vmem>>)
      tpu.yield
    }) : () -> ()
    "tpu.region"() ({
      %run_scoped3A_57 = tpu.sem_alloc : memref<!tpu.dma_semaphore, #tpu.memory_space<semaphore_mem>>
      %dma_start3A_58 = arith.constant 0 : i32
      %dma_start3A_59 = arith.constant 0 : i32
      %dma_start3A_60 = tpu.memref_slice %arg9[%dma_start3A_58, %dma_start3A_59] : memref<40x128xi32, #tpu.memory_space<vmem>> -> memref<40x128xi32, #tpu.memory_space<vmem>>
      %dma_start3A_61 = arith.constant 0 : i32
      %dma_start3A_62 = arith.constant 0 : i32
      %dma_start3A_63 = tpu.memref_slice %arg4[%add3A, %dma_start3A_61, %dma_start3A_62] : memref<32x79x128xi32, #tpu.memory_space<hbm>> -> memref<1x40x128xi32, #tpu.memory_space<hbm>>
      %dma_start3A_64 = tpu.memref_squeeze %dma_start3A_63 : memref<1x40x128xi32, #tpu.memory_space<hbm>> -> memref<40x128xi32, #tpu.memory_space<hbm>>
      %dma_start3A_65 = arith.constant 0 : i32
      %dma_start3A_66 = arith.constant 0 : i32
      %dma_start3A_67 = tpu.memref_slice %arg9[%dma_start3A_65, %dma_start3A_66] : memref<40x128xi32, #tpu.memory_space<vmem>> -> memref<40x128xi32, #tpu.memory_space<vmem>>
      %dma_start3A_68 = arith.constant 0 : i32
      %dma_start3A_69 = arith.constant 0 : i32
      %dma_start3A_70 = tpu.memref_slice %arg4[%add3A, %dma_start3A_68, %dma_start3A_69] : memref<32x79x128xi32, #tpu.memory_space<hbm>> -> memref<1x40x128xi32, #tpu.memory_space<hbm>>
      %dma_start3A_71 = tpu.memref_squeeze %dma_start3A_70 : memref<1x40x128xi32, #tpu.memory_space<hbm>> -> memref<40x128xi32, #tpu.memory_space<hbm>>
      tpu.enqueue_dma source(%dma_start3A_71 : memref<40x128xi32, #tpu.memory_space<hbm>>) target(%dma_start3A_67 : memref<40x128xi32, #tpu.memory_space<vmem>>) target_semaphore(%run_scoped3A_57 : memref<!tpu.dma_semaphore, #tpu.memory_space<semaphore_mem>>)
      %dma_wait3A_72 = arith.constant 0 : i32
      %dma_wait3A_73 = arith.constant 0 : i32
      %dma_wait3A_74 = tpu.memref_slice %arg9[%dma_wait3A_72, %dma_wait3A_73] : memref<40x128xi32, #tpu.memory_space<vmem>> -> memref<40x128xi32, #tpu.memory_space<vmem>>
      %dma_wait3A_75 = arith.constant 0 : i32
      %dma_wait3A_76 = arith.constant 0 : i32
      %dma_wait3A_77 = tpu.memref_slice %arg4[%add3A, %dma_wait3A_75, %dma_wait3A_76] : memref<32x79x128xi32, #tpu.memory_space<hbm>> -> memref<1x40x128xi32, #tpu.memory_space<hbm>>
      %dma_wait3A_78 = tpu.memref_squeeze %dma_wait3A_77 : memref<1x40x128xi32, #tpu.memory_space<hbm>> -> memref<40x128xi32, #tpu.memory_space<hbm>>
      %dma_wait3A_79 = arith.constant 0 : i32
      %dma_wait3A_80 = arith.constant 0 : i32
      %dma_wait3A_81 = tpu.memref_slice %arg9[%dma_wait3A_79, %dma_wait3A_80] : memref<40x128xi32, #tpu.memory_space<vmem>> -> memref<40x128xi32, #tpu.memory_space<vmem>>
      %dma_wait3A_82 = arith.constant 0 : i32
      %dma_wait3A_83 = arith.constant 0 : i32
      %dma_wait3A_84 = tpu.memref_slice %arg4[%add3A, %dma_wait3A_82, %dma_wait3A_83] : memref<32x79x128xi32, #tpu.memory_space<hbm>> -> memref<1x40x128xi32, #tpu.memory_space<hbm>>
      %dma_wait3A_85 = tpu.memref_squeeze %dma_wait3A_84 : memref<1x40x128xi32, #tpu.memory_space<hbm>> -> memref<40x128xi32, #tpu.memory_space<hbm>>
      tpu.wait_dma2 semaphore(%run_scoped3A_57 : memref<!tpu.dma_semaphore, #tpu.memory_space<semaphore_mem>>) src(%dma_wait3A_85 : memref<40x128xi32, #tpu.memory_space<hbm>>) dst(%dma_wait3A_81 : memref<40x128xi32, #tpu.memory_space<vmem>>)
      tpu.yield
    }) : () -> ()
    %dma_start3A = arith.constant 0 : i32
    %dma_start3A_3 = arith.constant 0 : i32
    %dma_start3A_4 = tpu.memref_slice %arg8[%dma_start3A, %dma_start3A_3] : memref<40x128xi32, #tpu.memory_space<vmem>> -> memref<1x128xi32, #tpu.memory_space<vmem>>
    %dma_start3A_5 = tpu.memref_squeeze %dma_start3A_4 : memref<1x128xi32, #tpu.memory_space<vmem>> -> memref<128xi32, #tpu.memory_space<vmem>>
    %dma_start3A_6 = arith.constant 0 : i32
    %dma_start3A_7 = arith.constant 0 : i32
    %dma_start3A_8 = tpu.memref_slice %arg2[%dma_start3A_6, %dma_start3A_7] : memref<10000x128xf32, #tpu.memory_space<hbm>> -> memref<10000x128xf32, #tpu.memory_space<hbm>>
    tpu.enqueue_indirect_dma source(%dma_start3A_8 : memref<10000x128xf32, #tpu.memory_space<hbm>>) target(%arg10 : memref<128x128xf32, #tpu.memory_space<vmem>>) offsets(%dma_start3A_5 : memref<128xi32, #tpu.memory_space<vmem>>) semaphore(%arg12 : memref<!tpu.dma_semaphore, #tpu.memory_space<semaphore_mem>>)
    %scan3A = arith.constant 0 : i32
    %scan3A_9 = arith.constant 20 : i32
    %scan3A_10 = arith.addi %scan3A, %scan3A_9 : i32
    %scan3A_11 = arith.constant 1 : i32
    scf.for %scan3A_57 = %scan3A to %scan3A_10 step %scan3A_11  : i32 {
      %mul3A_58 = arith.constant 1 : i32
      %mul3A_59 = arith.muli %scan3A_57, %mul3A_58 : i32
      %add3A_60 = arith.constant 0 : i32
      %add3A_61 = arith.addi %add3A_60, %mul3A_59 : i32
      %mul3A_62 = arith.constant 2 : i32
      %mul3A_63 = arith.muli %add3A_61, %mul3A_62 : i32
      %add3A_64 = arith.constant 1 : i32
      %add3A_65 = arith.addi %mul3A_63, %add3A_64 : i32
      %gt3A = arith.constant 0 : i32
      %gt3A_66 = arith.cmpi sgt, %add3A_61, %gt3A : i32
      %convert_element_type3A = arith.extui %gt3A_66 : i1 to i32
      %cond3A = arith.constant 0 : i32
      %cond3A_67 = arith.cmpi ne, %convert_element_type3A, %cond3A : i32
      scf.if %cond3A_67 {
        %sub3A = arith.constant 1 : i32
        %sub3A_110 = arith.subi %mul3A_63, %sub3A : i32
        %dma_wait3A_111 = arith.constant 0 : i32
        %dma_wait3A_112 = tpu.memref_slice %arg9[%sub3A_110, %dma_wait3A_111] : memref<40x128xi32, #tpu.memory_space<vmem>> -> memref<1x128xi32, #tpu.memory_space<vmem>>
        %dma_wait3A_113 = tpu.memref_squeeze %dma_wait3A_112 : memref<1x128xi32, #tpu.memory_space<vmem>> -> memref<128xi32, #tpu.memory_space<vmem>>
        %dma_wait3A_114 = arith.constant 0 : i32
        %dma_wait3A_115 = arith.constant 0 : i32
        %dma_wait3A_116 = tpu.memref_slice %arg7[%dma_wait3A_114, %dma_wait3A_115] : memref<10112x128xf32, #tpu.memory_space<vmem_shared>> -> memref<10112x128xf32, #tpu.memory_space<vmem_shared>>
        tpu.wait_indirect_dma semaphore(%arg15 : memref<!tpu.dma_semaphore, #tpu.memory_space<semaphore_mem>>) src(%arg11 : memref<128x128xf32, #tpu.memory_space<vmem>>) dst(%dma_wait3A_116 : memref<10112x128xf32, #tpu.memory_space<vmem_shared>>)
      } else {
      }
      %dma_wait3A_68 = arith.constant 0 : i32
      %dma_wait3A_69 = tpu.memref_slice %arg8[%mul3A_63, %dma_wait3A_68] : memref<40x128xi32, #tpu.memory_space<vmem>> -> memref<1x128xi32, #tpu.memory_space<vmem>>
      %dma_wait3A_70 = tpu.memref_squeeze %dma_wait3A_69 : memref<1x128xi32, #tpu.memory_space<vmem>> -> memref<128xi32, #tpu.memory_space<vmem>>
      %dma_wait3A_71 = arith.constant 0 : i32
      %dma_wait3A_72 = arith.constant 0 : i32
      %dma_wait3A_73 = tpu.memref_slice %arg2[%dma_wait3A_71, %dma_wait3A_72] : memref<10000x128xf32, #tpu.memory_space<hbm>> -> memref<10000x128xf32, #tpu.memory_space<hbm>>
      tpu.wait_indirect_dma semaphore(%arg12 : memref<!tpu.dma_semaphore, #tpu.memory_space<semaphore_mem>>) src(%dma_wait3A_73 : memref<10000x128xf32, #tpu.memory_space<hbm>>) dst(%arg10 : memref<128x128xf32, #tpu.memory_space<vmem>>)
      %dma_start3A_74 = arith.constant 0 : i32
      %dma_start3A_75 = tpu.memref_slice %arg9[%mul3A_63, %dma_start3A_74] : memref<40x128xi32, #tpu.memory_space<vmem>> -> memref<1x128xi32, #tpu.memory_space<vmem>>
      %dma_start3A_76 = tpu.memref_squeeze %dma_start3A_75 : memref<1x128xi32, #tpu.memory_space<vmem>> -> memref<128xi32, #tpu.memory_space<vmem>>
      %dma_start3A_77 = arith.constant 0 : i32
      %dma_start3A_78 = arith.constant 0 : i32
      %dma_start3A_79 = tpu.memref_slice %arg7[%dma_start3A_77, %dma_start3A_78] : memref<10112x128xf32, #tpu.memory_space<vmem_shared>> -> memref<10112x128xf32, #tpu.memory_space<vmem_shared>>
      tpu.enqueue_indirect_dma source(%arg10 : memref<128x128xf32, #tpu.memory_space<vmem>>) target(%dma_start3A_79 : memref<10112x128xf32, #tpu.memory_space<vmem_shared>>) offsets(%dma_start3A_76 : memref<128xi32, #tpu.memory_space<vmem>>) semaphore(%arg14 : memref<!tpu.dma_semaphore, #tpu.memory_space<semaphore_mem>>) {add = true}
      %dma_start3A_80 = arith.constant 0 : i32
      %dma_start3A_81 = tpu.memref_slice %arg8[%add3A_65, %dma_start3A_80] : memref<40x128xi32, #tpu.memory_space<vmem>> -> memref<1x128xi32, #tpu.memory_space<vmem>>
      %dma_start3A_82 = tpu.memref_squeeze %dma_start3A_81 : memref<1x128xi32, #tpu.memory_space<vmem>> -> memref<128xi32, #tpu.memory_space<vmem>>
      %dma_start3A_83 = arith.constant 0 : i32
      %dma_start3A_84 = arith.constant 0 : i32
      %dma_start3A_85 = tpu.memref_slice %arg2[%dma_start3A_83, %dma_start3A_84] : memref<10000x128xf32, #tpu.memory_space<hbm>> -> memref<10000x128xf32, #tpu.memory_space<hbm>>
      tpu.enqueue_indirect_dma source(%dma_start3A_85 : memref<10000x128xf32, #tpu.memory_space<hbm>>) target(%arg11 : memref<128x128xf32, #tpu.memory_space<vmem>>) offsets(%dma_start3A_82 : memref<128xi32, #tpu.memory_space<vmem>>) semaphore(%arg13 : memref<!tpu.dma_semaphore, #tpu.memory_space<semaphore_mem>>)
      %dma_wait3A_86 = arith.constant 0 : i32
      %dma_wait3A_87 = tpu.memref_slice %arg9[%mul3A_63, %dma_wait3A_86] : memref<40x128xi32, #tpu.memory_space<vmem>> -> memref<1x128xi32, #tpu.memory_space<vmem>>
      %dma_wait3A_88 = tpu.memref_squeeze %dma_wait3A_87 : memref<1x128xi32, #tpu.memory_space<vmem>> -> memref<128xi32, #tpu.memory_space<vmem>>
      %dma_wait3A_89 = arith.constant 0 : i32
      %dma_wait3A_90 = arith.constant 0 : i32
      %dma_wait3A_91 = tpu.memref_slice %arg7[%dma_wait3A_89, %dma_wait3A_90] : memref<10112x128xf32, #tpu.memory_space<vmem_shared>> -> memref<10112x128xf32, #tpu.memory_space<vmem_shared>>
      tpu.wait_indirect_dma semaphore(%arg14 : memref<!tpu.dma_semaphore, #tpu.memory_space<semaphore_mem>>) src(%arg10 : memref<128x128xf32, #tpu.memory_space<vmem>>) dst(%dma_wait3A_91 : memref<10112x128xf32, #tpu.memory_space<vmem_shared>>)
      %dma_wait3A_92 = arith.constant 0 : i32
      %dma_wait3A_93 = tpu.memref_slice %arg8[%add3A_65, %dma_wait3A_92] : memref<40x128xi32, #tpu.memory_space<vmem>> -> memref<1x128xi32, #tpu.memory_space<vmem>>
      %dma_wait3A_94 = tpu.memref_squeeze %dma_wait3A_93 : memref<1x128xi32, #tpu.memory_space<vmem>> -> memref<128xi32, #tpu.memory_space<vmem>>
      %dma_wait3A_95 = arith.constant 0 : i32
      %dma_wait3A_96 = arith.constant 0 : i32
      %dma_wait3A_97 = tpu.memref_slice %arg2[%dma_wait3A_95, %dma_wait3A_96] : memref<10000x128xf32, #tpu.memory_space<hbm>> -> memref<10000x128xf32, #tpu.memory_space<hbm>>
      tpu.wait_indirect_dma semaphore(%arg13 : memref<!tpu.dma_semaphore, #tpu.memory_space<semaphore_mem>>) src(%dma_wait3A_97 : memref<10000x128xf32, #tpu.memory_space<hbm>>) dst(%arg11 : memref<128x128xf32, #tpu.memory_space<vmem>>)
      %dma_start3A_98 = arith.constant 0 : i32
      %dma_start3A_99 = tpu.memref_slice %arg9[%add3A_65, %dma_start3A_98] : memref<40x128xi32, #tpu.memory_space<vmem>> -> memref<1x128xi32, #tpu.memory_space<vmem>>
      %dma_start3A_100 = tpu.memref_squeeze %dma_start3A_99 : memref<1x128xi32, #tpu.memory_space<vmem>> -> memref<128xi32, #tpu.memory_space<vmem>>
      %dma_start3A_101 = arith.constant 0 : i32
      %dma_start3A_102 = arith.constant 0 : i32
      %dma_start3A_103 = tpu.memref_slice %arg7[%dma_start3A_101, %dma_start3A_102] : memref<10112x128xf32, #tpu.memory_space<vmem_shared>> -> memref<10112x128xf32, #tpu.memory_space<vmem_shared>>
      tpu.enqueue_indirect_dma source(%arg11 : memref<128x128xf32, #tpu.memory_space<vmem>>) target(%dma_start3A_103 : memref<10112x128xf32, #tpu.memory_space<vmem_shared>>) offsets(%dma_start3A_100 : memref<128xi32, #tpu.memory_space<vmem>>) semaphore(%arg15 : memref<!tpu.dma_semaphore, #tpu.memory_space<semaphore_mem>>) {add = true}
      %add3A_104 = arith.constant 1 : i32
      %add3A_105 = arith.addi %add3A_61, %add3A_104 : i32
      %lt3A = arith.constant 20 : i32
      %lt3A_106 = arith.cmpi slt, %add3A_105, %lt3A : i32
      %convert_element_type3A_107 = arith.extui %lt3A_106 : i1 to i32
      %cond3A_108 = arith.constant 0 : i32
      %cond3A_109 = arith.cmpi ne, %convert_element_type3A_107, %cond3A_108 : i32
      scf.if %cond3A_109 {
        %add3A_110 = arith.constant 2 : i32
        %add3A_111 = arith.addi %mul3A_63, %add3A_110 : i32
        %dma_start3A_112 = arith.constant 0 : i32
        %dma_start3A_113 = tpu.memref_slice %arg8[%add3A_111, %dma_start3A_112] : memref<40x128xi32, #tpu.memory_space<vmem>> -> memref<1x128xi32, #tpu.memory_space<vmem>>
        %dma_start3A_114 = tpu.memref_squeeze %dma_start3A_113 : memref<1x128xi32, #tpu.memory_space<vmem>> -> memref<128xi32, #tpu.memory_space<vmem>>
        %dma_start3A_115 = arith.constant 0 : i32
        %dma_start3A_116 = arith.constant 0 : i32
        %dma_start3A_117 = tpu.memref_slice %arg2[%dma_start3A_115, %dma_start3A_116] : memref<10000x128xf32, #tpu.memory_space<hbm>> -> memref<10000x128xf32, #tpu.memory_space<hbm>>
        tpu.enqueue_indirect_dma source(%dma_start3A_117 : memref<10000x128xf32, #tpu.memory_space<hbm>>) target(%arg10 : memref<128x128xf32, #tpu.memory_space<vmem>>) offsets(%dma_start3A_114 : memref<128xi32, #tpu.memory_space<vmem>>) semaphore(%arg12 : memref<!tpu.dma_semaphore, #tpu.memory_space<semaphore_mem>>)
      } else {
      }
    }
    %scan3A_12 = arith.constant 20 : i32
    %dma_wait3A = arith.constant 39 : i32
    %dma_wait3A_13 = arith.constant 0 : i32
    %dma_wait3A_14 = tpu.memref_slice %arg9[%dma_wait3A, %dma_wait3A_13] : memref<40x128xi32, #tpu.memory_space<vmem>> -> memref<1x128xi32, #tpu.memory_space<vmem>>
    %dma_wait3A_15 = tpu.memref_squeeze %dma_wait3A_14 : memref<1x128xi32, #tpu.memory_space<vmem>> -> memref<128xi32, #tpu.memory_space<vmem>>
    %dma_wait3A_16 = arith.constant 0 : i32
    %dma_wait3A_17 = arith.constant 0 : i32
    %dma_wait3A_18 = tpu.memref_slice %arg7[%dma_wait3A_16, %dma_wait3A_17] : memref<10112x128xf32, #tpu.memory_space<vmem_shared>> -> memref<10112x128xf32, #tpu.memory_space<vmem_shared>>
    tpu.wait_indirect_dma semaphore(%arg15 : memref<!tpu.dma_semaphore, #tpu.memory_space<semaphore_mem>>) src(%arg11 : memref<128x128xf32, #tpu.memory_space<vmem>>) dst(%dma_wait3A_18 : memref<10112x128xf32, #tpu.memory_space<vmem_shared>>)
    "tpu.region"() ({
      %run_scoped3A_57 = tpu.sem_alloc : memref<!tpu.dma_semaphore, #tpu.memory_space<semaphore_mem>>
      %dma_start3A_58 = arith.constant 0 : i32
      %dma_start3A_59 = arith.constant 0 : i32
      %dma_start3A_60 = tpu.memref_slice %arg8[%dma_start3A_58, %dma_start3A_59] : memref<40x128xi32, #tpu.memory_space<vmem>> -> memref<39x128xi32, #tpu.memory_space<vmem>>
      %dma_start3A_61 = arith.constant 40 : i32
      %dma_start3A_62 = arith.constant 0 : i32
      %dma_start3A_63 = tpu.memref_slice %arg3[%add3A, %dma_start3A_61, %dma_start3A_62] : memref<32x79x128xi32, #tpu.memory_space<hbm>> -> memref<1x39x128xi32, #tpu.memory_space<hbm>>
      %dma_start3A_64 = tpu.memref_squeeze %dma_start3A_63 : memref<1x39x128xi32, #tpu.memory_space<hbm>> -> memref<39x128xi32, #tpu.memory_space<hbm>>
      %dma_start3A_65 = arith.constant 0 : i32
      %dma_start3A_66 = arith.constant 0 : i32
      %dma_start3A_67 = tpu.memref_slice %arg8[%dma_start3A_65, %dma_start3A_66] : memref<40x128xi32, #tpu.memory_space<vmem>> -> memref<39x128xi32, #tpu.memory_space<vmem>>
      %dma_start3A_68 = arith.constant 40 : i32
      %dma_start3A_69 = arith.constant 0 : i32
      %dma_start3A_70 = tpu.memref_slice %arg3[%add3A, %dma_start3A_68, %dma_start3A_69] : memref<32x79x128xi32, #tpu.memory_space<hbm>> -> memref<1x39x128xi32, #tpu.memory_space<hbm>>
      %dma_start3A_71 = tpu.memref_squeeze %dma_start3A_70 : memref<1x39x128xi32, #tpu.memory_space<hbm>> -> memref<39x128xi32, #tpu.memory_space<hbm>>
      tpu.enqueue_dma source(%dma_start3A_71 : memref<39x128xi32, #tpu.memory_space<hbm>>) target(%dma_start3A_67 : memref<39x128xi32, #tpu.memory_space<vmem>>) target_semaphore(%run_scoped3A_57 : memref<!tpu.dma_semaphore, #tpu.memory_space<semaphore_mem>>)
      %dma_wait3A_72 = arith.constant 0 : i32
      %dma_wait3A_73 = arith.constant 0 : i32
      %dma_wait3A_74 = tpu.memref_slice %arg8[%dma_wait3A_72, %dma_wait3A_73] : memref<40x128xi32, #tpu.memory_space<vmem>> -> memref<39x128xi32, #tpu.memory_space<vmem>>
      %dma_wait3A_75 = arith.constant 40 : i32
      %dma_wait3A_76 = arith.constant 0 : i32
      %dma_wait3A_77 = tpu.memref_slice %arg3[%add3A, %dma_wait3A_75, %dma_wait3A_76] : memref<32x79x128xi32, #tpu.memory_space<hbm>> -> memref<1x39x128xi32, #tpu.memory_space<hbm>>
      %dma_wait3A_78 = tpu.memref_squeeze %dma_wait3A_77 : memref<1x39x128xi32, #tpu.memory_space<hbm>> -> memref<39x128xi32, #tpu.memory_space<hbm>>
      %dma_wait3A_79 = arith.constant 0 : i32
      %dma_wait3A_80 = arith.constant 0 : i32
      %dma_wait3A_81 = tpu.memref_slice %arg8[%dma_wait3A_79, %dma_wait3A_80] : memref<40x128xi32, #tpu.memory_space<vmem>> -> memref<39x128xi32, #tpu.memory_space<vmem>>
      %dma_wait3A_82 = arith.constant 40 : i32
      %dma_wait3A_83 = arith.constant 0 : i32
      %dma_wait3A_84 = tpu.memref_slice %arg3[%add3A, %dma_wait3A_82, %dma_wait3A_83] : memref<32x79x128xi32, #tpu.memory_space<hbm>> -> memref<1x39x128xi32, #tpu.memory_space<hbm>>
      %dma_wait3A_85 = tpu.memref_squeeze %dma_wait3A_84 : memref<1x39x128xi32, #tpu.memory_space<hbm>> -> memref<39x128xi32, #tpu.memory_space<hbm>>
      tpu.wait_dma2 semaphore(%run_scoped3A_57 : memref<!tpu.dma_semaphore, #tpu.memory_space<semaphore_mem>>) src(%dma_wait3A_85 : memref<39x128xi32, #tpu.memory_space<hbm>>) dst(%dma_wait3A_81 : memref<39x128xi32, #tpu.memory_space<vmem>>)
      tpu.yield
    }) : () -> ()
    "tpu.region"() ({
      %run_scoped3A_57 = tpu.sem_alloc : memref<!tpu.dma_semaphore, #tpu.memory_space<semaphore_mem>>
      %dma_start3A_58 = arith.constant 0 : i32
      %dma_start3A_59 = arith.constant 0 : i32
      %dma_start3A_60 = tpu.memref_slice %arg9[%dma_start3A_58, %dma_start3A_59] : memref<40x128xi32, #tpu.memory_space<vmem>> -> memref<39x128xi32, #tpu.memory_space<vmem>>
      %dma_start3A_61 = arith.constant 40 : i32
      %dma_start3A_62 = arith.constant 0 : i32
      %dma_start3A_63 = tpu.memref_slice %arg4[%add3A, %dma_start3A_61, %dma_start3A_62] : memref<32x79x128xi32, #tpu.memory_space<hbm>> -> memref<1x39x128xi32, #tpu.memory_space<hbm>>
      %dma_start3A_64 = tpu.memref_squeeze %dma_start3A_63 : memref<1x39x128xi32, #tpu.memory_space<hbm>> -> memref<39x128xi32, #tpu.memory_space<hbm>>
      %dma_start3A_65 = arith.constant 0 : i32
      %dma_start3A_66 = arith.constant 0 : i32
      %dma_start3A_67 = tpu.memref_slice %arg9[%dma_start3A_65, %dma_start3A_66] : memref<40x128xi32, #tpu.memory_space<vmem>> -> memref<39x128xi32, #tpu.memory_space<vmem>>
      %dma_start3A_68 = arith.constant 40 : i32
      %dma_start3A_69 = arith.constant 0 : i32
      %dma_start3A_70 = tpu.memref_slice %arg4[%add3A, %dma_start3A_68, %dma_start3A_69] : memref<32x79x128xi32, #tpu.memory_space<hbm>> -> memref<1x39x128xi32, #tpu.memory_space<hbm>>
      %dma_start3A_71 = tpu.memref_squeeze %dma_start3A_70 : memref<1x39x128xi32, #tpu.memory_space<hbm>> -> memref<39x128xi32, #tpu.memory_space<hbm>>
      tpu.enqueue_dma source(%dma_start3A_71 : memref<39x128xi32, #tpu.memory_space<hbm>>) target(%dma_start3A_67 : memref<39x128xi32, #tpu.memory_space<vmem>>) target_semaphore(%run_scoped3A_57 : memref<!tpu.dma_semaphore, #tpu.memory_space<semaphore_mem>>)
      %dma_wait3A_72 = arith.constant 0 : i32
      %dma_wait3A_73 = arith.constant 0 : i32
      %dma_wait3A_74 = tpu.memref_slice %arg9[%dma_wait3A_72, %dma_wait3A_73] : memref<40x128xi32, #tpu.memory_space<vmem>> -> memref<39x128xi32, #tpu.memory_space<vmem>>
      %dma_wait3A_75 = arith.constant 40 : i32
      %dma_wait3A_76 = arith.constant 0 : i32
      %dma_wait3A_77 = tpu.memref_slice %arg4[%add3A, %dma_wait3A_75, %dma_wait3A_76] : memref<32x79x128xi32, #tpu.memory_space<hbm>> -> memref<1x39x128xi32, #tpu.memory_space<hbm>>
      %dma_wait3A_78 = tpu.memref_squeeze %dma_wait3A_77 : memref<1x39x128xi32, #tpu.memory_space<hbm>> -> memref<39x128xi32, #tpu.memory_space<hbm>>
      %dma_wait3A_79 = arith.constant 0 : i32
      %dma_wait3A_80 = arith.constant 0 : i32
      %dma_wait3A_81 = tpu.memref_slice %arg9[%dma_wait3A_79, %dma_wait3A_80] : memref<40x128xi32, #tpu.memory_space<vmem>> -> memref<39x128xi32, #tpu.memory_space<vmem>>
      %dma_wait3A_82 = arith.constant 40 : i32
      %dma_wait3A_83 = arith.constant 0 : i32
      %dma_wait3A_84 = tpu.memref_slice %arg4[%add3A, %dma_wait3A_82, %dma_wait3A_83] : memref<32x79x128xi32, #tpu.memory_space<hbm>> -> memref<1x39x128xi32, #tpu.memory_space<hbm>>
      %dma_wait3A_85 = tpu.memref_squeeze %dma_wait3A_84 : memref<1x39x128xi32, #tpu.memory_space<hbm>> -> memref<39x128xi32, #tpu.memory_space<hbm>>
      tpu.wait_dma2 semaphore(%run_scoped3A_57 : memref<!tpu.dma_semaphore, #tpu.memory_space<semaphore_mem>>) src(%dma_wait3A_85 : memref<39x128xi32, #tpu.memory_space<hbm>>) dst(%dma_wait3A_81 : memref<39x128xi32, #tpu.memory_space<vmem>>)
      tpu.yield
    }) : () -> ()
    %dma_start3A_19 = arith.constant 0 : i32
    %dma_start3A_20 = arith.constant 0 : i32
    %dma_start3A_21 = tpu.memref_slice %arg8[%dma_start3A_19, %dma_start3A_20] : memref<40x128xi32, #tpu.memory_space<vmem>> -> memref<1x128xi32, #tpu.memory_space<vmem>>
    %dma_start3A_22 = tpu.memref_squeeze %dma_start3A_21 : memref<1x128xi32, #tpu.memory_space<vmem>> -> memref<128xi32, #tpu.memory_space<vmem>>
    %dma_start3A_23 = arith.constant 0 : i32
    %dma_start3A_24 = arith.constant 0 : i32
    %dma_start3A_25 = tpu.memref_slice %arg2[%dma_start3A_23, %dma_start3A_24] : memref<10000x128xf32, #tpu.memory_space<hbm>> -> memref<10000x128xf32, #tpu.memory_space<hbm>>
    tpu.enqueue_indirect_dma source(%dma_start3A_25 : memref<10000x128xf32, #tpu.memory_space<hbm>>) target(%arg10 : memref<128x128xf32, #tpu.memory_space<vmem>>) offsets(%dma_start3A_22 : memref<128xi32, #tpu.memory_space<vmem>>) semaphore(%arg12 : memref<!tpu.dma_semaphore, #tpu.memory_space<semaphore_mem>>)
    %scan3A_26 = arith.constant 0 : i32
    %scan3A_27 = arith.constant 19 : i32
    %scan3A_28 = arith.addi %scan3A_26, %scan3A_27 : i32
    %scan3A_29 = arith.constant 1 : i32
    scf.for %scan3A_57 = %scan3A_26 to %scan3A_28 step %scan3A_29  : i32 {
      %mul3A_58 = arith.constant 1 : i32
      %mul3A_59 = arith.muli %scan3A_57, %mul3A_58 : i32
      %add3A_60 = arith.constant 0 : i32
      %add3A_61 = arith.addi %add3A_60, %mul3A_59 : i32
      %mul3A_62 = arith.constant 2 : i32
      %mul3A_63 = arith.muli %add3A_61, %mul3A_62 : i32
      %add3A_64 = arith.constant 1 : i32
      %add3A_65 = arith.addi %mul3A_63, %add3A_64 : i32
      %gt3A = arith.constant 0 : i32
      %gt3A_66 = arith.cmpi sgt, %add3A_61, %gt3A : i32
      %convert_element_type3A = arith.extui %gt3A_66 : i1 to i32
      %cond3A = arith.constant 0 : i32
      %cond3A_67 = arith.cmpi ne, %convert_element_type3A, %cond3A : i32
      scf.if %cond3A_67 {
        %sub3A = arith.constant 1 : i32
        %sub3A_110 = arith.subi %mul3A_63, %sub3A : i32
        %dma_wait3A_111 = arith.constant 0 : i32
        %dma_wait3A_112 = tpu.memref_slice %arg9[%sub3A_110, %dma_wait3A_111] : memref<40x128xi32, #tpu.memory_space<vmem>> -> memref<1x128xi32, #tpu.memory_space<vmem>>
        %dma_wait3A_113 = tpu.memref_squeeze %dma_wait3A_112 : memref<1x128xi32, #tpu.memory_space<vmem>> -> memref<128xi32, #tpu.memory_space<vmem>>
        %dma_wait3A_114 = arith.constant 0 : i32
        %dma_wait3A_115 = arith.constant 0 : i32
        %dma_wait3A_116 = tpu.memref_slice %arg7[%dma_wait3A_114, %dma_wait3A_115] : memref<10112x128xf32, #tpu.memory_space<vmem_shared>> -> memref<10112x128xf32, #tpu.memory_space<vmem_shared>>
        tpu.wait_indirect_dma semaphore(%arg15 : memref<!tpu.dma_semaphore, #tpu.memory_space<semaphore_mem>>) src(%arg11 : memref<128x128xf32, #tpu.memory_space<vmem>>) dst(%dma_wait3A_116 : memref<10112x128xf32, #tpu.memory_space<vmem_shared>>)
      } else {
      }
      %dma_wait3A_68 = arith.constant 0 : i32
      %dma_wait3A_69 = tpu.memref_slice %arg8[%mul3A_63, %dma_wait3A_68] : memref<40x128xi32, #tpu.memory_space<vmem>> -> memref<1x128xi32, #tpu.memory_space<vmem>>
      %dma_wait3A_70 = tpu.memref_squeeze %dma_wait3A_69 : memref<1x128xi32, #tpu.memory_space<vmem>> -> memref<128xi32, #tpu.memory_space<vmem>>
      %dma_wait3A_71 = arith.constant 0 : i32
      %dma_wait3A_72 = arith.constant 0 : i32
      %dma_wait3A_73 = tpu.memref_slice %arg2[%dma_wait3A_71, %dma_wait3A_72] : memref<10000x128xf32, #tpu.memory_space<hbm>> -> memref<10000x128xf32, #tpu.memory_space<hbm>>
      tpu.wait_indirect_dma semaphore(%arg12 : memref<!tpu.dma_semaphore, #tpu.memory_space<semaphore_mem>>) src(%dma_wait3A_73 : memref<10000x128xf32, #tpu.memory_space<hbm>>) dst(%arg10 : memref<128x128xf32, #tpu.memory_space<vmem>>)
      %dma_start3A_74 = arith.constant 0 : i32
      %dma_start3A_75 = tpu.memref_slice %arg9[%mul3A_63, %dma_start3A_74] : memref<40x128xi32, #tpu.memory_space<vmem>> -> memref<1x128xi32, #tpu.memory_space<vmem>>
      %dma_start3A_76 = tpu.memref_squeeze %dma_start3A_75 : memref<1x128xi32, #tpu.memory_space<vmem>> -> memref<128xi32, #tpu.memory_space<vmem>>
      %dma_start3A_77 = arith.constant 0 : i32
      %dma_start3A_78 = arith.constant 0 : i32
      %dma_start3A_79 = tpu.memref_slice %arg7[%dma_start3A_77, %dma_start3A_78] : memref<10112x128xf32, #tpu.memory_space<vmem_shared>> -> memref<10112x128xf32, #tpu.memory_space<vmem_shared>>
      tpu.enqueue_indirect_dma source(%arg10 : memref<128x128xf32, #tpu.memory_space<vmem>>) target(%dma_start3A_79 : memref<10112x128xf32, #tpu.memory_space<vmem_shared>>) offsets(%dma_start3A_76 : memref<128xi32, #tpu.memory_space<vmem>>) semaphore(%arg14 : memref<!tpu.dma_semaphore, #tpu.memory_space<semaphore_mem>>) {add = true}
      %dma_start3A_80 = arith.constant 0 : i32
      %dma_start3A_81 = tpu.memref_slice %arg8[%add3A_65, %dma_start3A_80] : memref<40x128xi32, #tpu.memory_space<vmem>> -> memref<1x128xi32, #tpu.memory_space<vmem>>
      %dma_start3A_82 = tpu.memref_squeeze %dma_start3A_81 : memref<1x128xi32, #tpu.memory_space<vmem>> -> memref<128xi32, #tpu.memory_space<vmem>>
      %dma_start3A_83 = arith.constant 0 : i32
      %dma_start3A_84 = arith.constant 0 : i32
      %dma_start3A_85 = tpu.memref_slice %arg2[%dma_start3A_83, %dma_start3A_84] : memref<10000x128xf32, #tpu.memory_space<hbm>> -> memref<10000x128xf32, #tpu.memory_space<hbm>>
      tpu.enqueue_indirect_dma source(%dma_start3A_85 : memref<10000x128xf32, #tpu.memory_space<hbm>>) target(%arg11 : memref<128x128xf32, #tpu.memory_space<vmem>>) offsets(%dma_start3A_82 : memref<128xi32, #tpu.memory_space<vmem>>) semaphore(%arg13 : memref<!tpu.dma_semaphore, #tpu.memory_space<semaphore_mem>>)
      %dma_wait3A_86 = arith.constant 0 : i32
      %dma_wait3A_87 = tpu.memref_slice %arg9[%mul3A_63, %dma_wait3A_86] : memref<40x128xi32, #tpu.memory_space<vmem>> -> memref<1x128xi32, #tpu.memory_space<vmem>>
      %dma_wait3A_88 = tpu.memref_squeeze %dma_wait3A_87 : memref<1x128xi32, #tpu.memory_space<vmem>> -> memref<128xi32, #tpu.memory_space<vmem>>
      %dma_wait3A_89 = arith.constant 0 : i32
      %dma_wait3A_90 = arith.constant 0 : i32
      %dma_wait3A_91 = tpu.memref_slice %arg7[%dma_wait3A_89, %dma_wait3A_90] : memref<10112x128xf32, #tpu.memory_space<vmem_shared>> -> memref<10112x128xf32, #tpu.memory_space<vmem_shared>>
      tpu.wait_indirect_dma semaphore(%arg14 : memref<!tpu.dma_semaphore, #tpu.memory_space<semaphore_mem>>) src(%arg10 : memref<128x128xf32, #tpu.memory_space<vmem>>) dst(%dma_wait3A_91 : memref<10112x128xf32, #tpu.memory_space<vmem_shared>>)
      %dma_wait3A_92 = arith.constant 0 : i32
      %dma_wait3A_93 = tpu.memref_slice %arg8[%add3A_65, %dma_wait3A_92] : memref<40x128xi32, #tpu.memory_space<vmem>> -> memref<1x128xi32, #tpu.memory_space<vmem>>
      %dma_wait3A_94 = tpu.memref_squeeze %dma_wait3A_93 : memref<1x128xi32, #tpu.memory_space<vmem>> -> memref<128xi32, #tpu.memory_space<vmem>>
      %dma_wait3A_95 = arith.constant 0 : i32
      %dma_wait3A_96 = arith.constant 0 : i32
      %dma_wait3A_97 = tpu.memref_slice %arg2[%dma_wait3A_95, %dma_wait3A_96] : memref<10000x128xf32, #tpu.memory_space<hbm>> -> memref<10000x128xf32, #tpu.memory_space<hbm>>
      tpu.wait_indirect_dma semaphore(%arg13 : memref<!tpu.dma_semaphore, #tpu.memory_space<semaphore_mem>>) src(%dma_wait3A_97 : memref<10000x128xf32, #tpu.memory_space<hbm>>) dst(%arg11 : memref<128x128xf32, #tpu.memory_space<vmem>>)
      %dma_start3A_98 = arith.constant 0 : i32
      %dma_start3A_99 = tpu.memref_slice %arg9[%add3A_65, %dma_start3A_98] : memref<40x128xi32, #tpu.memory_space<vmem>> -> memref<1x128xi32, #tpu.memory_space<vmem>>
      %dma_start3A_100 = tpu.memref_squeeze %dma_start3A_99 : memref<1x128xi32, #tpu.memory_space<vmem>> -> memref<128xi32, #tpu.memory_space<vmem>>
      %dma_start3A_101 = arith.constant 0 : i32
      %dma_start3A_102 = arith.constant 0 : i32
      %dma_start3A_103 = tpu.memref_slice %arg7[%dma_start3A_101, %dma_start3A_102] : memref<10112x128xf32, #tpu.memory_space<vmem_shared>> -> memref<10112x128xf32, #tpu.memory_space<vmem_shared>>
      tpu.enqueue_indirect_dma source(%arg11 : memref<128x128xf32, #tpu.memory_space<vmem>>) target(%dma_start3A_103 : memref<10112x128xf32, #tpu.memory_space<vmem_shared>>) offsets(%dma_start3A_100 : memref<128xi32, #tpu.memory_space<vmem>>) semaphore(%arg15 : memref<!tpu.dma_semaphore, #tpu.memory_space<semaphore_mem>>) {add = true}
      %add3A_104 = arith.constant 1 : i32
      %add3A_105 = arith.addi %add3A_61, %add3A_104 : i32
      %lt3A = arith.constant 19 : i32
      %lt3A_106 = arith.cmpi slt, %add3A_105, %lt3A : i32
      %convert_element_type3A_107 = arith.extui %lt3A_106 : i1 to i32
      %cond3A_108 = arith.constant 0 : i32
      %cond3A_109 = arith.cmpi ne, %convert_element_type3A_107, %cond3A_108 : i32
      scf.if %cond3A_109 {
        %add3A_110 = arith.constant 2 : i32
        %add3A_111 = arith.addi %mul3A_63, %add3A_110 : i32
        %dma_start3A_112 = arith.constant 0 : i32
        %dma_start3A_113 = tpu.memref_slice %arg8[%add3A_111, %dma_start3A_112] : memref<40x128xi32, #tpu.memory_space<vmem>> -> memref<1x128xi32, #tpu.memory_space<vmem>>
        %dma_start3A_114 = tpu.memref_squeeze %dma_start3A_113 : memref<1x128xi32, #tpu.memory_space<vmem>> -> memref<128xi32, #tpu.memory_space<vmem>>
        %dma_start3A_115 = arith.constant 0 : i32
        %dma_start3A_116 = arith.constant 0 : i32
        %dma_start3A_117 = tpu.memref_slice %arg2[%dma_start3A_115, %dma_start3A_116] : memref<10000x128xf32, #tpu.memory_space<hbm>> -> memref<10000x128xf32, #tpu.memory_space<hbm>>
        tpu.enqueue_indirect_dma source(%dma_start3A_117 : memref<10000x128xf32, #tpu.memory_space<hbm>>) target(%arg10 : memref<128x128xf32, #tpu.memory_space<vmem>>) offsets(%dma_start3A_114 : memref<128xi32, #tpu.memory_space<vmem>>) semaphore(%arg12 : memref<!tpu.dma_semaphore, #tpu.memory_space<semaphore_mem>>)
      } else {
      }
    }
    %scan3A_30 = arith.constant 19 : i32
    %dma_wait3A_31 = arith.constant 37 : i32
    %dma_wait3A_32 = arith.constant 0 : i32
    %dma_wait3A_33 = tpu.memref_slice %arg9[%dma_wait3A_31, %dma_wait3A_32] : memref<40x128xi32, #tpu.memory_space<vmem>> -> memref<1x128xi32, #tpu.memory_space<vmem>>
    %dma_wait3A_34 = tpu.memref_squeeze %dma_wait3A_33 : memref<1x128xi32, #tpu.memory_space<vmem>> -> memref<128xi32, #tpu.memory_space<vmem>>
    %dma_wait3A_35 = arith.constant 0 : i32
    %dma_wait3A_36 = arith.constant 0 : i32
    %dma_wait3A_37 = tpu.memref_slice %arg7[%dma_wait3A_35, %dma_wait3A_36] : memref<10112x128xf32, #tpu.memory_space<vmem_shared>> -> memref<10112x128xf32, #tpu.memory_space<vmem_shared>>
    tpu.wait_indirect_dma semaphore(%arg15 : memref<!tpu.dma_semaphore, #tpu.memory_space<semaphore_mem>>) src(%arg11 : memref<128x128xf32, #tpu.memory_space<vmem>>) dst(%dma_wait3A_37 : memref<10112x128xf32, #tpu.memory_space<vmem_shared>>)
    %dma_start3A_38 = arith.constant 38 : i32
    %dma_start3A_39 = arith.constant 0 : i32
    %dma_start3A_40 = tpu.memref_slice %arg8[%dma_start3A_38, %dma_start3A_39] : memref<40x128xi32, #tpu.memory_space<vmem>> -> memref<1x128xi32, #tpu.memory_space<vmem>>
    %dma_start3A_41 = tpu.memref_squeeze %dma_start3A_40 : memref<1x128xi32, #tpu.memory_space<vmem>> -> memref<128xi32, #tpu.memory_space<vmem>>
    %dma_start3A_42 = arith.constant 0 : i32
    %dma_start3A_43 = arith.constant 0 : i32
    %dma_start3A_44 = tpu.memref_slice %arg2[%dma_start3A_42, %dma_start3A_43] : memref<10000x128xf32, #tpu.memory_space<hbm>> -> memref<10000x128xf32, #tpu.memory_space<hbm>>
    tpu.enqueue_indirect_dma source(%dma_start3A_44 : memref<10000x128xf32, #tpu.memory_space<hbm>>) target(%arg10 : memref<128x128xf32, #tpu.memory_space<vmem>>) offsets(%dma_start3A_41 : memref<128xi32, #tpu.memory_space<vmem>>) semaphore(%arg12 : memref<!tpu.dma_semaphore, #tpu.memory_space<semaphore_mem>>)
    %dma_wait3A_45 = arith.constant 38 : i32
    %dma_wait3A_46 = arith.constant 0 : i32
    %dma_wait3A_47 = tpu.memref_slice %arg8[%dma_wait3A_45, %dma_wait3A_46] : memref<40x128xi32, #tpu.memory_space<vmem>> -> memref<1x128xi32, #tpu.memory_space<vmem>>
    %dma_wait3A_48 = tpu.memref_squeeze %dma_wait3A_47 : memref<1x128xi32, #tpu.memory_space<vmem>> -> memref<128xi32, #tpu.memory_space<vmem>>
    %dma_wait3A_49 = arith.constant 0 : i32
    %dma_wait3A_50 = arith.constant 0 : i32
    %dma_wait3A_51 = tpu.memref_slice %arg2[%dma_wait3A_49, %dma_wait3A_50] : memref<10000x128xf32, #tpu.memory_space<hbm>> -> memref<10000x128xf32, #tpu.memory_space<hbm>>
    tpu.wait_indirect_dma semaphore(%arg12 : memref<!tpu.dma_semaphore, #tpu.memory_space<semaphore_mem>>) src(%dma_wait3A_51 : memref<10000x128xf32, #tpu.memory_space<hbm>>) dst(%arg10 : memref<128x128xf32, #tpu.memory_space<vmem>>)
    %run_scoped3A = arith.constant 38 : i32
    "tpu.region"() ({
      %run_scoped3A_57 = tpu.sem_alloc : memref<!tpu.dma_semaphore, #tpu.memory_space<semaphore_mem>>
      %dma_start3A_58 = arith.constant 0 : i32
      %dma_start3A_59 = tpu.memref_slice %arg9[%run_scoped3A, %dma_start3A_58] : memref<40x128xi32, #tpu.memory_space<vmem>> -> memref<1x128xi32, #tpu.memory_space<vmem>>
      %dma_start3A_60 = tpu.memref_squeeze %dma_start3A_59 : memref<1x128xi32, #tpu.memory_space<vmem>> -> memref<128xi32, #tpu.memory_space<vmem>>
      %dma_start3A_61 = arith.constant 0 : i32
      %dma_start3A_62 = arith.constant 0 : i32
      %dma_start3A_63 = tpu.memref_slice %arg7[%dma_start3A_61, %dma_start3A_62] : memref<10112x128xf32, #tpu.memory_space<vmem_shared>> -> memref<10112x128xf32, #tpu.memory_space<vmem_shared>>
      tpu.enqueue_indirect_dma source(%arg10 : memref<128x128xf32, #tpu.memory_space<vmem>>) target(%dma_start3A_63 : memref<10112x128xf32, #tpu.memory_space<vmem_shared>>) offsets(%dma_start3A_60 : memref<128xi32, #tpu.memory_space<vmem>>) semaphore(%run_scoped3A_57 : memref<!tpu.dma_semaphore, #tpu.memory_space<semaphore_mem>>) {add = true}
      %dma_wait3A_64 = arith.constant 0 : i32
      %dma_wait3A_65 = tpu.memref_slice %arg9[%run_scoped3A, %dma_wait3A_64] : memref<40x128xi32, #tpu.memory_space<vmem>> -> memref<1x128xi32, #tpu.memory_space<vmem>>
      %dma_wait3A_66 = tpu.memref_squeeze %dma_wait3A_65 : memref<1x128xi32, #tpu.memory_space<vmem>> -> memref<128xi32, #tpu.memory_space<vmem>>
      %dma_wait3A_67 = arith.constant 0 : i32
      %dma_wait3A_68 = arith.constant 0 : i32
      %dma_wait3A_69 = tpu.memref_slice %arg7[%dma_wait3A_67, %dma_wait3A_68] : memref<10112x128xf32, #tpu.memory_space<vmem_shared>> -> memref<10112x128xf32, #tpu.memory_space<vmem_shared>>
      tpu.wait_indirect_dma semaphore(%run_scoped3A_57 : memref<!tpu.dma_semaphore, #tpu.memory_space<semaphore_mem>>) src(%arg10 : memref<128x128xf32, #tpu.memory_space<vmem>>) dst(%dma_wait3A_69 : memref<10112x128xf32, #tpu.memory_space<vmem_shared>>)
      tpu.yield
    }) : () -> ()
    %barrier3A_52 = arith.constant 0 : index
    tpu.barrier barrier_id(%barrier3A_52)
    %mul3A_53 = arith.constant 632 : i32
    %mul3A_54 = arith.muli %arg1, %mul3A_53 : i32
    %mul3A_55 = arith.constant 632 : i32
    %mul3A_56 = arith.muli %arg1, %mul3A_55 : i32
    "tpu.region"() ({
      %run_scoped3A_57 = tpu.sem_alloc : memref<!tpu.dma_semaphore, #tpu.memory_space<semaphore_mem>>
      %dma_start3A_58 = arith.constant 0 : i32
      %dma_start3A_59 = tpu.memref_slice %arg6[%arg0, %mul3A_56, %dma_start3A_58] : memref<2x10112x128xf32, #tpu.memory_space<hbm>> -> memref<1x632x128xf32, #tpu.memory_space<hbm>>
      %dma_start3A_60 = tpu.memref_squeeze %dma_start3A_59 : memref<1x632x128xf32, #tpu.memory_space<hbm>> -> memref<632x128xf32, #tpu.memory_space<hbm>>
      %dma_start3A_61 = arith.constant 0 : i32
      %dma_start3A_62 = tpu.memref_slice %arg7[%mul3A_54, %dma_start3A_61] : memref<10112x128xf32, #tpu.memory_space<vmem_shared>> -> memref<632x128xf32, #tpu.memory_space<vmem_shared>>
      tpu.enqueue_dma source(%dma_start3A_62 : memref<632x128xf32, #tpu.memory_space<vmem_shared>>) target(%dma_start3A_60 : memref<632x128xf32, #tpu.memory_space<hbm>>) target_semaphore(%run_scoped3A_57 : memref<!tpu.dma_semaphore, #tpu.memory_space<semaphore_mem>>)
      %dma_wait3A_63 = arith.constant 0 : i32
      %dma_wait3A_64 = tpu.memref_slice %arg6[%arg0, %mul3A_56, %dma_wait3A_63] : memref<2x10112x128xf32, #tpu.memory_space<hbm>> -> memref<1x632x128xf32, #tpu.memory_space<hbm>>
      %dma_wait3A_65 = tpu.memref_squeeze %dma_wait3A_64 : memref<1x632x128xf32, #tpu.memory_space<hbm>> -> memref<632x128xf32, #tpu.memory_space<hbm>>
      %dma_wait3A_66 = arith.constant 0 : i32
      %dma_wait3A_67 = tpu.memref_slice %arg7[%mul3A_54, %dma_wait3A_66] : memref<10112x128xf32, #tpu.memory_space<vmem_shared>> -> memref<632x128xf32, #tpu.memory_space<vmem_shared>>
      tpu.wait_dma2 semaphore(%run_scoped3A_57 : memref<!tpu.dma_semaphore, #tpu.memory_space<semaphore_mem>>) src(%dma_wait3A_67 : memref<632x128xf32, #tpu.memory_space<vmem_shared>>) dst(%dma_wait3A_65 : memref<632x128xf32, #tpu.memory_space<hbm>>)
      tpu.yield
    }) : () -> ()
    return
  }
}

#map = affine_map<(d0, d1) -> (0, 0)>
#map1 = affine_map<(d0, d1) -> (0, 0, 0)>
module attributes {stable_mosaic.version = 14 : i64} {
  func.func @_pairsum(%arg0: i32, %arg1: i32, %arg2: memref<10000x128xf32, #tpu.memory_space<hbm>>, %arg3: memref<10000x128xf32, #tpu.memory_space<hbm>>, %arg4: memref<32x79x128xi32, #tpu.memory_space<hbm>>, %arg5: memref<32x79x128xi32, #tpu.memory_space<hbm>>, %arg6: memref<323584x128xf32, #tpu.memory_space<hbm>>, %arg7: memref<79x128xi32, #tpu.memory_space<vmem>>, %arg8: memref<79x128xi32, #tpu.memory_space<vmem>>, %arg9: memref<128x128xf32, #tpu.memory_space<vmem>>, %arg10: memref<128x128xf32, #tpu.memory_space<vmem>>, %arg11: memref<128x128xf32, #tpu.memory_space<vmem>>, %arg12: memref<!tpu.dma_semaphore, #tpu.memory_space<semaphore_mem>>, %arg13: memref<!tpu.dma_semaphore, #tpu.memory_space<semaphore_mem>>, %arg14: memref<!tpu.dma_semaphore, #tpu.memory_space<semaphore_mem>>, %arg15: memref<!tpu.dma_semaphore, #tpu.memory_space<semaphore_mem>>) attributes {dimension_semantics = [#tpu.dimension_semantics<core_parallel>, #tpu.dimension_semantics<subcore_parallel>], iteration_bounds = array<i64: 2, 16>, scalar_prefetch = 0 : i64, scratch_operands = 9 : i64, tpu.core_type = #tpu.core_type<sc_vector_subcore>, window_params = [{transform_indices = #map}, {transform_indices = #map}, {transform_indices = #map1}, {transform_indices = #map1}, {transform_indices = #map}]} {
    %mul3A = arith.constant 2 : i32
    %mul3A_0 = arith.muli %arg1, %mul3A : i32
    %add3A = arith.addi %mul3A_0, %arg0 : i32
    %mul3A_1 = arith.constant 79 : i32
    %mul3A_2 = arith.muli %add3A, %mul3A_1 : i32
    "tpu.region"() ({
      %run_scoped3A = tpu.sem_alloc : memref<!tpu.dma_semaphore, #tpu.memory_space<semaphore_mem>>
      %dma_start3A_50 = arith.constant 0 : i32
      %dma_start3A_51 = arith.constant 0 : i32
      %dma_start3A_52 = tpu.memref_slice %arg4[%add3A, %dma_start3A_50, %dma_start3A_51] : memref<32x79x128xi32, #tpu.memory_space<hbm>> -> memref<1x79x128xi32, #tpu.memory_space<hbm>>
      %dma_start3A_53 = tpu.memref_squeeze %dma_start3A_52 : memref<1x79x128xi32, #tpu.memory_space<hbm>> -> memref<79x128xi32, #tpu.memory_space<hbm>>
      %dma_start3A_54 = arith.constant 0 : i32
      %dma_start3A_55 = arith.constant 0 : i32
      %dma_start3A_56 = tpu.memref_slice %arg4[%add3A, %dma_start3A_54, %dma_start3A_55] : memref<32x79x128xi32, #tpu.memory_space<hbm>> -> memref<1x79x128xi32, #tpu.memory_space<hbm>>
      %dma_start3A_57 = tpu.memref_squeeze %dma_start3A_56 : memref<1x79x128xi32, #tpu.memory_space<hbm>> -> memref<79x128xi32, #tpu.memory_space<hbm>>
      tpu.enqueue_dma source(%dma_start3A_57 : memref<79x128xi32, #tpu.memory_space<hbm>>) target(%arg7 : memref<79x128xi32, #tpu.memory_space<vmem>>) target_semaphore(%run_scoped3A : memref<!tpu.dma_semaphore, #tpu.memory_space<semaphore_mem>>)
      %dma_wait3A_58 = arith.constant 0 : i32
      %dma_wait3A_59 = arith.constant 0 : i32
      %dma_wait3A_60 = tpu.memref_slice %arg4[%add3A, %dma_wait3A_58, %dma_wait3A_59] : memref<32x79x128xi32, #tpu.memory_space<hbm>> -> memref<1x79x128xi32, #tpu.memory_space<hbm>>
      %dma_wait3A_61 = tpu.memref_squeeze %dma_wait3A_60 : memref<1x79x128xi32, #tpu.memory_space<hbm>> -> memref<79x128xi32, #tpu.memory_space<hbm>>
      %dma_wait3A_62 = arith.constant 0 : i32
      %dma_wait3A_63 = arith.constant 0 : i32
      %dma_wait3A_64 = tpu.memref_slice %arg4[%add3A, %dma_wait3A_62, %dma_wait3A_63] : memref<32x79x128xi32, #tpu.memory_space<hbm>> -> memref<1x79x128xi32, #tpu.memory_space<hbm>>
      %dma_wait3A_65 = tpu.memref_squeeze %dma_wait3A_64 : memref<1x79x128xi32, #tpu.memory_space<hbm>> -> memref<79x128xi32, #tpu.memory_space<hbm>>
      tpu.wait_dma2 semaphore(%run_scoped3A : memref<!tpu.dma_semaphore, #tpu.memory_space<semaphore_mem>>) src(%dma_wait3A_65 : memref<79x128xi32, #tpu.memory_space<hbm>>) dst(%arg7 : memref<79x128xi32, #tpu.memory_space<vmem>>)
      tpu.yield
    }) : () -> ()
    "tpu.region"() ({
      %run_scoped3A = tpu.sem_alloc : memref<!tpu.dma_semaphore, #tpu.memory_space<semaphore_mem>>
      %dma_start3A_50 = arith.constant 0 : i32
      %dma_start3A_51 = arith.constant 0 : i32
      %dma_start3A_52 = tpu.memref_slice %arg5[%add3A, %dma_start3A_50, %dma_start3A_51] : memref<32x79x128xi32, #tpu.memory_space<hbm>> -> memref<1x79x128xi32, #tpu.memory_space<hbm>>
      %dma_start3A_53 = tpu.memref_squeeze %dma_start3A_52 : memref<1x79x128xi32, #tpu.memory_space<hbm>> -> memref<79x128xi32, #tpu.memory_space<hbm>>
      %dma_start3A_54 = arith.constant 0 : i32
      %dma_start3A_55 = arith.constant 0 : i32
      %dma_start3A_56 = tpu.memref_slice %arg5[%add3A, %dma_start3A_54, %dma_start3A_55] : memref<32x79x128xi32, #tpu.memory_space<hbm>> -> memref<1x79x128xi32, #tpu.memory_space<hbm>>
      %dma_start3A_57 = tpu.memref_squeeze %dma_start3A_56 : memref<1x79x128xi32, #tpu.memory_space<hbm>> -> memref<79x128xi32, #tpu.memory_space<hbm>>
      tpu.enqueue_dma source(%dma_start3A_57 : memref<79x128xi32, #tpu.memory_space<hbm>>) target(%arg8 : memref<79x128xi32, #tpu.memory_space<vmem>>) target_semaphore(%run_scoped3A : memref<!tpu.dma_semaphore, #tpu.memory_space<semaphore_mem>>)
      %dma_wait3A_58 = arith.constant 0 : i32
      %dma_wait3A_59 = arith.constant 0 : i32
      %dma_wait3A_60 = tpu.memref_slice %arg5[%add3A, %dma_wait3A_58, %dma_wait3A_59] : memref<32x79x128xi32, #tpu.memory_space<hbm>> -> memref<1x79x128xi32, #tpu.memory_space<hbm>>
      %dma_wait3A_61 = tpu.memref_squeeze %dma_wait3A_60 : memref<1x79x128xi32, #tpu.memory_space<hbm>> -> memref<79x128xi32, #tpu.memory_space<hbm>>
      %dma_wait3A_62 = arith.constant 0 : i32
      %dma_wait3A_63 = arith.constant 0 : i32
      %dma_wait3A_64 = tpu.memref_slice %arg5[%add3A, %dma_wait3A_62, %dma_wait3A_63] : memref<32x79x128xi32, #tpu.memory_space<hbm>> -> memref<1x79x128xi32, #tpu.memory_space<hbm>>
      %dma_wait3A_65 = tpu.memref_squeeze %dma_wait3A_64 : memref<1x79x128xi32, #tpu.memory_space<hbm>> -> memref<79x128xi32, #tpu.memory_space<hbm>>
      tpu.wait_dma2 semaphore(%run_scoped3A : memref<!tpu.dma_semaphore, #tpu.memory_space<semaphore_mem>>) src(%dma_wait3A_65 : memref<79x128xi32, #tpu.memory_space<hbm>>) dst(%arg8 : memref<79x128xi32, #tpu.memory_space<vmem>>)
      tpu.yield
    }) : () -> ()
    %scan3A = arith.constant 0 : i32
    %scan3A_3 = arith.constant 39 : i32
    %scan3A_4 = arith.addi %scan3A, %scan3A_3 : i32
    %scan3A_5 = arith.constant 1 : i32
    scf.for %scan3A_50 = %scan3A to %scan3A_4 step %scan3A_5  : i32 {
      %mul3A_51 = arith.constant 1 : i32
      %mul3A_52 = arith.muli %scan3A_50, %mul3A_51 : i32
      %add3A_53 = arith.constant 0 : i32
      %add3A_54 = arith.addi %add3A_53, %mul3A_52 : i32
      %mul3A_55 = arith.constant 2 : i32
      %mul3A_56 = arith.muli %add3A_54, %mul3A_55 : i32
      %dma_start3A_57 = arith.constant 0 : i32
      %dma_start3A_58 = tpu.memref_slice %arg7[%mul3A_56, %dma_start3A_57] : memref<79x128xi32, #tpu.memory_space<vmem>> -> memref<1x128xi32, #tpu.memory_space<vmem>>
      %dma_start3A_59 = tpu.memref_squeeze %dma_start3A_58 : memref<1x128xi32, #tpu.memory_space<vmem>> -> memref<128xi32, #tpu.memory_space<vmem>>
      %dma_start3A_60 = arith.constant 0 : i32
      %dma_start3A_61 = arith.constant 0 : i32
      %dma_start3A_62 = tpu.memref_slice %arg2[%dma_start3A_60, %dma_start3A_61] : memref<10000x128xf32, #tpu.memory_space<hbm>> -> memref<10000x128xf32, #tpu.memory_space<hbm>>
      tpu.enqueue_indirect_dma source(%dma_start3A_62 : memref<10000x128xf32, #tpu.memory_space<hbm>>) target(%arg9 : memref<128x128xf32, #tpu.memory_space<vmem>>) offsets(%dma_start3A_59 : memref<128xi32, #tpu.memory_space<vmem>>) semaphore(%arg12 : memref<!tpu.dma_semaphore, #tpu.memory_space<semaphore_mem>>)
      %dma_start3A_63 = arith.constant 0 : i32
      %dma_start3A_64 = tpu.memref_slice %arg8[%mul3A_56, %dma_start3A_63] : memref<79x128xi32, #tpu.memory_space<vmem>> -> memref<1x128xi32, #tpu.memory_space<vmem>>
      %dma_start3A_65 = tpu.memref_squeeze %dma_start3A_64 : memref<1x128xi32, #tpu.memory_space<vmem>> -> memref<128xi32, #tpu.memory_space<vmem>>
      %dma_start3A_66 = arith.constant 0 : i32
      %dma_start3A_67 = arith.constant 0 : i32
      %dma_start3A_68 = tpu.memref_slice %arg3[%dma_start3A_66, %dma_start3A_67] : memref<10000x128xf32, #tpu.memory_space<hbm>> -> memref<10000x128xf32, #tpu.memory_space<hbm>>
      tpu.enqueue_indirect_dma source(%dma_start3A_68 : memref<10000x128xf32, #tpu.memory_space<hbm>>) target(%arg11 : memref<128x128xf32, #tpu.memory_space<vmem>>) offsets(%dma_start3A_65 : memref<128xi32, #tpu.memory_space<vmem>>) semaphore(%arg13 : memref<!tpu.dma_semaphore, #tpu.memory_space<semaphore_mem>>)
      %dma_wait3A_69 = arith.constant 0 : i32
      %dma_wait3A_70 = tpu.memref_slice %arg7[%mul3A_56, %dma_wait3A_69] : memref<79x128xi32, #tpu.memory_space<vmem>> -> memref<1x128xi32, #tpu.memory_space<vmem>>
      %dma_wait3A_71 = tpu.memref_squeeze %dma_wait3A_70 : memref<1x128xi32, #tpu.memory_space<vmem>> -> memref<128xi32, #tpu.memory_space<vmem>>
      %dma_wait3A_72 = arith.constant 0 : i32
      %dma_wait3A_73 = arith.constant 0 : i32
      %dma_wait3A_74 = tpu.memref_slice %arg2[%dma_wait3A_72, %dma_wait3A_73] : memref<10000x128xf32, #tpu.memory_space<hbm>> -> memref<10000x128xf32, #tpu.memory_space<hbm>>
      tpu.wait_indirect_dma semaphore(%arg12 : memref<!tpu.dma_semaphore, #tpu.memory_space<semaphore_mem>>) src(%dma_wait3A_74 : memref<10000x128xf32, #tpu.memory_space<hbm>>) dst(%arg9 : memref<128x128xf32, #tpu.memory_space<vmem>>)
      %dma_wait3A_75 = arith.constant 0 : i32
      %dma_wait3A_76 = tpu.memref_slice %arg8[%mul3A_56, %dma_wait3A_75] : memref<79x128xi32, #tpu.memory_space<vmem>> -> memref<1x128xi32, #tpu.memory_space<vmem>>
      %dma_wait3A_77 = tpu.memref_squeeze %dma_wait3A_76 : memref<1x128xi32, #tpu.memory_space<vmem>> -> memref<128xi32, #tpu.memory_space<vmem>>
      %dma_wait3A_78 = arith.constant 0 : i32
      %dma_wait3A_79 = arith.constant 0 : i32
      %dma_wait3A_80 = tpu.memref_slice %arg3[%dma_wait3A_78, %dma_wait3A_79] : memref<10000x128xf32, #tpu.memory_space<hbm>> -> memref<10000x128xf32, #tpu.memory_space<hbm>>
      tpu.wait_indirect_dma semaphore(%arg13 : memref<!tpu.dma_semaphore, #tpu.memory_space<semaphore_mem>>) src(%dma_wait3A_80 : memref<10000x128xf32, #tpu.memory_space<hbm>>) dst(%arg11 : memref<128x128xf32, #tpu.memory_space<vmem>>)
      %gt3A = arith.constant 0 : i32
      %gt3A_81 = arith.cmpi sgt, %add3A_54, %gt3A : i32
      %convert_element_type3A = arith.extui %gt3A_81 : i1 to i32
      %cond3A = arith.constant 0 : i32
      %cond3A_82 = arith.cmpi ne, %convert_element_type3A, %cond3A : i32
      scf.if %cond3A_82 {
        %sub3A = arith.constant 1 : i32
        %sub3A_144 = arith.subi %mul3A_56, %sub3A : i32
        %add3A_145 = arith.addi %mul3A_2, %sub3A_144 : i32
        %mul3A_146 = arith.constant 128 : i32
        %mul3A_147 = arith.muli %add3A_145, %mul3A_146 : i32
        %dma_wait3A_148 = arith.constant 0 : i32
        %dma_wait3A_149 = tpu.memref_slice %arg6[%mul3A_147, %dma_wait3A_148] : memref<323584x128xf32, #tpu.memory_space<hbm>> -> memref<128x128xf32, #tpu.memory_space<hbm>>
        %dma_wait3A_150 = arith.constant 0 : i32
        %dma_wait3A_151 = tpu.memref_slice %arg6[%mul3A_147, %dma_wait3A_150] : memref<323584x128xf32, #tpu.memory_space<hbm>> -> memref<128x128xf32, #tpu.memory_space<hbm>>
        tpu.wait_dma2 semaphore(%arg15 : memref<!tpu.dma_semaphore, #tpu.memory_space<semaphore_mem>>) src(%arg10 : memref<128x128xf32, #tpu.memory_space<vmem>>) dst(%dma_wait3A_151 : memref<128x128xf32, #tpu.memory_space<hbm>>)
      } else {
      }
      %scan3A_83 = arith.constant 0 : i32
      %scan3A_84 = arith.constant 128 : i32
      %scan3A_85 = arith.addi %scan3A_83, %scan3A_84 : i32
      %scan3A_86 = arith.constant 1 : i32
      scf.for %scan3A_144 = %scan3A_83 to %scan3A_85 step %scan3A_86  : i32 {
        %mul3A_145 = arith.constant 1 : i32
        %mul3A_146 = arith.muli %scan3A_144, %mul3A_145 : i32
        %add3A_147 = arith.constant 0 : i32
        %add3A_148 = arith.addi %add3A_147, %mul3A_146 : i32
        %get3A = arith.index_cast %add3A_148 : i32 to index
        %get3A_149 = arith.constant 0 : index
        %get3A_150 = tpu.vector_load %arg9[%get3A, %get3A_149] {strides = array<i32>} : memref<128x128xf32, #tpu.memory_space<vmem>>, vector<1x16xf32>,
        %get3A_151 = vector.shape_cast %get3A_150 : vector<1x16xf32> to vector<16xf32>
        %get3A_152 = arith.index_cast %add3A_148 : i32 to index
        %get3A_153 = arith.constant 0 : index
        %get3A_154 = tpu.vector_load %arg11[%get3A_152, %get3A_153] {strides = array<i32>} : memref<128x128xf32, #tpu.memory_space<vmem>>, vector<1x16xf32>,
        %get3A_155 = vector.shape_cast %get3A_154 : vector<1x16xf32> to vector<16xf32>
        %add3A_156 = arith.addf %get3A_151, %get3A_155 : vector<16xf32>
        %swap3A = arith.index_cast %add3A_148 : i32 to index
        %swap3A_157 = arith.constant 0 : index
        %swap3A_158 = tpu.vector_load %arg9[%swap3A, %swap3A_157] {strides = array<i32>} : memref<128x128xf32, #tpu.memory_space<vmem>>, vector<1x16xf32>,
        %swap3A_159 = vector.shape_cast %swap3A_158 : vector<1x16xf32> to vector<16xf32>
        %swap3A_160 = vector.shape_cast %add3A_156 : vector<16xf32> to vector<1x16xf32>
        tpu.vector_store %arg9[%swap3A, %swap3A_157], %swap3A_160 {strides = array<i32>} : memref<128x128xf32, #tpu.memory_space<vmem>>, vector<1x16xf32>,
        %get3A_161 = arith.index_cast %add3A_148 : i32 to index
        %get3A_162 = arith.constant 16 : index
        %get3A_163 = tpu.vector_load %arg9[%get3A_161, %get3A_162] {strides = array<i32>} : memref<128x128xf32, #tpu.memory_space<vmem>>, vector<1x16xf32>,
        %get3A_164 = vector.shape_cast %get3A_163 : vector<1x16xf32> to vector<16xf32>
        %get3A_165 = arith.index_cast %add3A_148 : i32 to index
        %get3A_166 = arith.constant 16 : index
        %get3A_167 = tpu.vector_load %arg11[%get3A_165, %get3A_166] {strides = array<i32>} : memref<128x128xf32, #tpu.memory_space<vmem>>, vector<1x16xf32>,
        %get3A_168 = vector.shape_cast %get3A_167 : vector<1x16xf32> to vector<16xf32>
        %add3A_169 = arith.addf %get3A_164, %get3A_168 : vector<16xf32>
        %swap3A_170 = arith.index_cast %add3A_148 : i32 to index
        %swap3A_171 = arith.constant 16 : index
        %swap3A_172 = tpu.vector_load %arg9[%swap3A_170, %swap3A_171] {strides = array<i32>} : memref<128x128xf32, #tpu.memory_space<vmem>>, vector<1x16xf32>,
        %swap3A_173 = vector.shape_cast %swap3A_172 : vector<1x16xf32> to vector<16xf32>
        %swap3A_174 = vector.shape_cast %add3A_169 : vector<16xf32> to vector<1x16xf32>
        tpu.vector_store %arg9[%swap3A_170, %swap3A_171], %swap3A_174 {strides = array<i32>} : memref<128x128xf32, #tpu.memory_space<vmem>>, vector<1x16xf32>,
        %get3A_175 = arith.index_cast %add3A_148 : i32 to index
        %get3A_176 = arith.constant 32 : index
        %get3A_177 = tpu.vector_load %arg9[%get3A_175, %get3A_176] {strides = array<i32>} : memref<128x128xf32, #tpu.memory_space<vmem>>, vector<1x16xf32>,
        %get3A_178 = vector.shape_cast %get3A_177 : vector<1x16xf32> to vector<16xf32>
        %get3A_179 = arith.index_cast %add3A_148 : i32 to index
        %get3A_180 = arith.constant 32 : index
        %get3A_181 = tpu.vector_load %arg11[%get3A_179, %get3A_180] {strides = array<i32>} : memref<128x128xf32, #tpu.memory_space<vmem>>, vector<1x16xf32>,
        %get3A_182 = vector.shape_cast %get3A_181 : vector<1x16xf32> to vector<16xf32>
        %add3A_183 = arith.addf %get3A_178, %get3A_182 : vector<16xf32>
        %swap3A_184 = arith.index_cast %add3A_148 : i32 to index
        %swap3A_185 = arith.constant 32 : index
        %swap3A_186 = tpu.vector_load %arg9[%swap3A_184, %swap3A_185] {strides = array<i32>} : memref<128x128xf32, #tpu.memory_space<vmem>>, vector<1x16xf32>,
        %swap3A_187 = vector.shape_cast %swap3A_186 : vector<1x16xf32> to vector<16xf32>
        %swap3A_188 = vector.shape_cast %add3A_183 : vector<16xf32> to vector<1x16xf32>
        tpu.vector_store %arg9[%swap3A_184, %swap3A_185], %swap3A_188 {strides = array<i32>} : memref<128x128xf32, #tpu.memory_space<vmem>>, vector<1x16xf32>,
        %get3A_189 = arith.index_cast %add3A_148 : i32 to index
        %get3A_190 = arith.constant 48 : index
        %get3A_191 = tpu.vector_load %arg9[%get3A_189, %get3A_190] {strides = array<i32>} : memref<128x128xf32, #tpu.memory_space<vmem>>, vector<1x16xf32>,
        %get3A_192 = vector.shape_cast %get3A_191 : vector<1x16xf32> to vector<16xf32>
        %get3A_193 = arith.index_cast %add3A_148 : i32 to index
        %get3A_194 = arith.constant 48 : index
        %get3A_195 = tpu.vector_load %arg11[%get3A_193, %get3A_194] {strides = array<i32>} : memref<128x128xf32, #tpu.memory_space<vmem>>, vector<1x16xf32>,
        %get3A_196 = vector.shape_cast %get3A_195 : vector<1x16xf32> to vector<16xf32>
        %add3A_197 = arith.addf %get3A_192, %get3A_196 : vector<16xf32>
        %swap3A_198 = arith.index_cast %add3A_148 : i32 to index
        %swap3A_199 = arith.constant 48 : index
        %swap3A_200 = tpu.vector_load %arg9[%swap3A_198, %swap3A_199] {strides = array<i32>} : memref<128x128xf32, #tpu.memory_space<vmem>>, vector<1x16xf32>,
        %swap3A_201 = vector.shape_cast %swap3A_200 : vector<1x16xf32> to vector<16xf32>
        %swap3A_202 = vector.shape_cast %add3A_197 : vector<16xf32> to vector<1x16xf32>
        tpu.vector_store %arg9[%swap3A_198, %swap3A_199], %swap3A_202 {strides = array<i32>} : memref<128x128xf32, #tpu.memory_space<vmem>>, vector<1x16xf32>,
        %get3A_203 = arith.index_cast %add3A_148 : i32 to index
        %get3A_204 = arith.constant 64 : index
        %get3A_205 = tpu.vector_load %arg9[%get3A_203, %get3A_204] {strides = array<i32>} : memref<128x128xf32, #tpu.memory_space<vmem>>, vector<1x16xf32>,
        %get3A_206 = vector.shape_cast %get3A_205 : vector<1x16xf32> to vector<16xf32>
        %get3A_207 = arith.index_cast %add3A_148 : i32 to index
        %get3A_208 = arith.constant 64 : index
        %get3A_209 = tpu.vector_load %arg11[%get3A_207, %get3A_208] {strides = array<i32>} : memref<128x128xf32, #tpu.memory_space<vmem>>, vector<1x16xf32>,
        %get3A_210 = vector.shape_cast %get3A_209 : vector<1x16xf32> to vector<16xf32>
        %add3A_211 = arith.addf %get3A_206, %get3A_210 : vector<16xf32>
        %swap3A_212 = arith.index_cast %add3A_148 : i32 to index
        %swap3A_213 = arith.constant 64 : index
        %swap3A_214 = tpu.vector_load %arg9[%swap3A_212, %swap3A_213] {strides = array<i32>} : memref<128x128xf32, #tpu.memory_space<vmem>>, vector<1x16xf32>,
        %swap3A_215 = vector.shape_cast %swap3A_214 : vector<1x16xf32> to vector<16xf32>
        %swap3A_216 = vector.shape_cast %add3A_211 : vector<16xf32> to vector<1x16xf32>
        tpu.vector_store %arg9[%swap3A_212, %swap3A_213], %swap3A_216 {strides = array<i32>} : memref<128x128xf32, #tpu.memory_space<vmem>>, vector<1x16xf32>,
        %get3A_217 = arith.index_cast %add3A_148 : i32 to index
        %get3A_218 = arith.constant 80 : index
        %get3A_219 = tpu.vector_load %arg9[%get3A_217, %get3A_218] {strides = array<i32>} : memref<128x128xf32, #tpu.memory_space<vmem>>, vector<1x16xf32>,
        %get3A_220 = vector.shape_cast %get3A_219 : vector<1x16xf32> to vector<16xf32>
        %get3A_221 = arith.index_cast %add3A_148 : i32 to index
        %get3A_222 = arith.constant 80 : index
        %get3A_223 = tpu.vector_load %arg11[%get3A_221, %get3A_222] {strides = array<i32>} : memref<128x128xf32, #tpu.memory_space<vmem>>, vector<1x16xf32>,
        %get3A_224 = vector.shape_cast %get3A_223 : vector<1x16xf32> to vector<16xf32>
        %add3A_225 = arith.addf %get3A_220, %get3A_224 : vector<16xf32>
        %swap3A_226 = arith.index_cast %add3A_148 : i32 to index
        %swap3A_227 = arith.constant 80 : index
        %swap3A_228 = tpu.vector_load %arg9[%swap3A_226, %swap3A_227] {strides = array<i32>} : memref<128x128xf32, #tpu.memory_space<vmem>>, vector<1x16xf32>,
        %swap3A_229 = vector.shape_cast %swap3A_228 : vector<1x16xf32> to vector<16xf32>
        %swap3A_230 = vector.shape_cast %add3A_225 : vector<16xf32> to vector<1x16xf32>
        tpu.vector_store %arg9[%swap3A_226, %swap3A_227], %swap3A_230 {strides = array<i32>} : memref<128x128xf32, #tpu.memory_space<vmem>>, vector<1x16xf32>,
        %get3A_231 = arith.index_cast %add3A_148 : i32 to index
        %get3A_232 = arith.constant 96 : index
        %get3A_233 = tpu.vector_load %arg9[%get3A_231, %get3A_232] {strides = array<i32>} : memref<128x128xf32, #tpu.memory_space<vmem>>, vector<1x16xf32>,
        %get3A_234 = vector.shape_cast %get3A_233 : vector<1x16xf32> to vector<16xf32>
        %get3A_235 = arith.index_cast %add3A_148 : i32 to index
        %get3A_236 = arith.constant 96 : index
        %get3A_237 = tpu.vector_load %arg11[%get3A_235, %get3A_236] {strides = array<i32>} : memref<128x128xf32, #tpu.memory_space<vmem>>, vector<1x16xf32>,
        %get3A_238 = vector.shape_cast %get3A_237 : vector<1x16xf32> to vector<16xf32>
        %add3A_239 = arith.addf %get3A_234, %get3A_238 : vector<16xf32>
        %swap3A_240 = arith.index_cast %add3A_148 : i32 to index
        %swap3A_241 = arith.constant 96 : index
        %swap3A_242 = tpu.vector_load %arg9[%swap3A_240, %swap3A_241] {strides = array<i32>} : memref<128x128xf32, #tpu.memory_space<vmem>>, vector<1x16xf32>,
        %swap3A_243 = vector.shape_cast %swap3A_242 : vector<1x16xf32> to vector<16xf32>
        %swap3A_244 = vector.shape_cast %add3A_239 : vector<16xf32> to vector<1x16xf32>
        tpu.vector_store %arg9[%swap3A_240, %swap3A_241], %swap3A_244 {strides = array<i32>} : memref<128x128xf32, #tpu.memory_space<vmem>>, vector<1x16xf32>,
        %get3A_245 = arith.index_cast %add3A_148 : i32 to index
        %get3A_246 = arith.constant 112 : index
        %get3A_247 = tpu.vector_load %arg9[%get3A_245, %get3A_246] {strides = array<i32>} : memref<128x128xf32, #tpu.memory_space<vmem>>, vector<1x16xf32>,
        %get3A_248 = vector.shape_cast %get3A_247 : vector<1x16xf32> to vector<16xf32>
        %get3A_249 = arith.index_cast %add3A_148 : i32 to index
        %get3A_250 = arith.constant 112 : index
        %get3A_251 = tpu.vector_load %arg11[%get3A_249, %get3A_250] {strides = array<i32>} : memref<128x128xf32, #tpu.memory_space<vmem>>, vector<1x16xf32>,
        %get3A_252 = vector.shape_cast %get3A_251 : vector<1x16xf32> to vector<16xf32>
        %add3A_253 = arith.addf %get3A_248, %get3A_252 : vector<16xf32>
        %swap3A_254 = arith.index_cast %add3A_148 : i32 to index
        %swap3A_255 = arith.constant 112 : index
        %swap3A_256 = tpu.vector_load %arg9[%swap3A_254, %swap3A_255] {strides = array<i32>} : memref<128x128xf32, #tpu.memory_space<vmem>>, vector<1x16xf32>,
        %swap3A_257 = vector.shape_cast %swap3A_256 : vector<1x16xf32> to vector<16xf32>
        %swap3A_258 = vector.shape_cast %add3A_253 : vector<16xf32> to vector<1x16xf32>
        tpu.vector_store %arg9[%swap3A_254, %swap3A_255], %swap3A_258 {strides = array<i32>} : memref<128x128xf32, #tpu.memory_space<vmem>>, vector<1x16xf32>,
      }
      %scan3A_87 = arith.constant 128 : i32
      %add3A_88 = arith.addi %mul3A_2, %mul3A_56 : i32
      %mul3A_89 = arith.constant 128 : i32
      %mul3A_90 = arith.muli %add3A_88, %mul3A_89 : i32
      %dma_start3A_91 = arith.constant 0 : i32
      %dma_start3A_92 = tpu.memref_slice %arg6[%mul3A_90, %dma_start3A_91] : memref<323584x128xf32, #tpu.memory_space<hbm>> -> memref<128x128xf32, #tpu.memory_space<hbm>>
      %dma_start3A_93 = arith.constant 0 : i32
      %dma_start3A_94 = tpu.memref_slice %arg6[%mul3A_90, %dma_start3A_93] : memref<323584x128xf32, #tpu.memory_space<hbm>> -> memref<128x128xf32, #tpu.memory_space<hbm>>
      tpu.enqueue_dma source(%arg9 : memref<128x128xf32, #tpu.memory_space<vmem>>) target(%dma_start3A_94 : memref<128x128xf32, #tpu.memory_space<hbm>>) target_semaphore(%arg14 : memref<!tpu.dma_semaphore, #tpu.memory_space<semaphore_mem>>)
      %add3A_95 = arith.constant 1 : i32
      %add3A_96 = arith.addi %mul3A_56, %add3A_95 : i32
      %dma_start3A_97 = arith.constant 0 : i32
      %dma_start3A_98 = tpu.memref_slice %arg7[%add3A_96, %dma_start3A_97] : memref<79x128xi32, #tpu.memory_space<vmem>> -> memref<1x128xi32, #tpu.memory_space<vmem>>
      %dma_start3A_99 = tpu.memref_squeeze %dma_start3A_98 : memref<1x128xi32, #tpu.memory_space<vmem>> -> memref<128xi32, #tpu.memory_space<vmem>>
      %dma_start3A_100 = arith.constant 0 : i32
      %dma_start3A_101 = arith.constant 0 : i32
      %dma_start3A_102 = tpu.memref_slice %arg2[%dma_start3A_100, %dma_start3A_101] : memref<10000x128xf32, #tpu.memory_space<hbm>> -> memref<10000x128xf32, #tpu.memory_space<hbm>>
      tpu.enqueue_indirect_dma source(%dma_start3A_102 : memref<10000x128xf32, #tpu.memory_space<hbm>>) target(%arg10 : memref<128x128xf32, #tpu.memory_space<vmem>>) offsets(%dma_start3A_99 : memref<128xi32, #tpu.memory_space<vmem>>) semaphore(%arg12 : memref<!tpu.dma_semaphore, #tpu.memory_space<semaphore_mem>>)
      %add3A_103 = arith.constant 1 : i32
      %add3A_104 = arith.addi %mul3A_56, %add3A_103 : i32
      %dma_start3A_105 = arith.constant 0 : i32
      %dma_start3A_106 = tpu.memref_slice %arg8[%add3A_104, %dma_start3A_105] : memref<79x128xi32, #tpu.memory_space<vmem>> -> memref<1x128xi32, #tpu.memory_space<vmem>>
      %dma_start3A_107 = tpu.memref_squeeze %dma_start3A_106 : memref<1x128xi32, #tpu.memory_space<vmem>> -> memref<128xi32, #tpu.memory_space<vmem>>
      %dma_start3A_108 = arith.constant 0 : i32
      %dma_start3A_109 = arith.constant 0 : i32
      %dma_start3A_110 = tpu.memref_slice %arg3[%dma_start3A_108, %dma_start3A_109] : memref<10000x128xf32, #tpu.memory_space<hbm>> -> memref<10000x128xf32, #tpu.memory_space<hbm>>
      tpu.enqueue_indirect_dma source(%dma_start3A_110 : memref<10000x128xf32, #tpu.memory_space<hbm>>) target(%arg11 : memref<128x128xf32, #tpu.memory_space<vmem>>) offsets(%dma_start3A_107 : memref<128xi32, #tpu.memory_space<vmem>>) semaphore(%arg13 : memref<!tpu.dma_semaphore, #tpu.memory_space<semaphore_mem>>)
      %dma_wait3A_111 = arith.constant 0 : i32
      %dma_wait3A_112 = tpu.memref_slice %arg7[%add3A_96, %dma_wait3A_111] : memref<79x128xi32, #tpu.memory_space<vmem>> -> memref<1x128xi32, #tpu.memory_space<vmem>>
      %dma_wait3A_113 = tpu.memref_squeeze %dma_wait3A_112 : memref<1x128xi32, #tpu.memory_space<vmem>> -> memref<128xi32, #tpu.memory_space<vmem>>
      %dma_wait3A_114 = arith.constant 0 : i32
      %dma_wait3A_115 = arith.constant 0 : i32
      %dma_wait3A_116 = tpu.memref_slice %arg2[%dma_wait3A_114, %dma_wait3A_115] : memref<10000x128xf32, #tpu.memory_space<hbm>> -> memref<10000x128xf32, #tpu.memory_space<hbm>>
      tpu.wait_indirect_dma semaphore(%arg12 : memref<!tpu.dma_semaphore, #tpu.memory_space<semaphore_mem>>) src(%dma_wait3A_116 : memref<10000x128xf32, #tpu.memory_space<hbm>>) dst(%arg10 : memref<128x128xf32, #tpu.memory_space<vmem>>)
      %dma_wait3A_117 = arith.constant 0 : i32
      %dma_wait3A_118 = tpu.memref_slice %arg8[%add3A_104, %dma_wait3A_117] : memref<79x128xi32, #tpu.memory_space<vmem>> -> memref<1x128xi32, #tpu.memory_space<vmem>>
      %dma_wait3A_119 = tpu.memref_squeeze %dma_wait3A_118 : memref<1x128xi32, #tpu.memory_space<vmem>> -> memref<128xi32, #tpu.memory_space<vmem>>
      %dma_wait3A_120 = arith.constant 0 : i32
      %dma_wait3A_121 = arith.constant 0 : i32
      %dma_wait3A_122 = tpu.memref_slice %arg3[%dma_wait3A_120, %dma_wait3A_121] : memref<10000x128xf32, #tpu.memory_space<hbm>> -> memref<10000x128xf32, #tpu.memory_space<hbm>>
      tpu.wait_indirect_dma semaphore(%arg13 : memref<!tpu.dma_semaphore, #tpu.memory_space<semaphore_mem>>) src(%dma_wait3A_122 : memref<10000x128xf32, #tpu.memory_space<hbm>>) dst(%arg11 : memref<128x128xf32, #tpu.memory_space<vmem>>)
      %add3A_123 = arith.addi %mul3A_2, %mul3A_56 : i32
      %mul3A_124 = arith.constant 128 : i32
      %mul3A_125 = arith.muli %add3A_123, %mul3A_124 : i32
      %dma_wait3A_126 = arith.constant 0 : i32
      %dma_wait3A_127 = tpu.memref_slice %arg6[%mul3A_125, %dma_wait3A_126] : memref<323584x128xf32, #tpu.memory_space<hbm>> -> memref<128x128xf32, #tpu.memory_space<hbm>>
      %dma_wait3A_128 = arith.constant 0 : i32
      %dma_wait3A_129 = tpu.memref_slice %arg6[%mul3A_125, %dma_wait3A_128] : memref<323584x128xf32, #tpu.memory_space<hbm>> -> memref<128x128xf32, #tpu.memory_space<hbm>>
      tpu.wait_dma2 semaphore(%arg14 : memref<!tpu.dma_semaphore, #tpu.memory_space<semaphore_mem>>) src(%arg9 : memref<128x128xf32, #tpu.memory_space<vmem>>) dst(%dma_wait3A_129 : memref<128x128xf32, #tpu.memory_space<hbm>>)
      %scan3A_130 = arith.constant 0 : i32
      %scan3A_131 = arith.constant 128 : i32
      %scan3A_132 = arith.addi %scan3A_130, %scan3A_131 : i32
      %scan3A_133 = arith.constant 1 : i32
      scf.for %scan3A_144 = %scan3A_130 to %scan3A_132 step %scan3A_133  : i32 {
        %mul3A_145 = arith.constant 1 : i32
        %mul3A_146 = arith.muli %scan3A_144, %mul3A_145 : i32
        %add3A_147 = arith.constant 0 : i32
        %add3A_148 = arith.addi %add3A_147, %mul3A_146 : i32
        %get3A = arith.index_cast %add3A_148 : i32 to index
        %get3A_149 = arith.constant 0 : index
        %get3A_150 = tpu.vector_load %arg10[%get3A, %get3A_149] {strides = array<i32>} : memref<128x128xf32, #tpu.memory_space<vmem>>, vector<1x16xf32>,
        %get3A_151 = vector.shape_cast %get3A_150 : vector<1x16xf32> to vector<16xf32>
        %get3A_152 = arith.index_cast %add3A_148 : i32 to index
        %get3A_153 = arith.constant 0 : index
        %get3A_154 = tpu.vector_load %arg11[%get3A_152, %get3A_153] {strides = array<i32>} : memref<128x128xf32, #tpu.memory_space<vmem>>, vector<1x16xf32>,
        %get3A_155 = vector.shape_cast %get3A_154 : vector<1x16xf32> to vector<16xf32>
        %add3A_156 = arith.addf %get3A_151, %get3A_155 : vector<16xf32>
        %swap3A = arith.index_cast %add3A_148 : i32 to index
        %swap3A_157 = arith.constant 0 : index
        %swap3A_158 = tpu.vector_load %arg10[%swap3A, %swap3A_157] {strides = array<i32>} : memref<128x128xf32, #tpu.memory_space<vmem>>, vector<1x16xf32>,
        %swap3A_159 = vector.shape_cast %swap3A_158 : vector<1x16xf32> to vector<16xf32>
        %swap3A_160 = vector.shape_cast %add3A_156 : vector<16xf32> to vector<1x16xf32>
        tpu.vector_store %arg10[%swap3A, %swap3A_157], %swap3A_160 {strides = array<i32>} : memref<128x128xf32, #tpu.memory_space<vmem>>, vector<1x16xf32>,
        %get3A_161 = arith.index_cast %add3A_148 : i32 to index
        %get3A_162 = arith.constant 16 : index
        %get3A_163 = tpu.vector_load %arg10[%get3A_161, %get3A_162] {strides = array<i32>} : memref<128x128xf32, #tpu.memory_space<vmem>>, vector<1x16xf32>,
        %get3A_164 = vector.shape_cast %get3A_163 : vector<1x16xf32> to vector<16xf32>
        %get3A_165 = arith.index_cast %add3A_148 : i32 to index
        %get3A_166 = arith.constant 16 : index
        %get3A_167 = tpu.vector_load %arg11[%get3A_165, %get3A_166] {strides = array<i32>} : memref<128x128xf32, #tpu.memory_space<vmem>>, vector<1x16xf32>,
        %get3A_168 = vector.shape_cast %get3A_167 : vector<1x16xf32> to vector<16xf32>
        %add3A_169 = arith.addf %get3A_164, %get3A_168 : vector<16xf32>
        %swap3A_170 = arith.index_cast %add3A_148 : i32 to index
        %swap3A_171 = arith.constant 16 : index
        %swap3A_172 = tpu.vector_load %arg10[%swap3A_170, %swap3A_171] {strides = array<i32>} : memref<128x128xf32, #tpu.memory_space<vmem>>, vector<1x16xf32>,
        %swap3A_173 = vector.shape_cast %swap3A_172 : vector<1x16xf32> to vector<16xf32>
        %swap3A_174 = vector.shape_cast %add3A_169 : vector<16xf32> to vector<1x16xf32>
        tpu.vector_store %arg10[%swap3A_170, %swap3A_171], %swap3A_174 {strides = array<i32>} : memref<128x128xf32, #tpu.memory_space<vmem>>, vector<1x16xf32>,
        %get3A_175 = arith.index_cast %add3A_148 : i32 to index
        %get3A_176 = arith.constant 32 : index
        %get3A_177 = tpu.vector_load %arg10[%get3A_175, %get3A_176] {strides = array<i32>} : memref<128x128xf32, #tpu.memory_space<vmem>>, vector<1x16xf32>,
        %get3A_178 = vector.shape_cast %get3A_177 : vector<1x16xf32> to vector<16xf32>
        %get3A_179 = arith.index_cast %add3A_148 : i32 to index
        %get3A_180 = arith.constant 32 : index
        %get3A_181 = tpu.vector_load %arg11[%get3A_179, %get3A_180] {strides = array<i32>} : memref<128x128xf32, #tpu.memory_space<vmem>>, vector<1x16xf32>,
        %get3A_182 = vector.shape_cast %get3A_181 : vector<1x16xf32> to vector<16xf32>
        %add3A_183 = arith.addf %get3A_178, %get3A_182 : vector<16xf32>
        %swap3A_184 = arith.index_cast %add3A_148 : i32 to index
        %swap3A_185 = arith.constant 32 : index
        %swap3A_186 = tpu.vector_load %arg10[%swap3A_184, %swap3A_185] {strides = array<i32>} : memref<128x128xf32, #tpu.memory_space<vmem>>, vector<1x16xf32>,
        %swap3A_187 = vector.shape_cast %swap3A_186 : vector<1x16xf32> to vector<16xf32>
        %swap3A_188 = vector.shape_cast %add3A_183 : vector<16xf32> to vector<1x16xf32>
        tpu.vector_store %arg10[%swap3A_184, %swap3A_185], %swap3A_188 {strides = array<i32>} : memref<128x128xf32, #tpu.memory_space<vmem>>, vector<1x16xf32>,
        %get3A_189 = arith.index_cast %add3A_148 : i32 to index
        %get3A_190 = arith.constant 48 : index
        %get3A_191 = tpu.vector_load %arg10[%get3A_189, %get3A_190] {strides = array<i32>} : memref<128x128xf32, #tpu.memory_space<vmem>>, vector<1x16xf32>,
        %get3A_192 = vector.shape_cast %get3A_191 : vector<1x16xf32> to vector<16xf32>
        %get3A_193 = arith.index_cast %add3A_148 : i32 to index
        %get3A_194 = arith.constant 48 : index
        %get3A_195 = tpu.vector_load %arg11[%get3A_193, %get3A_194] {strides = array<i32>} : memref<128x128xf32, #tpu.memory_space<vmem>>, vector<1x16xf32>,
        %get3A_196 = vector.shape_cast %get3A_195 : vector<1x16xf32> to vector<16xf32>
        %add3A_197 = arith.addf %get3A_192, %get3A_196 : vector<16xf32>
        %swap3A_198 = arith.index_cast %add3A_148 : i32 to index
        %swap3A_199 = arith.constant 48 : index
        %swap3A_200 = tpu.vector_load %arg10[%swap3A_198, %swap3A_199] {strides = array<i32>} : memref<128x128xf32, #tpu.memory_space<vmem>>, vector<1x16xf32>,
        %swap3A_201 = vector.shape_cast %swap3A_200 : vector<1x16xf32> to vector<16xf32>
        %swap3A_202 = vector.shape_cast %add3A_197 : vector<16xf32> to vector<1x16xf32>
        tpu.vector_store %arg10[%swap3A_198, %swap3A_199], %swap3A_202 {strides = array<i32>} : memref<128x128xf32, #tpu.memory_space<vmem>>, vector<1x16xf32>,
        %get3A_203 = arith.index_cast %add3A_148 : i32 to index
        %get3A_204 = arith.constant 64 : index
        %get3A_205 = tpu.vector_load %arg10[%get3A_203, %get3A_204] {strides = array<i32>} : memref<128x128xf32, #tpu.memory_space<vmem>>, vector<1x16xf32>,
        %get3A_206 = vector.shape_cast %get3A_205 : vector<1x16xf32> to vector<16xf32>
        %get3A_207 = arith.index_cast %add3A_148 : i32 to index
        %get3A_208 = arith.constant 64 : index
        %get3A_209 = tpu.vector_load %arg11[%get3A_207, %get3A_208] {strides = array<i32>} : memref<128x128xf32, #tpu.memory_space<vmem>>, vector<1x16xf32>,
        %get3A_210 = vector.shape_cast %get3A_209 : vector<1x16xf32> to vector<16xf32>
        %add3A_211 = arith.addf %get3A_206, %get3A_210 : vector<16xf32>
        %swap3A_212 = arith.index_cast %add3A_148 : i32 to index
        %swap3A_213 = arith.constant 64 : index
        %swap3A_214 = tpu.vector_load %arg10[%swap3A_212, %swap3A_213] {strides = array<i32>} : memref<128x128xf32, #tpu.memory_space<vmem>>, vector<1x16xf32>,
        %swap3A_215 = vector.shape_cast %swap3A_214 : vector<1x16xf32> to vector<16xf32>
        %swap3A_216 = vector.shape_cast %add3A_211 : vector<16xf32> to vector<1x16xf32>
        tpu.vector_store %arg10[%swap3A_212, %swap3A_213], %swap3A_216 {strides = array<i32>} : memref<128x128xf32, #tpu.memory_space<vmem>>, vector<1x16xf32>,
        %get3A_217 = arith.index_cast %add3A_148 : i32 to index
        %get3A_218 = arith.constant 80 : index
        %get3A_219 = tpu.vector_load %arg10[%get3A_217, %get3A_218] {strides = array<i32>} : memref<128x128xf32, #tpu.memory_space<vmem>>, vector<1x16xf32>,
        %get3A_220 = vector.shape_cast %get3A_219 : vector<1x16xf32> to vector<16xf32>
        %get3A_221 = arith.index_cast %add3A_148 : i32 to index
        %get3A_222 = arith.constant 80 : index
        %get3A_223 = tpu.vector_load %arg11[%get3A_221, %get3A_222] {strides = array<i32>} : memref<128x128xf32, #tpu.memory_space<vmem>>, vector<1x16xf32>,
        %get3A_224 = vector.shape_cast %get3A_223 : vector<1x16xf32> to vector<16xf32>
        %add3A_225 = arith.addf %get3A_220, %get3A_224 : vector<16xf32>
        %swap3A_226 = arith.index_cast %add3A_148 : i32 to index
        %swap3A_227 = arith.constant 80 : index
        %swap3A_228 = tpu.vector_load %arg10[%swap3A_226, %swap3A_227] {strides = array<i32>} : memref<128x128xf32, #tpu.memory_space<vmem>>, vector<1x16xf32>,
        %swap3A_229 = vector.shape_cast %swap3A_228 : vector<1x16xf32> to vector<16xf32>
        %swap3A_230 = vector.shape_cast %add3A_225 : vector<16xf32> to vector<1x16xf32>
        tpu.vector_store %arg10[%swap3A_226, %swap3A_227], %swap3A_230 {strides = array<i32>} : memref<128x128xf32, #tpu.memory_space<vmem>>, vector<1x16xf32>,
        %get3A_231 = arith.index_cast %add3A_148 : i32 to index
        %get3A_232 = arith.constant 96 : index
        %get3A_233 = tpu.vector_load %arg10[%get3A_231, %get3A_232] {strides = array<i32>} : memref<128x128xf32, #tpu.memory_space<vmem>>, vector<1x16xf32>,
        %get3A_234 = vector.shape_cast %get3A_233 : vector<1x16xf32> to vector<16xf32>
        %get3A_235 = arith.index_cast %add3A_148 : i32 to index
        %get3A_236 = arith.constant 96 : index
        %get3A_237 = tpu.vector_load %arg11[%get3A_235, %get3A_236] {strides = array<i32>} : memref<128x128xf32, #tpu.memory_space<vmem>>, vector<1x16xf32>,
        %get3A_238 = vector.shape_cast %get3A_237 : vector<1x16xf32> to vector<16xf32>
        %add3A_239 = arith.addf %get3A_234, %get3A_238 : vector<16xf32>
        %swap3A_240 = arith.index_cast %add3A_148 : i32 to index
        %swap3A_241 = arith.constant 96 : index
        %swap3A_242 = tpu.vector_load %arg10[%swap3A_240, %swap3A_241] {strides = array<i32>} : memref<128x128xf32, #tpu.memory_space<vmem>>, vector<1x16xf32>,
        %swap3A_243 = vector.shape_cast %swap3A_242 : vector<1x16xf32> to vector<16xf32>
        %swap3A_244 = vector.shape_cast %add3A_239 : vector<16xf32> to vector<1x16xf32>
        tpu.vector_store %arg10[%swap3A_240, %swap3A_241], %swap3A_244 {strides = array<i32>} : memref<128x128xf32, #tpu.memory_space<vmem>>, vector<1x16xf32>,
        %get3A_245 = arith.index_cast %add3A_148 : i32 to index
        %get3A_246 = arith.constant 112 : index
        %get3A_247 = tpu.vector_load %arg10[%get3A_245, %get3A_246] {strides = array<i32>} : memref<128x128xf32, #tpu.memory_space<vmem>>, vector<1x16xf32>,
        %get3A_248 = vector.shape_cast %get3A_247 : vector<1x16xf32> to vector<16xf32>
        %get3A_249 = arith.index_cast %add3A_148 : i32 to index
        %get3A_250 = arith.constant 112 : index
        %get3A_251 = tpu.vector_load %arg11[%get3A_249, %get3A_250] {strides = array<i32>} : memref<128x128xf32, #tpu.memory_space<vmem>>, vector<1x16xf32>,
        %get3A_252 = vector.shape_cast %get3A_251 : vector<1x16xf32> to vector<16xf32>
        %add3A_253 = arith.addf %get3A_248, %get3A_252 : vector<16xf32>
        %swap3A_254 = arith.index_cast %add3A_148 : i32 to index
        %swap3A_255 = arith.constant 112 : index
        %swap3A_256 = tpu.vector_load %arg10[%swap3A_254, %swap3A_255] {strides = array<i32>} : memref<128x128xf32, #tpu.memory_space<vmem>>, vector<1x16xf32>,
        %swap3A_257 = vector.shape_cast %swap3A_256 : vector<1x16xf32> to vector<16xf32>
        %swap3A_258 = vector.shape_cast %add3A_253 : vector<16xf32> to vector<1x16xf32>
        tpu.vector_store %arg10[%swap3A_254, %swap3A_255], %swap3A_258 {strides = array<i32>} : memref<128x128xf32, #tpu.memory_space<vmem>>, vector<1x16xf32>,
      }
      %scan3A_134 = arith.constant 128 : i32
      %add3A_135 = arith.constant 1 : i32
      %add3A_136 = arith.addi %mul3A_56, %add3A_135 : i32
      %add3A_137 = arith.addi %mul3A_2, %add3A_136 : i32
      %mul3A_138 = arith.constant 128 : i32
      %mul3A_139 = arith.muli %add3A_137, %mul3A_138 : i32
      %dma_start3A_140 = arith.constant 0 : i32
      %dma_start3A_141 = tpu.memref_slice %arg6[%mul3A_139, %dma_start3A_140] : memref<323584x128xf32, #tpu.memory_space<hbm>> -> memref<128x128xf32, #tpu.memory_space<hbm>>
      %dma_start3A_142 = arith.constant 0 : i32
      %dma_start3A_143 = tpu.memref_slice %arg6[%mul3A_139, %dma_start3A_142] : memref<323584x128xf32, #tpu.memory_space<hbm>> -> memref<128x128xf32, #tpu.memory_space<hbm>>
      tpu.enqueue_dma source(%arg10 : memref<128x128xf32, #tpu.memory_space<vmem>>) target(%dma_start3A_143 : memref<128x128xf32, #tpu.memory_space<hbm>>) target_semaphore(%arg15 : memref<!tpu.dma_semaphore, #tpu.memory_space<semaphore_mem>>)
    }
    %scan3A_6 = arith.constant 39 : i32
    %add3A_7 = arith.constant 77 : i32
    %add3A_8 = arith.addi %mul3A_2, %add3A_7 : i32
    %mul3A_9 = arith.constant 128 : i32
    %mul3A_10 = arith.muli %add3A_8, %mul3A_9 : i32
    %dma_wait3A = arith.constant 0 : i32
    %dma_wait3A_11 = tpu.memref_slice %arg6[%mul3A_10, %dma_wait3A] : memref<323584x128xf32, #tpu.memory_space<hbm>> -> memref<128x128xf32, #tpu.memory_space<hbm>>
    %dma_wait3A_12 = arith.constant 0 : i32
    %dma_wait3A_13 = tpu.memref_slice %arg6[%mul3A_10, %dma_wait3A_12] : memref<323584x128xf32, #tpu.memory_space<hbm>> -> memref<128x128xf32, #tpu.memory_space<hbm>>
    tpu.wait_dma2 semaphore(%arg15 : memref<!tpu.dma_semaphore, #tpu.memory_space<semaphore_mem>>) src(%arg10 : memref<128x128xf32, #tpu.memory_space<vmem>>) dst(%dma_wait3A_13 : memref<128x128xf32, #tpu.memory_space<hbm>>)
    %dma_start3A = arith.constant 78 : i32
    %dma_start3A_14 = arith.constant 0 : i32
    %dma_start3A_15 = tpu.memref_slice %arg7[%dma_start3A, %dma_start3A_14] : memref<79x128xi32, #tpu.memory_space<vmem>> -> memref<1x128xi32, #tpu.memory_space<vmem>>
    %dma_start3A_16 = tpu.memref_squeeze %dma_start3A_15 : memref<1x128xi32, #tpu.memory_space<vmem>> -> memref<128xi32, #tpu.memory_space<vmem>>
    %dma_start3A_17 = arith.constant 0 : i32
    %dma_start3A_18 = arith.constant 0 : i32
    %dma_start3A_19 = tpu.memref_slice %arg2[%dma_start3A_17, %dma_start3A_18] : memref<10000x128xf32, #tpu.memory_space<hbm>> -> memref<10000x128xf32, #tpu.memory_space<hbm>>
    tpu.enqueue_indirect_dma source(%dma_start3A_19 : memref<10000x128xf32, #tpu.memory_space<hbm>>) target(%arg9 : memref<128x128xf32, #tpu.memory_space<vmem>>) offsets(%dma_start3A_16 : memref<128xi32, #tpu.memory_space<vmem>>) semaphore(%arg12 : memref<!tpu.dma_semaphore, #tpu.memory_space<semaphore_mem>>)
    %dma_wait3A_20 = arith.constant 78 : i32
    %dma_wait3A_21 = arith.constant 0 : i32
    %dma_wait3A_22 = tpu.memref_slice %arg7[%dma_wait3A_20, %dma_wait3A_21] : memref<79x128xi32, #tpu.memory_space<vmem>> -> memref<1x128xi32, #tpu.memory_space<vmem>>
    %dma_wait3A_23 = tpu.memref_squeeze %dma_wait3A_22 : memref<1x128xi32, #tpu.memory_space<vmem>> -> memref<128xi32, #tpu.memory_space<vmem>>
    %dma_wait3A_24 = arith.constant 0 : i32
    %dma_wait3A_25 = arith.constant 0 : i32
    %dma_wait3A_26 = tpu.memref_slice %arg2[%dma_wait3A_24, %dma_wait3A_25] : memref<10000x128xf32, #tpu.memory_space<hbm>> -> memref<10000x128xf32, #tpu.memory_space<hbm>>
    tpu.wait_indirect_dma semaphore(%arg12 : memref<!tpu.dma_semaphore, #tpu.memory_space<semaphore_mem>>) src(%dma_wait3A_26 : memref<10000x128xf32, #tpu.memory_space<hbm>>) dst(%arg9 : memref<128x128xf32, #tpu.memory_space<vmem>>)
    %dma_start3A_27 = arith.constant 78 : i32
    %dma_start3A_28 = arith.constant 0 : i32
    %dma_start3A_29 = tpu.memref_slice %arg8[%dma_start3A_27, %dma_start3A_28] : memref<79x128xi32, #tpu.memory_space<vmem>> -> memref<1x128xi32, #tpu.memory_space<vmem>>
    %dma_start3A_30 = tpu.memref_squeeze %dma_start3A_29 : memref<1x128xi32, #tpu.memory_space<vmem>> -> memref<128xi32, #tpu.memory_space<vmem>>
    %dma_start3A_31 = arith.constant 0 : i32
    %dma_start3A_32 = arith.constant 0 : i32
    %dma_start3A_33 = tpu.memref_slice %arg3[%dma_start3A_31, %dma_start3A_32] : memref<10000x128xf32, #tpu.memory_space<hbm>> -> memref<10000x128xf32, #tpu.memory_space<hbm>>
    tpu.enqueue_indirect_dma source(%dma_start3A_33 : memref<10000x128xf32, #tpu.memory_space<hbm>>) target(%arg11 : memref<128x128xf32, #tpu.memory_space<vmem>>) offsets(%dma_start3A_30 : memref<128xi32, #tpu.memory_space<vmem>>) semaphore(%arg13 : memref<!tpu.dma_semaphore, #tpu.memory_space<semaphore_mem>>)
    %dma_wait3A_34 = arith.constant 78 : i32
    %dma_wait3A_35 = arith.constant 0 : i32
    %dma_wait3A_36 = tpu.memref_slice %arg8[%dma_wait3A_34, %dma_wait3A_35] : memref<79x128xi32, #tpu.memory_space<vmem>> -> memref<1x128xi32, #tpu.memory_space<vmem>>
    %dma_wait3A_37 = tpu.memref_squeeze %dma_wait3A_36 : memref<1x128xi32, #tpu.memory_space<vmem>> -> memref<128xi32, #tpu.memory_space<vmem>>
    %dma_wait3A_38 = arith.constant 0 : i32
    %dma_wait3A_39 = arith.constant 0 : i32
    %dma_wait3A_40 = tpu.memref_slice %arg3[%dma_wait3A_38, %dma_wait3A_39] : memref<10000x128xf32, #tpu.memory_space<hbm>> -> memref<10000x128xf32, #tpu.memory_space<hbm>>
    tpu.wait_indirect_dma semaphore(%arg13 : memref<!tpu.dma_semaphore, #tpu.memory_space<semaphore_mem>>) src(%dma_wait3A_40 : memref<10000x128xf32, #tpu.memory_space<hbm>>) dst(%arg11 : memref<128x128xf32, #tpu.memory_space<vmem>>)
    %scan3A_41 = arith.constant 0 : i32
    %scan3A_42 = arith.constant 128 : i32
    %scan3A_43 = arith.addi %scan3A_41, %scan3A_42 : i32
    %scan3A_44 = arith.constant 1 : i32
    scf.for %scan3A_50 = %scan3A_41 to %scan3A_43 step %scan3A_44  : i32 {
      %mul3A_51 = arith.constant 1 : i32
      %mul3A_52 = arith.muli %scan3A_50, %mul3A_51 : i32
      %add3A_53 = arith.constant 0 : i32
      %add3A_54 = arith.addi %add3A_53, %mul3A_52 : i32
      %get3A = arith.index_cast %add3A_54 : i32 to index
      %get3A_55 = arith.constant 0 : index
      %get3A_56 = tpu.vector_load %arg9[%get3A, %get3A_55] {strides = array<i32>} : memref<128x128xf32, #tpu.memory_space<vmem>>, vector<1x16xf32>,
      %get3A_57 = vector.shape_cast %get3A_56 : vector<1x16xf32> to vector<16xf32>
      %get3A_58 = arith.index_cast %add3A_54 : i32 to index
      %get3A_59 = arith.constant 0 : index
      %get3A_60 = tpu.vector_load %arg11[%get3A_58, %get3A_59] {strides = array<i32>} : memref<128x128xf32, #tpu.memory_space<vmem>>, vector<1x16xf32>,
      %get3A_61 = vector.shape_cast %get3A_60 : vector<1x16xf32> to vector<16xf32>
      %add3A_62 = arith.addf %get3A_57, %get3A_61 : vector<16xf32>
      %swap3A = arith.index_cast %add3A_54 : i32 to index
      %swap3A_63 = arith.constant 0 : index
      %swap3A_64 = tpu.vector_load %arg9[%swap3A, %swap3A_63] {strides = array<i32>} : memref<128x128xf32, #tpu.memory_space<vmem>>, vector<1x16xf32>,
      %swap3A_65 = vector.shape_cast %swap3A_64 : vector<1x16xf32> to vector<16xf32>
      %swap3A_66 = vector.shape_cast %add3A_62 : vector<16xf32> to vector<1x16xf32>
      tpu.vector_store %arg9[%swap3A, %swap3A_63], %swap3A_66 {strides = array<i32>} : memref<128x128xf32, #tpu.memory_space<vmem>>, vector<1x16xf32>,
      %get3A_67 = arith.index_cast %add3A_54 : i32 to index
      %get3A_68 = arith.constant 16 : index
      %get3A_69 = tpu.vector_load %arg9[%get3A_67, %get3A_68] {strides = array<i32>} : memref<128x128xf32, #tpu.memory_space<vmem>>, vector<1x16xf32>,
      %get3A_70 = vector.shape_cast %get3A_69 : vector<1x16xf32> to vector<16xf32>
      %get3A_71 = arith.index_cast %add3A_54 : i32 to index
      %get3A_72 = arith.constant 16 : index
      %get3A_73 = tpu.vector_load %arg11[%get3A_71, %get3A_72] {strides = array<i32>} : memref<128x128xf32, #tpu.memory_space<vmem>>, vector<1x16xf32>,
      %get3A_74 = vector.shape_cast %get3A_73 : vector<1x16xf32> to vector<16xf32>
      %add3A_75 = arith.addf %get3A_70, %get3A_74 : vector<16xf32>
      %swap3A_76 = arith.index_cast %add3A_54 : i32 to index
      %swap3A_77 = arith.constant 16 : index
      %swap3A_78 = tpu.vector_load %arg9[%swap3A_76, %swap3A_77] {strides = array<i32>} : memref<128x128xf32, #tpu.memory_space<vmem>>, vector<1x16xf32>,
      %swap3A_79 = vector.shape_cast %swap3A_78 : vector<1x16xf32> to vector<16xf32>
      %swap3A_80 = vector.shape_cast %add3A_75 : vector<16xf32> to vector<1x16xf32>
      tpu.vector_store %arg9[%swap3A_76, %swap3A_77], %swap3A_80 {strides = array<i32>} : memref<128x128xf32, #tpu.memory_space<vmem>>, vector<1x16xf32>,
      %get3A_81 = arith.index_cast %add3A_54 : i32 to index
      %get3A_82 = arith.constant 32 : index
      %get3A_83 = tpu.vector_load %arg9[%get3A_81, %get3A_82] {strides = array<i32>} : memref<128x128xf32, #tpu.memory_space<vmem>>, vector<1x16xf32>,
      %get3A_84 = vector.shape_cast %get3A_83 : vector<1x16xf32> to vector<16xf32>
      %get3A_85 = arith.index_cast %add3A_54 : i32 to index
      %get3A_86 = arith.constant 32 : index
      %get3A_87 = tpu.vector_load %arg11[%get3A_85, %get3A_86] {strides = array<i32>} : memref<128x128xf32, #tpu.memory_space<vmem>>, vector<1x16xf32>,
      %get3A_88 = vector.shape_cast %get3A_87 : vector<1x16xf32> to vector<16xf32>
      %add3A_89 = arith.addf %get3A_84, %get3A_88 : vector<16xf32>
      %swap3A_90 = arith.index_cast %add3A_54 : i32 to index
      %swap3A_91 = arith.constant 32 : index
      %swap3A_92 = tpu.vector_load %arg9[%swap3A_90, %swap3A_91] {strides = array<i32>} : memref<128x128xf32, #tpu.memory_space<vmem>>, vector<1x16xf32>,
      %swap3A_93 = vector.shape_cast %swap3A_92 : vector<1x16xf32> to vector<16xf32>
      %swap3A_94 = vector.shape_cast %add3A_89 : vector<16xf32> to vector<1x16xf32>
      tpu.vector_store %arg9[%swap3A_90, %swap3A_91], %swap3A_94 {strides = array<i32>} : memref<128x128xf32, #tpu.memory_space<vmem>>, vector<1x16xf32>,
      %get3A_95 = arith.index_cast %add3A_54 : i32 to index
      %get3A_96 = arith.constant 48 : index
      %get3A_97 = tpu.vector_load %arg9[%get3A_95, %get3A_96] {strides = array<i32>} : memref<128x128xf32, #tpu.memory_space<vmem>>, vector<1x16xf32>,
      %get3A_98 = vector.shape_cast %get3A_97 : vector<1x16xf32> to vector<16xf32>
      %get3A_99 = arith.index_cast %add3A_54 : i32 to index
      %get3A_100 = arith.constant 48 : index
      %get3A_101 = tpu.vector_load %arg11[%get3A_99, %get3A_100] {strides = array<i32>} : memref<128x128xf32, #tpu.memory_space<vmem>>, vector<1x16xf32>,
      %get3A_102 = vector.shape_cast %get3A_101 : vector<1x16xf32> to vector<16xf32>
      %add3A_103 = arith.addf %get3A_98, %get3A_102 : vector<16xf32>
      %swap3A_104 = arith.index_cast %add3A_54 : i32 to index
      %swap3A_105 = arith.constant 48 : index
      %swap3A_106 = tpu.vector_load %arg9[%swap3A_104, %swap3A_105] {strides = array<i32>} : memref<128x128xf32, #tpu.memory_space<vmem>>, vector<1x16xf32>,
      %swap3A_107 = vector.shape_cast %swap3A_106 : vector<1x16xf32> to vector<16xf32>
      %swap3A_108 = vector.shape_cast %add3A_103 : vector<16xf32> to vector<1x16xf32>
      tpu.vector_store %arg9[%swap3A_104, %swap3A_105], %swap3A_108 {strides = array<i32>} : memref<128x128xf32, #tpu.memory_space<vmem>>, vector<1x16xf32>,
      %get3A_109 = arith.index_cast %add3A_54 : i32 to index
      %get3A_110 = arith.constant 64 : index
      %get3A_111 = tpu.vector_load %arg9[%get3A_109, %get3A_110] {strides = array<i32>} : memref<128x128xf32, #tpu.memory_space<vmem>>, vector<1x16xf32>,
      %get3A_112 = vector.shape_cast %get3A_111 : vector<1x16xf32> to vector<16xf32>
      %get3A_113 = arith.index_cast %add3A_54 : i32 to index
      %get3A_114 = arith.constant 64 : index
      %get3A_115 = tpu.vector_load %arg11[%get3A_113, %get3A_114] {strides = array<i32>} : memref<128x128xf32, #tpu.memory_space<vmem>>, vector<1x16xf32>,
      %get3A_116 = vector.shape_cast %get3A_115 : vector<1x16xf32> to vector<16xf32>
      %add3A_117 = arith.addf %get3A_112, %get3A_116 : vector<16xf32>
      %swap3A_118 = arith.index_cast %add3A_54 : i32 to index
      %swap3A_119 = arith.constant 64 : index
      %swap3A_120 = tpu.vector_load %arg9[%swap3A_118, %swap3A_119] {strides = array<i32>} : memref<128x128xf32, #tpu.memory_space<vmem>>, vector<1x16xf32>,
      %swap3A_121 = vector.shape_cast %swap3A_120 : vector<1x16xf32> to vector<16xf32>
      %swap3A_122 = vector.shape_cast %add3A_117 : vector<16xf32> to vector<1x16xf32>
      tpu.vector_store %arg9[%swap3A_118, %swap3A_119], %swap3A_122 {strides = array<i32>} : memref<128x128xf32, #tpu.memory_space<vmem>>, vector<1x16xf32>,
      %get3A_123 = arith.index_cast %add3A_54 : i32 to index
      %get3A_124 = arith.constant 80 : index
      %get3A_125 = tpu.vector_load %arg9[%get3A_123, %get3A_124] {strides = array<i32>} : memref<128x128xf32, #tpu.memory_space<vmem>>, vector<1x16xf32>,
      %get3A_126 = vector.shape_cast %get3A_125 : vector<1x16xf32> to vector<16xf32>
      %get3A_127 = arith.index_cast %add3A_54 : i32 to index
      %get3A_128 = arith.constant 80 : index
      %get3A_129 = tpu.vector_load %arg11[%get3A_127, %get3A_128] {strides = array<i32>} : memref<128x128xf32, #tpu.memory_space<vmem>>, vector<1x16xf32>,
      %get3A_130 = vector.shape_cast %get3A_129 : vector<1x16xf32> to vector<16xf32>
      %add3A_131 = arith.addf %get3A_126, %get3A_130 : vector<16xf32>
      %swap3A_132 = arith.index_cast %add3A_54 : i32 to index
      %swap3A_133 = arith.constant 80 : index
      %swap3A_134 = tpu.vector_load %arg9[%swap3A_132, %swap3A_133] {strides = array<i32>} : memref<128x128xf32, #tpu.memory_space<vmem>>, vector<1x16xf32>,
      %swap3A_135 = vector.shape_cast %swap3A_134 : vector<1x16xf32> to vector<16xf32>
      %swap3A_136 = vector.shape_cast %add3A_131 : vector<16xf32> to vector<1x16xf32>
      tpu.vector_store %arg9[%swap3A_132, %swap3A_133], %swap3A_136 {strides = array<i32>} : memref<128x128xf32, #tpu.memory_space<vmem>>, vector<1x16xf32>,
      %get3A_137 = arith.index_cast %add3A_54 : i32 to index
      %get3A_138 = arith.constant 96 : index
      %get3A_139 = tpu.vector_load %arg9[%get3A_137, %get3A_138] {strides = array<i32>} : memref<128x128xf32, #tpu.memory_space<vmem>>, vector<1x16xf32>,
      %get3A_140 = vector.shape_cast %get3A_139 : vector<1x16xf32> to vector<16xf32>
      %get3A_141 = arith.index_cast %add3A_54 : i32 to index
      %get3A_142 = arith.constant 96 : index
      %get3A_143 = tpu.vector_load %arg11[%get3A_141, %get3A_142] {strides = array<i32>} : memref<128x128xf32, #tpu.memory_space<vmem>>, vector<1x16xf32>,
      %get3A_144 = vector.shape_cast %get3A_143 : vector<1x16xf32> to vector<16xf32>
      %add3A_145 = arith.addf %get3A_140, %get3A_144 : vector<16xf32>
      %swap3A_146 = arith.index_cast %add3A_54 : i32 to index
      %swap3A_147 = arith.constant 96 : index
      %swap3A_148 = tpu.vector_load %arg9[%swap3A_146, %swap3A_147] {strides = array<i32>} : memref<128x128xf32, #tpu.memory_space<vmem>>, vector<1x16xf32>,
      %swap3A_149 = vector.shape_cast %swap3A_148 : vector<1x16xf32> to vector<16xf32>
      %swap3A_150 = vector.shape_cast %add3A_145 : vector<16xf32> to vector<1x16xf32>
      tpu.vector_store %arg9[%swap3A_146, %swap3A_147], %swap3A_150 {strides = array<i32>} : memref<128x128xf32, #tpu.memory_space<vmem>>, vector<1x16xf32>,
      %get3A_151 = arith.index_cast %add3A_54 : i32 to index
      %get3A_152 = arith.constant 112 : index
      %get3A_153 = tpu.vector_load %arg9[%get3A_151, %get3A_152] {strides = array<i32>} : memref<128x128xf32, #tpu.memory_space<vmem>>, vector<1x16xf32>,
      %get3A_154 = vector.shape_cast %get3A_153 : vector<1x16xf32> to vector<16xf32>
      %get3A_155 = arith.index_cast %add3A_54 : i32 to index
      %get3A_156 = arith.constant 112 : index
      %get3A_157 = tpu.vector_load %arg11[%get3A_155, %get3A_156] {strides = array<i32>} : memref<128x128xf32, #tpu.memory_space<vmem>>, vector<1x16xf32>,
      %get3A_158 = vector.shape_cast %get3A_157 : vector<1x16xf32> to vector<16xf32>
      %add3A_159 = arith.addf %get3A_154, %get3A_158 : vector<16xf32>
      %swap3A_160 = arith.index_cast %add3A_54 : i32 to index
      %swap3A_161 = arith.constant 112 : index
      %swap3A_162 = tpu.vector_load %arg9[%swap3A_160, %swap3A_161] {strides = array<i32>} : memref<128x128xf32, #tpu.memory_space<vmem>>, vector<1x16xf32>,
      %swap3A_163 = vector.shape_cast %swap3A_162 : vector<1x16xf32> to vector<16xf32>
      %swap3A_164 = vector.shape_cast %add3A_159 : vector<16xf32> to vector<1x16xf32>
      tpu.vector_store %arg9[%swap3A_160, %swap3A_161], %swap3A_164 {strides = array<i32>} : memref<128x128xf32, #tpu.memory_space<vmem>>, vector<1x16xf32>,
    }
    %scan3A_45 = arith.constant 128 : i32
    %add3A_46 = arith.constant 78 : i32
    %add3A_47 = arith.addi %mul3A_2, %add3A_46 : i32
    %mul3A_48 = arith.constant 128 : i32
    %mul3A_49 = arith.muli %add3A_47, %mul3A_48 : i32
    "tpu.region"() ({
      %run_scoped3A = tpu.sem_alloc : memref<!tpu.dma_semaphore, #tpu.memory_space<semaphore_mem>>
      %dma_start3A_50 = arith.constant 0 : i32
      %dma_start3A_51 = tpu.memref_slice %arg6[%mul3A_49, %dma_start3A_50] : memref<323584x128xf32, #tpu.memory_space<hbm>> -> memref<128x128xf32, #tpu.memory_space<hbm>>
      %dma_start3A_52 = arith.constant 0 : i32
      %dma_start3A_53 = tpu.memref_slice %arg6[%mul3A_49, %dma_start3A_52] : memref<323584x128xf32, #tpu.memory_space<hbm>> -> memref<128x128xf32, #tpu.memory_space<hbm>>
      tpu.enqueue_dma source(%arg9 : memref<128x128xf32, #tpu.memory_space<vmem>>) target(%dma_start3A_53 : memref<128x128xf32, #tpu.memory_space<hbm>>) target_semaphore(%run_scoped3A : memref<!tpu.dma_semaphore, #tpu.memory_space<semaphore_mem>>)
      %dma_wait3A_54 = arith.constant 0 : i32
      %dma_wait3A_55 = tpu.memref_slice %arg6[%mul3A_49, %dma_wait3A_54] : memref<323584x128xf32, #tpu.memory_space<hbm>> -> memref<128x128xf32, #tpu.memory_space<hbm>>
      %dma_wait3A_56 = arith.constant 0 : i32
      %dma_wait3A_57 = tpu.memref_slice %arg6[%mul3A_49, %dma_wait3A_56] : memref<323584x128xf32, #tpu.memory_space<hbm>> -> memref<128x128xf32, #tpu.memory_space<hbm>>
      tpu.wait_dma2 semaphore(%run_scoped3A : memref<!tpu.dma_semaphore, #tpu.memory_space<semaphore_mem>>) src(%arg9 : memref<128x128xf32, #tpu.memory_space<vmem>>) dst(%dma_wait3A_57 : memref<128x128xf32, #tpu.memory_space<hbm>>)
      tpu.yield
    }) : () -> ()
    return
  }
}

module attributes {stable_mosaic.version = 14 : i64} {
  func.func @_norm_body(%arg0: i32, %arg1: memref<1000x128xf32, #tpu.memory_space<vmem>>, %arg2: memref<1000x128xf32, #tpu.memory_space<vmem>>) attributes {dimension_semantics = [#tpu.dimension_semantics<arbitrary>], iteration_bounds = array<i64: 10>, scalar_prefetch = 0 : i64, scratch_operands = 0 : i64, tpu.core_type = #tpu.core_type<tc>, window_params = [{transform_indices = @transform_0, window_bounds = array<i64: 1000, 128>}, {transform_indices = @transform_1, window_bounds = array<i64: 1000, 128>}]} {
    %get3A = arith.constant 0 : index
    %get3A_0 = arith.constant 0 : index
    %get3A_1 = vector.load %arg1[%get3A, %get3A_0] : memref<1000x128xf32, #tpu.memory_space<vmem>>, vector<1000x128xf32>
    %mul3A = arith.mulf %get3A_1, %get3A_1 : vector<1000x128xf32>
    %reduce_sum3A = arith.constant dense<0.000000e+00> : vector<1000xf32>
    %reduce_sum3A_2 = vector.multi_reduction <add>, %mul3A, %reduce_sum3A [1] : vector<1000x128xf32> to vector<1000xf32>
    %broadcast_in_dim3A = vector.shape_cast %reduce_sum3A_2 : vector<1000xf32> to vector<1000x1xf32>
    %sqrt3A = math.sqrt %broadcast_in_dim3A : vector<1000x1xf32>
    %max3A = arith.constant 9.99999996E-13 : f32
    %max3A_3 = vector.broadcast %max3A : f32 to vector<1000x1xf32>
    %max3A_4 = arith.maximumf %sqrt3A, %max3A_3 : vector<1000x1xf32>
    %div3A = vector.broadcast %max3A_4 : vector<1000x1xf32> to vector<1000x128xf32>
    %div3A_5 = arith.divf %get3A_1, %div3A : vector<1000x128xf32>
    %swap3A = arith.constant 0 : index
    %swap3A_6 = arith.constant 0 : index
    %swap3A_7 = vector.load %arg2[%swap3A, %swap3A_6] : memref<1000x128xf32, #tpu.memory_space<vmem>>, vector<1000x128xf32>
    tpu.vector_store %arg2[%swap3A, %swap3A_6], %div3A_5 {strides = array<i32>} : memref<1000x128xf32, #tpu.memory_space<vmem>>, vector<1000x128xf32>,
    return
  }
  func.func @transform_0(%arg0: i32) -> (i32, i32) {
    %c0_i32 = arith.constant 0 : i32
    %c0_i32_0 = arith.constant 0 : i32
    return %arg0, %c0_i32 : i32, i32
  }
  func.func @transform_1(%arg0: i32) -> (i32, i32) {
    %c0_i32 = arith.constant 0 : i32
    %c0_i32_0 = arith.constant 0 : i32
    return %arg0, %c0_i32 : i32, i32
  }
}

module attributes {stable_mosaic.version = 14 : i64} {
  func.func @_dense_body(%arg0: i32, %arg1: memref<1x1000x128xf32, #tpu.memory_space<vmem>>, %arg2: memref<1x1000x128xf32, #tpu.memory_space<vmem>>, %arg3: memref<1x1000x128xf32, #tpu.memory_space<vmem>>, %arg4: memref<1x1000x128xf32, #tpu.memory_space<vmem>>, %arg5: memref<1000x128xf32, #tpu.memory_space<vmem>>, %arg6: memref<128x128xf32, #tpu.memory_space<vmem>>, %arg7: memref<128x128xf32, #tpu.memory_space<vmem>>, %arg8: memref<1x128xf32, #tpu.memory_space<vmem>>, %arg9: memref<1000x128xf32, #tpu.memory_space<vmem>>) attributes {dimension_semantics = [#tpu.dimension_semantics<arbitrary>], iteration_bounds = array<i64: 10>, scalar_prefetch = 0 : i64, scratch_operands = 0 : i64, tpu.core_type = #tpu.core_type<tc>, window_params = [{transform_indices = @transform_0, window_bounds = array<i64: 1, 1000, 128>}, {transform_indices = @transform_1, window_bounds = array<i64: 1, 1000, 128>}, {transform_indices = @transform_2, window_bounds = array<i64: 1, 1000, 128>}, {transform_indices = @transform_3, window_bounds = array<i64: 1, 1000, 128>}, {transform_indices = @transform_4, window_bounds = array<i64: 1000, 128>}, {pipeline_mode = #tpu.pipeline_mode<synchronous>, transform_indices = @transform_5, window_bounds = array<i64: 128, 128>}, {pipeline_mode = #tpu.pipeline_mode<synchronous>, transform_indices = @transform_6, window_bounds = array<i64: 128, 128>}, {pipeline_mode = #tpu.pipeline_mode<synchronous>, transform_indices = @transform_7, window_bounds = array<i64: 1, 128>}, {transform_indices = @transform_8, window_bounds = array<i64: 1000, 128>}]} {
    %get3A = arith.constant 0 : index
    %get3A_0 = arith.constant 0 : index
    %get3A_1 = arith.constant 0 : index
    %get3A_2 = vector.load %arg1[%get3A, %get3A_0, %get3A_1] : memref<1x1000x128xf32, #tpu.memory_space<vmem>>, vector<1x1000x128xf32>
    %get3A_3 = vector.shape_cast %get3A_2 : vector<1x1000x128xf32> to vector<1000x128xf32>
    %get3A_4 = arith.constant 0 : index
    %get3A_5 = arith.constant 0 : index
    %get3A_6 = arith.constant 0 : index
    %get3A_7 = vector.load %arg2[%get3A_4, %get3A_5, %get3A_6] : memref<1x1000x128xf32, #tpu.memory_space<vmem>>, vector<1x1000x128xf32>
    %get3A_8 = vector.shape_cast %get3A_7 : vector<1x1000x128xf32> to vector<1000x128xf32>
    %add3A = arith.addf %get3A_3, %get3A_8 : vector<1000x128xf32>
    %get3A_9 = arith.constant 0 : index
    %get3A_10 = arith.constant 0 : index
    %get3A_11 = arith.constant 0 : index
    %get3A_12 = vector.load %arg3[%get3A_9, %get3A_10, %get3A_11] : memref<1x1000x128xf32, #tpu.memory_space<vmem>>, vector<1x1000x1xf32>
    %get3A_13 = vector.shape_cast %get3A_12 : vector<1x1000x1xf32> to vector<1000x1xf32>
    %get3A_14 = arith.constant 0 : index
    %get3A_15 = arith.constant 0 : index
    %get3A_16 = arith.constant 0 : index
    %get3A_17 = vector.load %arg4[%get3A_14, %get3A_15, %get3A_16] : memref<1x1000x128xf32, #tpu.memory_space<vmem>>, vector<1x1000x1xf32>
    %get3A_18 = vector.shape_cast %get3A_17 : vector<1x1000x1xf32> to vector<1000x1xf32>
    %add3A_19 = arith.addf %get3A_13, %get3A_18 : vector<1000x1xf32>
    %max3A = arith.constant 1.000000e+00 : f32
    %max3A_20 = vector.broadcast %max3A : f32 to vector<1000x1xf32>
    %max3A_21 = arith.maximumf %add3A_19, %max3A_20 : vector<1000x1xf32>
    %div3A = vector.broadcast %max3A_21 : vector<1000x1xf32> to vector<1000x128xf32>
    %div3A_22 = arith.divf %add3A, %div3A : vector<1000x128xf32>
    %get3A_23 = arith.constant 0 : index
    %get3A_24 = arith.constant 0 : index
    %get3A_25 = vector.load %arg6[%get3A_23, %get3A_24] : memref<128x128xf32, #tpu.memory_space<vmem>>, vector<128x128xf32>
    %dot_general3A = arith.constant dense<0.000000e+00> : vector<1000x128xf32>
    %dot_general3A_26 = tpu.matmul %div3A_22, %get3A_25, %dot_general3A {dimension_numbers = #tpu.dot_dimension_numbers<[1], [0], [0], [1], [0, 0, 1, 1], [], []>, transpose_lhs_hint = false} : vector<1000x128xf32>, vector<128x128xf32>, vector<1000x128xf32> -> vector<1000x128xf32>
    %get3A_27 = arith.constant 0 : index
    %get3A_28 = arith.constant 0 : index
    %get3A_29 = vector.load %arg5[%get3A_27, %get3A_28] : memref<1000x128xf32, #tpu.memory_space<vmem>>, vector<1000x128xf32>
    %get3A_30 = arith.constant 0 : index
    %get3A_31 = arith.constant 0 : index
    %get3A_32 = vector.load %arg7[%get3A_30, %get3A_31] : memref<128x128xf32, #tpu.memory_space<vmem>>, vector<128x128xf32>
    %dot_general3A_33 = arith.constant dense<0.000000e+00> : vector<1000x128xf32>
    %dot_general3A_34 = tpu.matmul %get3A_29, %get3A_32, %dot_general3A_33 {dimension_numbers = #tpu.dot_dimension_numbers<[1], [0], [0], [1], [0, 0, 1, 1], [], []>, transpose_lhs_hint = false} : vector<1000x128xf32>, vector<128x128xf32>, vector<1000x128xf32> -> vector<1000x128xf32>
    %add3A_35 = arith.addf %dot_general3A_26, %dot_general3A_34 : vector<1000x128xf32>
    %get3A_36 = arith.constant 0 : index
    %get3A_37 = arith.constant 0 : index
    %get3A_38 = vector.load %arg8[%get3A_36, %get3A_37] : memref<1x128xf32, #tpu.memory_space<vmem>>, vector<1x128xf32>
    %add3A_39 = vector.broadcast %get3A_38 : vector<1x128xf32> to vector<1000x128xf32>
    %add3A_40 = arith.addf %add3A_35, %add3A_39 : vector<1000x128xf32>
    %max3A_41 = arith.constant 0.000000e+00 : f32
    %max3A_42 = vector.broadcast %max3A_41 : f32 to vector<1000x128xf32>
    %max3A_43 = arith.maximumf %add3A_40, %max3A_42 : vector<1000x128xf32>
    %swap3A = arith.constant 0 : index
    %swap3A_44 = arith.constant 0 : index
    %swap3A_45 = vector.load %arg9[%swap3A, %swap3A_44] : memref<1000x128xf32, #tpu.memory_space<vmem>>, vector<1000x128xf32>
    tpu.vector_store %arg9[%swap3A, %swap3A_44], %max3A_43 {strides = array<i32>} : memref<1000x128xf32, #tpu.memory_space<vmem>>, vector<1000x128xf32>,
    return
  }
  func.func @transform_0(%arg0: i32) -> (i32, i32, i32) {
    %c0_i32 = arith.constant 0 : i32
    %c0_i32_0 = arith.constant 0 : i32
    %c0_i32_1 = arith.constant 0 : i32
    return %c0_i32, %arg0, %c0_i32_0 : i32, i32, i32
  }
  func.func @transform_1(%arg0: i32) -> (i32, i32, i32) {
    %c1_i32 = arith.constant 1 : i32
    %c0_i32 = arith.constant 0 : i32
    %c0_i32_0 = arith.constant 0 : i32
    return %c1_i32, %arg0, %c0_i32 : i32, i32, i32
  }
  func.func @transform_2(%arg0: i32) -> (i32, i32, i32) {
    %c0_i32 = arith.constant 0 : i32
    %c0_i32_0 = arith.constant 0 : i32
    %c0_i32_1 = arith.constant 0 : i32
    return %c0_i32, %arg0, %c0_i32_0 : i32, i32, i32
  }
  func.func @transform_3(%arg0: i32) -> (i32, i32, i32) {
    %c1_i32 = arith.constant 1 : i32
    %c0_i32 = arith.constant 0 : i32
    %c0_i32_0 = arith.constant 0 : i32
    return %c1_i32, %arg0, %c0_i32 : i32, i32, i32
  }
  func.func @transform_4(%arg0: i32) -> (i32, i32) {
    %c0_i32 = arith.constant 0 : i32
    %c0_i32_0 = arith.constant 0 : i32
    return %arg0, %c0_i32 : i32, i32
  }
  func.func @transform_5(%arg0: i32) -> (i32, i32) {
    %c0_i32 = arith.constant 0 : i32
    %c0_i32_0 = arith.constant 0 : i32
    %c0_i32_1 = arith.constant 0 : i32
    return %c0_i32, %c0_i32_0 : i32, i32
  }
  func.func @transform_6(%arg0: i32) -> (i32, i32) {
    %c0_i32 = arith.constant 0 : i32
    %c0_i32_0 = arith.constant 0 : i32
    %c0_i32_1 = arith.constant 0 : i32
    return %c0_i32, %c0_i32_0 : i32, i32
  }
  func.func @transform_7(%arg0: i32) -> (i32, i32) {
    %c0_i32 = arith.constant 0 : i32
    %c0_i32_0 = arith.constant 0 : i32
    %c0_i32_1 = arith.constant 0 : i32
    return %c0_i32, %c0_i32_0 : i32, i32
  }
  func.func @transform_8(%arg0: i32) -> (i32, i32) {
    %c0_i32 = arith.constant 0 : i32
    %c0_i32_0 = arith.constant 0 : i32
    return %arg0, %c0_i32 : i32, i32
  }
}

module attributes {stable_mosaic.version = 14 : i64} {
  func.func @_dense3_body(%arg0: i32, %arg1: memref<1x1000x128xf32, #tpu.memory_space<vmem>>, %arg2: memref<1x1000x128xf32, #tpu.memory_space<vmem>>, %arg3: memref<1x1000x128xf32, #tpu.memory_space<vmem>>, %arg4: memref<1x1000x128xf32, #tpu.memory_space<vmem>>, %arg5: memref<1000x128xf32, #tpu.memory_space<vmem>>, %arg6: memref<128x128xf32, #tpu.memory_space<vmem>>, %arg7: memref<128x128xf32, #tpu.memory_space<vmem>>, %arg8: memref<1x128xf32, #tpu.memory_space<vmem>>, %arg9: memref<128x128xf32, #tpu.memory_space<vmem>>, %arg10: memref<128x128xf32, #tpu.memory_space<vmem>>, %arg11: memref<1x128xf32, #tpu.memory_space<vmem>>, %arg12: memref<1000x128xf32, #tpu.memory_space<vmem>>, %arg13: memref<1000x128xf32, #tpu.memory_space<vmem>>) attributes {dimension_semantics = [#tpu.dimension_semantics<arbitrary>], iteration_bounds = array<i64: 10>, scalar_prefetch = 0 : i64, scratch_operands = 0 : i64, tpu.core_type = #tpu.core_type<tc>, window_params = [{transform_indices = @transform_0, window_bounds = array<i64: 1, 1000, 128>}, {transform_indices = @transform_1, window_bounds = array<i64: 1, 1000, 128>}, {transform_indices = @transform_2, window_bounds = array<i64: 1, 1000, 128>}, {transform_indices = @transform_3, window_bounds = array<i64: 1, 1000, 128>}, {transform_indices = @transform_4, window_bounds = array<i64: 1000, 128>}, {pipeline_mode = #tpu.pipeline_mode<synchronous>, transform_indices = @transform_5, window_bounds = array<i64: 128, 128>}, {pipeline_mode = #tpu.pipeline_mode<synchronous>, transform_indices = @transform_6, window_bounds = array<i64: 128, 128>}, {pipeline_mode = #tpu.pipeline_mode<synchronous>, transform_indices = @transform_7, window_bounds = array<i64: 1, 128>}, {pipeline_mode = #tpu.pipeline_mode<synchronous>, transform_indices = @transform_8, window_bounds = array<i64: 128, 128>}, {pipeline_mode = #tpu.pipeline_mode<synchronous>, transform_indices = @transform_9, window_bounds = array<i64: 128, 128>}, {pipeline_mode = #tpu.pipeline_mode<synchronous>, transform_indices = @transform_10, window_bounds = array<i64: 1, 128>}, {transform_indices = @transform_11, window_bounds = array<i64: 1000, 128>}, {transform_indices = @transform_12, window_bounds = array<i64: 1000, 128>}]} {
    %get3A = arith.constant 0 : index
    %get3A_0 = arith.constant 0 : index
    %get3A_1 = arith.constant 0 : index
    %get3A_2 = vector.load %arg1[%get3A, %get3A_0, %get3A_1] : memref<1x1000x128xf32, #tpu.memory_space<vmem>>, vector<1x1000x128xf32>
    %get3A_3 = vector.shape_cast %get3A_2 : vector<1x1000x128xf32> to vector<1000x128xf32>
    %get3A_4 = arith.constant 0 : index
    %get3A_5 = arith.constant 0 : index
    %get3A_6 = arith.constant 0 : index
    %get3A_7 = vector.load %arg2[%get3A_4, %get3A_5, %get3A_6] : memref<1x1000x128xf32, #tpu.memory_space<vmem>>, vector<1x1000x128xf32>
    %get3A_8 = vector.shape_cast %get3A_7 : vector<1x1000x128xf32> to vector<1000x128xf32>
    %add3A = arith.addf %get3A_3, %get3A_8 : vector<1000x128xf32>
    %get3A_9 = arith.constant 0 : index
    %get3A_10 = arith.constant 0 : index
    %get3A_11 = arith.constant 0 : index
    %get3A_12 = vector.load %arg3[%get3A_9, %get3A_10, %get3A_11] : memref<1x1000x128xf32, #tpu.memory_space<vmem>>, vector<1x1000x1xf32>
    %get3A_13 = vector.shape_cast %get3A_12 : vector<1x1000x1xf32> to vector<1000x1xf32>
    %get3A_14 = arith.constant 0 : index
    %get3A_15 = arith.constant 0 : index
    %get3A_16 = arith.constant 0 : index
    %get3A_17 = vector.load %arg4[%get3A_14, %get3A_15, %get3A_16] : memref<1x1000x128xf32, #tpu.memory_space<vmem>>, vector<1x1000x1xf32>
    %get3A_18 = vector.shape_cast %get3A_17 : vector<1x1000x1xf32> to vector<1000x1xf32>
    %add3A_19 = arith.addf %get3A_13, %get3A_18 : vector<1000x1xf32>
    %max3A = arith.constant 1.000000e+00 : f32
    %max3A_20 = vector.broadcast %max3A : f32 to vector<1000x1xf32>
    %max3A_21 = arith.maximumf %add3A_19, %max3A_20 : vector<1000x1xf32>
    %div3A = vector.broadcast %max3A_21 : vector<1000x1xf32> to vector<1000x128xf32>
    %div3A_22 = arith.divf %add3A, %div3A : vector<1000x128xf32>
    %get3A_23 = arith.constant 0 : index
    %get3A_24 = arith.constant 0 : index
    %get3A_25 = vector.load %arg6[%get3A_23, %get3A_24] : memref<128x128xf32, #tpu.memory_space<vmem>>, vector<128x128xf32>
    %dot_general3A = arith.constant dense<0.000000e+00> : vector<1000x128xf32>
    %dot_general3A_26 = tpu.matmul %div3A_22, %get3A_25, %dot_general3A {dimension_numbers = #tpu.dot_dimension_numbers<[1], [0], [0], [1], [0, 0, 1, 1], [], []>, transpose_lhs_hint = false} : vector<1000x128xf32>, vector<128x128xf32>, vector<1000x128xf32> -> vector<1000x128xf32>
    %get3A_27 = arith.constant 0 : index
    %get3A_28 = arith.constant 0 : index
    %get3A_29 = vector.load %arg5[%get3A_27, %get3A_28] : memref<1000x128xf32, #tpu.memory_space<vmem>>, vector<1000x128xf32>
    %get3A_30 = arith.constant 0 : index
    %get3A_31 = arith.constant 0 : index
    %get3A_32 = vector.load %arg7[%get3A_30, %get3A_31] : memref<128x128xf32, #tpu.memory_space<vmem>>, vector<128x128xf32>
    %dot_general3A_33 = arith.constant dense<0.000000e+00> : vector<1000x128xf32>
    %dot_general3A_34 = tpu.matmul %get3A_29, %get3A_32, %dot_general3A_33 {dimension_numbers = #tpu.dot_dimension_numbers<[1], [0], [0], [1], [0, 0, 1, 1], [], []>, transpose_lhs_hint = false} : vector<1000x128xf32>, vector<128x128xf32>, vector<1000x128xf32> -> vector<1000x128xf32>
    %add3A_35 = arith.addf %dot_general3A_26, %dot_general3A_34 : vector<1000x128xf32>
    %get3A_36 = arith.constant 0 : index
    %get3A_37 = arith.constant 0 : index
    %get3A_38 = vector.load %arg8[%get3A_36, %get3A_37] : memref<1x128xf32, #tpu.memory_space<vmem>>, vector<1x128xf32>
    %add3A_39 = vector.broadcast %get3A_38 : vector<1x128xf32> to vector<1000x128xf32>
    %add3A_40 = arith.addf %add3A_35, %add3A_39 : vector<1000x128xf32>
    %max3A_41 = arith.constant 0.000000e+00 : f32
    %max3A_42 = vector.broadcast %max3A_41 : f32 to vector<1000x128xf32>
    %max3A_43 = arith.maximumf %add3A_40, %max3A_42 : vector<1000x128xf32>
    %get3A_44 = arith.constant 0 : index
    %get3A_45 = arith.constant 0 : index
    %get3A_46 = vector.load %arg9[%get3A_44, %get3A_45] : memref<128x128xf32, #tpu.memory_space<vmem>>, vector<128x128xf32>
    %dot_general3A_47 = arith.constant dense<0.000000e+00> : vector<1000x128xf32>
    %dot_general3A_48 = tpu.matmul %max3A_43, %get3A_46, %dot_general3A_47 {dimension_numbers = #tpu.dot_dimension_numbers<[1], [0], [0], [1], [0, 0, 1, 1], [], []>, transpose_lhs_hint = false} : vector<1000x128xf32>, vector<128x128xf32>, vector<1000x128xf32> -> vector<1000x128xf32>
    %get3A_49 = arith.constant 0 : index
    %get3A_50 = arith.constant 0 : index
    %get3A_51 = vector.load %arg11[%get3A_49, %get3A_50] : memref<1x128xf32, #tpu.memory_space<vmem>>, vector<1x128xf32>
    %add3A_52 = vector.broadcast %get3A_51 : vector<1x128xf32> to vector<1000x128xf32>
    %add3A_53 = arith.addf %dot_general3A_48, %add3A_52 : vector<1000x128xf32>
    %swap3A = arith.constant 0 : index
    %swap3A_54 = arith.constant 0 : index
    %swap3A_55 = vector.load %arg12[%swap3A, %swap3A_54] : memref<1000x128xf32, #tpu.memory_space<vmem>>, vector<1000x128xf32>
    tpu.vector_store %arg12[%swap3A, %swap3A_54], %add3A_53 {strides = array<i32>} : memref<1000x128xf32, #tpu.memory_space<vmem>>, vector<1000x128xf32>,
    %get3A_56 = arith.constant 0 : index
    %get3A_57 = arith.constant 0 : index
    %get3A_58 = vector.load %arg10[%get3A_56, %get3A_57] : memref<128x128xf32, #tpu.memory_space<vmem>>, vector<128x128xf32>
    %dot_general3A_59 = arith.constant dense<0.000000e+00> : vector<1000x128xf32>
    %dot_general3A_60 = tpu.matmul %max3A_43, %get3A_58, %dot_general3A_59 {dimension_numbers = #tpu.dot_dimension_numbers<[1], [0], [0], [1], [0, 0, 1, 1], [], []>, transpose_lhs_hint = false} : vector<1000x128xf32>, vector<128x128xf32>, vector<1000x128xf32> -> vector<1000x128xf32>
    %swap3A_61 = arith.constant 0 : index
    %swap3A_62 = arith.constant 0 : index
    %swap3A_63 = vector.load %arg13[%swap3A_61, %swap3A_62] : memref<1000x128xf32, #tpu.memory_space<vmem>>, vector<1000x128xf32>
    tpu.vector_store %arg13[%swap3A_61, %swap3A_62], %dot_general3A_60 {strides = array<i32>} : memref<1000x128xf32, #tpu.memory_space<vmem>>, vector<1000x128xf32>,
    return
  }
  func.func @transform_0(%arg0: i32) -> (i32, i32, i32) {
    %c0_i32 = arith.constant 0 : i32
    %c0_i32_0 = arith.constant 0 : i32
    %c0_i32_1 = arith.constant 0 : i32
    return %c0_i32, %arg0, %c0_i32_0 : i32, i32, i32
  }
  func.func @transform_1(%arg0: i32) -> (i32, i32, i32) {
    %c1_i32 = arith.constant 1 : i32
    %c0_i32 = arith.constant 0 : i32
    %c0_i32_0 = arith.constant 0 : i32
    return %c1_i32, %arg0, %c0_i32 : i32, i32, i32
  }
  func.func @transform_2(%arg0: i32) -> (i32, i32, i32) {
    %c0_i32 = arith.constant 0 : i32
    %c0_i32_0 = arith.constant 0 : i32
    %c0_i32_1 = arith.constant 0 : i32
    return %c0_i32, %arg0, %c0_i32_0 : i32, i32, i32
  }
  func.func @transform_3(%arg0: i32) -> (i32, i32, i32) {
    %c1_i32 = arith.constant 1 : i32
    %c0_i32 = arith.constant 0 : i32
    %c0_i32_0 = arith.constant 0 : i32
    return %c1_i32, %arg0, %c0_i32 : i32, i32, i32
  }
  func.func @transform_4(%arg0: i32) -> (i32, i32) {
    %c0_i32 = arith.constant 0 : i32
    %c0_i32_0 = arith.constant 0 : i32
    return %arg0, %c0_i32 : i32, i32
  }
  func.func @transform_5(%arg0: i32) -> (i32, i32) {
    %c0_i32 = arith.constant 0 : i32
    %c0_i32_0 = arith.constant 0 : i32
    %c0_i32_1 = arith.constant 0 : i32
    return %c0_i32, %c0_i32_0 : i32, i32
  }
  func.func @transform_6(%arg0: i32) -> (i32, i32) {
    %c0_i32 = arith.constant 0 : i32
    %c0_i32_0 = arith.constant 0 : i32
    %c0_i32_1 = arith.constant 0 : i32
    return %c0_i32, %c0_i32_0 : i32, i32
  }
  func.func @transform_7(%arg0: i32) -> (i32, i32) {
    %c0_i32 = arith.constant 0 : i32
    %c0_i32_0 = arith.constant 0 : i32
    %c0_i32_1 = arith.constant 0 : i32
    return %c0_i32, %c0_i32_0 : i32, i32
  }
  func.func @transform_8(%arg0: i32) -> (i32, i32) {
    %c0_i32 = arith.constant 0 : i32
    %c0_i32_0 = arith.constant 0 : i32
    %c0_i32_1 = arith.constant 0 : i32
    return %c0_i32, %c0_i32_0 : i32, i32
  }
  func.func @transform_9(%arg0: i32) -> (i32, i32) {
    %c0_i32 = arith.constant 0 : i32
    %c0_i32_0 = arith.constant 0 : i32
    %c0_i32_1 = arith.constant 0 : i32
    return %c0_i32, %c0_i32_0 : i32, i32
  }
  func.func @transform_10(%arg0: i32) -> (i32, i32) {
    %c0_i32 = arith.constant 0 : i32
    %c0_i32_0 = arith.constant 0 : i32
    %c0_i32_1 = arith.constant 0 : i32
    return %c0_i32, %c0_i32_0 : i32, i32
  }
  func.func @transform_11(%arg0: i32) -> (i32, i32) {
    %c0_i32 = arith.constant 0 : i32
    %c0_i32_0 = arith.constant 0 : i32
    return %arg0, %c0_i32 : i32, i32
  }
  func.func @transform_12(%arg0: i32) -> (i32, i32) {
    %c0_i32 = arith.constant 0 : i32
    %c0_i32_0 = arith.constant 0 : i32
    return %arg0, %c0_i32 : i32, i32
  }
}

module attributes {stable_mosaic.version = 14 : i64} {
  func.func @_mlp_body(%arg0: i32, %arg1: memref<1000x128xf32, #tpu.memory_space<vmem>>, %arg2: memref<128x64xf32, #tpu.memory_space<vmem>>, %arg3: memref<1x64xf32, #tpu.memory_space<vmem>>, %arg4: memref<64x16xf32, #tpu.memory_space<vmem>>, %arg5: memref<1x16xf32, #tpu.memory_space<vmem>>, %arg6: memref<16x1xf32, #tpu.memory_space<vmem>>, %arg7: memref<1x1xf32, #tpu.memory_space<vmem>>, %arg8: memref<1000x1xf32, #tpu.memory_space<vmem>>) attributes {dimension_semantics = [#tpu.dimension_semantics<arbitrary>], iteration_bounds = array<i64: 320>, scalar_prefetch = 0 : i64, scratch_operands = 0 : i64, tpu.core_type = #tpu.core_type<tc>, window_params = [{transform_indices = @transform_0, window_bounds = array<i64: 1000, 128>}, {pipeline_mode = #tpu.pipeline_mode<synchronous>, transform_indices = @transform_1, window_bounds = array<i64: 128, 64>}, {pipeline_mode = #tpu.pipeline_mode<synchronous>, transform_indices = @transform_2, window_bounds = array<i64: 1, 64>}, {pipeline_mode = #tpu.pipeline_mode<synchronous>, transform_indices = @transform_3, window_bounds = array<i64: 64, 16>}, {pipeline_mode = #tpu.pipeline_mode<synchronous>, transform_indices = @transform_4, window_bounds = array<i64: 1, 16>}, {pipeline_mode = #tpu.pipeline_mode<synchronous>, transform_indices = @transform_5, window_bounds = array<i64: 16, 1>}, {pipeline_mode = #tpu.pipeline_mode<synchronous>, transform_indices = @transform_6, window_bounds = array<i64: 1, 1>}, {transform_indices = @transform_7, window_bounds = array<i64: 1000, 1>}]} {
    %get3A = arith.constant 0 : index
    %get3A_0 = arith.constant 0 : index
    %get3A_1 = vector.load %arg1[%get3A, %get3A_0] : memref<1000x128xf32, #tpu.memory_space<vmem>>, vector<1000x128xf32>
    %mul3A = arith.constant 0.00999999977 : f32
    %mul3A_2 = vector.broadcast %mul3A : f32 to vector<1000x128xf32>
    %mul3A_3 = arith.mulf %mul3A_2, %get3A_1 : vector<1000x128xf32>
    %max3A = arith.maximumf %get3A_1, %mul3A_3 : vector<1000x128xf32>
    %get3A_4 = arith.constant 0 : index
    %get3A_5 = arith.constant 0 : index
    %get3A_6 = vector.load %arg2[%get3A_4, %get3A_5] : memref<128x64xf32, #tpu.memory_space<vmem>>, vector<128x64xf32>
    %dot_general3A = arith.constant dense<0.000000e+00> : vector<1000x64xf32>
    %dot_general3A_7 = tpu.matmul %max3A, %get3A_6, %dot_general3A {dimension_numbers = #tpu.dot_dimension_numbers<[1], [0], [0], [1], [0, 0, 1, 1], [], []>, transpose_lhs_hint = false} : vector<1000x128xf32>, vector<128x64xf32>, vector<1000x64xf32> -> vector<1000x64xf32>
    %get3A_8 = arith.constant 0 : index
    %get3A_9 = arith.constant 0 : index
    %get3A_10 = vector.load %arg3[%get3A_8, %get3A_9] : memref<1x64xf32, #tpu.memory_space<vmem>>, vector<1x64xf32>
    %add3A = vector.broadcast %get3A_10 : vector<1x64xf32> to vector<1000x64xf32>
    %add3A_11 = arith.addf %dot_general3A_7, %add3A : vector<1000x64xf32>
    %mul3A_12 = arith.constant 0.00999999977 : f32
    %mul3A_13 = vector.broadcast %mul3A_12 : f32 to vector<1000x64xf32>
    %mul3A_14 = arith.mulf %mul3A_13, %add3A_11 : vector<1000x64xf32>
    %max3A_15 = arith.maximumf %add3A_11, %mul3A_14 : vector<1000x64xf32>
    %get3A_16 = arith.constant 0 : index
    %get3A_17 = arith.constant 0 : index
    %get3A_18 = vector.load %arg4[%get3A_16, %get3A_17] : memref<64x16xf32, #tpu.memory_space<vmem>>, vector<64x16xf32>
    %dot_general3A_19 = arith.constant dense<0.000000e+00> : vector<1000x16xf32>
    %dot_general3A_20 = tpu.matmul %max3A_15, %get3A_18, %dot_general3A_19 {dimension_numbers = #tpu.dot_dimension_numbers<[1], [0], [0], [1], [0, 0, 1, 1], [], []>, transpose_lhs_hint = false} : vector<1000x64xf32>, vector<64x16xf32>, vector<1000x16xf32> -> vector<1000x16xf32>
    %get3A_21 = arith.constant 0 : index
    %get3A_22 = arith.constant 0 : index
    %get3A_23 = vector.load %arg5[%get3A_21, %get3A_22] : memref<1x16xf32, #tpu.memory_space<vmem>>, vector<1x16xf32>
    %add3A_24 = vector.broadcast %get3A_23 : vector<1x16xf32> to vector<1000x16xf32>
    %add3A_25 = arith.addf %dot_general3A_20, %add3A_24 : vector<1000x16xf32>
    %mul3A_26 = arith.constant 0.00999999977 : f32
    %mul3A_27 = vector.broadcast %mul3A_26 : f32 to vector<1000x16xf32>
    %mul3A_28 = arith.mulf %mul3A_27, %add3A_25 : vector<1000x16xf32>
    %max3A_29 = arith.maximumf %add3A_25, %mul3A_28 : vector<1000x16xf32>
    %get3A_30 = arith.constant 0 : index
    %get3A_31 = arith.constant 0 : index
    %get3A_32 = vector.load %arg6[%get3A_30, %get3A_31] : memref<16x1xf32, #tpu.memory_space<vmem>>, vector<16x1xf32>
    %dot_general3A_33 = arith.constant dense<0.000000e+00> : vector<1000x1xf32>
    %dot_general3A_34 = tpu.matmul %max3A_29, %get3A_32, %dot_general3A_33 {dimension_numbers = #tpu.dot_dimension_numbers<[1], [0], [0], [1], [0, 0, 1, 1], [], []>, transpose_lhs_hint = false} : vector<1000x16xf32>, vector<16x1xf32>, vector<1000x1xf32> -> vector<1000x1xf32>
    %get3A_35 = arith.constant 0 : index
    %get3A_36 = arith.constant 0 : index
    %get3A_37 = vector.load %arg7[%get3A_35, %get3A_36] : memref<1x1xf32, #tpu.memory_space<vmem>>, vector<1x1xf32>
    %add3A_38 = vector.broadcast %get3A_37 : vector<1x1xf32> to vector<1000x1xf32>
    %add3A_39 = arith.addf %dot_general3A_34, %add3A_38 : vector<1000x1xf32>
    %swap3A = arith.constant 0 : index
    %swap3A_40 = arith.constant 0 : index
    %swap3A_41 = vector.load %arg8[%swap3A, %swap3A_40] : memref<1000x1xf32, #tpu.memory_space<vmem>>, vector<1000x1xf32>
    tpu.vector_store %arg8[%swap3A, %swap3A_40], %add3A_39 {strides = array<i32>} : memref<1000x1xf32, #tpu.memory_space<vmem>>, vector<1000x1xf32>,
    return
  }
  func.func @transform_0(%arg0: i32) -> (i32, i32) {
    %c0_i32 = arith.constant 0 : i32
    %c0_i32_0 = arith.constant 0 : i32
    return %arg0, %c0_i32 : i32, i32
  }
  func.func @transform_1(%arg0: i32) -> (i32, i32) {
    %c0_i32 = arith.constant 0 : i32
    %c0_i32_0 = arith.constant 0 : i32
    %c0_i32_1 = arith.constant 0 : i32
    return %c0_i32, %c0_i32_0 : i32, i32
  }
  func.func @transform_2(%arg0: i32) -> (i32, i32) {
    %c0_i32 = arith.constant 0 : i32
    %c0_i32_0 = arith.constant 0 : i32
    %c0_i32_1 = arith.constant 0 : i32
    return %c0_i32, %c0_i32_0 : i32, i32
  }
  func.func @transform_3(%arg0: i32) -> (i32, i32) {
    %c0_i32 = arith.constant 0 : i32
    %c0_i32_0 = arith.constant 0 : i32
    %c0_i32_1 = arith.constant 0 : i32
    return %c0_i32, %c0_i32_0 : i32, i32
  }
  func.func @transform_4(%arg0: i32) -> (i32, i32) {
    %c0_i32 = arith.constant 0 : i32
    %c0_i32_0 = arith.constant 0 : i32
    %c0_i32_1 = arith.constant 0 : i32
    return %c0_i32, %c0_i32_0 : i32, i32
  }
  func.func @transform_5(%arg0: i32) -> (i32, i32) {
    %c0_i32 = arith.constant 0 : i32
    %c0_i32_0 = arith.constant 0 : i32
    %c0_i32_1 = arith.constant 0 : i32
    return %c0_i32, %c0_i32_0 : i32, i32
  }
  func.func @transform_6(%arg0: i32) -> (i32, i32) {
    %c0_i32 = arith.constant 0 : i32
    %c0_i32_0 = arith.constant 0 : i32
    %c0_i32_1 = arith.constant 0 : i32
    return %c0_i32, %c0_i32_0 : i32, i32
  }
  func.func @transform_7(%arg0: i32) -> (i32, i32) {
    %c0_i32 = arith.constant 0 : i32
    %c0_i32_0 = arith.constant 0 : i32
    return %arg0, %c0_i32 : i32, i32
  }
}

</mosaic_0001>

<sc_bundles>
// kernel: kernel.14.cloned.1.call-start
scs
__scs_entry_jumppad:
0x0: {  	(pc) =	sbr.rel $0x88, $3  }
0x1: {  	(tag) =	ssettag $0x0;
	lr =	simm.s32 $0x1  }
0x2: {  	[smem:$0x3F89] =	sst lr;
	_ =	strace $0xD0000000  }
0x3: {  	_ = 	snop  }
0x4: {  	_ = 	snop  }
0x5: {  	_ = 	snop  }
0x6: {  	_ = 	snop  }
0x7: {  	_ = 	snop  }
__scs_overlays_trampoline_lowered:
0x8: {  	[smem:$0x3F98] =	sst s0  }
0x9: {  	[smem:$0x3F99] =	sst s1  }
0xa: {  	[smem:$0x3F9A] =	sst s2  }
0xb: {  	[smem:$0x3F9B] =	sst s3  }
0xc: {  	[smem:$0x3F9C] =	sst s4  }
0xd: {  	[smem:$0x3F9D] =	sst s5  }
0xe: {  	[smem:$0x3F9E] =	sst s6  }
0xf: {  	[smem:$0x3F9F] =	sst s7  }
0x10: {  	[smem:$0x3FA0] =	sst s8  }
0x11: {  	[smem:$0x3FA1] =	sst s9;
	s0 =	simm.s32 @!p0 $0x0  }
0x12: {  	s1 =	sld [smem:$0x3F87];
	s0 =	simm.s32 @p0 $0x1  }
0x13: {  	[smem:$0x3FA2] =	sst s0;
	s0 =	simm.s32 @!p1 $0x0  }
0x14: {  	s2 =	sld [smem:$0x3F86];
	s0 =	simm.s32 @p1 $0x1  }
0x15: {  	[smem:$0x3FA3] =	sst s0;
	s0 =	simm.s32 @!p2 $0x0  }
0x16: {  	s3 =	sld [smem:$0x3FDB];
	s0 =	simm.s32 @p2 $0x1  }
0x17: {  	s4 =	simm.s32 $0x1BF5;
	[smem:$0x3FA5] =	sst s0  }
0x18: {  	s0 =	sld [smem:$0x3F88];
	_ =	swait.ge [sflag:s4], $0x0  }
0x19: {  	s7 =	sld [smem:$0x3F89]  }
0x1a: {  	s8 =	sadd.s32 $0xFFFFE003, lr  }
0x1b: {  	s9 =	sadd.s32 $0xFFFFFEF7, lr;
	s5 =	simm.s32 $0xFFFFFFFF;
	p2 =	slt.u32 s8, $0xFFFFF086  }
0x1c: {  	p1 =	slt.u32 s9, $0xF7A;
	s5 =	simm.s32 @!p2 $0x0  }
0x1d: {  	s5 =	simm.s32 @p1 $0x1;
	p0 =	seq.s32 s7, s2  }
0x1e: {  	s7 =	smul.u32 @!p0 $0xF7A, s2;
	p2 =	seq.s32 @!p0 s5, $0x0  }
0x1f: {  	s9 =	smul.u32 $0xF7A, s1;
	s8 =	simm.s32 @!p0 $0x1BF5;
	p2 =	por !p2, p0  }
0x20: {  	[sflag:s8] =	ssyncset.s32 @!p0 $0xFFFFF086;
	s6 =	sadd.s32 @!p0 s3, s7;
	s7 =	simm.s32 @!p0 $0x108  }
0x21: {  	s3 =	sadd.s32 s3, s9;
	s6 =	sadd.s32 @!p0 $0x88, s6;
	s7 =	simm.s32 @p2 $0x1082  }
0x22: {  	[simem:s7], [sflag:s8] =	dma.local @!p0 [hbm:s6], $0xF7A  }
0x23: {  	s9 =	sor.u32 $0xD0000000, s2;
	s6 =	simm.s32 $0x108;
	_ =	swait.ge @!p0 [sflag:s8], $0x0  }
0x24: {  	s3 =	sadd.s32 $0x88, s3;
	s6 =	simm.s32 @!p1 $0x1082;
	[sflag:s4] =	ssyncset.s32 $0xFFFFF086  }
0x25: {  	[simem:s6], [sflag:s4] =	dma.local [hbm:s3], $0xF7A  }
0x26: {  	[smem:$0x3F89] =	sst s1;
	(tag) =	ssettag s2;
	_ =	strace s9  }
0x27: {  	s1 =	sld [smem:$0x3F99]  }
0x28: {  	s2 =	sld [smem:$0x3F9A]  }
0x29: {  	s4 =	sld [smem:$0x3F9C]  }
0x2a: {  	p0 =	seq.s32 s5, $0x0;
	s5 =	sld [smem:$0x3F9D]  }
0x2b: {  	s6 =	sld [smem:$0x3F9E]  }
0x2c: {  	s7 =	sld [smem:$0x3F9F]  }
0x2d: {  	s3 =	simm.s32 $0x108;
	s8 =	sld [smem:$0x3FA0]  }
0x2e: {  	s3 =	simm.s32 @!p0 $0x1082;
	s9 =	sld [smem:$0x3FA1]  }
0x2f: {  	lr =	sadd.s32 s0, s3;
	s0 =	sld [smem:$0x3F98]  }
0x30: {  	s3 =	sld [smem:$0x3F9B]  }
0x31: {  	[smem:$0x3FA4] =	sst s10  }
0x32: {  	s10 =	sld [smem:$0x3FA2];
	_ =	sdelay $0x3  }
0x33: {  	p0 =	seq.s32 s10, $0x1;
	s10 =	sld [smem:$0x3FA4];
	_ =	sdelay $0x3  }
0x34: {  	[smem:$0x3FA4] =	sst s10  }
0x35: {  	s10 =	sld [smem:$0x3FA3];
	_ =	sdelay $0x3  }
0x36: {  	p1 =	seq.s32 s10, $0x1;
	s10 =	sld [smem:$0x3FA4];
	_ =	sdelay $0x3  }
0x37: {  	[smem:$0x3FA4] =	sst s10  }
0x38: {  	s10 =	sld [smem:$0x3FA5]  }
0x39: {  	_ = 	snop;
	(pc) =	sbr.ind lr, $3  }
0x3a: {  	_ = 	snop  }
0x3b: {  	_ = 	snop  }
0x3c: {  	p2 =	seq.s32 s10, $0x1;
	s10 =	sld [smem:$0x3FA4]  }
0x3d: {  	_ =	shalt  }
0x3e: {  	_ =	shalt  }
0x3f: {  	_ =	shalt  }
0x40: {  	_ =	shalt  }
0x41: {  	_ =	shalt  }
0x42: {  	_ =	shalt  }
0x43: {  	_ =	shalt  }
0x44: {  	_ =	shalt  }
0x45: {  	_ =	shalt  }
0x46: {  	_ =	shalt  }
0x47: {  	_ =	shalt  }
0x48: {  	_ =	shalt  }
0x49: {  	_ =	shalt  }
0x4a: {  	_ =	shalt  }
0x4b: {  	_ =	shalt  }
0x4c: {  	_ =	shalt  }
0x4d: {  	_ =	shalt  }
0x4e: {  	_ =	shalt  }
0x4f: {  	_ =	shalt  }
0x50: {  	_ =	shalt  }
0x51: {  	_ =	shalt  }
0x52: {  	_ =	shalt  }
0x53: {  	_ =	shalt  }
0x54: {  	_ =	shalt  }
0x55: {  	_ =	shalt  }
0x56: {  	_ =	shalt  }
0x57: {  	_ =	shalt  }
0x58: {  	_ =	shalt  }
0x59: {  	_ =	shalt  }
0x5a: {  	_ =	shalt  }
0x5b: {  	_ =	shalt  }
0x5c: {  	_ =	shalt  }
0x5d: {  	_ =	shalt  }
0x5e: {  	_ =	shalt  }
0x5f: {  	_ =	shalt  }
0x60: {  	_ =	shalt  }
0x61: {  	_ =	shalt  }
0x62: {  	_ =	shalt  }
0x63: {  	_ =	shalt  }
0x64: {  	_ =	shalt  }
0x65: {  	_ =	shalt  }
0x66: {  	_ =	shalt  }
0x67: {  	_ =	shalt  }
0x68: {  	_ =	shalt  }
0x69: {  	_ =	shalt  }
0x6a: {  	_ =	shalt  }
0x6b: {  	_ =	shalt  }
0x6c: {  	_ =	shalt  }
0x6d: {  	_ =	shalt  }
0x6e: {  	_ =	shalt  }
0x6f: {  	_ =	shalt  }
0x70: {  	_ =	shalt  }
0x71: {  	_ =	shalt  }
0x72: {  	_ =	shalt  }
0x73: {  	_ =	shalt  }
0x74: {  	_ =	shalt  }
0x75: {  	_ =	shalt  }
0x76: {  	_ =	shalt  }
0x77: {  	_ =	shalt  }
0x78: {  	_ =	shalt  }
0x79: {  	_ =	shalt  }
0x7a: {  	_ =	shalt  }
0x7b: {  	_ =	shalt  }
0x7c: {  	_ =	shalt  }
0x7d: {  	_ =	shalt  }
0x7e: {  	_ =	shalt  }
0x7f: {  	_ =	shalt  }
0x80: {  	_ =	shalt  }
0x81: {  	_ =	shalt  }
0x82: {  	_ =	shalt  }
0x83: {  	_ =	shalt  }
0x84: {  	_ =	shalt  }
0x85: {  	_ =	shalt  }
0x86: {  	_ =	shalt  }
0x87: {  	_ =	shalt  }
.Lfunc_end0:
.L_simem_size_0:
called_computation_lowered:
.L_overlay_start_0:
0x88: {  	s2 =	sld [smem:$0x3FD9]  }
0x89: {  	s3 =	sld [smem:$0x3FFE];
	_ =	sdelay $0x1  }
0x8a: {  	s1 =	srdreg.scid  }
0x8b: {  	s0 =	sand.u32 $0x1, s1  }
0x8c: {  	s17 =	sshll.u32 s0, $0xA;
	s2 =	sadd.s32 s3, s2  }
0x8d: {  	s2 =	sadd.s32 s2, s17  }
0x8e: {  	[smem:$0x3FB0] =	sst s2  }
0x8f: {  	_ = 	snop  }
0x90: {  	s18 =	sld [smem:$0x3FD0];
	(tm) =	ssettm $0x1  }
0x91: {  	s19 =	sld [smem:$0x3FFB];
	_ =	sdelay $0x3  }
0x92: {  	_ =	strace s19  }
0x93: {  	s2 =	sld [smem:$0x3FFC];
	_ =	sdelay $0x3  }
0x94: {  	_ =	strace s2  }
0x95: {  	s2 =	sld [smem:$0x3FFD];
	_ =	sdelay $0x3  }
0x96: {  	_ =	strace s2  }
0x97: {  	_ =	strace $0x8FFFFFFF  }
0x98: {  	s20 =	sld [smem:$0x3FDB];
	_ =	sdelay $0x1  }
0x99: {  	s4 =	simm.s32 $_scs_section_size  }
0x9a: {  	s5 =	simm.s32 $_size__tile_overlayer_lowered;
	s6 =	simm.s32 $_tile_overlayer_lowered  }
0x9b: {  	s7 =	simm.s32 $0x1BFF;
	s21 =	sshll.u32 s6, $0x1;
	s4 =	sadd.s32 s4, s20  }
0x9c: {  	s22 =	simm.s32 $0x0;
	s5 =	sshll.u32 s5, $0x1;
	s6 =	sadd.s32 s21, s4  }
0x9d: {  	[timem:s22], [sflag:s7] =	dma.local [hbm:s6], s5  }
0x9e: {  	_ =	swait.ge [sflag:s7], s5  }
0x9f: {  	s5 =	ssub.s32 $0x0, s5;
	[sflag:s7] =	ssyncset.done $0x0  }
0xa0: {  	[sflag:s7] =	ssyncadd.s32 s5;
	_ =	sdelay $0x1  }
0xa1: {  	s23 =	simm.s32 $0x1B8B  }
0xa2: {  	_ =	swait.ge [sflag:s23], $0x1  }
0xa3: {  	[sflag:s23] =	ssyncset.done $0x0  }
0xa4: {  	[sflag:s23] =	ssyncadd.s32 $0xFFFFFFFF  }
0xa5: {  	s5 =	sld [smem:$0x0]  }
0xa6: {  	s6 =	sand.u32 $0xFFFFFFFE, s1  }
0xa7: {  	p0 =	sne.s32 s1, s6  }
0xa8: {  	s6 =	sshll.u32 @p0 s6, $0xE  }
0xa9: {  	s6 =	sadd.s32 @p0 $0x11B8D, s6;
	s7 =	sshll.u32 @p0 s5, $0x11  }
0xaa: {  	s6 =	sor.u32 @p0 s7, s6  }
0xab: {  	[sflag:s6] =	ssyncadd.remote.s32 @p0 $0x1;
	_ =	sdelay $0x1  }
0xac: {  	s6 =	simm.s32 @p0 $0x1B8D  }
0xad: {  	_ =	swait.eq @p0 [sflag:s6], $0x1  }
0xae: {  	[sflag:s6] =	ssyncadd.s32 @p0 $0xFFFFFFFF  }
0xaf: {  	s7 =	sshll.u32 @!p0 s1, $0xE  }
0xb0: {  	s7 =	sor.u32 @!p0 $0x4000, s7;
	s6 =	simm.s32 @!p0 $0x1B8D  }
0xb1: {  	s5 =	sshll.u32 @!p0 s5, $0x11;
	s7 =	sadd.s32 @!p0 $0x11B8D, s7;
	_ =	swait.eq @!p0 [sflag:s6], $0x1  }
0xb2: {  	s5 =	sor.u32 @!p0 s5, s7;
	[sflag:s6] =	ssyncadd.s32 @!p0 $0xFFFFFFFF  }
0xb3: {  	s25 =	simm.s32 $0x1B8E;
	s24 =	sld [smem:$0x3FFE];
	[sflag:s5] =	ssyncadd.remote.s32 @!p0 $0x1  }
0xb4: {  	s26 =	simm.s32 $execute0_lowered;
	[smem:$0x3FD2] =	sst s25  }
0xb5: {  	s6 =	sshll.u32 s26, $0x1;
	_ =	strace $0x80000049;
	[dreg:$0x1] =	wrdreg $0xFFFFFFFF  }
0xb6: {  	s28 =	simm.s32 $_size_execute0_lowered;
	s4 =	sadd.s32 s4, s6;
	[dreg:$0x0] =	wrdreg $0x0  }
0xb7: {  	s6 =	sshll.u32 s28, $0x1;
	[dreg:$0x2] =	wrdreg s4  }
0xb8: {  	[dreg:$0x3] =	wrdreg s6  }
0xb9: {  	[dreg:$0x4] =	wrdreg $0xC0  }
0xba: {  	_ =	task [dreg:s22], $0x5FFFF  }
0xbb: {  	[dreg:$0x1] =	wrdreg $0xFFFFFFFF  }
0xbc: {  	[dreg:$0x0] =	wrdreg $0x60  }
0xbd: {  	[dreg:$0x2] =	wrdreg s24  }
0xbe: {  	[dreg:$0x3] =	wrdreg s18  }
0xbf: {  	[dreg:$0x4] =	wrdreg $0x0  }
0xc0: {  	[dreg:$0x5] =	wrdreg $0x9  }
0xc1: {  	_ =	task.clear_ibuf [dreg:s22], $0x6FFFF;
	_ =	strace $0x90000049  }
0xc2: {  	s29 =	simm.s32 $0x9;
	_ =	strace $0x8000004B  }
0xc3: {  	_ =	swait.ge [sflag:s29], $0x1  }
0xc4: {  	[sflag:s29] =	ssyncadd.s32 $0xFFFFFFFF  }
0xc5: {  	_ =	strace $0x9000004B  }
0xc6: {  	_ =	sfence  }
0xc7: {  	s30 =	sld [smem:$0x0];
	_ =	sdelay $0x2  }
0xc8: {  	s31 =	sshll.u32 s1, $0xD;
	s1 =	sshrl.u32 s1, $0x2  }
0xc9: {  	s4 =	sand.u32 $0x4000, s31;
	s1 =	sadd.s32 s1, s30  }
0xca: {  	s0 =	sor.u32 s4, s0;
	s1 =	sshll.u32 s1, $0x11  }
0xcb: {  	s0 =	sor.u32 s1, s0  }
0xcc: {  	s0 =	sadd.s32 $0x8F2B, s0  }
0xcd: {  	[sflag:s0] =	ssyncadd.remote.s32 $0x1  }
0xce: {  	_ =	sfence.sel $0xFFFF  }
0xcf: {  	[dreg:$0x0] =	wrdreg $0xFFFFFFFF;
	(pc) =	sbr.abs _section_cstart, $3  }
0xd0: {  	[dreg:$0x1] =	wrdreg $0xFFFFFFFF  }
0xd1: {  	_ =	task.clear_ibuf [dreg:s22], $0x2FFFF;
	_ =	strace $0x9FFFFFFF  }
0xd2: {  	(tm) =	ssettm $0x7FFFFFFF  }
0xd3: {  	_ =	shalt  }
tec
execute0_lowered:
.L_overlay_start_1:
0x0: {  	(tag) =	ssettag $0x1  }
0x1: {  	s6 =	rddreg [dreg:$0x0]  }
0x2: {  	s2 =	rddreg [dreg:$0x1]  }
0x3: {  	s0 =	srdreg.scid;
	s3 =	rddreg [dreg:$0x2]  }
0x4: {  	s1 =	stileid.u32;
	s4 =	simm.s32 $0x0;
	s13 =	simm.s32 $0x16400  }
0x5: {  	s14 =	simm.s32 $0x80;
	s15 =	simm.s32 $0x0;
	s7 =	sand.u32 $0x1, s0  }
0x6: {  	s0 =	rddreg [dreg:$0x3];
	s5 =	sshll.u32 s1, $0x1;
	s9 =	smul.u32 $0x13C00, s1  }
0x7: {  	[smem:$0x7FF] =	sst s4;
	s10 =	smul.u32 $0x4F000, s1;
	s11 =	sshll.u32 s1, $0x6  }
0x8: {  	s8 =	smul.u32 $0x13C000, s7;
	s5 =	sor.u32 s7, s5;
	s31 =	ssub.s32 $0x2, s7  }
0x9: {  	_ =	strace $0x8000004A;
	s5 =	smul.u32 $0x500, s5;
	s7 =	sshrl.u32 s31, $0x1  }
0xa: {  	s10 =	sshrl.u32 s10, $0x2;
	s8 =	sadd.s32 s9, s8;
	s12 =	ssub.s32 s31, s7  }
0xb: {  	s10 =	sadd.s32 s10, s3;
	s30 =	sadd.s32 s5, s6;
	s8 =	sshrl.u32 s8, $0x3  }
0xc: {  	s5 =	sadd.s32 $0x90800, s6;
	s9 =	smax.u32 s12, $0x1;
	s10 =	sshrl.u32 s10, $0x3  }
0xd: {  	s12 =	simm.s32 $0x13C00;
	s8 =	sadd.s32 s8, s6;
	s6 =	sor.u32 $0x1C01, s11  }
0xe: {  	s7 =	sadd.s32 $0x6600, s30;
	s11 =	simm.s32 $0x1;
	s8 =	sadd.s32 $0x91000, s8  }
.LBB2_1:
0xf: {  	[spmem:s10], [sflag:s6] =	dma.local [hbm:s2], $0x2780  }
0x10: {  	_ =	swait.ge [sflag:s11], $0x2780  }
0x11: {  	[sflag:s11] =	ssyncset.done $0x0  }
0x12: {  	[sflag:s11] =	ssyncadd.s32 $0xFFFFD880  }
0x13: {  	[tilespmem:s12], [sflag:$0x1] =	stream.linear.gather [hbm4b:s7+s4], $0x2780, $0x38;
	[tilespmem:$0x1A400] =	vst v63  }
0x14: {  	_ =	swait.ge [sflag:s11], $0x2780  }
0x15: {  	[sflag:s11] =	ssyncset.done $0x0  }
0x16: {  	[sflag:s11] =	ssyncadd.s32 $0xFFFFD880  }
0x17: {  	[tilespmem:s13], [sflag:$0x1] =	stream.linear.gather [hbm4b:s5+s4], $0x4000, $0x38;
	[tilespmem:$0x1A400] =	vst v63  }
0x18: {  	_ =	swait.ge [sflag:s11], $0x4000  }
0x19: {  	[sflag:s11] =	ssyncset.done $0x0  }
0x1a: {  	[sflag:s11] =	ssyncadd.s32 $0xFFFFC000  }
0x1b: {  	s16 =	simm.s32 $0x13C00;
	[bflag:$0x0] =	sbarrier.arrive $0xFFFF  }
0x1c: {  	[spmem:s3] =	stream.indirect.scatter.add.f32 [tilespmem:s13], [sflag:$0x1], $0x80, s16, s14, $0xb8;
	[tilespmem:$0x1A400] =	vst v63  }
0x1d: {  	s16 =	simm.s32 $0x200;
	_ =	swait.ge [sflag:s11], $0x4000  }
.LBB2_2:
0x1e: {  	s17 =	sshra.s32 s16, $0x2;
	[sflag:s11] =	ssyncset.done $0x0;
	p0 =	sne.s32 s16, $0x9C00  }
.Ltmp0:
0x1f: {  	s17 =	sadd.s32 $0x13C00, s17;
	[sflag:s11] =	ssyncadd.s32 $0xFFFFC000;
	(pc) =	sbr.rel @p0 .LBB2_2-.Ltmp0, $3  }
0x20: {  	[spmem:s3] =	stream.indirect.scatter.add.f32 [tilespmem:s13], [sflag:$0x1], $0x80, s17, s14, $0xb8;
	[tilespmem:$0x1A400] =	vst v63  }
0x21: {  	s16 =	sadd.s32 $0x200, s16;
	_ =	sdelay $0x1  }
0x22: {  	_ =	swait.ge [sflag:s11], $0x4000  }
0x23: {  	[sflag:s11] =	ssyncset.done $0x0;
	s15 =	sadd.s32 $0x1, s15  }
0x24: {  	[sflag:s11] =	ssyncadd.s32 $0xFFFFC000;
	p0 =	sne.s32 s15, s9  }
.Ltmp1:
0x25: {  	[bflag:$0x0] =	sbarrier.arrive $0xFFFF;
	(pc) =	sbr.rel @p0 .LBB2_1-.Ltmp1, $4  }
0x26: {  	[hbm:s8], [sflag:s6] =	dma.local [spmem:s10], $0x2780  }
0x27: {  	_ =	swait.ge [sflag:s11], $0x2780  }
0x28: {  	[sflag:s11] =	ssyncset.done $0x0  }
0x29: {  	[sflag:s11] =	ssyncadd.s32 $0xFFFFD880  }
0x2a: {  	_ =	sfence.sel $0x180000  }
0x2b: {  	[bflag:$0x0] =	sbarrier.arrive $0xFFFF  }
0x2c: {  	p0 =	sne.s32 s1, $0x0;
	_ =	strace $0x9000004A  }
0x2d: {  	s0 =	sadd.s32 @!p0 $0x100000, s0;
	[bflag:$0x2] =	sbarrier.arrive $0xFFFF  }
0x2e: {  	[sflag:s0] =	ssyncadd.tile.s32 @!p0 $0x1;
	_ =	shalt  }
.Lfunc_end2:
_tile_overlayer_lowered:
.L_overlay_start_2:
0x2f: {  	(tag) =	ssettag $0x2  }
0x30: {  	s0 =	rddreg [dreg:$0x0];
	s2 =	stileid.u32  }
0x31: {  	s1 =	rddreg [dreg:$0x1];
	p0 =	sne.s32 s2, $0x0  }
0x32: {  	s3 =	rddreg [dreg:$0x2];
	[bflag:$0x3] =	sbarrier.arrive $0xFFFF;
	s2 =	simm.s32 @!p0 $0x1C01  }
0x33: {  	[timem:s3], [sflag:s2] =	dma.local @!p0 [hbm:s0], s1  }
0x34: {  	s0 =	simm.s32 @!p0 $0x1  }
0x35: {  	_ =	swait.ge @!p0 [sflag:s0], s1  }
0x36: {  	s1 =	ssub.s32 @!p0 $0x0, s1;
	[sflag:s0] =	ssyncset.done @!p0 $0x0  }
0x37: {  	[sflag:s0] =	ssyncadd.s32 @!p0 s1  }
0x38: {  	[bflag:$0x3] =	sbarrier.arrive $0xFFFF  }
0x39: {  	_ =	shalt  }

// kernel: kernel.17.cloned.1.call-start
scs
__scs_entry_jumppad:
0x0: {  	(pc) =	sbr.rel $0x88, $3  }
0x1: {  	(tag) =	ssettag $0x0;
	lr =	simm.s32 $0x1  }
0x2: {  	[smem:$0x3F89] =	sst lr;
	_ =	strace $0xD0000000  }
0x3: {  	_ = 	snop  }
0x4: {  	_ = 	snop  }
0x5: {  	_ = 	snop  }
0x6: {  	_ = 	snop  }
0x7: {  	_ = 	snop  }
__scs_overlays_trampoline_lowered:
0x8: {  	[smem:$0x3F98] =	sst s0  }
0x9: {  	[smem:$0x3F99] =	sst s1  }
0xa: {  	[smem:$0x3F9A] =	sst s2  }
0xb: {  	[smem:$0x3F9B] =	sst s3  }
0xc: {  	[smem:$0x3F9C] =	sst s4  }
0xd: {  	[smem:$0x3F9D] =	sst s5  }
0xe: {  	[smem:$0x3F9E] =	sst s6  }
0xf: {  	[smem:$0x3F9F] =	sst s7  }
0x10: {  	[smem:$0x3FA0] =	sst s8  }
0x11: {  	[smem:$0x3FA1] =	sst s9;
	s0 =	simm.s32 @!p0 $0x0  }
0x12: {  	s1 =	sld [smem:$0x3F87];
	s0 =	simm.s32 @p0 $0x1  }
0x13: {  	[smem:$0x3FA2] =	sst s0;
	s0 =	simm.s32 @!p1 $0x0  }
0x14: {  	s2 =	sld [smem:$0x3F86];
	s0 =	simm.s32 @p1 $0x1  }
0x15: {  	[smem:$0x3FA3] =	sst s0;
	s0 =	simm.s32 @!p2 $0x0  }
0x16: {  	s3 =	sld [smem:$0x3FDB];
	s0 =	simm.s32 @p2 $0x1  }
0x17: {  	s4 =	simm.s32 $0x1BF5;
	[smem:$0x3FA5] =	sst s0  }
0x18: {  	s0 =	sld [smem:$0x3F88];
	_ =	swait.ge [sflag:s4], $0x0  }
0x19: {  	s7 =	sld [smem:$0x3F89]  }
0x1a: {  	s8 =	sadd.s32 $0xFFFFE003, lr  }
0x1b: {  	s9 =	sadd.s32 $0xFFFFFEF7, lr;
	s5 =	simm.s32 $0xFFFFFFFF;
	p2 =	slt.u32 s8, $0xFFFFF086  }
0x1c: {  	p1 =	slt.u32 s9, $0xF7A;
	s5 =	simm.s32 @!p2 $0x0  }
0x1d: {  	s5 =	simm.s32 @p1 $0x1;
	p0 =	seq.s32 s7, s2  }
0x1e: {  	s7 =	smul.u32 @!p0 $0xF7A, s2;
	p2 =	seq.s32 @!p0 s5, $0x0  }
0x1f: {  	s9 =	smul.u32 $0xF7A, s1;
	s8 =	simm.s32 @!p0 $0x1BF5;
	p2 =	por !p2, p0  }
0x20: {  	[sflag:s8] =	ssyncset.s32 @!p0 $0xFFFFF086;
	s6 =	sadd.s32 @!p0 s3, s7;
	s7 =	simm.s32 @!p0 $0x108  }
0x21: {  	s3 =	sadd.s32 s3, s9;
	s6 =	sadd.s32 @!p0 $0x88, s6;
	s7 =	simm.s32 @p2 $0x1082  }
0x22: {  	[simem:s7], [sflag:s8] =	dma.local @!p0 [hbm:s6], $0xF7A  }
0x23: {  	s9 =	sor.u32 $0xD0000000, s2;
	s6 =	simm.s32 $0x108;
	_ =	swait.ge @!p0 [sflag:s8], $0x0  }
0x24: {  	s3 =	sadd.s32 $0x88, s3;
	s6 =	simm.s32 @!p1 $0x1082;
	[sflag:s4] =	ssyncset.s32 $0xFFFFF086  }
0x25: {  	[simem:s6], [sflag:s4] =	dma.local [hbm:s3], $0xF7A  }
0x26: {  	[smem:$0x3F89] =	sst s1;
	(tag) =	ssettag s2;
	_ =	strace s9  }
0x27: {  	s1 =	sld [smem:$0x3F99]  }
0x28: {  	s2 =	sld [smem:$0x3F9A]  }
0x29: {  	s4 =	sld [smem:$0x3F9C]  }
0x2a: {  	p0 =	seq.s32 s5, $0x0;
	s5 =	sld [smem:$0x3F9D]  }
0x2b: {  	s6 =	sld [smem:$0x3F9E]  }
0x2c: {  	s7 =	sld [smem:$0x3F9F]  }
0x2d: {  	s3 =	simm.s32 $0x108;
	s8 =	sld [smem:$0x3FA0]  }
0x2e: {  	s3 =	simm.s32 @!p0 $0x1082;
	s9 =	sld [smem:$0x3FA1]  }
0x2f: {  	lr =	sadd.s32 s0, s3;
	s0 =	sld [smem:$0x3F98]  }
0x30: {  	s3 =	sld [smem:$0x3F9B]  }
0x31: {  	[smem:$0x3FA4] =	sst s10  }
0x32: {  	s10 =	sld [smem:$0x3FA2];
	_ =	sdelay $0x3  }
0x33: {  	p0 =	seq.s32 s10, $0x1;
	s10 =	sld [smem:$0x3FA4];
	_ =	sdelay $0x3  }
0x34: {  	[smem:$0x3FA4] =	sst s10  }
0x35: {  	s10 =	sld [smem:$0x3FA3];
	_ =	sdelay $0x3  }
0x36: {  	p1 =	seq.s32 s10, $0x1;
	s10 =	sld [smem:$0x3FA4];
	_ =	sdelay $0x3  }
0x37: {  	[smem:$0x3FA4] =	sst s10  }
0x38: {  	s10 =	sld [smem:$0x3FA5]  }
0x39: {  	_ = 	snop;
	(pc) =	sbr.ind lr, $3  }
0x3a: {  	_ = 	snop  }
0x3b: {  	_ = 	snop  }
0x3c: {  	p2 =	seq.s32 s10, $0x1;
	s10 =	sld [smem:$0x3FA4]  }
0x3d: {  	_ =	shalt  }
0x3e: {  	_ =	shalt  }
0x3f: {  	_ =	shalt  }
0x40: {  	_ =	shalt  }
0x41: {  	_ =	shalt  }
0x42: {  	_ =	shalt  }
0x43: {  	_ =	shalt  }
0x44: {  	_ =	shalt  }
0x45: {  	_ =	shalt  }
0x46: {  	_ =	shalt  }
0x47: {  	_ =	shalt  }
0x48: {  	_ =	shalt  }
0x49: {  	_ =	shalt  }
0x4a: {  	_ =	shalt  }
0x4b: {  	_ =	shalt  }
0x4c: {  	_ =	shalt  }
0x4d: {  	_ =	shalt  }
0x4e: {  	_ =	shalt  }
0x4f: {  	_ =	shalt  }
0x50: {  	_ =	shalt  }
0x51: {  	_ =	shalt  }
0x52: {  	_ =	shalt  }
0x53: {  	_ =	shalt  }
0x54: {  	_ =	shalt  }
0x55: {  	_ =	shalt  }
0x56: {  	_ =	shalt  }
0x57: {  	_ =	shalt  }
0x58: {  	_ =	shalt  }
0x59: {  	_ =	shalt  }
0x5a: {  	_ =	shalt  }
0x5b: {  	_ =	shalt  }
0x5c: {  	_ =	shalt  }
0x5d: {  	_ =	shalt  }
0x5e: {  	_ =	shalt  }
0x5f: {  	_ =	shalt  }
0x60: {  	_ =	shalt  }
0x61: {  	_ =	shalt  }
0x62: {  	_ =	shalt  }
0x63: {  	_ =	shalt  }
0x64: {  	_ =	shalt  }
0x65: {  	_ =	shalt  }
0x66: {  	_ =	shalt  }
0x67: {  	_ =	shalt  }
0x68: {  	_ =	shalt  }
0x69: {  	_ =	shalt  }
0x6a: {  	_ =	shalt  }
0x6b: {  	_ =	shalt  }
0x6c: {  	_ =	shalt  }
0x6d: {  	_ =	shalt  }
0x6e: {  	_ =	shalt  }
0x6f: {  	_ =	shalt  }
0x70: {  	_ =	shalt  }
0x71: {  	_ =	shalt  }
0x72: {  	_ =	shalt  }
0x73: {  	_ =	shalt  }
0x74: {  	_ =	shalt  }
0x75: {  	_ =	shalt  }
0x76: {  	_ =	shalt  }
0x77: {  	_ =	shalt  }
0x78: {  	_ =	shalt  }
0x79: {  	_ =	shalt  }
0x7a: {  	_ =	shalt  }
0x7b: {  	_ =	shalt  }
0x7c: {  	_ =	shalt  }
0x7d: {  	_ =	shalt  }
0x7e: {  	_ =	shalt  }
0x7f: {  	_ =	shalt  }
0x80: {  	_ =	shalt  }
0x81: {  	_ =	shalt  }
0x82: {  	_ =	shalt  }
0x83: {  	_ =	shalt  }
0x84: {  	_ =	shalt  }
0x85: {  	_ =	shalt  }
0x86: {  	_ =	shalt  }
0x87: {  	_ =	shalt  }
.Lfunc_end0:
.L_simem_size_0:
called_computation.1_lowered:
.L_overlay_start_0:
0x88: {  	s2 =	sld [smem:$0x3FD9]  }
0x89: {  	s3 =	sld [smem:$0x3FFE];
	_ =	sdelay $0x1  }
0x8a: {  	s1 =	srdreg.scid  }
0x8b: {  	s0 =	sand.u32 $0x1, s1  }
0x8c: {  	s17 =	sshll.u32 s0, $0xA;
	s2 =	sadd.s32 s3, s2  }
0x8d: {  	s2 =	sadd.s32 s2, s17  }
0x8e: {  	[smem:$0x3FB0] =	sst s2  }
0x8f: {  	_ = 	snop  }
0x90: {  	s2 =	sld [smem:$0x3FD0];
	(tm) =	ssettm $0x1  }
0x91: {  	s18 =	sld [smem:$0x3FFB];
	_ =	sdelay $0x3  }
0x92: {  	_ =	strace s18  }
0x93: {  	s3 =	sld [smem:$0x3FFC];
	_ =	sdelay $0x3  }
0x94: {  	_ =	strace s3  }
0x95: {  	s3 =	sld [smem:$0x3FFD];
	_ =	sdelay $0x3  }
0x96: {  	_ =	strace s3  }
0x97: {  	_ =	strace $0x8FFFFFFF  }
0x98: {  	s19 =	sld [smem:$0x3FDB];
	_ =	sdelay $0x1  }
0x99: {  	s4 =	simm.s32 $_scs_section_size  }
0x9a: {  	s5 =	simm.s32 $_size__tile_overlayer_lowered;
	s6 =	simm.s32 $_tile_overlayer_lowered  }
0x9b: {  	s22 =	simm.s32 $0x1BFF;
	s21 =	sshll.u32 s6, $0x1;
	s3 =	sadd.s32 s4, s19  }
0x9c: {  	s7 =	simm.s32 $0x0;
	s20 =	sshll.u32 s5, $0x1;
	s5 =	sadd.s32 s21, s3  }
0x9d: {  	[timem:s7], [sflag:s22] =	dma.local [hbm:s5], s20  }
0x9e: {  	_ =	swait.ge [sflag:s22], s20  }
0x9f: {  	s4 =	ssub.s32 $0x0, s20;
	[sflag:s22] =	ssyncset.done $0x0  }
0xa0: {  	[sflag:s22] =	ssyncadd.s32 s4;
	_ =	sdelay $0x1  }
0xa1: {  	s23 =	simm.s32 $0x1B8B  }
0xa2: {  	_ =	swait.ge [sflag:s23], $0x1  }
0xa3: {  	[sflag:s23] =	ssyncset.done $0x0  }
0xa4: {  	s25 =	simm.s32 $0x1B8E;
	s24 =	sld [smem:$0x3FFE];
	[sflag:s23] =	ssyncadd.s32 $0xFFFFFFFF  }
0xa5: {  	s26 =	simm.s32 $execute0_lowered;
	[smem:$0x3FD2] =	sst s25  }
0xa6: {  	s5 =	sshll.u32 s26, $0x1;
	_ =	strace $0x80000046;
	[dreg:$0x1] =	wrdreg $0xFFFFFFFF  }
0xa7: {  	s28 =	simm.s32 $_size_execute0_lowered;
	s3 =	sadd.s32 s3, s5;
	[dreg:$0x0] =	wrdreg $0x0  }
0xa8: {  	s5 =	sshll.u32 s28, $0x1;
	[dreg:$0x2] =	wrdreg s3  }
0xa9: {  	[dreg:$0x3] =	wrdreg s5  }
0xaa: {  	[dreg:$0x4] =	wrdreg $0xC0  }
0xab: {  	_ =	task [dreg:s7], $0x5FFFF  }
0xac: {  	[dreg:$0x1] =	wrdreg $0xFFFFFFFF  }
0xad: {  	[dreg:$0x0] =	wrdreg $0x60  }
0xae: {  	[dreg:$0x2] =	wrdreg s24  }
0xaf: {  	[dreg:$0x3] =	wrdreg s2  }
0xb0: {  	[dreg:$0x4] =	wrdreg $0x0  }
0xb1: {  	[dreg:$0x5] =	wrdreg $0xA  }
0xb2: {  	_ =	task.clear_ibuf [dreg:s7], $0x6FFFF;
	_ =	strace $0x90000046  }
0xb3: {  	s29 =	simm.s32 $0xA;
	_ =	strace $0x80000048  }
0xb4: {  	_ =	swait.ge [sflag:s29], $0x1  }
0xb5: {  	[sflag:s29] =	ssyncadd.s32 $0xFFFFFFFF  }
0xb6: {  	_ =	strace $0x90000048  }
0xb7: {  	_ =	sfence  }
0xb8: {  	s30 =	sld [smem:$0x0];
	_ =	sdelay $0x2  }
0xb9: {  	s31 =	sshll.u32 s1, $0xD;
	s1 =	sshrl.u32 s1, $0x2  }
0xba: {  	s3 =	sand.u32 $0x4000, s31;
	s1 =	sadd.s32 s1, s30  }
0xbb: {  	s0 =	sor.u32 s3, s0;
	s1 =	sshll.u32 s1, $0x11  }
0xbc: {  	s0 =	sor.u32 s1, s0  }
0xbd: {  	s0 =	sadd.s32 $0x8F2B, s0  }
0xbe: {  	[sflag:s0] =	ssyncadd.remote.s32 $0x1  }
0xbf: {  	_ =	sfence.sel $0xFFFF  }
0xc0: {  	[dreg:$0x0] =	wrdreg $0xFFFFFFFF;
	(pc) =	sbr.abs _section_cstart, $3  }
0xc1: {  	[dreg:$0x1] =	wrdreg $0xFFFFFFFF  }
0xc2: {  	_ =	task.clear_ibuf [dreg:s7], $0x2FFFF;
	_ =	strace $0x9FFFFFFF  }
0xc3: {  	(tm) =	ssettm $0x7FFFFFFF  }
tec
execute0_lowered:
.L_overlay_start_1:
0x0: {  	(tag) =	ssettag $0x1  }
0x1: {  	s6 =	rddreg [dreg:$0x0]  }
0x2: {  	s2 =	rddreg [dreg:$0x2];
	s3 =	srdreg.scid;
	s4 =	simm.s32 $0x0  }
0x3: {  	s0 =	stileid.u32;
	s16 =	simm.s32 $0x15000;
	s17 =	simm.s32 $0x80  }
0x4: {  	s18 =	simm.s32 $0x16400;
	s19 =	simm.s32 $0x1;
	s20 =	simm.s32 $0x13C80  }
0x5: {  	s21 =	simm.s32 $0x1A400;
	s28 =	simm.s32 $0x14F00;
	s29 =	simm.s32 $0x16300  }
0x6: {  	s30 =	simm.s32 $0x0;
	s7 =	sand.u32 $0x1, s3;
	[smem:$0x7FF] =	sst s4  }
0x7: {  	s9 =	smul.u32 $0x13C00, s0;
	s5 =	sadd.s32 $0x1A600, s6;
	s10 =	sadd.s32 $0x10600, s6  }
0x8: {  	s11 =	sadd.s32 $0x6600, s6;
	s22 =	sshll.u32 s0, $0x1;
	s23 =	smul.u32 $0x4F000, s0  }
0x9: {  	s26 =	sshll.u32 s0, $0x6;
	s8 =	smul.u32 $0x13C000, s7;
	_ =	strace $0x80000047  }
0xa: {  	s12 =	ssub.s32 $0x2, s7;
	s7 =	sor.u32 s7, s22;
	s22 =	simm.s32 $0x3  }
0xb: {  	s24 =	sshrl.u32 s12, $0x1;
	s7 =	smul.u32 $0x2800, s7;
	s25 =	sshrl.u32 s23, $0x2  }
0xc: {  	s23 =	simm.s32 $0x2;
	s8 =	sadd.s32 s9, s8;
	s12 =	ssub.s32 s12, s24  }
0xd: {  	s14 =	sadd.s32 s25, s2;
	s24 =	simm.s32 $0x15080;
	s25 =	simm.s32 $0x13D00  }
0xe: {  	s8 =	sshrl.u32 s8, $0x3;
	s31 =	sshrl.u32 s7, $0x3;
	s12 =	smax.u32 s12, $0x1  }
0xf: {  	s13 =	sadd.s32 s8, s6;
	s6 =	sor.u32 $0x1C05, s26;
	s7 =	sadd.s32 s10, s31  }
0x10: {  	s8 =	sadd.s32 s11, s31;
	s15 =	sadd.s32 $0x280, s31;
	s26 =	simm.s32 $0x4  }
0x11: {  	s9 =	sadd.s32 s10, s15;
	s10 =	sadd.s32 s11, s15;
	s11 =	sadd.s32 $0x41800, s13  }
0x12: {  	s13 =	sshrl.u32 s14, $0x3;
	s14 =	simm.s32 $0x5;
	s15 =	simm.s32 $0x13C00  }
.LBB2_1:
0x13: {  	s0 =	rddreg [dreg:$0x1]  }
0x14: {  	[spmem:s13], [sflag:s6] =	dma.local [hbm:s0], $0x2780  }
0x15: {  	_ =	swait.ge [sflag:s14], $0x2780  }
0x16: {  	[sflag:s14] =	ssyncset.done $0x0  }
0x17: {  	[sflag:s14] =	ssyncadd.s32 $0xFFFFD880  }
0x18: {  	[bflag:$0x0] =	sbarrier.arrive $0xFFFF  }
0x19: {  	[tilespmem:s15], [sflag:$0x5] =	stream.linear.gather [hbm4b:s7+s4], $0x1400, $0x38;
	[tilespmem:$0x1E400] =	vst v63  }
0x1a: {  	_ =	swait.ge [sflag:s14], $0x1400  }
0x1b: {  	[sflag:s14] =	ssyncset.done $0x0  }
0x1c: {  	[sflag:s14] =	ssyncadd.s32 $0xFFFFEC00  }
0x1d: {  	[tilespmem:s16], [sflag:$0x5] =	stream.linear.gather [hbm4b:s8+s4], $0x1400, $0x38;
	[tilespmem:$0x1E400] =	vst v63  }
0x1e: {  	_ =	swait.ge [sflag:s14], $0x1400  }
0x1f: {  	[sflag:s14] =	ssyncset.done $0x0  }
0x20: {  	[sflag:s14] =	ssyncadd.s32 $0xFFFFEC00  }
0x21: {  	[tilespmem:s18], [sflag:$0x1] =	stream.indirect.gather [hbm4b:s5+s17], $0x80, s15, s17, $0xb8;
	[tilespmem:$0x1E400] =	vst v63  }
0x22: {  	_ =	swait.ge [sflag:s19], $0x4000  }
0x23: {  	[sflag:s19] =	ssyncset.done $0x0  }
0x24: {  	[sflag:s19] =	ssyncadd.s32 $0xFFFFC000  }
0x25: {  	[spmem:s2] =	stream.indirect.scatter.add.f32 [tilespmem:s18], [sflag:$0x3], $0x80, s16, s17, $0xb8;
	[tilespmem:$0x1E400] =	vst v63  }
0x26: {  	_ = 	snop  }
0x27: {  	[tilespmem:s21], [sflag:$0x2] =	stream.indirect.gather [hbm4b:s5+s17], $0x80, s20, s17, $0xb8;
	[tilespmem:$0x1E400] =	vst v63  }
0x28: {  	_ =	swait.ge [sflag:s22], $0x4000  }
0x29: {  	[sflag:s22] =	ssyncset.done $0x0  }
0x2a: {  	[sflag:s22] =	ssyncadd.s32 $0xFFFFC000  }
0x2b: {  	_ =	swait.ge [sflag:s23], $0x4000  }
0x2c: {  	[sflag:s23] =	ssyncset.done $0x0  }
0x2d: {  	[sflag:s23] =	ssyncadd.s32 $0xFFFFC000  }
0x2e: {  	[spmem:s2] =	stream.indirect.scatter.add.f32 [tilespmem:s21], [sflag:$0x4], $0x80, s24, s17, $0xb8;
	[tilespmem:$0x1E400] =	vst v63  }
0x2f: {  	s31 =	simm.s32 $0x0  }
0x30: {  	[tilespmem:s18], [sflag:$0x1] =	stream.indirect.gather [hbm4b:s5+s17], $0x80, s25, s17, $0xb8;
	[tilespmem:$0x1E400] =	vst v63  }
.LBB2_2:
0x31: {  	_ =	swait.ge [sflag:s26], $0x4000  }
0x32: {  	[sflag:s26] =	ssyncset.done $0x0  }
0x33: {  	[sflag:s26] =	ssyncadd.s32 $0xFFFFC000  }
0x34: {  	_ =	swait.ge [sflag:s19], $0x4000  }
0x35: {  	s0 =	sshra.s32 s31, $0x2;
	[sflag:s19] =	ssyncset.done $0x0  }
0x36: {  	s3 =	sadd.s32 $0x15100, s0;
	[sflag:s19] =	ssyncadd.s32 $0xFFFFC000  }
0x37: {  	[spmem:s2] =	stream.indirect.scatter.add.f32 [tilespmem:s18], [sflag:$0x3], $0x80, s3, s17, $0xb8;
	[tilespmem:$0x1E400] =	vst v63  }
0x38: {  	s1 =	sadd.s32 $0x13D80, s0  }
0x39: {  	[tilespmem:s21], [sflag:$0x2] =	stream.indirect.gather [hbm4b:s5+s17], $0x80, s1, s17, $0xb8;
	[tilespmem:$0x1E400] =	vst v63  }
0x3a: {  	_ =	swait.ge [sflag:s22], $0x4000  }
0x3b: {  	[sflag:s22] =	ssyncset.done $0x0  }
0x3c: {  	[sflag:s22] =	ssyncadd.s32 $0xFFFFC000  }
0x3d: {  	_ =	swait.ge [sflag:s23], $0x4000  }
0x3e: {  	[sflag:s23] =	ssyncset.done $0x0  }
0x3f: {  	p0 =	seq.s32 s31, $0x4800;
	s0 =	sadd.s32 $0x15180, s0;
	[sflag:s23] =	ssyncadd.s32 $0xFFFFC000  }
0x40: {  	[spmem:s2] =	stream.indirect.scatter.add.f32 [tilespmem:s21], [sflag:$0x4], $0x80, s0, s17, $0xb8;
	[tilespmem:$0x1E400] =	vst v63  }
0x41: {  	s3 =	simm.s32 @!p0 $0x80;
	s0 =	sshra.s32 @!p0 s31, $0x2;
	s31 =	sadd.s32 @!p0 $0x400, s31  }
0x42: {  	s1 =	simm.s32 @!p0 $0x16400;
	s0 =	sadd.s32 @!p0 $0x13E00, s0;
	p1 =	sne.s32 @!p0 s31, $0x4C00  }
0x43: {  	[tilespmem:s1], [sflag:$0x1] =	stream.indirect.gather @!p0 [hbm4b:s5+s3], $0x80, s0, s3, $0xb8;
	[tilespmem:$0x1E400] =	vst v63  }
0x44: {  	p0 =	por p0, !p1  }
.Ltmp0:
0x45: {  	_ = 	snop;
	(pc) =	sbr.rel @!p0 .LBB2_2-.Ltmp0, $1  }
0x46: {  	_ =	sdelay $0x3  }
0x47: {  	_ =	swait.ge [sflag:s26], $0x4000  }
0x48: {  	[sflag:s26] =	ssyncset.done $0x0  }
0x49: {  	s31 =	simm.s32 $0x0;
	[sflag:s26] =	ssyncadd.s32 $0xFFFFC000  }
0x4a: {  	[tilespmem:s15], [sflag:$0x5] =	stream.linear.gather [hbm4b:s9+s31], $0x1380, $0x38;
	[tilespmem:$0x1E400] =	vst v63  }
0x4b: {  	_ =	swait.ge [sflag:s14], $0x1380  }
0x4c: {  	[sflag:s14] =	ssyncset.done $0x0  }
0x4d: {  	[sflag:s14] =	ssyncadd.s32 $0xFFFFEC80  }
0x4e: {  	[tilespmem:s16], [sflag:$0x5] =	stream.linear.gather [hbm4b:s10+s31], $0x1380, $0x38;
	[tilespmem:$0x1E400] =	vst v63  }
0x4f: {  	_ =	swait.ge [sflag:s14], $0x1380  }
0x50: {  	[sflag:s14] =	ssyncset.done $0x0  }
0x51: {  	[sflag:s14] =	ssyncadd.s32 $0xFFFFEC80  }
0x52: {  	[tilespmem:s18], [sflag:$0x1] =	stream.indirect.gather [hbm4b:s5+s17], $0x80, s15, s17, $0xb8;
	[tilespmem:$0x1E400] =	vst v63  }
0x53: {  	_ =	swait.ge [sflag:s19], $0x4000  }
0x54: {  	[sflag:s19] =	ssyncset.done $0x0  }
0x55: {  	[sflag:s19] =	ssyncadd.s32 $0xFFFFC000  }
0x56: {  	[spmem:s2] =	stream.indirect.scatter.add.f32 [tilespmem:s18], [sflag:$0x3], $0x80, s16, s17, $0xb8;
	[tilespmem:$0x1E400] =	vst v63  }
0x57: {  	_ = 	snop  }
0x58: {  	[tilespmem:s21], [sflag:$0x2] =	stream.indirect.gather [hbm4b:s5+s17], $0x80, s20, s17, $0xb8;
	[tilespmem:$0x1E400] =	vst v63  }
0x59: {  	_ =	swait.ge [sflag:s22], $0x4000  }
0x5a: {  	[sflag:s22] =	ssyncset.done $0x0  }
0x5b: {  	[sflag:s22] =	ssyncadd.s32 $0xFFFFC000  }
0x5c: {  	_ =	swait.ge [sflag:s23], $0x4000  }
0x5d: {  	[sflag:s23] =	ssyncset.done $0x0  }
0x5e: {  	[sflag:s23] =	ssyncadd.s32 $0xFFFFC000  }
0x5f: {  	[spmem:s2] =	stream.indirect.scatter.add.f32 [tilespmem:s21], [sflag:$0x4], $0x80, s24, s17, $0xb8;
	[tilespmem:$0x1E400] =	vst v63  }
0x60: {  	_ = 	snop  }
0x61: {  	[tilespmem:s18], [sflag:$0x1] =	stream.indirect.gather [hbm4b:s5+s17], $0x80, s25, s17, $0xb8;
	[tilespmem:$0x1E400] =	vst v63  }
.LBB2_4:
0x62: {  	_ =	swait.ge [sflag:s26], $0x4000  }
0x63: {  	[sflag:s26] =	ssyncset.done $0x0  }
0x64: {  	[sflag:s26] =	ssyncadd.s32 $0xFFFFC000  }
0x65: {  	_ =	swait.ge [sflag:s19], $0x4000  }
0x66: {  	s0 =	sshra.s32 s31, $0x2;
	[sflag:s19] =	ssyncset.done $0x0  }
0x67: {  	s1 =	sadd.s32 $0x15100, s0;
	[sflag:s19] =	ssyncadd.s32 $0xFFFFC000  }
0x68: {  	[spmem:s2] =	stream.indirect.scatter.add.f32 [tilespmem:s18], [sflag:$0x3], $0x80, s1, s17, $0xb8;
	[tilespmem:$0x1E400] =	vst v63  }
0x69: {  	s3 =	sadd.s32 $0x13D80, s0  }
0x6a: {  	[tilespmem:s21], [sflag:$0x2] =	stream.indirect.gather [hbm4b:s5+s17], $0x80, s3, s17, $0xb8;
	[tilespmem:$0x1E400] =	vst v63  }
0x6b: {  	_ =	swait.ge [sflag:s22], $0x4000  }
0x6c: {  	[sflag:s22] =	ssyncset.done $0x0  }
0x6d: {  	[sflag:s22] =	ssyncadd.s32 $0xFFFFC000  }
0x6e: {  	_ =	swait.ge [sflag:s23], $0x4000  }
0x6f: {  	[sflag:s23] =	ssyncset.done $0x0  }
0x70: {  	p0 =	seq.s32 s31, $0x4400;
	s0 =	sadd.s32 $0x15180, s0;
	[sflag:s23] =	ssyncadd.s32 $0xFFFFC000  }
0x71: {  	[spmem:s2] =	stream.indirect.scatter.add.f32 [tilespmem:s21], [sflag:$0x4], $0x80, s0, s17, $0xb8;
	[tilespmem:$0x1E400] =	vst v63  }
0x72: {  	s1 =	simm.s32 @!p0 $0x80;
	s0 =	sshra.s32 @!p0 s31, $0x2;
	s31 =	sadd.s32 @!p0 $0x400, s31  }
0x73: {  	s3 =	simm.s32 @!p0 $0x16400;
	s0 =	sadd.s32 @!p0 $0x13E00, s0;
	p1 =	sne.s32 @!p0 s31, $0x4800  }
0x74: {  	[tilespmem:s3], [sflag:$0x1] =	stream.indirect.gather @!p0 [hbm4b:s5+s1], $0x80, s0, s1, $0xb8;
	[tilespmem:$0x1E400] =	vst v63  }
0x75: {  	p0 =	por p0, !p1  }
.Ltmp1:
0x76: {  	_ = 	snop;
	(pc) =	sbr.rel @!p0 .LBB2_4-.Ltmp1, $1  }
0x77: {  	_ =	sdelay $0x3  }
0x78: {  	_ =	swait.ge [sflag:s26], $0x4000  }
0x79: {  	[sflag:s26] =	ssyncset.done $0x0  }
0x7a: {  	[sflag:s26] =	ssyncadd.s32 $0xFFFFC000  }
0x7b: {  	[tilespmem:s18], [sflag:$0x1] =	stream.indirect.gather [hbm4b:s5+s17], $0x80, s28, s17, $0xb8;
	[tilespmem:$0x1E400] =	vst v63  }
0x7c: {  	_ =	swait.ge [sflag:s19], $0x4000  }
0x7d: {  	[sflag:s19] =	ssyncset.done $0x0  }
0x7e: {  	[sflag:s19] =	ssyncadd.s32 $0xFFFFC000  }
0x7f: {  	[spmem:s2] =	stream.indirect.scatter.add.f32 [tilespmem:s18], [sflag:$0x5], $0x80, s29, s17, $0xb8;
	[tilespmem:$0x1E400] =	vst v63  }
0x80: {  	_ =	swait.ge [sflag:s14], $0x4000  }
0x81: {  	s30 =	sadd.s32 $0x1, s30;
	[sflag:s14] =	ssyncset.done $0x0  }
0x82: {  	p0 =	sne.s32 s30, s12;
	[sflag:s14] =	ssyncadd.s32 $0xFFFFC000  }
.Ltmp2:
0x83: {  	[bflag:$0x0] =	sbarrier.arrive $0xFFFF;
	(pc) =	sbr.rel @p0 .LBB2_1-.Ltmp2, $4  }
0x84: {  	[hbm:s11], [sflag:s6] =	dma.local [spmem:s13], $0x2780  }
0x85: {  	_ =	swait.ge [sflag:s14], $0x2780  }
0x86: {  	[sflag:s14] =	ssyncset.done $0x0  }
0x87: {  	[sflag:s14] =	ssyncadd.s32 $0xFFFFD880  }
0x88: {  	_ =	sfence.sel $0x180000  }
0x89: {  	[bflag:$0x0] =	sbarrier.arrive $0xFFFF  }
0x8a: {  	_ =	strace $0x90000047  }
0x8b: {  	s0 =	stileid.u32;
	[bflag:$0x2] =	sbarrier.arrive $0xFFFF  }
0x8c: {  	p0 =	sne.s32 s0, $0x0;
	s0 =	rddreg [dreg:$0x3]  }
0x8d: {  	s0 =	sadd.s32 @!p0 $0x100000, s0  }
0x8e: {  	[sflag:s0] =	ssyncadd.tile.s32 @!p0 $0x1;
	_ =	shalt  }
.Lfunc_end2:
_tile_overlayer_lowered:
.L_overlay_start_2:
0x8f: {  	(tag) =	ssettag $0x2  }
0x90: {  	s0 =	rddreg [dreg:$0x0];
	s2 =	stileid.u32  }
0x91: {  	s1 =	rddreg [dreg:$0x1];
	p0 =	sne.s32 s2, $0x0  }
0x92: {  	s3 =	rddreg [dreg:$0x2];
	[bflag:$0x3] =	sbarrier.arrive $0xFFFF;
	s2 =	simm.s32 @!p0 $0x1C05  }
0x93: {  	[timem:s3], [sflag:s2] =	dma.local @!p0 [hbm:s0], s1  }
0x94: {  	s0 =	simm.s32 @!p0 $0x5  }
0x95: {  	_ =	swait.ge @!p0 [sflag:s0], s1  }
0x96: {  	s1 =	ssub.s32 @!p0 $0x0, s1;
	[sflag:s0] =	ssyncset.done @!p0 $0x0  }
0x97: {  	[sflag:s0] =	ssyncadd.s32 @!p0 s1  }
0x98: {  	[bflag:$0x3] =	sbarrier.arrive $0xFFFF  }
0x99: {  	_ =	shalt  }

// kernel: kernel.20.cloned.1.call-start
scs
__scs_entry_jumppad:
0x0: {  	(pc) =	sbr.rel $0x88, $3  }
0x1: {  	(tag) =	ssettag $0x0;
	lr =	simm.s32 $0x1  }
0x2: {  	[smem:$0x3F89] =	sst lr;
	_ =	strace $0xD0000000  }
0x3: {  	_ = 	snop  }
0x4: {  	_ = 	snop  }
0x5: {  	_ = 	snop  }
0x6: {  	_ = 	snop  }
0x7: {  	_ = 	snop  }
__scs_overlays_trampoline_lowered:
0x8: {  	[smem:$0x3F98] =	sst s0  }
0x9: {  	[smem:$0x3F99] =	sst s1  }
0xa: {  	[smem:$0x3F9A] =	sst s2  }
0xb: {  	[smem:$0x3F9B] =	sst s3  }
0xc: {  	[smem:$0x3F9C] =	sst s4  }
0xd: {  	[smem:$0x3F9D] =	sst s5  }
0xe: {  	[smem:$0x3F9E] =	sst s6  }
0xf: {  	[smem:$0x3F9F] =	sst s7  }
0x10: {  	[smem:$0x3FA0] =	sst s8  }
0x11: {  	[smem:$0x3FA1] =	sst s9;
	s0 =	simm.s32 @!p0 $0x0  }
0x12: {  	s1 =	sld [smem:$0x3F87];
	s0 =	simm.s32 @p0 $0x1  }
0x13: {  	[smem:$0x3FA2] =	sst s0;
	s0 =	simm.s32 @!p1 $0x0  }
0x14: {  	s2 =	sld [smem:$0x3F86];
	s0 =	simm.s32 @p1 $0x1  }
0x15: {  	[smem:$0x3FA3] =	sst s0;
	s0 =	simm.s32 @!p2 $0x0  }
0x16: {  	s3 =	sld [smem:$0x3FDB];
	s0 =	simm.s32 @p2 $0x1  }
0x17: {  	s4 =	simm.s32 $0x1BF5;
	[smem:$0x3FA5] =	sst s0  }
0x18: {  	s0 =	sld [smem:$0x3F88];
	_ =	swait.ge [sflag:s4], $0x0  }
0x19: {  	s7 =	sld [smem:$0x3F89]  }
0x1a: {  	s8 =	sadd.s32 $0xFFFFE003, lr  }
0x1b: {  	s9 =	sadd.s32 $0xFFFFFEF7, lr;
	s5 =	simm.s32 $0xFFFFFFFF;
	p2 =	slt.u32 s8, $0xFFFFF086  }
0x1c: {  	p1 =	slt.u32 s9, $0xF7A;
	s5 =	simm.s32 @!p2 $0x0  }
0x1d: {  	s5 =	simm.s32 @p1 $0x1;
	p0 =	seq.s32 s7, s2  }
0x1e: {  	s7 =	smul.u32 @!p0 $0xF7A, s2;
	p2 =	seq.s32 @!p0 s5, $0x0  }
0x1f: {  	s9 =	smul.u32 $0xF7A, s1;
	s8 =	simm.s32 @!p0 $0x1BF5;
	p2 =	por !p2, p0  }
0x20: {  	[sflag:s8] =	ssyncset.s32 @!p0 $0xFFFFF086;
	s6 =	sadd.s32 @!p0 s3, s7;
	s7 =	simm.s32 @!p0 $0x108  }
0x21: {  	s3 =	sadd.s32 s3, s9;
	s6 =	sadd.s32 @!p0 $0x88, s6;
	s7 =	simm.s32 @p2 $0x1082  }
0x22: {  	[simem:s7], [sflag:s8] =	dma.local @!p0 [hbm:s6], $0xF7A  }
0x23: {  	s9 =	sor.u32 $0xD0000000, s2;
	s6 =	simm.s32 $0x108;
	_ =	swait.ge @!p0 [sflag:s8], $0x0  }
0x24: {  	s3 =	sadd.s32 $0x88, s3;
	s6 =	simm.s32 @!p1 $0x1082;
	[sflag:s4] =	ssyncset.s32 $0xFFFFF086  }
0x25: {  	[simem:s6], [sflag:s4] =	dma.local [hbm:s3], $0xF7A  }
0x26: {  	[smem:$0x3F89] =	sst s1;
	(tag) =	ssettag s2;
	_ =	strace s9  }
0x27: {  	s1 =	sld [smem:$0x3F99]  }
0x28: {  	s2 =	sld [smem:$0x3F9A]  }
0x29: {  	s4 =	sld [smem:$0x3F9C]  }
0x2a: {  	p0 =	seq.s32 s5, $0x0;
	s5 =	sld [smem:$0x3F9D]  }
0x2b: {  	s6 =	sld [smem:$0x3F9E]  }
0x2c: {  	s7 =	sld [smem:$0x3F9F]  }
0x2d: {  	s3 =	simm.s32 $0x108;
	s8 =	sld [smem:$0x3FA0]  }
0x2e: {  	s3 =	simm.s32 @!p0 $0x1082;
	s9 =	sld [smem:$0x3FA1]  }
0x2f: {  	lr =	sadd.s32 s0, s3;
	s0 =	sld [smem:$0x3F98]  }
0x30: {  	s3 =	sld [smem:$0x3F9B]  }
0x31: {  	[smem:$0x3FA4] =	sst s10  }
0x32: {  	s10 =	sld [smem:$0x3FA2];
	_ =	sdelay $0x3  }
0x33: {  	p0 =	seq.s32 s10, $0x1;
	s10 =	sld [smem:$0x3FA4];
	_ =	sdelay $0x3  }
0x34: {  	[smem:$0x3FA4] =	sst s10  }
0x35: {  	s10 =	sld [smem:$0x3FA3];
	_ =	sdelay $0x3  }
0x36: {  	p1 =	seq.s32 s10, $0x1;
	s10 =	sld [smem:$0x3FA4];
	_ =	sdelay $0x3  }
0x37: {  	[smem:$0x3FA4] =	sst s10  }
0x38: {  	s10 =	sld [smem:$0x3FA5]  }
0x39: {  	_ = 	snop;
	(pc) =	sbr.ind lr, $3  }
0x3a: {  	_ = 	snop  }
0x3b: {  	_ = 	snop  }
0x3c: {  	p2 =	seq.s32 s10, $0x1;
	s10 =	sld [smem:$0x3FA4]  }
0x3d: {  	_ =	shalt  }
0x3e: {  	_ =	shalt  }
0x3f: {  	_ =	shalt  }
0x40: {  	_ =	shalt  }
0x41: {  	_ =	shalt  }
0x42: {  	_ =	shalt  }
0x43: {  	_ =	shalt  }
0x44: {  	_ =	shalt  }
0x45: {  	_ =	shalt  }
0x46: {  	_ =	shalt  }
0x47: {  	_ =	shalt  }
0x48: {  	_ =	shalt  }
0x49: {  	_ =	shalt  }
0x4a: {  	_ =	shalt  }
0x4b: {  	_ =	shalt  }
0x4c: {  	_ =	shalt  }
0x4d: {  	_ =	shalt  }
0x4e: {  	_ =	shalt  }
0x4f: {  	_ =	shalt  }
0x50: {  	_ =	shalt  }
0x51: {  	_ =	shalt  }
0x52: {  	_ =	shalt  }
0x53: {  	_ =	shalt  }
0x54: {  	_ =	shalt  }
0x55: {  	_ =	shalt  }
0x56: {  	_ =	shalt  }
0x57: {  	_ =	shalt  }
0x58: {  	_ =	shalt  }
0x59: {  	_ =	shalt  }
0x5a: {  	_ =	shalt  }
0x5b: {  	_ =	shalt  }
0x5c: {  	_ =	shalt  }
0x5d: {  	_ =	shalt  }
0x5e: {  	_ =	shalt  }
0x5f: {  	_ =	shalt  }
0x60: {  	_ =	shalt  }
0x61: {  	_ =	shalt  }
0x62: {  	_ =	shalt  }
0x63: {  	_ =	shalt  }
0x64: {  	_ =	shalt  }
0x65: {  	_ =	shalt  }
0x66: {  	_ =	shalt  }
0x67: {  	_ =	shalt  }
0x68: {  	_ =	shalt  }
0x69: {  	_ =	shalt  }
0x6a: {  	_ =	shalt  }
0x6b: {  	_ =	shalt  }
0x6c: {  	_ =	shalt  }
0x6d: {  	_ =	shalt  }
0x6e: {  	_ =	shalt  }
0x6f: {  	_ =	shalt  }
0x70: {  	_ =	shalt  }
0x71: {  	_ =	shalt  }
0x72: {  	_ =	shalt  }
0x73: {  	_ =	shalt  }
0x74: {  	_ =	shalt  }
0x75: {  	_ =	shalt  }
0x76: {  	_ =	shalt  }
0x77: {  	_ =	shalt  }
0x78: {  	_ =	shalt  }
0x79: {  	_ =	shalt  }
0x7a: {  	_ =	shalt  }
0x7b: {  	_ =	shalt  }
0x7c: {  	_ =	shalt  }
0x7d: {  	_ =	shalt  }
0x7e: {  	_ =	shalt  }
0x7f: {  	_ =	shalt  }
0x80: {  	_ =	shalt  }
0x81: {  	_ =	shalt  }
0x82: {  	_ =	shalt  }
0x83: {  	_ =	shalt  }
0x84: {  	_ =	shalt  }
0x85: {  	_ =	shalt  }
0x86: {  	_ =	shalt  }
0x87: {  	_ =	shalt  }
.Lfunc_end0:
.L_simem_size_0:
called_computation.2_lowered:
.L_overlay_start_0:
0x88: {  	s2 =	sld [smem:$0x3FD9]  }
0x89: {  	s3 =	sld [smem:$0x3FFE];
	_ =	sdelay $0x1  }
0x8a: {  	s1 =	srdreg.scid  }
0x8b: {  	s0 =	sand.u32 $0x1, s1  }
0x8c: {  	s17 =	sshll.u32 s0, $0xA;
	s2 =	sadd.s32 s3, s2  }
0x8d: {  	s2 =	sadd.s32 s2, s17  }
0x8e: {  	[smem:$0x3FB0] =	sst s2  }
0x8f: {  	_ = 	snop  }
0x90: {  	s2 =	sld [smem:$0x3FD0];
	(tm) =	ssettm $0x1  }
0x91: {  	s18 =	sld [smem:$0x3FFB];
	_ =	sdelay $0x3  }
0x92: {  	_ =	strace s18  }
0x93: {  	s3 =	sld [smem:$0x3FFC];
	_ =	sdelay $0x3  }
0x94: {  	_ =	strace s3  }
0x95: {  	s3 =	sld [smem:$0x3FFD];
	_ =	sdelay $0x3  }
0x96: {  	_ =	strace s3  }
0x97: {  	_ =	strace $0x8FFFFFFF  }
0x98: {  	s19 =	sld [smem:$0x3FDB];
	_ =	sdelay $0x1  }
0x99: {  	s4 =	simm.s32 $_scs_section_size  }
0x9a: {  	s5 =	simm.s32 $_size__tile_overlayer_lowered;
	s6 =	simm.s32 $_tile_overlayer_lowered  }
0x9b: {  	s22 =	simm.s32 $0x1BFF;
	s21 =	sshll.u32 s6, $0x1;
	s3 =	sadd.s32 s4, s19  }
0x9c: {  	s7 =	simm.s32 $0x0;
	s20 =	sshll.u32 s5, $0x1;
	s5 =	sadd.s32 s21, s3  }
0x9d: {  	[timem:s7], [sflag:s22] =	dma.local [hbm:s5], s20  }
0x9e: {  	_ =	swait.ge [sflag:s22], s20  }
0x9f: {  	s4 =	ssub.s32 $0x0, s20;
	[sflag:s22] =	ssyncset.done $0x0  }
0xa0: {  	[sflag:s22] =	ssyncadd.s32 s4;
	_ =	sdelay $0x1  }
0xa1: {  	s23 =	simm.s32 $0x1B8B  }
0xa2: {  	_ =	swait.ge [sflag:s23], $0x1  }
0xa3: {  	[sflag:s23] =	ssyncset.done $0x0  }
0xa4: {  	s25 =	simm.s32 $0x1B8E;
	s24 =	sld [smem:$0x3FFE];
	[sflag:s23] =	ssyncadd.s32 $0xFFFFFFFF  }
0xa5: {  	s26 =	simm.s32 $execute0_lowered;
	[smem:$0x3FD2] =	sst s25  }
0xa6: {  	s5 =	sshll.u32 s26, $0x1;
	_ =	strace $0x8000004C;
	[dreg:$0x1] =	wrdreg $0xFFFFFFFF  }
0xa7: {  	s28 =	simm.s32 $_size_execute0_lowered;
	s3 =	sadd.s32 s3, s5;
	[dreg:$0x0] =	wrdreg $0x0  }
0xa8: {  	s5 =	sshll.u32 s28, $0x1;
	[dreg:$0x2] =	wrdreg s3  }
0xa9: {  	[dreg:$0x3] =	wrdreg s5  }
0xaa: {  	[dreg:$0x4] =	wrdreg $0xC0  }
0xab: {  	_ =	task [dreg:s7], $0x5FFFF  }
0xac: {  	[dreg:$0x1] =	wrdreg $0xFFFFFFFF  }
0xad: {  	[dreg:$0x0] =	wrdreg $0x60  }
0xae: {  	[dreg:$0x2] =	wrdreg s24  }
0xaf: {  	[dreg:$0x3] =	wrdreg s2  }
0xb0: {  	[dreg:$0x4] =	wrdreg $0x0  }
0xb1: {  	[dreg:$0x5] =	wrdreg $0x9  }
0xb2: {  	_ =	task.clear_ibuf [dreg:s7], $0x6FFFF;
	_ =	strace $0x9000004C  }
0xb3: {  	s29 =	simm.s32 $0x9;
	_ =	strace $0x8000004E  }
0xb4: {  	_ =	swait.ge [sflag:s29], $0x1  }
0xb5: {  	[sflag:s29] =	ssyncadd.s32 $0xFFFFFFFF  }
0xb6: {  	_ =	strace $0x9000004E  }
0xb7: {  	_ =	sfence  }
0xb8: {  	s30 =	sld [smem:$0x0];
	_ =	sdelay $0x2  }
0xb9: {  	s31 =	sshll.u32 s1, $0xD;
	s1 =	sshrl.u32 s1, $0x2  }
0xba: {  	s3 =	sand.u32 $0x4000, s31;
	s1 =	sadd.s32 s1, s30  }
0xbb: {  	s0 =	sor.u32 s3, s0;
	s1 =	sshll.u32 s1, $0x11  }
0xbc: {  	s0 =	sor.u32 s1, s0  }
0xbd: {  	s0 =	sadd.s32 $0x8F2B, s0  }
0xbe: {  	[sflag:s0] =	ssyncadd.remote.s32 $0x1  }
0xbf: {  	_ =	sfence.sel $0xFFFF  }
0xc0: {  	[dreg:$0x0] =	wrdreg $0xFFFFFFFF;
	(pc) =	sbr.abs _section_cstart, $3  }
0xc1: {  	[dreg:$0x1] =	wrdreg $0xFFFFFFFF  }
0xc2: {  	_ =	task.clear_ibuf [dreg:s7], $0x2FFFF;
	_ =	strace $0x9FFFFFFF  }
0xc3: {  	(tm) =	ssettm $0x7FFFFFFF  }
tec
execute0_lowered:
.L_overlay_start_1:
0x0: {  	(tag) =	ssettag $0x1  }
0x1: {  	s6 =	rddreg [dreg:$0x0]  }
0x2: {  	s2 =	rddreg [dreg:$0x2];
	s3 =	srdreg.scid;
	s4 =	simm.s32 $0x0  }
0x3: {  	s0 =	stileid.u32;
	s16 =	simm.s32 $0x15000;
	s17 =	simm.s32 $0x80  }
0x4: {  	s18 =	simm.s32 $0x16400;
	s19 =	simm.s32 $0x1;
	s20 =	simm.s32 $0x13C80  }
0x5: {  	s21 =	simm.s32 $0x1A400;
	s28 =	simm.s32 $0x14F00;
	s29 =	simm.s32 $0x16300  }
0x6: {  	s30 =	simm.s32 $0x0;
	s7 =	sand.u32 $0x1, s3;
	[smem:$0x7FF] =	sst s4  }
0x7: {  	s9 =	smul.u32 $0x13C00, s0;
	s5 =	sadd.s32 $0x1A600, s6;
	s10 =	sadd.s32 $0x10600, s6  }
0x8: {  	s11 =	sadd.s32 $0x6600, s6;
	s22 =	sshll.u32 s0, $0x1;
	s23 =	smul.u32 $0x4F000, s0  }
0x9: {  	s26 =	sshll.u32 s0, $0x6;
	s8 =	smul.u32 $0x13C000, s7;
	_ =	strace $0x8000004D  }
0xa: {  	s12 =	ssub.s32 $0x2, s7;
	s7 =	sor.u32 s7, s22;
	s22 =	simm.s32 $0x3  }
0xb: {  	s24 =	sshrl.u32 s12, $0x1;
	s7 =	smul.u32 $0x2800, s7;
	s25 =	sshrl.u32 s23, $0x2  }
0xc: {  	s23 =	simm.s32 $0x2;
	s8 =	sadd.s32 s9, s8;
	s12 =	ssub.s32 s12, s24  }
0xd: {  	s14 =	sadd.s32 s25, s2;
	s24 =	simm.s32 $0x15080;
	s25 =	simm.s32 $0x13D00  }
0xe: {  	s8 =	sshrl.u32 s8, $0x3;
	s31 =	sshrl.u32 s7, $0x3;
	s12 =	smax.u32 s12, $0x1  }
0xf: {  	s13 =	sadd.s32 s8, s6;
	s6 =	sor.u32 $0x1C05, s26;
	s7 =	sadd.s32 s10, s31  }
0x10: {  	s8 =	sadd.s32 s11, s31;
	s15 =	sadd.s32 $0x280, s31;
	s26 =	simm.s32 $0x4  }
0x11: {  	s9 =	sadd.s32 s10, s15;
	s10 =	sadd.s32 s11, s15;
	s11 =	sadd.s32 $0x41800, s13  }
0x12: {  	s13 =	sshrl.u32 s14, $0x3;
	s14 =	simm.s32 $0x5;
	s15 =	simm.s32 $0x13C00  }
.LBB2_1:
0x13: {  	s0 =	rddreg [dreg:$0x1]  }
0x14: {  	[spmem:s13], [sflag:s6] =	dma.local [hbm:s0], $0x2780  }
0x15: {  	_ =	swait.ge [sflag:s14], $0x2780  }
0x16: {  	[sflag:s14] =	ssyncset.done $0x0  }
0x17: {  	[sflag:s14] =	ssyncadd.s32 $0xFFFFD880  }
0x18: {  	[bflag:$0x0] =	sbarrier.arrive $0xFFFF  }
0x19: {  	[tilespmem:s15], [sflag:$0x5] =	stream.linear.gather [hbm4b:s7+s4], $0x1400, $0x38;
	[tilespmem:$0x1E400] =	vst v63  }
0x1a: {  	_ =	swait.ge [sflag:s14], $0x1400  }
0x1b: {  	[sflag:s14] =	ssyncset.done $0x0  }
0x1c: {  	[sflag:s14] =	ssyncadd.s32 $0xFFFFEC00  }
0x1d: {  	[tilespmem:s16], [sflag:$0x5] =	stream.linear.gather [hbm4b:s8+s4], $0x1400, $0x38;
	[tilespmem:$0x1E400] =	vst v63  }
0x1e: {  	_ =	swait.ge [sflag:s14], $0x1400  }
0x1f: {  	[sflag:s14] =	ssyncset.done $0x0  }
0x20: {  	[sflag:s14] =	ssyncadd.s32 $0xFFFFEC00  }
0x21: {  	[tilespmem:s18], [sflag:$0x1] =	stream.indirect.gather [hbm4b:s5+s17], $0x80, s15, s17, $0xb8;
	[tilespmem:$0x1E400] =	vst v63  }
0x22: {  	_ =	swait.ge [sflag:s19], $0x4000  }
0x23: {  	[sflag:s19] =	ssyncset.done $0x0  }
0x24: {  	[sflag:s19] =	ssyncadd.s32 $0xFFFFC000  }
0x25: {  	[spmem:s2] =	stream.indirect.scatter.add.f32 [tilespmem:s18], [sflag:$0x3], $0x80, s16, s17, $0xb8;
	[tilespmem:$0x1E400] =	vst v63  }
0x26: {  	_ = 	snop  }
0x27: {  	[tilespmem:s21], [sflag:$0x2] =	stream.indirect.gather [hbm4b:s5+s17], $0x80, s20, s17, $0xb8;
	[tilespmem:$0x1E400] =	vst v63  }
0x28: {  	_ =	swait.ge [sflag:s22], $0x4000  }
0x29: {  	[sflag:s22] =	ssyncset.done $0x0  }
0x2a: {  	[sflag:s22] =	ssyncadd.s32 $0xFFFFC000  }
0x2b: {  	_ =	swait.ge [sflag:s23], $0x4000  }
0x2c: {  	[sflag:s23] =	ssyncset.done $0x0  }
0x2d: {  	[sflag:s23] =	ssyncadd.s32 $0xFFFFC000  }
0x2e: {  	[spmem:s2] =	stream.indirect.scatter.add.f32 [tilespmem:s21], [sflag:$0x4], $0x80, s24, s17, $0xb8;
	[tilespmem:$0x1E400] =	vst v63  }
0x2f: {  	s31 =	simm.s32 $0x0  }
0x30: {  	[tilespmem:s18], [sflag:$0x1] =	stream.indirect.gather [hbm4b:s5+s17], $0x80, s25, s17, $0xb8;
	[tilespmem:$0x1E400] =	vst v63  }
.LBB2_2:
0x31: {  	_ =	swait.ge [sflag:s26], $0x4000  }
0x32: {  	[sflag:s26] =	ssyncset.done $0x0  }
0x33: {  	[sflag:s26] =	ssyncadd.s32 $0xFFFFC000  }
0x34: {  	_ =	swait.ge [sflag:s19], $0x4000  }
0x35: {  	s0 =	sshra.s32 s31, $0x2;
	[sflag:s19] =	ssyncset.done $0x0  }
0x36: {  	s3 =	sadd.s32 $0x15100, s0;
	[sflag:s19] =	ssyncadd.s32 $0xFFFFC000  }
0x37: {  	[spmem:s2] =	stream.indirect.scatter.add.f32 [tilespmem:s18], [sflag:$0x3], $0x80, s3, s17, $0xb8;
	[tilespmem:$0x1E400] =	vst v63  }
0x38: {  	s1 =	sadd.s32 $0x13D80, s0  }
0x39: {  	[tilespmem:s21], [sflag:$0x2] =	stream.indirect.gather [hbm4b:s5+s17], $0x80, s1, s17, $0xb8;
	[tilespmem:$0x1E400] =	vst v63  }
0x3a: {  	_ =	swait.ge [sflag:s22], $0x4000  }
0x3b: {  	[sflag:s22] =	ssyncset.done $0x0  }
0x3c: {  	[sflag:s22] =	ssyncadd.s32 $0xFFFFC000  }
0x3d: {  	_ =	swait.ge [sflag:s23], $0x4000  }
0x3e: {  	[sflag:s23] =	ssyncset.done $0x0  }
0x3f: {  	p0 =	seq.s32 s31, $0x4800;
	s0 =	sadd.s32 $0x15180, s0;
	[sflag:s23] =	ssyncadd.s32 $0xFFFFC000  }
0x40: {  	[spmem:s2] =	stream.indirect.scatter.add.f32 [tilespmem:s21], [sflag:$0x4], $0x80, s0, s17, $0xb8;
	[tilespmem:$0x1E400] =	vst v63  }
0x41: {  	s3 =	simm.s32 @!p0 $0x80;
	s0 =	sshra.s32 @!p0 s31, $0x2;
	s31 =	sadd.s32 @!p0 $0x400, s31  }
0x42: {  	s1 =	simm.s32 @!p0 $0x16400;
	s0 =	sadd.s32 @!p0 $0x13E00, s0;
	p1 =	sne.s32 @!p0 s31, $0x4C00  }
0x43: {  	[tilespmem:s1], [sflag:$0x1] =	stream.indirect.gather @!p0 [hbm4b:s5+s3], $0x80, s0, s3, $0xb8;
	[tilespmem:$0x1E400] =	vst v63  }
0x44: {  	p0 =	por p0, !p1  }
.Ltmp0:
0x45: {  	_ = 	snop;
	(pc) =	sbr.rel @!p0 .LBB2_2-.Ltmp0, $1  }
0x46: {  	_ =	sdelay $0x3  }
0x47: {  	_ =	swait.ge [sflag:s26], $0x4000  }
0x48: {  	[sflag:s26] =	ssyncset.done $0x0  }
0x49: {  	s31 =	simm.s32 $0x0;
	[sflag:s26] =	ssyncadd.s32 $0xFFFFC000  }
0x4a: {  	[tilespmem:s15], [sflag:$0x5] =	stream.linear.gather [hbm4b:s9+s31], $0x1380, $0x38;
	[tilespmem:$0x1E400] =	vst v63  }
0x4b: {  	_ =	swait.ge [sflag:s14], $0x1380  }
0x4c: {  	[sflag:s14] =	ssyncset.done $0x0  }
0x4d: {  	[sflag:s14] =	ssyncadd.s32 $0xFFFFEC80  }
0x4e: {  	[tilespmem:s16], [sflag:$0x5] =	stream.linear.gather [hbm4b:s10+s31], $0x1380, $0x38;
	[tilespmem:$0x1E400] =	vst v63  }
0x4f: {  	_ =	swait.ge [sflag:s14], $0x1380  }
0x50: {  	[sflag:s14] =	ssyncset.done $0x0  }
0x51: {  	[sflag:s14] =	ssyncadd.s32 $0xFFFFEC80  }
0x52: {  	[tilespmem:s18], [sflag:$0x1] =	stream.indirect.gather [hbm4b:s5+s17], $0x80, s15, s17, $0xb8;
	[tilespmem:$0x1E400] =	vst v63  }
0x53: {  	_ =	swait.ge [sflag:s19], $0x4000  }
0x54: {  	[sflag:s19] =	ssyncset.done $0x0  }
0x55: {  	[sflag:s19] =	ssyncadd.s32 $0xFFFFC000  }
0x56: {  	[spmem:s2] =	stream.indirect.scatter.add.f32 [tilespmem:s18], [sflag:$0x3], $0x80, s16, s17, $0xb8;
	[tilespmem:$0x1E400] =	vst v63  }
0x57: {  	_ = 	snop  }
0x58: {  	[tilespmem:s21], [sflag:$0x2] =	stream.indirect.gather [hbm4b:s5+s17], $0x80, s20, s17, $0xb8;
	[tilespmem:$0x1E400] =	vst v63  }
0x59: {  	_ =	swait.ge [sflag:s22], $0x4000  }
0x5a: {  	[sflag:s22] =	ssyncset.done $0x0  }
0x5b: {  	[sflag:s22] =	ssyncadd.s32 $0xFFFFC000  }
0x5c: {  	_ =	swait.ge [sflag:s23], $0x4000  }
0x5d: {  	[sflag:s23] =	ssyncset.done $0x0  }
0x5e: {  	[sflag:s23] =	ssyncadd.s32 $0xFFFFC000  }
0x5f: {  	[spmem:s2] =	stream.indirect.scatter.add.f32 [tilespmem:s21], [sflag:$0x4], $0x80, s24, s17, $0xb8;
	[tilespmem:$0x1E400] =	vst v63  }
0x60: {  	_ = 	snop  }
0x61: {  	[tilespmem:s18], [sflag:$0x1] =	stream.indirect.gather [hbm4b:s5+s17], $0x80, s25, s17, $0xb8;
	[tilespmem:$0x1E400] =	vst v63  }
.LBB2_4:
0x62: {  	_ =	swait.ge [sflag:s26], $0x4000  }
0x63: {  	[sflag:s26] =	ssyncset.done $0x0  }
0x64: {  	[sflag:s26] =	ssyncadd.s32 $0xFFFFC000  }
0x65: {  	_ =	swait.ge [sflag:s19], $0x4000  }
0x66: {  	s0 =	sshra.s32 s31, $0x2;
	[sflag:s19] =	ssyncset.done $0x0  }
0x67: {  	s1 =	sadd.s32 $0x15100, s0;
	[sflag:s19] =	ssyncadd.s32 $0xFFFFC000  }
0x68: {  	[spmem:s2] =	stream.indirect.scatter.add.f32 [tilespmem:s18], [sflag:$0x3], $0x80, s1, s17, $0xb8;
	[tilespmem:$0x1E400] =	vst v63  }
0x69: {  	s3 =	sadd.s32 $0x13D80, s0  }
0x6a: {  	[tilespmem:s21], [sflag:$0x2] =	stream.indirect.gather [hbm4b:s5+s17], $0x80, s3, s17, $0xb8;
	[tilespmem:$0x1E400] =	vst v63  }
0x6b: {  	_ =	swait.ge [sflag:s22], $0x4000  }
0x6c: {  	[sflag:s22] =	ssyncset.done $0x0  }
0x6d: {  	[sflag:s22] =	ssyncadd.s32 $0xFFFFC000  }
0x6e: {  	_ =	swait.ge [sflag:s23], $0x4000  }
0x6f: {  	[sflag:s23] =	ssyncset.done $0x0  }
0x70: {  	p0 =	seq.s32 s31, $0x4400;
	s0 =	sadd.s32 $0x15180, s0;
	[sflag:s23] =	ssyncadd.s32 $0xFFFFC000  }
0x71: {  	[spmem:s2] =	stream.indirect.scatter.add.f32 [tilespmem:s21], [sflag:$0x4], $0x80, s0, s17, $0xb8;
	[tilespmem:$0x1E400] =	vst v63  }
0x72: {  	s1 =	simm.s32 @!p0 $0x80;
	s0 =	sshra.s32 @!p0 s31, $0x2;
	s31 =	sadd.s32 @!p0 $0x400, s31  }
0x73: {  	s3 =	simm.s32 @!p0 $0x16400;
	s0 =	sadd.s32 @!p0 $0x13E00, s0;
	p1 =	sne.s32 @!p0 s31, $0x4800  }
0x74: {  	[tilespmem:s3], [sflag:$0x1] =	stream.indirect.gather @!p0 [hbm4b:s5+s1], $0x80, s0, s1, $0xb8;
	[tilespmem:$0x1E400] =	vst v63  }
0x75: {  	p0 =	por p0, !p1  }
.Ltmp1:
0x76: {  	_ = 	snop;
	(pc) =	sbr.rel @!p0 .LBB2_4-.Ltmp1, $1  }
0x77: {  	_ =	sdelay $0x3  }
0x78: {  	_ =	swait.ge [sflag:s26], $0x4000  }
0x79: {  	[sflag:s26] =	ssyncset.done $0x0  }
0x7a: {  	[sflag:s26] =	ssyncadd.s32 $0xFFFFC000  }
0x7b: {  	[tilespmem:s18], [sflag:$0x1] =	stream.indirect.gather [hbm4b:s5+s17], $0x80, s28, s17, $0xb8;
	[tilespmem:$0x1E400] =	vst v63  }
0x7c: {  	_ =	swait.ge [sflag:s19], $0x4000  }
0x7d: {  	[sflag:s19] =	ssyncset.done $0x0  }
0x7e: {  	[sflag:s19] =	ssyncadd.s32 $0xFFFFC000  }
0x7f: {  	[spmem:s2] =	stream.indirect.scatter.add.f32 [tilespmem:s18], [sflag:$0x5], $0x80, s29, s17, $0xb8;
	[tilespmem:$0x1E400] =	vst v63  }
0x80: {  	_ =	swait.ge [sflag:s14], $0x4000  }
0x81: {  	s30 =	sadd.s32 $0x1, s30;
	[sflag:s14] =	ssyncset.done $0x0  }
0x82: {  	p0 =	sne.s32 s30, s12;
	[sflag:s14] =	ssyncadd.s32 $0xFFFFC000  }
.Ltmp2:
0x83: {  	[bflag:$0x0] =	sbarrier.arrive $0xFFFF;
	(pc) =	sbr.rel @p0 .LBB2_1-.Ltmp2, $4  }
0x84: {  	[hbm:s11], [sflag:s6] =	dma.local [spmem:s13], $0x2780  }
0x85: {  	_ =	swait.ge [sflag:s14], $0x2780  }
0x86: {  	[sflag:s14] =	ssyncset.done $0x0  }
0x87: {  	[sflag:s14] =	ssyncadd.s32 $0xFFFFD880  }
0x88: {  	_ =	sfence.sel $0x180000  }
0x89: {  	[bflag:$0x0] =	sbarrier.arrive $0xFFFF  }
0x8a: {  	_ =	strace $0x9000004D  }
0x8b: {  	s0 =	stileid.u32;
	[bflag:$0x2] =	sbarrier.arrive $0xFFFF  }
0x8c: {  	p0 =	sne.s32 s0, $0x0;
	s0 =	rddreg [dreg:$0x3]  }
0x8d: {  	s0 =	sadd.s32 @!p0 $0x100000, s0  }
0x8e: {  	[sflag:s0] =	ssyncadd.tile.s32 @!p0 $0x1;
	_ =	shalt  }
.Lfunc_end2:
_tile_overlayer_lowered:
.L_overlay_start_2:
0x8f: {  	(tag) =	ssettag $0x2  }
0x90: {  	s0 =	rddreg [dreg:$0x0];
	s2 =	stileid.u32  }
0x91: {  	s1 =	rddreg [dreg:$0x1];
	p0 =	sne.s32 s2, $0x0  }
0x92: {  	s3 =	rddreg [dreg:$0x2];
	[bflag:$0x3] =	sbarrier.arrive $0xFFFF;
	s2 =	simm.s32 @!p0 $0x1C05  }
0x93: {  	[timem:s3], [sflag:s2] =	dma.local @!p0 [hbm:s0], s1  }
0x94: {  	s0 =	simm.s32 @!p0 $0x5  }
0x95: {  	_ =	swait.ge @!p0 [sflag:s0], s1  }
0x96: {  	s1 =	ssub.s32 @!p0 $0x0, s1;
	[sflag:s0] =	ssyncset.done @!p0 $0x0  }
0x97: {  	[sflag:s0] =	ssyncadd.s32 @!p0 s1  }
0x98: {  	[bflag:$0x3] =	sbarrier.arrive $0xFFFF  }
0x99: {  	_ =	shalt  }

// kernel: kernel.23.cloned.1.call-start
scs
__scs_entry_jumppad:
0x0: {  	(pc) =	sbr.rel $0x88, $3  }
0x1: {  	(tag) =	ssettag $0x0;
	lr =	simm.s32 $0x1  }
0x2: {  	[smem:$0x3F89] =	sst lr;
	_ =	strace $0xD0000000  }
0x3: {  	_ = 	snop  }
0x4: {  	_ = 	snop  }
0x5: {  	_ = 	snop  }
0x6: {  	_ = 	snop  }
0x7: {  	_ = 	snop  }
__scs_overlays_trampoline_lowered:
0x8: {  	[smem:$0x3F98] =	sst s0  }
0x9: {  	[smem:$0x3F99] =	sst s1  }
0xa: {  	[smem:$0x3F9A] =	sst s2  }
0xb: {  	[smem:$0x3F9B] =	sst s3  }
0xc: {  	[smem:$0x3F9C] =	sst s4  }
0xd: {  	[smem:$0x3F9D] =	sst s5  }
0xe: {  	[smem:$0x3F9E] =	sst s6  }
0xf: {  	[smem:$0x3F9F] =	sst s7  }
0x10: {  	[smem:$0x3FA0] =	sst s8  }
0x11: {  	[smem:$0x3FA1] =	sst s9;
	s0 =	simm.s32 @!p0 $0x0  }
0x12: {  	s1 =	sld [smem:$0x3F87];
	s0 =	simm.s32 @p0 $0x1  }
0x13: {  	[smem:$0x3FA2] =	sst s0;
	s0 =	simm.s32 @!p1 $0x0  }
0x14: {  	s2 =	sld [smem:$0x3F86];
	s0 =	simm.s32 @p1 $0x1  }
0x15: {  	[smem:$0x3FA3] =	sst s0;
	s0 =	simm.s32 @!p2 $0x0  }
0x16: {  	s3 =	sld [smem:$0x3FDB];
	s0 =	simm.s32 @p2 $0x1  }
0x17: {  	s4 =	simm.s32 $0x1BF5;
	[smem:$0x3FA5] =	sst s0  }
0x18: {  	s0 =	sld [smem:$0x3F88];
	_ =	swait.ge [sflag:s4], $0x0  }
0x19: {  	s7 =	sld [smem:$0x3F89]  }
0x1a: {  	s8 =	sadd.s32 $0xFFFFE003, lr  }
0x1b: {  	s9 =	sadd.s32 $0xFFFFFEF7, lr;
	s5 =	simm.s32 $0xFFFFFFFF;
	p2 =	slt.u32 s8, $0xFFFFF086  }
0x1c: {  	p1 =	slt.u32 s9, $0xF7A;
	s5 =	simm.s32 @!p2 $0x0  }
0x1d: {  	s5 =	simm.s32 @p1 $0x1;
	p0 =	seq.s32 s7, s2  }
0x1e: {  	s7 =	smul.u32 @!p0 $0xF7A, s2;
	p2 =	seq.s32 @!p0 s5, $0x0  }
0x1f: {  	s9 =	smul.u32 $0xF7A, s1;
	s8 =	simm.s32 @!p0 $0x1BF5;
	p2 =	por !p2, p0  }
0x20: {  	[sflag:s8] =	ssyncset.s32 @!p0 $0xFFFFF086;
	s6 =	sadd.s32 @!p0 s3, s7;
	s7 =	simm.s32 @!p0 $0x108  }
0x21: {  	s3 =	sadd.s32 s3, s9;
	s6 =	sadd.s32 @!p0 $0x88, s6;
	s7 =	simm.s32 @p2 $0x1082  }
0x22: {  	[simem:s7], [sflag:s8] =	dma.local @!p0 [hbm:s6], $0xF7A  }
0x23: {  	s9 =	sor.u32 $0xD0000000, s2;
	s6 =	simm.s32 $0x108;
	_ =	swait.ge @!p0 [sflag:s8], $0x0  }
0x24: {  	s3 =	sadd.s32 $0x88, s3;
	s6 =	simm.s32 @!p1 $0x1082;
	[sflag:s4] =	ssyncset.s32 $0xFFFFF086  }
0x25: {  	[simem:s6], [sflag:s4] =	dma.local [hbm:s3], $0xF7A  }
0x26: {  	[smem:$0x3F89] =	sst s1;
	(tag) =	ssettag s2;
	_ =	strace s9  }
0x27: {  	s1 =	sld [smem:$0x3F99]  }
0x28: {  	s2 =	sld [smem:$0x3F9A]  }
0x29: {  	s4 =	sld [smem:$0x3F9C]  }
0x2a: {  	p0 =	seq.s32 s5, $0x0;
	s5 =	sld [smem:$0x3F9D]  }
0x2b: {  	s6 =	sld [smem:$0x3F9E]  }
0x2c: {  	s7 =	sld [smem:$0x3F9F]  }
0x2d: {  	s3 =	simm.s32 $0x108;
	s8 =	sld [smem:$0x3FA0]  }
0x2e: {  	s3 =	simm.s32 @!p0 $0x1082;
	s9 =	sld [smem:$0x3FA1]  }
0x2f: {  	lr =	sadd.s32 s0, s3;
	s0 =	sld [smem:$0x3F98]  }
0x30: {  	s3 =	sld [smem:$0x3F9B]  }
0x31: {  	[smem:$0x3FA4] =	sst s10  }
0x32: {  	s10 =	sld [smem:$0x3FA2];
	_ =	sdelay $0x3  }
0x33: {  	p0 =	seq.s32 s10, $0x1;
	s10 =	sld [smem:$0x3FA4];
	_ =	sdelay $0x3  }
0x34: {  	[smem:$0x3FA4] =	sst s10  }
0x35: {  	s10 =	sld [smem:$0x3FA3];
	_ =	sdelay $0x3  }
0x36: {  	p1 =	seq.s32 s10, $0x1;
	s10 =	sld [smem:$0x3FA4];
	_ =	sdelay $0x3  }
0x37: {  	[smem:$0x3FA4] =	sst s10  }
0x38: {  	s10 =	sld [smem:$0x3FA5]  }
0x39: {  	_ = 	snop;
	(pc) =	sbr.ind lr, $3  }
0x3a: {  	_ = 	snop  }
0x3b: {  	_ = 	snop  }
0x3c: {  	p2 =	seq.s32 s10, $0x1;
	s10 =	sld [smem:$0x3FA4]  }
0x3d: {  	_ =	shalt  }
0x3e: {  	_ =	shalt  }
0x3f: {  	_ =	shalt  }
0x40: {  	_ =	shalt  }
0x41: {  	_ =	shalt  }
0x42: {  	_ =	shalt  }
0x43: {  	_ =	shalt  }
0x44: {  	_ =	shalt  }
0x45: {  	_ =	shalt  }
0x46: {  	_ =	shalt  }
0x47: {  	_ =	shalt  }
0x48: {  	_ =	shalt  }
0x49: {  	_ =	shalt  }
0x4a: {  	_ =	shalt  }
0x4b: {  	_ =	shalt  }
0x4c: {  	_ =	shalt  }
0x4d: {  	_ =	shalt  }
0x4e: {  	_ =	shalt  }
0x4f: {  	_ =	shalt  }
0x50: {  	_ =	shalt  }
0x51: {  	_ =	shalt  }
0x52: {  	_ =	shalt  }
0x53: {  	_ =	shalt  }
0x54: {  	_ =	shalt  }
0x55: {  	_ =	shalt  }
0x56: {  	_ =	shalt  }
0x57: {  	_ =	shalt  }
0x58: {  	_ =	shalt  }
0x59: {  	_ =	shalt  }
0x5a: {  	_ =	shalt  }
0x5b: {  	_ =	shalt  }
0x5c: {  	_ =	shalt  }
0x5d: {  	_ =	shalt  }
0x5e: {  	_ =	shalt  }
0x5f: {  	_ =	shalt  }
0x60: {  	_ =	shalt  }
0x61: {  	_ =	shalt  }
0x62: {  	_ =	shalt  }
0x63: {  	_ =	shalt  }
0x64: {  	_ =	shalt  }
0x65: {  	_ =	shalt  }
0x66: {  	_ =	shalt  }
0x67: {  	_ =	shalt  }
0x68: {  	_ =	shalt  }
0x69: {  	_ =	shalt  }
0x6a: {  	_ =	shalt  }
0x6b: {  	_ =	shalt  }
0x6c: {  	_ =	shalt  }
0x6d: {  	_ =	shalt  }
0x6e: {  	_ =	shalt  }
0x6f: {  	_ =	shalt  }
0x70: {  	_ =	shalt  }
0x71: {  	_ =	shalt  }
0x72: {  	_ =	shalt  }
0x73: {  	_ =	shalt  }
0x74: {  	_ =	shalt  }
0x75: {  	_ =	shalt  }
0x76: {  	_ =	shalt  }
0x77: {  	_ =	shalt  }
0x78: {  	_ =	shalt  }
0x79: {  	_ =	shalt  }
0x7a: {  	_ =	shalt  }
0x7b: {  	_ =	shalt  }
0x7c: {  	_ =	shalt  }
0x7d: {  	_ =	shalt  }
0x7e: {  	_ =	shalt  }
0x7f: {  	_ =	shalt  }
0x80: {  	_ =	shalt  }
0x81: {  	_ =	shalt  }
0x82: {  	_ =	shalt  }
0x83: {  	_ =	shalt  }
0x84: {  	_ =	shalt  }
0x85: {  	_ =	shalt  }
0x86: {  	_ =	shalt  }
0x87: {  	_ =	shalt  }
.Lfunc_end0:
.L_simem_size_0:
called_computation.3_lowered:
.L_overlay_start_0:
0x88: {  	s2 =	sld [smem:$0x3FD9]  }
0x89: {  	s3 =	sld [smem:$0x3FFE];
	_ =	sdelay $0x1  }
0x8a: {  	s1 =	srdreg.scid  }
0x8b: {  	s0 =	sand.u32 $0x1, s1  }
0x8c: {  	s17 =	sshll.u32 s0, $0xA;
	s2 =	sadd.s32 s3, s2  }
0x8d: {  	s2 =	sadd.s32 s2, s17  }
0x8e: {  	[smem:$0x3FB0] =	sst s2  }
0x8f: {  	_ = 	snop  }
0x90: {  	s2 =	sld [smem:$0x3FD0];
	(tm) =	ssettm $0x1  }
0x91: {  	s18 =	sld [smem:$0x3FFB];
	_ =	sdelay $0x3  }
0x92: {  	_ =	strace s18  }
0x93: {  	s3 =	sld [smem:$0x3FFC];
	_ =	sdelay $0x3  }
0x94: {  	_ =	strace s3  }
0x95: {  	s3 =	sld [smem:$0x3FFD];
	_ =	sdelay $0x3  }
0x96: {  	_ =	strace s3  }
0x97: {  	_ =	strace $0x8FFFFFFF  }
0x98: {  	s19 =	sld [smem:$0x3FDB];
	_ =	sdelay $0x1  }
0x99: {  	s4 =	simm.s32 $_scs_section_size  }
0x9a: {  	s5 =	simm.s32 $_size__tile_overlayer_lowered;
	s6 =	simm.s32 $_tile_overlayer_lowered  }
0x9b: {  	s22 =	simm.s32 $0x1BFF;
	s21 =	sshll.u32 s6, $0x1;
	s3 =	sadd.s32 s4, s19  }
0x9c: {  	s7 =	simm.s32 $0x0;
	s20 =	sshll.u32 s5, $0x1;
	s5 =	sadd.s32 s21, s3  }
0x9d: {  	[timem:s7], [sflag:s22] =	dma.local [hbm:s5], s20  }
0x9e: {  	_ =	swait.ge [sflag:s22], s20  }
0x9f: {  	s4 =	ssub.s32 $0x0, s20;
	[sflag:s22] =	ssyncset.done $0x0  }
0xa0: {  	[sflag:s22] =	ssyncadd.s32 s4;
	_ =	sdelay $0x1  }
0xa1: {  	s23 =	simm.s32 $0x1B8B  }
0xa2: {  	_ =	swait.ge [sflag:s23], $0x1  }
0xa3: {  	[sflag:s23] =	ssyncset.done $0x0  }
0xa4: {  	s25 =	simm.s32 $0x1B8E;
	s24 =	sld [smem:$0x3FFE];
	[sflag:s23] =	ssyncadd.s32 $0xFFFFFFFF  }
0xa5: {  	s26 =	simm.s32 $execute0_lowered;
	[smem:$0x3FD2] =	sst s25  }
0xa6: {  	s5 =	sshll.u32 s26, $0x1;
	_ =	strace $0x8000004F;
	[dreg:$0x1] =	wrdreg $0xFFFFFFFF  }
0xa7: {  	s28 =	simm.s32 $_size_execute0_lowered;
	s3 =	sadd.s32 s3, s5;
	[dreg:$0x0] =	wrdreg $0x0  }
0xa8: {  	s5 =	sshll.u32 s28, $0x1;
	[dreg:$0x2] =	wrdreg s3  }
0xa9: {  	[dreg:$0x3] =	wrdreg s5  }
0xaa: {  	[dreg:$0x4] =	wrdreg $0xC0  }
0xab: {  	_ =	task [dreg:s7], $0x5FFFF  }
0xac: {  	[dreg:$0x1] =	wrdreg $0xFFFFFFFF  }
0xad: {  	[dreg:$0x0] =	wrdreg $0x60  }
0xae: {  	[dreg:$0x2] =	wrdreg s24  }
0xaf: {  	[dreg:$0x3] =	wrdreg s2  }
0xb0: {  	[dreg:$0x4] =	wrdreg $0x0  }
0xb1: {  	[dreg:$0x5] =	wrdreg $0x9  }
0xb2: {  	_ =	task.clear_ibuf [dreg:s7], $0x6FFFF;
	_ =	strace $0x9000004F  }
0xb3: {  	s29 =	simm.s32 $0x9;
	_ =	strace $0x80000051  }
0xb4: {  	_ =	swait.ge [sflag:s29], $0x1  }
0xb5: {  	[sflag:s29] =	ssyncadd.s32 $0xFFFFFFFF  }
0xb6: {  	_ =	strace $0x90000051  }
0xb7: {  	_ =	sfence  }
0xb8: {  	s30 =	sld [smem:$0x0];
	_ =	sdelay $0x2  }
0xb9: {  	s31 =	sshll.u32 s1, $0xD;
	s1 =	sshrl.u32 s1, $0x2  }
0xba: {  	s3 =	sand.u32 $0x4000, s31;
	s1 =	sadd.s32 s1, s30  }
0xbb: {  	s0 =	sor.u32 s3, s0;
	s1 =	sshll.u32 s1, $0x11  }
0xbc: {  	s0 =	sor.u32 s1, s0  }
0xbd: {  	s0 =	sadd.s32 $0x8F2B, s0  }
0xbe: {  	[sflag:s0] =	ssyncadd.remote.s32 $0x1  }
0xbf: {  	_ =	sfence.sel $0xFFFF  }
0xc0: {  	[dreg:$0x0] =	wrdreg $0xFFFFFFFF;
	(pc) =	sbr.abs _section_cstart, $3  }
0xc1: {  	[dreg:$0x1] =	wrdreg $0xFFFFFFFF  }
0xc2: {  	_ =	task.clear_ibuf [dreg:s7], $0x2FFFF;
	_ =	strace $0x9FFFFFFF  }
0xc3: {  	(tm) =	ssettm $0x7FFFFFFF  }
tec
execute0_lowered:
.L_overlay_start_1:
0x0: {  	(tag) =	ssettag $0x1  }
0x1: {  	s6 =	rddreg [dreg:$0x0]  }
0x2: {  	s2 =	rddreg [dreg:$0x2];
	s3 =	srdreg.scid;
	s4 =	simm.s32 $0x0  }
0x3: {  	s0 =	stileid.u32;
	s16 =	simm.s32 $0x15000;
	s17 =	simm.s32 $0x80  }
0x4: {  	s18 =	simm.s32 $0x16400;
	s19 =	simm.s32 $0x1;
	s20 =	simm.s32 $0x13C80  }
0x5: {  	s21 =	simm.s32 $0x1A400;
	s28 =	simm.s32 $0x14F00;
	s29 =	simm.s32 $0x16300  }
0x6: {  	s30 =	simm.s32 $0x0;
	s7 =	sand.u32 $0x1, s3;
	[smem:$0x7FF] =	sst s4  }
0x7: {  	s9 =	smul.u32 $0x13C00, s0;
	s5 =	sadd.s32 $0x1A600, s6;
	s10 =	sadd.s32 $0x10600, s6  }
0x8: {  	s11 =	sadd.s32 $0x6600, s6;
	s22 =	sshll.u32 s0, $0x1;
	s23 =	smul.u32 $0x4F000, s0  }
0x9: {  	s26 =	sshll.u32 s0, $0x6;
	s8 =	smul.u32 $0x13C000, s7;
	_ =	strace $0x80000050  }
0xa: {  	s12 =	ssub.s32 $0x2, s7;
	s7 =	sor.u32 s7, s22;
	s22 =	simm.s32 $0x3  }
0xb: {  	s24 =	sshrl.u32 s12, $0x1;
	s7 =	smul.u32 $0x2800, s7;
	s25 =	sshrl.u32 s23, $0x2  }
0xc: {  	s23 =	simm.s32 $0x2;
	s8 =	sadd.s32 s9, s8;
	s12 =	ssub.s32 s12, s24  }
0xd: {  	s14 =	sadd.s32 s25, s2;
	s24 =	simm.s32 $0x15080;
	s25 =	simm.s32 $0x13D00  }
0xe: {  	s8 =	sshrl.u32 s8, $0x3;
	s31 =	sshrl.u32 s7, $0x3;
	s12 =	smax.u32 s12, $0x1  }
0xf: {  	s13 =	sadd.s32 s8, s6;
	s6 =	sor.u32 $0x1C05, s26;
	s7 =	sadd.s32 s10, s31  }
0x10: {  	s8 =	sadd.s32 s11, s31;
	s15 =	sadd.s32 $0x280, s31;
	s26 =	simm.s32 $0x4  }
0x11: {  	s9 =	sadd.s32 s10, s15;
	s10 =	sadd.s32 s11, s15;
	s11 =	sadd.s32 $0x41800, s13  }
0x12: {  	s13 =	sshrl.u32 s14, $0x3;
	s14 =	simm.s32 $0x5;
	s15 =	simm.s32 $0x13C00  }
.LBB2_1:
0x13: {  	s0 =	rddreg [dreg:$0x1]  }
0x14: {  	[spmem:s13], [sflag:s6] =	dma.local [hbm:s0], $0x2780  }
0x15: {  	_ =	swait.ge [sflag:s14], $0x2780  }
0x16: {  	[sflag:s14] =	ssyncset.done $0x0  }
0x17: {  	[sflag:s14] =	ssyncadd.s32 $0xFFFFD880  }
0x18: {  	[bflag:$0x0] =	sbarrier.arrive $0xFFFF  }
0x19: {  	[tilespmem:s15], [sflag:$0x5] =	stream.linear.gather [hbm4b:s7+s4], $0x1400, $0x38;
	[tilespmem:$0x1E400] =	vst v63  }
0x1a: {  	_ =	swait.ge [sflag:s14], $0x1400  }
0x1b: {  	[sflag:s14] =	ssyncset.done $0x0  }
0x1c: {  	[sflag:s14] =	ssyncadd.s32 $0xFFFFEC00  }
0x1d: {  	[tilespmem:s16], [sflag:$0x5] =	stream.linear.gather [hbm4b:s8+s4], $0x1400, $0x38;
	[tilespmem:$0x1E400] =	vst v63  }
0x1e: {  	_ =	swait.ge [sflag:s14], $0x1400  }
0x1f: {  	[sflag:s14] =	ssyncset.done $0x0  }
0x20: {  	[sflag:s14] =	ssyncadd.s32 $0xFFFFEC00  }
0x21: {  	[tilespmem:s18], [sflag:$0x1] =	stream.indirect.gather [hbm4b:s5+s17], $0x80, s15, s17, $0xb8;
	[tilespmem:$0x1E400] =	vst v63  }
0x22: {  	_ =	swait.ge [sflag:s19], $0x4000  }
0x23: {  	[sflag:s19] =	ssyncset.done $0x0  }
0x24: {  	[sflag:s19] =	ssyncadd.s32 $0xFFFFC000  }
0x25: {  	[spmem:s2] =	stream.indirect.scatter.add.f32 [tilespmem:s18], [sflag:$0x3], $0x80, s16, s17, $0xb8;
	[tilespmem:$0x1E400] =	vst v63  }
0x26: {  	_ = 	snop  }
0x27: {  	[tilespmem:s21], [sflag:$0x2] =	stream.indirect.gather [hbm4b:s5+s17], $0x80, s20, s17, $0xb8;
	[tilespmem:$0x1E400] =	vst v63  }
0x28: {  	_ =	swait.ge [sflag:s22], $0x4000  }
0x29: {  	[sflag:s22] =	ssyncset.done $0x0  }
0x2a: {  	[sflag:s22] =	ssyncadd.s32 $0xFFFFC000  }
0x2b: {  	_ =	swait.ge [sflag:s23], $0x4000  }
0x2c: {  	[sflag:s23] =	ssyncset.done $0x0  }
0x2d: {  	[sflag:s23] =	ssyncadd.s32 $0xFFFFC000  }
0x2e: {  	[spmem:s2] =	stream.indirect.scatter.add.f32 [tilespmem:s21], [sflag:$0x4], $0x80, s24, s17, $0xb8;
	[tilespmem:$0x1E400] =	vst v63  }
0x2f: {  	s31 =	simm.s32 $0x0  }
0x30: {  	[tilespmem:s18], [sflag:$0x1] =	stream.indirect.gather [hbm4b:s5+s17], $0x80, s25, s17, $0xb8;
	[tilespmem:$0x1E400] =	vst v63  }
.LBB2_2:
0x31: {  	_ =	swait.ge [sflag:s26], $0x4000  }
0x32: {  	[sflag:s26] =	ssyncset.done $0x0  }
0x33: {  	[sflag:s26] =	ssyncadd.s32 $0xFFFFC000  }
0x34: {  	_ =	swait.ge [sflag:s19], $0x4000  }
0x35: {  	s0 =	sshra.s32 s31, $0x2;
	[sflag:s19] =	ssyncset.done $0x0  }
0x36: {  	s3 =	sadd.s32 $0x15100, s0;
	[sflag:s19] =	ssyncadd.s32 $0xFFFFC000  }
0x37: {  	[spmem:s2] =	stream.indirect.scatter.add.f32 [tilespmem:s18], [sflag:$0x3], $0x80, s3, s17, $0xb8;
	[tilespmem:$0x1E400] =	vst v63  }
0x38: {  	s1 =	sadd.s32 $0x13D80, s0  }
0x39: {  	[tilespmem:s21], [sflag:$0x2] =	stream.indirect.gather [hbm4b:s5+s17], $0x80, s1, s17, $0xb8;
	[tilespmem:$0x1E400] =	vst v63  }
0x3a: {  	_ =	swait.ge [sflag:s22], $0x4000  }
0x3b: {  	[sflag:s22] =	ssyncset.done $0x0  }
0x3c: {  	[sflag:s22] =	ssyncadd.s32 $0xFFFFC000  }
0x3d: {  	_ =	swait.ge [sflag:s23], $0x4000  }
0x3e: {  	[sflag:s23] =	ssyncset.done $0x0  }
0x3f: {  	p0 =	seq.s32 s31, $0x4800;
	s0 =	sadd.s32 $0x15180, s0;
	[sflag:s23] =	ssyncadd.s32 $0xFFFFC000  }
0x40: {  	[spmem:s2] =	stream.indirect.scatter.add.f32 [tilespmem:s21], [sflag:$0x4], $0x80, s0, s17, $0xb8;
	[tilespmem:$0x1E400] =	vst v63  }
0x41: {  	s3 =	simm.s32 @!p0 $0x80;
	s0 =	sshra.s32 @!p0 s31, $0x2;
	s31 =	sadd.s32 @!p0 $0x400, s31  }
0x42: {  	s1 =	simm.s32 @!p0 $0x16400;
	s0 =	sadd.s32 @!p0 $0x13E00, s0;
	p1 =	sne.s32 @!p0 s31, $0x4C00  }
0x43: {  	[tilespmem:s1], [sflag:$0x1] =	stream.indirect.gather @!p0 [hbm4b:s5+s3], $0x80, s0, s3, $0xb8;
	[tilespmem:$0x1E400] =	vst v63  }
0x44: {  	p0 =	por p0, !p1  }
.Ltmp0:
0x45: {  	_ = 	snop;
	(pc) =	sbr.rel @!p0 .LBB2_2-.Ltmp0, $1  }
0x46: {  	_ =	sdelay $0x3  }
0x47: {  	_ =	swait.ge [sflag:s26], $0x4000  }
0x48: {  	[sflag:s26] =	ssyncset.done $0x0  }
0x49: {  	s31 =	simm.s32 $0x0;
	[sflag:s26] =	ssyncadd.s32 $0xFFFFC000  }
0x4a: {  	[tilespmem:s15], [sflag:$0x5] =	stream.linear.gather [hbm4b:s9+s31], $0x1380, $0x38;
	[tilespmem:$0x1E400] =	vst v63  }
0x4b: {  	_ =	swait.ge [sflag:s14], $0x1380  }
0x4c: {  	[sflag:s14] =	ssyncset.done $0x0  }
0x4d: {  	[sflag:s14] =	ssyncadd.s32 $0xFFFFEC80  }
0x4e: {  	[tilespmem:s16], [sflag:$0x5] =	stream.linear.gather [hbm4b:s10+s31], $0x1380, $0x38;
	[tilespmem:$0x1E400] =	vst v63  }
0x4f: {  	_ =	swait.ge [sflag:s14], $0x1380  }
0x50: {  	[sflag:s14] =	ssyncset.done $0x0  }
0x51: {  	[sflag:s14] =	ssyncadd.s32 $0xFFFFEC80  }
0x52: {  	[tilespmem:s18], [sflag:$0x1] =	stream.indirect.gather [hbm4b:s5+s17], $0x80, s15, s17, $0xb8;
	[tilespmem:$0x1E400] =	vst v63  }
0x53: {  	_ =	swait.ge [sflag:s19], $0x4000  }
0x54: {  	[sflag:s19] =	ssyncset.done $0x0  }
0x55: {  	[sflag:s19] =	ssyncadd.s32 $0xFFFFC000  }
0x56: {  	[spmem:s2] =	stream.indirect.scatter.add.f32 [tilespmem:s18], [sflag:$0x3], $0x80, s16, s17, $0xb8;
	[tilespmem:$0x1E400] =	vst v63  }
0x57: {  	_ = 	snop  }
0x58: {  	[tilespmem:s21], [sflag:$0x2] =	stream.indirect.gather [hbm4b:s5+s17], $0x80, s20, s17, $0xb8;
	[tilespmem:$0x1E400] =	vst v63  }
0x59: {  	_ =	swait.ge [sflag:s22], $0x4000  }
0x5a: {  	[sflag:s22] =	ssyncset.done $0x0  }
0x5b: {  	[sflag:s22] =	ssyncadd.s32 $0xFFFFC000  }
0x5c: {  	_ =	swait.ge [sflag:s23], $0x4000  }
0x5d: {  	[sflag:s23] =	ssyncset.done $0x0  }
0x5e: {  	[sflag:s23] =	ssyncadd.s32 $0xFFFFC000  }
0x5f: {  	[spmem:s2] =	stream.indirect.scatter.add.f32 [tilespmem:s21], [sflag:$0x4], $0x80, s24, s17, $0xb8;
	[tilespmem:$0x1E400] =	vst v63  }
0x60: {  	_ = 	snop  }
0x61: {  	[tilespmem:s18], [sflag:$0x1] =	stream.indirect.gather [hbm4b:s5+s17], $0x80, s25, s17, $0xb8;
	[tilespmem:$0x1E400] =	vst v63  }
.LBB2_4:
0x62: {  	_ =	swait.ge [sflag:s26], $0x4000  }
0x63: {  	[sflag:s26] =	ssyncset.done $0x0  }
0x64: {  	[sflag:s26] =	ssyncadd.s32 $0xFFFFC000  }
0x65: {  	_ =	swait.ge [sflag:s19], $0x4000  }
0x66: {  	s0 =	sshra.s32 s31, $0x2;
	[sflag:s19] =	ssyncset.done $0x0  }
0x67: {  	s1 =	sadd.s32 $0x15100, s0;
	[sflag:s19] =	ssyncadd.s32 $0xFFFFC000  }
0x68: {  	[spmem:s2] =	stream.indirect.scatter.add.f32 [tilespmem:s18], [sflag:$0x3], $0x80, s1, s17, $0xb8;
	[tilespmem:$0x1E400] =	vst v63  }
0x69: {  	s3 =	sadd.s32 $0x13D80, s0  }
0x6a: {  	[tilespmem:s21], [sflag:$0x2] =	stream.indirect.gather [hbm4b:s5+s17], $0x80, s3, s17, $0xb8;
	[tilespmem:$0x1E400] =	vst v63  }
0x6b: {  	_ =	swait.ge [sflag:s22], $0x4000  }
0x6c: {  	[sflag:s22] =	ssyncset.done $0x0  }
0x6d: {  	[sflag:s22] =	ssyncadd.s32 $0xFFFFC000  }
0x6e: {  	_ =	swait.ge [sflag:s23], $0x4000  }
0x6f: {  	[sflag:s23] =	ssyncset.done $0x0  }
0x70: {  	p0 =	seq.s32 s31, $0x4400;
	s0 =	sadd.s32 $0x15180, s0;
	[sflag:s23] =	ssyncadd.s32 $0xFFFFC000  }
0x71: {  	[spmem:s2] =	stream.indirect.scatter.add.f32 [tilespmem:s21], [sflag:$0x4], $0x80, s0, s17, $0xb8;
	[tilespmem:$0x1E400] =	vst v63  }
0x72: {  	s1 =	simm.s32 @!p0 $0x80;
	s0 =	sshra.s32 @!p0 s31, $0x2;
	s31 =	sadd.s32 @!p0 $0x400, s31  }
0x73: {  	s3 =	simm.s32 @!p0 $0x16400;
	s0 =	sadd.s32 @!p0 $0x13E00, s0;
	p1 =	sne.s32 @!p0 s31, $0x4800  }
0x74: {  	[tilespmem:s3], [sflag:$0x1] =	stream.indirect.gather @!p0 [hbm4b:s5+s1], $0x80, s0, s1, $0xb8;
	[tilespmem:$0x1E400] =	vst v63  }
0x75: {  	p0 =	por p0, !p1  }
.Ltmp1:
0x76: {  	_ = 	snop;
	(pc) =	sbr.rel @!p0 .LBB2_4-.Ltmp1, $1  }
0x77: {  	_ =	sdelay $0x3  }
0x78: {  	_ =	swait.ge [sflag:s26], $0x4000  }
0x79: {  	[sflag:s26] =	ssyncset.done $0x0  }
0x7a: {  	[sflag:s26] =	ssyncadd.s32 $0xFFFFC000  }
0x7b: {  	[tilespmem:s18], [sflag:$0x1] =	stream.indirect.gather [hbm4b:s5+s17], $0x80, s28, s17, $0xb8;
	[tilespmem:$0x1E400] =	vst v63  }
0x7c: {  	_ =	swait.ge [sflag:s19], $0x4000  }
0x7d: {  	[sflag:s19] =	ssyncset.done $0x0  }
0x7e: {  	[sflag:s19] =	ssyncadd.s32 $0xFFFFC000  }
0x7f: {  	[spmem:s2] =	stream.indirect.scatter.add.f32 [tilespmem:s18], [sflag:$0x5], $0x80, s29, s17, $0xb8;
	[tilespmem:$0x1E400] =	vst v63  }
0x80: {  	_ =	swait.ge [sflag:s14], $0x4000  }
0x81: {  	s30 =	sadd.s32 $0x1, s30;
	[sflag:s14] =	ssyncset.done $0x0  }
0x82: {  	p0 =	sne.s32 s30, s12;
	[sflag:s14] =	ssyncadd.s32 $0xFFFFC000  }
.Ltmp2:
0x83: {  	[bflag:$0x0] =	sbarrier.arrive $0xFFFF;
	(pc) =	sbr.rel @p0 .LBB2_1-.Ltmp2, $4  }
0x84: {  	[hbm:s11], [sflag:s6] =	dma.local [spmem:s13], $0x2780  }
0x85: {  	_ =	swait.ge [sflag:s14], $0x2780  }
0x86: {  	[sflag:s14] =	ssyncset.done $0x0  }
0x87: {  	[sflag:s14] =	ssyncadd.s32 $0xFFFFD880  }
0x88: {  	_ =	sfence.sel $0x180000  }
0x89: {  	[bflag:$0x0] =	sbarrier.arrive $0xFFFF  }
0x8a: {  	_ =	strace $0x90000050  }
0x8b: {  	s0 =	stileid.u32;
	[bflag:$0x2] =	sbarrier.arrive $0xFFFF  }
0x8c: {  	p0 =	sne.s32 s0, $0x0;
	s0 =	rddreg [dreg:$0x3]  }
0x8d: {  	s0 =	sadd.s32 @!p0 $0x100000, s0  }
0x8e: {  	[sflag:s0] =	ssyncadd.tile.s32 @!p0 $0x1;
	_ =	shalt  }
.Lfunc_end2:
_tile_overlayer_lowered:
.L_overlay_start_2:
0x8f: {  	(tag) =	ssettag $0x2  }
0x90: {  	s0 =	rddreg [dreg:$0x0];
	s2 =	stileid.u32  }
0x91: {  	s1 =	rddreg [dreg:$0x1];
	p0 =	sne.s32 s2, $0x0  }
0x92: {  	s3 =	rddreg [dreg:$0x2];
	[bflag:$0x3] =	sbarrier.arrive $0xFFFF;
	s2 =	simm.s32 @!p0 $0x1C05  }
0x93: {  	[timem:s3], [sflag:s2] =	dma.local @!p0 [hbm:s0], s1  }
0x94: {  	s0 =	simm.s32 @!p0 $0x5  }
0x95: {  	_ =	swait.ge @!p0 [sflag:s0], s1  }
0x96: {  	s1 =	ssub.s32 @!p0 $0x0, s1;
	[sflag:s0] =	ssyncset.done @!p0 $0x0  }
0x97: {  	[sflag:s0] =	ssyncadd.s32 @!p0 s1  }
0x98: {  	[bflag:$0x3] =	sbarrier.arrive $0xFFFF  }
0x99: {  	_ =	shalt  }

// kernel: kernel.26.cloned.1.call-start
scs
__scs_entry_jumppad:
0x0: {  	(pc) =	sbr.rel $0x88, $3  }
0x1: {  	(tag) =	ssettag $0x0;
	lr =	simm.s32 $0x1  }
0x2: {  	[smem:$0x3F89] =	sst lr;
	_ =	strace $0xD0000000  }
0x3: {  	_ = 	snop  }
0x4: {  	_ = 	snop  }
0x5: {  	_ = 	snop  }
0x6: {  	_ = 	snop  }
0x7: {  	_ = 	snop  }
__scs_overlays_trampoline_lowered:
0x8: {  	[smem:$0x3F98] =	sst s0  }
0x9: {  	[smem:$0x3F99] =	sst s1  }
0xa: {  	[smem:$0x3F9A] =	sst s2  }
0xb: {  	[smem:$0x3F9B] =	sst s3  }
0xc: {  	[smem:$0x3F9C] =	sst s4  }
0xd: {  	[smem:$0x3F9D] =	sst s5  }
0xe: {  	[smem:$0x3F9E] =	sst s6  }
0xf: {  	[smem:$0x3F9F] =	sst s7  }
0x10: {  	[smem:$0x3FA0] =	sst s8  }
0x11: {  	[smem:$0x3FA1] =	sst s9;
	s0 =	simm.s32 @!p0 $0x0  }
0x12: {  	s1 =	sld [smem:$0x3F87];
	s0 =	simm.s32 @p0 $0x1  }
0x13: {  	[smem:$0x3FA2] =	sst s0;
	s0 =	simm.s32 @!p1 $0x0  }
0x14: {  	s2 =	sld [smem:$0x3F86];
	s0 =	simm.s32 @p1 $0x1  }
0x15: {  	[smem:$0x3FA3] =	sst s0;
	s0 =	simm.s32 @!p2 $0x0  }
0x16: {  	s3 =	sld [smem:$0x3FDB];
	s0 =	simm.s32 @p2 $0x1  }
0x17: {  	s4 =	simm.s32 $0x1BF5;
	[smem:$0x3FA5] =	sst s0  }
0x18: {  	s0 =	sld [smem:$0x3F88];
	_ =	swait.ge [sflag:s4], $0x0  }
0x19: {  	s7 =	sld [smem:$0x3F89]  }
0x1a: {  	s8 =	sadd.s32 $0xFFFFE003, lr  }
0x1b: {  	s9 =	sadd.s32 $0xFFFFFEF7, lr;
	s5 =	simm.s32 $0xFFFFFFFF;
	p2 =	slt.u32 s8, $0xFFFFF086  }
0x1c: {  	p1 =	slt.u32 s9, $0xF7A;
	s5 =	simm.s32 @!p2 $0x0  }
0x1d: {  	s5 =	simm.s32 @p1 $0x1;
	p0 =	seq.s32 s7, s2  }
0x1e: {  	s7 =	smul.u32 @!p0 $0xF7A, s2;
	p2 =	seq.s32 @!p0 s5, $0x0  }
0x1f: {  	s9 =	smul.u32 $0xF7A, s1;
	s8 =	simm.s32 @!p0 $0x1BF5;
	p2 =	por !p2, p0  }
0x20: {  	[sflag:s8] =	ssyncset.s32 @!p0 $0xFFFFF086;
	s6 =	sadd.s32 @!p0 s3, s7;
	s7 =	simm.s32 @!p0 $0x108  }
0x21: {  	s3 =	sadd.s32 s3, s9;
	s6 =	sadd.s32 @!p0 $0x88, s6;
	s7 =	simm.s32 @p2 $0x1082  }
0x22: {  	[simem:s7], [sflag:s8] =	dma.local @!p0 [hbm:s6], $0xF7A  }
0x23: {  	s9 =	sor.u32 $0xD0000000, s2;
	s6 =	simm.s32 $0x108;
	_ =	swait.ge @!p0 [sflag:s8], $0x0  }
0x24: {  	s3 =	sadd.s32 $0x88, s3;
	s6 =	simm.s32 @!p1 $0x1082;
	[sflag:s4] =	ssyncset.s32 $0xFFFFF086  }
0x25: {  	[simem:s6], [sflag:s4] =	dma.local [hbm:s3], $0xF7A  }
0x26: {  	[smem:$0x3F89] =	sst s1;
	(tag) =	ssettag s2;
	_ =	strace s9  }
0x27: {  	s1 =	sld [smem:$0x3F99]  }
0x28: {  	s2 =	sld [smem:$0x3F9A]  }
0x29: {  	s4 =	sld [smem:$0x3F9C]  }
0x2a: {  	p0 =	seq.s32 s5, $0x0;
	s5 =	sld [smem:$0x3F9D]  }
0x2b: {  	s6 =	sld [smem:$0x3F9E]  }
0x2c: {  	s7 =	sld [smem:$0x3F9F]  }
0x2d: {  	s3 =	simm.s32 $0x108;
	s8 =	sld [smem:$0x3FA0]  }
0x2e: {  	s3 =	simm.s32 @!p0 $0x1082;
	s9 =	sld [smem:$0x3FA1]  }
0x2f: {  	lr =	sadd.s32 s0, s3;
	s0 =	sld [smem:$0x3F98]  }
0x30: {  	s3 =	sld [smem:$0x3F9B]  }
0x31: {  	[smem:$0x3FA4] =	sst s10  }
0x32: {  	s10 =	sld [smem:$0x3FA2];
	_ =	sdelay $0x3  }
0x33: {  	p0 =	seq.s32 s10, $0x1;
	s10 =	sld [smem:$0x3FA4];
	_ =	sdelay $0x3  }
0x34: {  	[smem:$0x3FA4] =	sst s10  }
0x35: {  	s10 =	sld [smem:$0x3FA3];
	_ =	sdelay $0x3  }
0x36: {  	p1 =	seq.s32 s10, $0x1;
	s10 =	sld [smem:$0x3FA4];
	_ =	sdelay $0x3  }
0x37: {  	[smem:$0x3FA4] =	sst s10  }
0x38: {  	s10 =	sld [smem:$0x3FA5]  }
0x39: {  	_ = 	snop;
	(pc) =	sbr.ind lr, $3  }
0x3a: {  	_ = 	snop  }
0x3b: {  	_ = 	snop  }
0x3c: {  	p2 =	seq.s32 s10, $0x1;
	s10 =	sld [smem:$0x3FA4]  }
0x3d: {  	_ =	shalt  }
0x3e: {  	_ =	shalt  }
0x3f: {  	_ =	shalt  }
0x40: {  	_ =	shalt  }
0x41: {  	_ =	shalt  }
0x42: {  	_ =	shalt  }
0x43: {  	_ =	shalt  }
0x44: {  	_ =	shalt  }
0x45: {  	_ =	shalt  }
0x46: {  	_ =	shalt  }
0x47: {  	_ =	shalt  }
0x48: {  	_ =	shalt  }
0x49: {  	_ =	shalt  }
0x4a: {  	_ =	shalt  }
0x4b: {  	_ =	shalt  }
0x4c: {  	_ =	shalt  }
0x4d: {  	_ =	shalt  }
0x4e: {  	_ =	shalt  }
0x4f: {  	_ =	shalt  }
0x50: {  	_ =	shalt  }
0x51: {  	_ =	shalt  }
0x52: {  	_ =	shalt  }
0x53: {  	_ =	shalt  }
0x54: {  	_ =	shalt  }
0x55: {  	_ =	shalt  }
0x56: {  	_ =	shalt  }
0x57: {  	_ =	shalt  }
0x58: {  	_ =	shalt  }
0x59: {  	_ =	shalt  }
0x5a: {  	_ =	shalt  }
0x5b: {  	_ =	shalt  }
0x5c: {  	_ =	shalt  }
0x5d: {  	_ =	shalt  }
0x5e: {  	_ =	shalt  }
0x5f: {  	_ =	shalt  }
0x60: {  	_ =	shalt  }
0x61: {  	_ =	shalt  }
0x62: {  	_ =	shalt  }
0x63: {  	_ =	shalt  }
0x64: {  	_ =	shalt  }
0x65: {  	_ =	shalt  }
0x66: {  	_ =	shalt  }
0x67: {  	_ =	shalt  }
0x68: {  	_ =	shalt  }
0x69: {  	_ =	shalt  }
0x6a: {  	_ =	shalt  }
0x6b: {  	_ =	shalt  }
0x6c: {  	_ =	shalt  }
0x6d: {  	_ =	shalt  }
0x6e: {  	_ =	shalt  }
0x6f: {  	_ =	shalt  }
0x70: {  	_ =	shalt  }
0x71: {  	_ =	shalt  }
0x72: {  	_ =	shalt  }
0x73: {  	_ =	shalt  }
0x74: {  	_ =	shalt  }
0x75: {  	_ =	shalt  }
0x76: {  	_ =	shalt  }
0x77: {  	_ =	shalt  }
0x78: {  	_ =	shalt  }
0x79: {  	_ =	shalt  }
0x7a: {  	_ =	shalt  }
0x7b: {  	_ =	shalt  }
0x7c: {  	_ =	shalt  }
0x7d: {  	_ =	shalt  }
0x7e: {  	_ =	shalt  }
0x7f: {  	_ =	shalt  }
0x80: {  	_ =	shalt  }
0x81: {  	_ =	shalt  }
0x82: {  	_ =	shalt  }
0x83: {  	_ =	shalt  }
0x84: {  	_ =	shalt  }
0x85: {  	_ =	shalt  }
0x86: {  	_ =	shalt  }
0x87: {  	_ =	shalt  }
.Lfunc_end0:
.L_simem_size_0:
called_computation.4_lowered:
.L_overlay_start_0:
0x88: {  	s2 =	sld [smem:$0x3FD9]  }
0x89: {  	s3 =	sld [smem:$0x3FFE];
	_ =	sdelay $0x1  }
0x8a: {  	s1 =	srdreg.scid  }
0x8b: {  	s0 =	sand.u32 $0x1, s1  }
0x8c: {  	s17 =	sshll.u32 s0, $0xA;
	s2 =	sadd.s32 s3, s2  }
0x8d: {  	s2 =	sadd.s32 s2, s17  }
0x8e: {  	[smem:$0x3FB0] =	sst s2  }
0x8f: {  	_ = 	snop  }
0x90: {  	s2 =	sld [smem:$0x3FD0];
	(tm) =	ssettm $0x1  }
0x91: {  	s18 =	sld [smem:$0x3FFB];
	_ =	sdelay $0x3  }
0x92: {  	_ =	strace s18  }
0x93: {  	s3 =	sld [smem:$0x3FFC];
	_ =	sdelay $0x3  }
0x94: {  	_ =	strace s3  }
0x95: {  	s3 =	sld [smem:$0x3FFD];
	_ =	sdelay $0x3  }
0x96: {  	_ =	strace s3  }
0x97: {  	_ =	strace $0x8FFFFFFF  }
0x98: {  	s19 =	sld [smem:$0x3FDB];
	_ =	sdelay $0x1  }
0x99: {  	s4 =	simm.s32 $_scs_section_size  }
0x9a: {  	s5 =	simm.s32 $_size__tile_overlayer_lowered;
	s6 =	simm.s32 $_tile_overlayer_lowered  }
0x9b: {  	s22 =	simm.s32 $0x1BFF;
	s21 =	sshll.u32 s6, $0x1;
	s3 =	sadd.s32 s4, s19  }
0x9c: {  	s7 =	simm.s32 $0x0;
	s20 =	sshll.u32 s5, $0x1;
	s5 =	sadd.s32 s21, s3  }
0x9d: {  	[timem:s7], [sflag:s22] =	dma.local [hbm:s5], s20  }
0x9e: {  	_ =	swait.ge [sflag:s22], s20  }
0x9f: {  	s4 =	ssub.s32 $0x0, s20;
	[sflag:s22] =	ssyncset.done $0x0  }
0xa0: {  	[sflag:s22] =	ssyncadd.s32 s4;
	_ =	sdelay $0x1  }
0xa1: {  	s23 =	simm.s32 $0x1B8B  }
0xa2: {  	_ =	swait.ge [sflag:s23], $0x1  }
0xa3: {  	[sflag:s23] =	ssyncset.done $0x0  }
0xa4: {  	s25 =	simm.s32 $0x1B8E;
	s24 =	sld [smem:$0x3FFE];
	[sflag:s23] =	ssyncadd.s32 $0xFFFFFFFF  }
0xa5: {  	s26 =	simm.s32 $execute0_lowered;
	[smem:$0x3FD2] =	sst s25  }
0xa6: {  	s5 =	sshll.u32 s26, $0x1;
	_ =	strace $0x80000052;
	[dreg:$0x1] =	wrdreg $0xFFFFFFFF  }
0xa7: {  	s28 =	simm.s32 $_size_execute0_lowered;
	s3 =	sadd.s32 s3, s5;
	[dreg:$0x0] =	wrdreg $0x0  }
0xa8: {  	s5 =	sshll.u32 s28, $0x1;
	[dreg:$0x2] =	wrdreg s3  }
0xa9: {  	[dreg:$0x3] =	wrdreg s5  }
0xaa: {  	[dreg:$0x4] =	wrdreg $0xC0  }
0xab: {  	_ =	task [dreg:s7], $0x5FFFF  }
0xac: {  	[dreg:$0x1] =	wrdreg $0xFFFFFFFF  }
0xad: {  	[dreg:$0x0] =	wrdreg $0x60  }
0xae: {  	[dreg:$0x2] =	wrdreg s24  }
0xaf: {  	[dreg:$0x3] =	wrdreg s2  }
0xb0: {  	[dreg:$0x4] =	wrdreg $0x0  }
0xb1: {  	[dreg:$0x5] =	wrdreg $0x9  }
0xb2: {  	_ =	task.clear_ibuf [dreg:s7], $0x6FFFF;
	_ =	strace $0x90000052  }
0xb3: {  	s29 =	simm.s32 $0x9;
	_ =	strace $0x80000054  }
0xb4: {  	_ =	swait.ge [sflag:s29], $0x1  }
0xb5: {  	[sflag:s29] =	ssyncadd.s32 $0xFFFFFFFF  }
0xb6: {  	_ =	strace $0x90000054  }
0xb7: {  	_ =	sfence  }
0xb8: {  	s30 =	sld [smem:$0x0];
	_ =	sdelay $0x2  }
0xb9: {  	s31 =	sshll.u32 s1, $0xD;
	s1 =	sshrl.u32 s1, $0x2  }
0xba: {  	s3 =	sand.u32 $0x4000, s31;
	s1 =	sadd.s32 s1, s30  }
0xbb: {  	s0 =	sor.u32 s3, s0;
	s1 =	sshll.u32 s1, $0x11  }
0xbc: {  	s0 =	sor.u32 s1, s0  }
0xbd: {  	s0 =	sadd.s32 $0x8F2B, s0  }
0xbe: {  	[sflag:s0] =	ssyncadd.remote.s32 $0x1  }
0xbf: {  	_ =	sfence.sel $0xFFFF  }
0xc0: {  	[dreg:$0x0] =	wrdreg $0xFFFFFFFF;
	(pc) =	sbr.abs _section_cstart, $3  }
0xc1: {  	[dreg:$0x1] =	wrdreg $0xFFFFFFFF  }
0xc2: {  	_ =	task.clear_ibuf [dreg:s7], $0x2FFFF;
	_ =	strace $0x9FFFFFFF  }
0xc3: {  	(tm) =	ssettm $0x7FFFFFFF  }
tec
execute0_lowered:
.L_overlay_start_1:
0x0: {  	(tag) =	ssettag $0x1  }
0x1: {  	s6 =	rddreg [dreg:$0x0]  }
0x2: {  	s2 =	rddreg [dreg:$0x2];
	s3 =	srdreg.scid;
	s4 =	simm.s32 $0x0  }
0x3: {  	s0 =	stileid.u32;
	s16 =	simm.s32 $0x15000;
	s17 =	simm.s32 $0x80  }
0x4: {  	s18 =	simm.s32 $0x16400;
	s19 =	simm.s32 $0x1;
	s20 =	simm.s32 $0x13C80  }
0x5: {  	s21 =	simm.s32 $0x1A400;
	s28 =	simm.s32 $0x14F00;
	s29 =	simm.s32 $0x16300  }
0x6: {  	s30 =	simm.s32 $0x0;
	s7 =	sand.u32 $0x1, s3;
	[smem:$0x7FF] =	sst s4  }
0x7: {  	s9 =	smul.u32 $0x13C00, s0;
	s5 =	sadd.s32 $0x1A600, s6;
	s10 =	sadd.s32 $0x10600, s6  }
0x8: {  	s11 =	sadd.s32 $0x6600, s6;
	s22 =	sshll.u32 s0, $0x1;
	s23 =	smul.u32 $0x4F000, s0  }
0x9: {  	s26 =	sshll.u32 s0, $0x6;
	s8 =	smul.u32 $0x13C000, s7;
	_ =	strace $0x80000053  }
0xa: {  	s12 =	ssub.s32 $0x2, s7;
	s7 =	sor.u32 s7, s22;
	s22 =	simm.s32 $0x3  }
0xb: {  	s24 =	sshrl.u32 s12, $0x1;
	s7 =	smul.u32 $0x2800, s7;
	s25 =	sshrl.u32 s23, $0x2  }
0xc: {  	s23 =	simm.s32 $0x2;
	s8 =	sadd.s32 s9, s8;
	s12 =	ssub.s32 s12, s24  }
0xd: {  	s14 =	sadd.s32 s25, s2;
	s24 =	simm.s32 $0x15080;
	s25 =	simm.s32 $0x13D00  }
0xe: {  	s8 =	sshrl.u32 s8, $0x3;
	s31 =	sshrl.u32 s7, $0x3;
	s12 =	smax.u32 s12, $0x1  }
0xf: {  	s13 =	sadd.s32 s8, s6;
	s6 =	sor.u32 $0x1C05, s26;
	s7 =	sadd.s32 s10, s31  }
0x10: {  	s8 =	sadd.s32 s11, s31;
	s15 =	sadd.s32 $0x280, s31;
	s26 =	simm.s32 $0x4  }
0x11: {  	s9 =	sadd.s32 s10, s15;
	s10 =	sadd.s32 s11, s15;
	s11 =	sadd.s32 $0x41800, s13  }
0x12: {  	s13 =	sshrl.u32 s14, $0x3;
	s14 =	simm.s32 $0x5;
	s15 =	simm.s32 $0x13C00  }
.LBB2_1:
0x13: {  	s0 =	rddreg [dreg:$0x1]  }
0x14: {  	[spmem:s13], [sflag:s6] =	dma.local [hbm:s0], $0x2780  }
0x15: {  	_ =	swait.ge [sflag:s14], $0x2780  }
0x16: {  	[sflag:s14] =	ssyncset.done $0x0  }
0x17: {  	[sflag:s14] =	ssyncadd.s32 $0xFFFFD880  }
0x18: {  	[bflag:$0x0] =	sbarrier.arrive $0xFFFF  }
0x19: {  	[tilespmem:s15], [sflag:$0x5] =	stream.linear.gather [hbm4b:s7+s4], $0x1400, $0x38;
	[tilespmem:$0x1E400] =	vst v63  }
0x1a: {  	_ =	swait.ge [sflag:s14], $0x1400  }
0x1b: {  	[sflag:s14] =	ssyncset.done $0x0  }
0x1c: {  	[sflag:s14] =	ssyncadd.s32 $0xFFFFEC00  }
0x1d: {  	[tilespmem:s16], [sflag:$0x5] =	stream.linear.gather [hbm4b:s8+s4], $0x1400, $0x38;
	[tilespmem:$0x1E400] =	vst v63  }
0x1e: {  	_ =	swait.ge [sflag:s14], $0x1400  }
0x1f: {  	[sflag:s14] =	ssyncset.done $0x0  }
0x20: {  	[sflag:s14] =	ssyncadd.s32 $0xFFFFEC00  }
0x21: {  	[tilespmem:s18], [sflag:$0x1] =	stream.indirect.gather [hbm4b:s5+s17], $0x80, s15, s17, $0xb8;
	[tilespmem:$0x1E400] =	vst v63  }
0x22: {  	_ =	swait.ge [sflag:s19], $0x4000  }
0x23: {  	[sflag:s19] =	ssyncset.done $0x0  }
0x24: {  	[sflag:s19] =	ssyncadd.s32 $0xFFFFC000  }
0x25: {  	[spmem:s2] =	stream.indirect.scatter.add.f32 [tilespmem:s18], [sflag:$0x3], $0x80, s16, s17, $0xb8;
	[tilespmem:$0x1E400] =	vst v63  }
0x26: {  	_ = 	snop  }
0x27: {  	[tilespmem:s21], [sflag:$0x2] =	stream.indirect.gather [hbm4b:s5+s17], $0x80, s20, s17, $0xb8;
	[tilespmem:$0x1E400] =	vst v63  }
0x28: {  	_ =	swait.ge [sflag:s22], $0x4000  }
0x29: {  	[sflag:s22] =	ssyncset.done $0x0  }
0x2a: {  	[sflag:s22] =	ssyncadd.s32 $0xFFFFC000  }
0x2b: {  	_ =	swait.ge [sflag:s23], $0x4000  }
0x2c: {  	[sflag:s23] =	ssyncset.done $0x0  }
0x2d: {  	[sflag:s23] =	ssyncadd.s32 $0xFFFFC000  }
0x2e: {  	[spmem:s2] =	stream.indirect.scatter.add.f32 [tilespmem:s21], [sflag:$0x4], $0x80, s24, s17, $0xb8;
	[tilespmem:$0x1E400] =	vst v63  }
0x2f: {  	s31 =	simm.s32 $0x0  }
0x30: {  	[tilespmem:s18], [sflag:$0x1] =	stream.indirect.gather [hbm4b:s5+s17], $0x80, s25, s17, $0xb8;
	[tilespmem:$0x1E400] =	vst v63  }
.LBB2_2:
0x31: {  	_ =	swait.ge [sflag:s26], $0x4000  }
0x32: {  	[sflag:s26] =	ssyncset.done $0x0  }
0x33: {  	[sflag:s26] =	ssyncadd.s32 $0xFFFFC000  }
0x34: {  	_ =	swait.ge [sflag:s19], $0x4000  }
0x35: {  	s0 =	sshra.s32 s31, $0x2;
	[sflag:s19] =	ssyncset.done $0x0  }
0x36: {  	s3 =	sadd.s32 $0x15100, s0;
	[sflag:s19] =	ssyncadd.s32 $0xFFFFC000  }
0x37: {  	[spmem:s2] =	stream.indirect.scatter.add.f32 [tilespmem:s18], [sflag:$0x3], $0x80, s3, s17, $0xb8;
	[tilespmem:$0x1E400] =	vst v63  }
0x38: {  	s1 =	sadd.s32 $0x13D80, s0  }
0x39: {  	[tilespmem:s21], [sflag:$0x2] =	stream.indirect.gather [hbm4b:s5+s17], $0x80, s1, s17, $0xb8;
	[tilespmem:$0x1E400] =	vst v63  }
0x3a: {  	_ =	swait.ge [sflag:s22], $0x4000  }
0x3b: {  	[sflag:s22] =	ssyncset.done $0x0  }
0x3c: {  	[sflag:s22] =	ssyncadd.s32 $0xFFFFC000  }
0x3d: {  	_ =	swait.ge [sflag:s23], $0x4000  }
0x3e: {  	[sflag:s23] =	ssyncset.done $0x0  }
0x3f: {  	p0 =	seq.s32 s31, $0x4800;
	s0 =	sadd.s32 $0x15180, s0;
	[sflag:s23] =	ssyncadd.s32 $0xFFFFC000  }
0x40: {  	[spmem:s2] =	stream.indirect.scatter.add.f32 [tilespmem:s21], [sflag:$0x4], $0x80, s0, s17, $0xb8;
	[tilespmem:$0x1E400] =	vst v63  }
0x41: {  	s3 =	simm.s32 @!p0 $0x80;
	s0 =	sshra.s32 @!p0 s31, $0x2;
	s31 =	sadd.s32 @!p0 $0x400, s31  }
0x42: {  	s1 =	simm.s32 @!p0 $0x16400;
	s0 =	sadd.s32 @!p0 $0x13E00, s0;
	p1 =	sne.s32 @!p0 s31, $0x4C00  }
0x43: {  	[tilespmem:s1], [sflag:$0x1] =	stream.indirect.gather @!p0 [hbm4b:s5+s3], $0x80, s0, s3, $0xb8;
	[tilespmem:$0x1E400] =	vst v63  }
0x44: {  	p0 =	por p0, !p1  }
.Ltmp0:
0x45: {  	_ = 	snop;
	(pc) =	sbr.rel @!p0 .LBB2_2-.Ltmp0, $1  }
0x46: {  	_ =	sdelay $0x3  }
0x47: {  	_ =	swait.ge [sflag:s26], $0x4000  }
0x48: {  	[sflag:s26] =	ssyncset.done $0x0  }
0x49: {  	s31 =	simm.s32 $0x0;
	[sflag:s26] =	ssyncadd.s32 $0xFFFFC000  }
0x4a: {  	[tilespmem:s15], [sflag:$0x5] =	stream.linear.gather [hbm4b:s9+s31], $0x1380, $0x38;
	[tilespmem:$0x1E400] =	vst v63  }
0x4b: {  	_ =	swait.ge [sflag:s14], $0x1380  }
0x4c: {  	[sflag:s14] =	ssyncset.done $0x0  }
0x4d: {  	[sflag:s14] =	ssyncadd.s32 $0xFFFFEC80  }
0x4e: {  	[tilespmem:s16], [sflag:$0x5] =	stream.linear.gather [hbm4b:s10+s31], $0x1380, $0x38;
	[tilespmem:$0x1E400] =	vst v63  }
0x4f: {  	_ =	swait.ge [sflag:s14], $0x1380  }
0x50: {  	[sflag:s14] =	ssyncset.done $0x0  }
0x51: {  	[sflag:s14] =	ssyncadd.s32 $0xFFFFEC80  }
0x52: {  	[tilespmem:s18], [sflag:$0x1] =	stream.indirect.gather [hbm4b:s5+s17], $0x80, s15, s17, $0xb8;
	[tilespmem:$0x1E400] =	vst v63  }
0x53: {  	_ =	swait.ge [sflag:s19], $0x4000  }
0x54: {  	[sflag:s19] =	ssyncset.done $0x0  }
0x55: {  	[sflag:s19] =	ssyncadd.s32 $0xFFFFC000  }
0x56: {  	[spmem:s2] =	stream.indirect.scatter.add.f32 [tilespmem:s18], [sflag:$0x3], $0x80, s16, s17, $0xb8;
	[tilespmem:$0x1E400] =	vst v63  }
0x57: {  	_ = 	snop  }
0x58: {  	[tilespmem:s21], [sflag:$0x2] =	stream.indirect.gather [hbm4b:s5+s17], $0x80, s20, s17, $0xb8;
	[tilespmem:$0x1E400] =	vst v63  }
0x59: {  	_ =	swait.ge [sflag:s22], $0x4000  }
0x5a: {  	[sflag:s22] =	ssyncset.done $0x0  }
0x5b: {  	[sflag:s22] =	ssyncadd.s32 $0xFFFFC000  }
0x5c: {  	_ =	swait.ge [sflag:s23], $0x4000  }
0x5d: {  	[sflag:s23] =	ssyncset.done $0x0  }
0x5e: {  	[sflag:s23] =	ssyncadd.s32 $0xFFFFC000  }
0x5f: {  	[spmem:s2] =	stream.indirect.scatter.add.f32 [tilespmem:s21], [sflag:$0x4], $0x80, s24, s17, $0xb8;
	[tilespmem:$0x1E400] =	vst v63  }
0x60: {  	_ = 	snop  }
0x61: {  	[tilespmem:s18], [sflag:$0x1] =	stream.indirect.gather [hbm4b:s5+s17], $0x80, s25, s17, $0xb8;
	[tilespmem:$0x1E400] =	vst v63  }
.LBB2_4:
0x62: {  	_ =	swait.ge [sflag:s26], $0x4000  }
0x63: {  	[sflag:s26] =	ssyncset.done $0x0  }
0x64: {  	[sflag:s26] =	ssyncadd.s32 $0xFFFFC000  }
0x65: {  	_ =	swait.ge [sflag:s19], $0x4000  }
0x66: {  	s0 =	sshra.s32 s31, $0x2;
	[sflag:s19] =	ssyncset.done $0x0  }
0x67: {  	s1 =	sadd.s32 $0x15100, s0;
	[sflag:s19] =	ssyncadd.s32 $0xFFFFC000  }
0x68: {  	[spmem:s2] =	stream.indirect.scatter.add.f32 [tilespmem:s18], [sflag:$0x3], $0x80, s1, s17, $0xb8;
	[tilespmem:$0x1E400] =	vst v63  }
0x69: {  	s3 =	sadd.s32 $0x13D80, s0  }
0x6a: {  	[tilespmem:s21], [sflag:$0x2] =	stream.indirect.gather [hbm4b:s5+s17], $0x80, s3, s17, $0xb8;
	[tilespmem:$0x1E400] =	vst v63  }
0x6b: {  	_ =	swait.ge [sflag:s22], $0x4000  }
0x6c: {  	[sflag:s22] =	ssyncset.done $0x0  }
0x6d: {  	[sflag:s22] =	ssyncadd.s32 $0xFFFFC000  }
0x6e: {  	_ =	swait.ge [sflag:s23], $0x4000  }
0x6f: {  	[sflag:s23] =	ssyncset.done $0x0  }
0x70: {  	p0 =	seq.s32 s31, $0x4400;
	s0 =	sadd.s32 $0x15180, s0;
	[sflag:s23] =	ssyncadd.s32 $0xFFFFC000  }
0x71: {  	[spmem:s2] =	stream.indirect.scatter.add.f32 [tilespmem:s21], [sflag:$0x4], $0x80, s0, s17, $0xb8;
	[tilespmem:$0x1E400] =	vst v63  }
0x72: {  	s1 =	simm.s32 @!p0 $0x80;
	s0 =	sshra.s32 @!p0 s31, $0x2;
	s31 =	sadd.s32 @!p0 $0x400, s31  }
0x73: {  	s3 =	simm.s32 @!p0 $0x16400;
	s0 =	sadd.s32 @!p0 $0x13E00, s0;
	p1 =	sne.s32 @!p0 s31, $0x4800  }
0x74: {  	[tilespmem:s3], [sflag:$0x1] =	stream.indirect.gather @!p0 [hbm4b:s5+s1], $0x80, s0, s1, $0xb8;
	[tilespmem:$0x1E400] =	vst v63  }
0x75: {  	p0 =	por p0, !p1  }
.Ltmp1:
0x76: {  	_ = 	snop;
	(pc) =	sbr.rel @!p0 .LBB2_4-.Ltmp1, $1  }
0x77: {  	_ =	sdelay $0x3  }
0x78: {  	_ =	swait.ge [sflag:s26], $0x4000  }
0x79: {  	[sflag:s26] =	ssyncset.done $0x0  }
0x7a: {  	[sflag:s26] =	ssyncadd.s32 $0xFFFFC000  }
0x7b: {  	[tilespmem:s18], [sflag:$0x1] =	stream.indirect.gather [hbm4b:s5+s17], $0x80, s28, s17, $0xb8;
	[tilespmem:$0x1E400] =	vst v63  }
0x7c: {  	_ =	swait.ge [sflag:s19], $0x4000  }
0x7d: {  	[sflag:s19] =	ssyncset.done $0x0  }
0x7e: {  	[sflag:s19] =	ssyncadd.s32 $0xFFFFC000  }
0x7f: {  	[spmem:s2] =	stream.indirect.scatter.add.f32 [tilespmem:s18], [sflag:$0x5], $0x80, s29, s17, $0xb8;
	[tilespmem:$0x1E400] =	vst v63  }
0x80: {  	_ =	swait.ge [sflag:s14], $0x4000  }
0x81: {  	s30 =	sadd.s32 $0x1, s30;
	[sflag:s14] =	ssyncset.done $0x0  }
0x82: {  	p0 =	sne.s32 s30, s12;
	[sflag:s14] =	ssyncadd.s32 $0xFFFFC000  }
.Ltmp2:
0x83: {  	[bflag:$0x0] =	sbarrier.arrive $0xFFFF;
	(pc) =	sbr.rel @p0 .LBB2_1-.Ltmp2, $4  }
0x84: {  	[hbm:s11], [sflag:s6] =	dma.local [spmem:s13], $0x2780  }
0x85: {  	_ =	swait.ge [sflag:s14], $0x2780  }
0x86: {  	[sflag:s14] =	ssyncset.done $0x0  }
0x87: {  	[sflag:s14] =	ssyncadd.s32 $0xFFFFD880  }
0x88: {  	_ =	sfence.sel $0x180000  }
0x89: {  	[bflag:$0x0] =	sbarrier.arrive $0xFFFF  }
0x8a: {  	_ =	strace $0x90000053  }
0x8b: {  	s0 =	stileid.u32;
	[bflag:$0x2] =	sbarrier.arrive $0xFFFF  }
0x8c: {  	p0 =	sne.s32 s0, $0x0;
	s0 =	rddreg [dreg:$0x3]  }
0x8d: {  	s0 =	sadd.s32 @!p0 $0x100000, s0  }
0x8e: {  	[sflag:s0] =	ssyncadd.tile.s32 @!p0 $0x1;
	_ =	shalt  }
.Lfunc_end2:
_tile_overlayer_lowered:
.L_overlay_start_2:
0x8f: {  	(tag) =	ssettag $0x2  }
0x90: {  	s0 =	rddreg [dreg:$0x0];
	s2 =	stileid.u32  }
0x91: {  	s1 =	rddreg [dreg:$0x1];
	p0 =	sne.s32 s2, $0x0  }
0x92: {  	s3 =	rddreg [dreg:$0x2];
	[bflag:$0x3] =	sbarrier.arrive $0xFFFF;
	s2 =	simm.s32 @!p0 $0x1C05  }
0x93: {  	[timem:s3], [sflag:s2] =	dma.local @!p0 [hbm:s0], s1  }
0x94: {  	s0 =	simm.s32 @!p0 $0x5  }
0x95: {  	_ =	swait.ge @!p0 [sflag:s0], s1  }
0x96: {  	s1 =	ssub.s32 @!p0 $0x0, s1;
	[sflag:s0] =	ssyncset.done @!p0 $0x0  }
0x97: {  	[sflag:s0] =	ssyncadd.s32 @!p0 s1  }
0x98: {  	[bflag:$0x3] =	sbarrier.arrive $0xFFFF  }
0x99: {  	_ =	shalt  }

// kernel: kernel.29.cloned.1.call-start
scs
__scs_entry_jumppad:
0x0: {  	(pc) =	sbr.rel $0x88, $3  }
0x1: {  	(tag) =	ssettag $0x0;
	lr =	simm.s32 $0x1  }
0x2: {  	[smem:$0x3F89] =	sst lr;
	_ =	strace $0xD0000000  }
0x3: {  	_ = 	snop  }
0x4: {  	_ = 	snop  }
0x5: {  	_ = 	snop  }
0x6: {  	_ = 	snop  }
0x7: {  	_ = 	snop  }
__scs_overlays_trampoline_lowered:
0x8: {  	[smem:$0x3F98] =	sst s0  }
0x9: {  	[smem:$0x3F99] =	sst s1  }
0xa: {  	[smem:$0x3F9A] =	sst s2  }
0xb: {  	[smem:$0x3F9B] =	sst s3  }
0xc: {  	[smem:$0x3F9C] =	sst s4  }
0xd: {  	[smem:$0x3F9D] =	sst s5  }
0xe: {  	[smem:$0x3F9E] =	sst s6  }
0xf: {  	[smem:$0x3F9F] =	sst s7  }
0x10: {  	[smem:$0x3FA0] =	sst s8  }
0x11: {  	[smem:$0x3FA1] =	sst s9;
	s0 =	simm.s32 @!p0 $0x0  }
0x12: {  	s1 =	sld [smem:$0x3F87];
	s0 =	simm.s32 @p0 $0x1  }
0x13: {  	[smem:$0x3FA2] =	sst s0;
	s0 =	simm.s32 @!p1 $0x0  }
0x14: {  	s2 =	sld [smem:$0x3F86];
	s0 =	simm.s32 @p1 $0x1  }
0x15: {  	[smem:$0x3FA3] =	sst s0;
	s0 =	simm.s32 @!p2 $0x0  }
0x16: {  	s3 =	sld [smem:$0x3FDB];
	s0 =	simm.s32 @p2 $0x1  }
0x17: {  	s4 =	simm.s32 $0x1BF5;
	[smem:$0x3FA5] =	sst s0  }
0x18: {  	s0 =	sld [smem:$0x3F88];
	_ =	swait.ge [sflag:s4], $0x0  }
0x19: {  	s7 =	sld [smem:$0x3F89]  }
0x1a: {  	s8 =	sadd.s32 $0xFFFFE003, lr  }
0x1b: {  	s9 =	sadd.s32 $0xFFFFFEF7, lr;
	s5 =	simm.s32 $0xFFFFFFFF;
	p2 =	slt.u32 s8, $0xFFFFF086  }
0x1c: {  	p1 =	slt.u32 s9, $0xF7A;
	s5 =	simm.s32 @!p2 $0x0  }
0x1d: {  	s5 =	simm.s32 @p1 $0x1;
	p0 =	seq.s32 s7, s2  }
0x1e: {  	s7 =	smul.u32 @!p0 $0xF7A, s2;
	p2 =	seq.s32 @!p0 s5, $0x0  }
0x1f: {  	s9 =	smul.u32 $0xF7A, s1;
	s8 =	simm.s32 @!p0 $0x1BF5;
	p2 =	por !p2, p0  }
0x20: {  	[sflag:s8] =	ssyncset.s32 @!p0 $0xFFFFF086;
	s6 =	sadd.s32 @!p0 s3, s7;
	s7 =	simm.s32 @!p0 $0x108  }
0x21: {  	s3 =	sadd.s32 s3, s9;
	s6 =	sadd.s32 @!p0 $0x88, s6;
	s7 =	simm.s32 @p2 $0x1082  }
0x22: {  	[simem:s7], [sflag:s8] =	dma.local @!p0 [hbm:s6], $0xF7A  }
0x23: {  	s9 =	sor.u32 $0xD0000000, s2;
	s6 =	simm.s32 $0x108;
	_ =	swait.ge @!p0 [sflag:s8], $0x0  }
0x24: {  	s3 =	sadd.s32 $0x88, s3;
	s6 =	simm.s32 @!p1 $0x1082;
	[sflag:s4] =	ssyncset.s32 $0xFFFFF086  }
0x25: {  	[simem:s6], [sflag:s4] =	dma.local [hbm:s3], $0xF7A  }
0x26: {  	[smem:$0x3F89] =	sst s1;
	(tag) =	ssettag s2;
	_ =	strace s9  }
0x27: {  	s1 =	sld [smem:$0x3F99]  }
0x28: {  	s2 =	sld [smem:$0x3F9A]  }
0x29: {  	s4 =	sld [smem:$0x3F9C]  }
0x2a: {  	p0 =	seq.s32 s5, $0x0;
	s5 =	sld [smem:$0x3F9D]  }
0x2b: {  	s6 =	sld [smem:$0x3F9E]  }
0x2c: {  	s7 =	sld [smem:$0x3F9F]  }
0x2d: {  	s3 =	simm.s32 $0x108;
	s8 =	sld [smem:$0x3FA0]  }
0x2e: {  	s3 =	simm.s32 @!p0 $0x1082;
	s9 =	sld [smem:$0x3FA1]  }
0x2f: {  	lr =	sadd.s32 s0, s3;
	s0 =	sld [smem:$0x3F98]  }
0x30: {  	s3 =	sld [smem:$0x3F9B]  }
0x31: {  	[smem:$0x3FA4] =	sst s10  }
0x32: {  	s10 =	sld [smem:$0x3FA2];
	_ =	sdelay $0x3  }
0x33: {  	p0 =	seq.s32 s10, $0x1;
	s10 =	sld [smem:$0x3FA4];
	_ =	sdelay $0x3  }
0x34: {  	[smem:$0x3FA4] =	sst s10  }
0x35: {  	s10 =	sld [smem:$0x3FA3];
	_ =	sdelay $0x3  }
0x36: {  	p1 =	seq.s32 s10, $0x1;
	s10 =	sld [smem:$0x3FA4];
	_ =	sdelay $0x3  }
0x37: {  	[smem:$0x3FA4] =	sst s10  }
0x38: {  	s10 =	sld [smem:$0x3FA5]  }
0x39: {  	_ = 	snop;
	(pc) =	sbr.ind lr, $3  }
0x3a: {  	_ = 	snop  }
0x3b: {  	_ = 	snop  }
0x3c: {  	p2 =	seq.s32 s10, $0x1;
	s10 =	sld [smem:$0x3FA4]  }
0x3d: {  	_ =	shalt  }
0x3e: {  	_ =	shalt  }
0x3f: {  	_ =	shalt  }
0x40: {  	_ =	shalt  }
0x41: {  	_ =	shalt  }
0x42: {  	_ =	shalt  }
0x43: {  	_ =	shalt  }
0x44: {  	_ =	shalt  }
0x45: {  	_ =	shalt  }
0x46: {  	_ =	shalt  }
0x47: {  	_ =	shalt  }
0x48: {  	_ =	shalt  }
0x49: {  	_ =	shalt  }
0x4a: {  	_ =	shalt  }
0x4b: {  	_ =	shalt  }
0x4c: {  	_ =	shalt  }
0x4d: {  	_ =	shalt  }
0x4e: {  	_ =	shalt  }
0x4f: {  	_ =	shalt  }
0x50: {  	_ =	shalt  }
0x51: {  	_ =	shalt  }
0x52: {  	_ =	shalt  }
0x53: {  	_ =	shalt  }
0x54: {  	_ =	shalt  }
0x55: {  	_ =	shalt  }
0x56: {  	_ =	shalt  }
0x57: {  	_ =	shalt  }
0x58: {  	_ =	shalt  }
0x59: {  	_ =	shalt  }
0x5a: {  	_ =	shalt  }
0x5b: {  	_ =	shalt  }
0x5c: {  	_ =	shalt  }
0x5d: {  	_ =	shalt  }
0x5e: {  	_ =	shalt  }
0x5f: {  	_ =	shalt  }
0x60: {  	_ =	shalt  }
0x61: {  	_ =	shalt  }
0x62: {  	_ =	shalt  }
0x63: {  	_ =	shalt  }
0x64: {  	_ =	shalt  }
0x65: {  	_ =	shalt  }
0x66: {  	_ =	shalt  }
0x67: {  	_ =	shalt  }
0x68: {  	_ =	shalt  }
0x69: {  	_ =	shalt  }
0x6a: {  	_ =	shalt  }
0x6b: {  	_ =	shalt  }
0x6c: {  	_ =	shalt  }
0x6d: {  	_ =	shalt  }
0x6e: {  	_ =	shalt  }
0x6f: {  	_ =	shalt  }
0x70: {  	_ =	shalt  }
0x71: {  	_ =	shalt  }
0x72: {  	_ =	shalt  }
0x73: {  	_ =	shalt  }
0x74: {  	_ =	shalt  }
0x75: {  	_ =	shalt  }
0x76: {  	_ =	shalt  }
0x77: {  	_ =	shalt  }
0x78: {  	_ =	shalt  }
0x79: {  	_ =	shalt  }
0x7a: {  	_ =	shalt  }
0x7b: {  	_ =	shalt  }
0x7c: {  	_ =	shalt  }
0x7d: {  	_ =	shalt  }
0x7e: {  	_ =	shalt  }
0x7f: {  	_ =	shalt  }
0x80: {  	_ =	shalt  }
0x81: {  	_ =	shalt  }
0x82: {  	_ =	shalt  }
0x83: {  	_ =	shalt  }
0x84: {  	_ =	shalt  }
0x85: {  	_ =	shalt  }
0x86: {  	_ =	shalt  }
0x87: {  	_ =	shalt  }
.Lfunc_end0:
.L_simem_size_0:
called_computation.5_lowered:
.L_overlay_start_0:
0x88: {  	s2 =	sld [smem:$0x3FD9]  }
0x89: {  	s3 =	sld [smem:$0x3FFE];
	_ =	sdelay $0x1  }
0x8a: {  	s1 =	srdreg.scid  }
0x8b: {  	s0 =	sand.u32 $0x1, s1  }
0x8c: {  	s16 =	sshll.u32 s0, $0xA;
	s2 =	sadd.s32 s3, s2  }
0x8d: {  	s2 =	sadd.s32 s2, s16  }
0x8e: {  	[smem:$0x3FB0] =	sst s2  }
0x8f: {  	_ = 	snop  }
0x90: {  	(tm) =	ssettm $0x1  }
0x91: {  	s17 =	sld [smem:$0x3FFB];
	_ =	sdelay $0x3  }
0x92: {  	_ =	strace s17  }
0x93: {  	s2 =	sld [smem:$0x3FFC];
	_ =	sdelay $0x3  }
0x94: {  	_ =	strace s2  }
0x95: {  	s2 =	sld [smem:$0x3FFD];
	_ =	sdelay $0x3  }
0x96: {  	_ =	strace s2  }
0x97: {  	_ =	strace $0x8FFFFFFF  }
0x98: {  	s18 =	sld [smem:$0x3FDB];
	_ =	sdelay $0x1  }
0x99: {  	s19 =	simm.s32 $_scs_section_size  }
0x9a: {  	s4 =	simm.s32 $_size__tile_overlayer_lowered;
	s5 =	simm.s32 $_tile_overlayer_lowered  }
0x9b: {  	s22 =	simm.s32 $0x1BFF;
	s21 =	sshll.u32 s5, $0x1;
	s2 =	sadd.s32 s19, s18  }
0x9c: {  	s6 =	simm.s32 $0x0;
	s20 =	sshll.u32 s4, $0x1;
	s4 =	sadd.s32 s21, s2  }
0x9d: {  	[timem:s6], [sflag:s22] =	dma.local [hbm:s4], s20  }
0x9e: {  	_ =	swait.ge [sflag:s22], s20  }
0x9f: {  	s3 =	ssub.s32 $0x0, s20;
	[sflag:s22] =	ssyncset.done $0x0  }
0xa0: {  	[sflag:s22] =	ssyncadd.s32 s3;
	_ =	sdelay $0x1  }
0xa1: {  	s23 =	simm.s32 $0x1B8B  }
0xa2: {  	_ =	swait.ge [sflag:s23], $0x1  }
0xa3: {  	[sflag:s23] =	ssyncset.done $0x0  }
0xa4: {  	s25 =	simm.s32 $0x1B8E;
	s24 =	sld [smem:$0x3FFE];
	[sflag:s23] =	ssyncadd.s32 $0xFFFFFFFF  }
0xa5: {  	s26 =	simm.s32 $execute0_lowered;
	[smem:$0x3FD2] =	sst s25  }
0xa6: {  	s4 =	sshll.u32 s26, $0x1;
	_ =	strace $0x80000055;
	[dreg:$0x1] =	wrdreg $0xFFFFFFFF  }
0xa7: {  	s28 =	simm.s32 $_size_execute0_lowered;
	s2 =	sadd.s32 s2, s4;
	[dreg:$0x0] =	wrdreg $0x0  }
0xa8: {  	s4 =	sshll.u32 s28, $0x1;
	[dreg:$0x2] =	wrdreg s2  }
0xa9: {  	[dreg:$0x3] =	wrdreg s4  }
0xaa: {  	[dreg:$0x4] =	wrdreg $0xC0  }
0xab: {  	_ =	task [dreg:s6], $0x5FFFF  }
0xac: {  	[dreg:$0x1] =	wrdreg $0xFFFFFFFF  }
0xad: {  	[dreg:$0x0] =	wrdreg $0x60  }
0xae: {  	[dreg:$0x2] =	wrdreg s24  }
0xaf: {  	[dreg:$0x3] =	wrdreg $0x9  }
0xb0: {  	_ =	task.clear_ibuf [dreg:s6], $0x4FFFF;
	_ =	strace $0x90000055  }
0xb1: {  	s29 =	simm.s32 $0x9;
	_ =	strace $0x80000057  }
0xb2: {  	_ =	swait.ge [sflag:s29], $0x1  }
0xb3: {  	[sflag:s29] =	ssyncadd.s32 $0xFFFFFFFF  }
0xb4: {  	_ =	strace $0x90000057  }
0xb5: {  	_ =	sfence  }
0xb6: {  	s30 =	sld [smem:$0x0];
	_ =	sdelay $0x2  }
0xb7: {  	s31 =	sshll.u32 s1, $0xD;
	s1 =	sshrl.u32 s1, $0x2  }
0xb8: {  	s3 =	sand.u32 $0x4000, s31;
	s1 =	sadd.s32 s1, s30  }
0xb9: {  	s0 =	sor.u32 s3, s0;
	s1 =	sshll.u32 s1, $0x11  }
0xba: {  	s0 =	sor.u32 s1, s0  }
0xbb: {  	s0 =	sadd.s32 $0x8F2B, s0  }
0xbc: {  	[sflag:s0] =	ssyncadd.remote.s32 $0x1  }
0xbd: {  	_ =	sfence.sel $0xFFFF  }
0xbe: {  	[dreg:$0x0] =	wrdreg $0xFFFFFFFF;
	(pc) =	sbr.abs _section_cstart, $3  }
0xbf: {  	[dreg:$0x1] =	wrdreg $0xFFFFFFFF  }
0xc0: {  	_ =	task.clear_ibuf [dreg:s6], $0x2FFFF;
	_ =	strace $0x9FFFFFFF  }
0xc1: {  	(tm) =	ssettm $0x7FFFFFFF  }
tec
execute0_lowered:
.L_overlay_start_1:
0x0: {  	(tag) =	ssettag $0x1  }
0x1: {  	s5 =	rddreg [dreg:$0x0]  }
0x2: {  	s0 =	rddreg [dreg:$0x1];
	s3 =	srdreg.scid  }
0x3: {  	s1 =	stileid.u32;
	s2 =	simm.s32 $0x0;
	s11 =	simm.s32 $0x5  }
0x4: {  	s12 =	simm.s32 $0x2800;
	s13 =	simm.s32 $0x80;
	s14 =	simm.s32 $0x5000  }
0x5: {  	s15 =	simm.s32 $0xD000;
	s16 =	simm.s32 $0x1;
	s17 =	simm.s32 $0x2  }
0x6: {  	s18 =	simm.s32 $0x9000;
	s19 =	simm.s32 $0x3;
	s20 =	simm.s32 $0x4  }
0x7: {  	s21 =	simm.s32 $0x2700;
	s6 =	sand.u32 $0x1, s3;
	s31 =	sshll.u32 s1, $0x1  }
0x8: {  	s22 =	simm.s32 $0x4F00;
	s23 =	simm.s32 $0x0;
	s7 =	sor.u32 s6, s31  }
0x9: {  	[smem:$0x7FF] =	sst s2;
	s6 =	ssub.s32 $0x2, s6;
	s8 =	smul.u32 $0x500, s7  }
0xa: {  	s3 =	sadd.s32 $0x6600, s5;
	s9 =	smul.u32 $0x13C000, s7;
	s10 =	sshrl.u32 s6, $0x1  }
0xb: {  	s4 =	sadd.s32 $0x2D800, s5;
	_ =	strace $0x80000056;
	s10 =	ssub.s32 s6, s10  }
0xc: {  	s8 =	sadd.s32 s8, s5;
	s5 =	sadd.s32 $0xF4000, s5;
	s9 =	sshrl.u32 s9, $0x3  }
0xd: {  	s6 =	smul.u32 $0x4F, s7;
	s10 =	smax.u32 s10, $0x1;
	s9 =	sadd.s32 s5, s9  }
0xe: {  	s7 =	sadd.s32 $0xE0000, s8;
	s8 =	sadd.s32 $0xEA000, s8;
	s9 =	sadd.s32 $0x27000, s9  }
.LBB2_1:
0xf: {  	[tilespmem:s2], [sflag:$0x5] =	stream.linear.gather [hbm4b:s7+s2], $0x2780, $0x38;
	[tilespmem:$0x11000] =	vst v63  }
0x10: {  	_ =	swait.ge [sflag:s11], $0x2780  }
0x11: {  	[sflag:s11] =	ssyncset.done $0x0  }
0x12: {  	[sflag:s11] =	ssyncadd.s32 $0xFFFFD880  }
0x13: {  	[tilespmem:s12], [sflag:$0x5] =	stream.linear.gather [hbm4b:s8+s2], $0x2780, $0x38;
	[tilespmem:$0x11000] =	vst v63  }
0x14: {  	_ =	swait.ge [sflag:s11], $0x2780  }
0x15: {  	[sflag:s11] =	ssyncset.done $0x0  }
0x16: {  	s24 =	simm.s32 $0x0;
	[sflag:s11] =	ssyncadd.s32 $0xFFFFD880  }
.LBB2_2:
0x17: {  	s25 =	sshll.u32 s24, $0x8  }
0x18: {  	[tilespmem:s14], [sflag:$0x1] =	stream.indirect.gather [hbm4b:s3+s13], $0x80, s25, s13, $0xb8;
	[tilespmem:$0x11000] =	vst v63  }
0x19: {  	s25 =	sadd.s32 $0x2800, s25  }
0x1a: {  	[tilespmem:s15], [sflag:$0x2] =	stream.indirect.gather [hbm4b:s4+s13], $0x80, s25, s13, $0xb8;
	[tilespmem:$0x11000] =	vst v63  }
0x1b: {  	_ =	swait.ge [sflag:s16], $0x4000  }
0x1c: {  	[sflag:s16] =	ssyncset.done $0x0  }
0x1d: {  	[sflag:s16] =	ssyncadd.s32 $0xFFFFC000  }
0x1e: {  	_ =	swait.ge [sflag:s17], $0x4000  }
0x1f: {  	p0 =	seq.s32 s24, $0x0;
	[sflag:s17] =	ssyncset.done $0x0  }
0x20: {  	s25 =	simm.s32 @!p0 $0x4;
	[sflag:s17] =	ssyncadd.s32 $0xFFFFC000  }
0x21: {  	_ =	swait.ge @!p0 [sflag:s25], $0x4000  }
0x22: {  	[sflag:s25] =	ssyncset.done @!p0 $0x0  }
0x23: {  	[sflag:s25] =	ssyncadd.s32 @!p0 $0xFFFFC000;
	s25 =	simm.s32 $0x0  }
0x24: {  	v7 =	vld [tilespmem:s25+$0xD000]  }
0x25: {  	v11 =	vld [tilespmem:s25+$0xD010]  }
0x26: {  	v5 =	vld [tilespmem:s25+$0xD020]  }
0x27: {  	v4 =	vld [tilespmem:s25+$0xD030]  }
0x28: {  	v3 =	vld [tilespmem:s25+$0xD040]  }
0x29: {  	v2 =	vld [tilespmem:s25+$0xD050]  }
0x2a: {  	v1 =	vld [tilespmem:s25+$0xD060]  }
0x2b: {  	v0 =	vld [tilespmem:s25+$0xD070]  }
0x2c: {  	v12 =	vld [tilespmem:s25+$0x5000]  }
0x2d: {  	v13 =	vld [tilespmem:s25+$0x5010]  }
0x2e: {  	v10 =	vld [tilespmem:s25+$0x5020]  }
0x2f: {  	v9 =	vld [tilespmem:s25+$0x5030]  }
0x30: {  	v8 =	vld [tilespmem:s25+$0x5040]  }
0x31: {  	v6 =	vld [tilespmem:s25+$0x5050];
	v12 =	vadd.f32 v7, v12  }
0x32: {  	s26 =	sshll.u32 s24, $0x1;
	s28 =	simm.s32 $0x200;
	v11 =	vadd.f32 v11, v13;
	v7 =	vld [tilespmem:s25+$0x5060]  }
.LBB2_3:
0x33: {  	s29 =	sshra.s32 s28, $0x2;
	p0 =	sne.s32 s28, $0xFE00;
	[tilespmem:s25+$0x5000] =	vst v12;
	v5 =	vadd.f32 v5, v10;
	v10 =	vld [tilespmem:s25+$0x5070]  }
0x34: {  	v12 =	vld [tilespmem:s29+$0xD000];
	[tilespmem:s25+$0x5010] =	vst v11;
	v4 =	vadd.f32 v4, v9  }
0x35: {  	v11 =	vld [tilespmem:s29+$0xD010];
	[tilespmem:s25+$0x5020] =	vst v5;
	v3 =	vadd.f32 v3, v8  }
0x36: {  	v5 =	vld [tilespmem:s29+$0xD020];
	[tilespmem:s25+$0x5030] =	vst v4;
	v2 =	vadd.f32 v2, v6  }
0x37: {  	v4 =	vld [tilespmem:s29+$0xD030];
	[tilespmem:s25+$0x5040] =	vst v3;
	v1 =	vadd.f32 v1, v7  }
0x38: {  	v3 =	vld [tilespmem:s29+$0xD040];
	[tilespmem:s25+$0x5050] =	vst v2;
	v0 =	vadd.f32 v0, v10  }
0x39: {  	v2 =	vld [tilespmem:s29+$0xD050];
	[tilespmem:s25+$0x5060] =	vst v1  }
0x3a: {  	v1 =	vld [tilespmem:s29+$0xD060];
	[tilespmem:s25+$0x5070] =	vst v0;
	s25 =	smov.u32 s29  }
0x3b: {  	v0 =	vld [tilespmem:s25+$0xD070]  }
0x3c: {  	v6 =	vld [tilespmem:s25+$0x5000]  }
0x3d: {  	v7 =	vld [tilespmem:s25+$0x5010]  }
.Ltmp0:
0x3e: {  	v10 =	vld [tilespmem:s25+$0x5020];
	(pc) =	sbr.rel @p0 .LBB2_3-.Ltmp0, $4  }
0x3f: {  	v9 =	vld [tilespmem:s25+$0x5030]  }
0x40: {  	v8 =	vld [tilespmem:s25+$0x5040]  }
0x41: {  	v12 =	vadd.f32 v12, v6;
	v6 =	vld [tilespmem:s25+$0x5050]  }
0x42: {  	s28 =	sadd.s32 $0x200, s28;
	v11 =	vadd.f32 v11, v7;
	v7 =	vld [tilespmem:s25+$0x5060]  }
0x43: {  	[tilespmem:s25+$0x5000] =	vst v12;
	v5 =	vadd.f32 v5, v10;
	v10 =	vld [tilespmem:s25+$0x5070]  }
0x44: {  	[tilespmem:s25+$0x5010] =	vst v11;
	v4 =	vadd.f32 v4, v9  }
0x45: {  	[tilespmem:s25+$0x5020] =	vst v5;
	v3 =	vadd.f32 v3, v8  }
0x46: {  	[tilespmem:s25+$0x5030] =	vst v4;
	v2 =	vadd.f32 v2, v6  }
0x47: {  	[tilespmem:s25+$0x5040] =	vst v3;
	v1 =	vadd.f32 v1, v7  }
0x48: {  	s28 =	sadd.s32 s6, s26;
	[tilespmem:s25+$0x5050] =	vst v2;
	v0 =	vadd.f32 v0, v10  }
0x49: {  	s28 =	sshll.u32 s28, $0xB;
	[tilespmem:s25+$0x5060] =	vst v1  }
0x4a: {  	s31 =	sadd.s32 s5, s28;
	s28 =	simm.s32 $0x0;
	[tilespmem:s25+$0x5070] =	vst v0;
	s25 =	sor.u32 $0x1, s26  }
0x4b: {  	[hbm4b:s31+s28] =	stream.linear.scatter [tilespmem:s14], [sflag:$0x3], $0x4000, $0x38;
	[tilespmem:$0x11000] =	vst v63  }
0x4c: {  	s26 =	sshll.u32 s25, $0x7  }
0x4d: {  	[tilespmem:s18], [sflag:$0x1] =	stream.indirect.gather [hbm4b:s3+s13], $0x80, s26, s13, $0xb8;
	[tilespmem:$0x11000] =	vst v63  }
0x4e: {  	s26 =	sadd.s32 $0x2800, s26  }
0x4f: {  	[tilespmem:s15], [sflag:$0x2] =	stream.indirect.gather [hbm4b:s4+s13], $0x80, s26, s13, $0xb8;
	[tilespmem:$0x11000] =	vst v63  }
0x50: {  	_ =	swait.ge [sflag:s16], $0x4000  }
0x51: {  	[sflag:s16] =	ssyncset.done $0x0  }
0x52: {  	[sflag:s16] =	ssyncadd.s32 $0xFFFFC000  }
0x53: {  	_ =	swait.ge [sflag:s17], $0x4000  }
0x54: {  	[sflag:s17] =	ssyncset.done $0x0  }
0x55: {  	[sflag:s17] =	ssyncadd.s32 $0xFFFFC000  }
0x56: {  	_ =	swait.ge [sflag:s19], $0x4000  }
0x57: {  	[sflag:s19] =	ssyncset.done $0x0  }
0x58: {  	s26 =	simm.s32 $0x0;
	[sflag:s19] =	ssyncadd.s32 $0xFFFFC000  }
0x59: {  	v7 =	vld [tilespmem:s26+$0xD000]  }
0x5a: {  	v11 =	vld [tilespmem:s26+$0xD010]  }
0x5b: {  	v5 =	vld [tilespmem:s26+$0xD020]  }
0x5c: {  	v4 =	vld [tilespmem:s26+$0xD030]  }
0x5d: {  	v3 =	vld [tilespmem:s26+$0xD040]  }
0x5e: {  	v2 =	vld [tilespmem:s26+$0xD050]  }
0x5f: {  	v1 =	vld [tilespmem:s26+$0xD060]  }
0x60: {  	v0 =	vld [tilespmem:s26+$0xD070]  }
0x61: {  	v12 =	vld [tilespmem:s26+$0x9000]  }
0x62: {  	v13 =	vld [tilespmem:s26+$0x9010]  }
0x63: {  	v10 =	vld [tilespmem:s26+$0x9020]  }
0x64: {  	v9 =	vld [tilespmem:s26+$0x9030]  }
0x65: {  	v8 =	vld [tilespmem:s26+$0x9040]  }
0x66: {  	v6 =	vld [tilespmem:s26+$0x9050];
	v12 =	vadd.f32 v7, v12  }
0x67: {  	s28 =	simm.s32 $0x200;
	v11 =	vadd.f32 v11, v13;
	v7 =	vld [tilespmem:s26+$0x9060]  }
.LBB2_5:
0x68: {  	s29 =	sshra.s32 s28, $0x2;
	p0 =	sne.s32 s28, $0xFE00;
	[tilespmem:s26+$0x9000] =	vst v12;
	v5 =	vadd.f32 v5, v10;
	v10 =	vld [tilespmem:s26+$0x9070]  }
0x69: {  	v12 =	vld [tilespmem:s29+$0xD000];
	[tilespmem:s26+$0x9010] =	vst v11;
	v4 =	vadd.f32 v4, v9  }
0x6a: {  	v11 =	vld [tilespmem:s29+$0xD010];
	[tilespmem:s26+$0x9020] =	vst v5;
	v3 =	vadd.f32 v3, v8  }
0x6b: {  	v5 =	vld [tilespmem:s29+$0xD020];
	[tilespmem:s26+$0x9030] =	vst v4;
	v2 =	vadd.f32 v2, v6  }
0x6c: {  	v4 =	vld [tilespmem:s29+$0xD030];
	[tilespmem:s26+$0x9040] =	vst v3;
	v1 =	vadd.f32 v1, v7  }
0x6d: {  	v3 =	vld [tilespmem:s29+$0xD040];
	[tilespmem:s26+$0x9050] =	vst v2;
	v0 =	vadd.f32 v0, v10  }
0x6e: {  	v2 =	vld [tilespmem:s29+$0xD050];
	[tilespmem:s26+$0x9060] =	vst v1  }
0x6f: {  	v1 =	vld [tilespmem:s29+$0xD060];
	[tilespmem:s26+$0x9070] =	vst v0;
	s26 =	smov.u32 s29  }
0x70: {  	v0 =	vld [tilespmem:s26+$0xD070]  }
0x71: {  	v6 =	vld [tilespmem:s26+$0x9000]  }
0x72: {  	v7 =	vld [tilespmem:s26+$0x9010]  }
.Ltmp1:
0x73: {  	v10 =	vld [tilespmem:s26+$0x9020];
	(pc) =	sbr.rel @p0 .LBB2_5-.Ltmp1, $4  }
0x74: {  	v9 =	vld [tilespmem:s26+$0x9030]  }
0x75: {  	v8 =	vld [tilespmem:s26+$0x9040]  }
0x76: {  	v12 =	vadd.f32 v12, v6;
	v6 =	vld [tilespmem:s26+$0x9050]  }
0x77: {  	s28 =	sadd.s32 $0x200, s28;
	v11 =	vadd.f32 v11, v7;
	v7 =	vld [tilespmem:s26+$0x9060]  }
0x78: {  	[tilespmem:s26+$0x9000] =	vst v12;
	v5 =	vadd.f32 v5, v10;
	v63 =	vld [tilespmem:s26+$0x9070]  }
0x79: {  	[tilespmem:s26+$0x9010] =	vst v11;
	v4 =	vadd.f32 v4, v9  }
0x7a: {  	s24 =	sadd.s32 $0x1, s24;
	[tilespmem:s26+$0x9020] =	vst v5;
	v3 =	vadd.f32 v3, v8  }
0x7b: {  	p0 =	sne.s32 s24, $0x27;
	[tilespmem:s26+$0x9030] =	vst v4;
	v2 =	vadd.f32 v2, v6  }
.Ltmp2:
0x7c: {  	s25 =	sadd.s32 s6, s25;
	[tilespmem:s26+$0x9040] =	vst v3;
	v1 =	vadd.f32 v1, v7;
	(pc) =	sbr.rel @p0 .LBB2_2-.Ltmp2, $4  }
0x7d: {  	s25 =	sshll.u32 s25, $0xB;
	[tilespmem:s26+$0x9050] =	vst v2;
	v0 =	vadd.f32 v0, v63  }
0x7e: {  	s25 =	sand.u32 $0x1FFFF800, s25;
	[tilespmem:s26+$0x9060] =	vst v1  }
0x7f: {  	s25 =	sadd.s32 s5, s25;
	[tilespmem:s26+$0x9070] =	vst v0  }
0x80: {  	[hbm4b:s25+s2] =	stream.linear.scatter [tilespmem:s18], [sflag:$0x4], $0x4000, $0x38;
	[tilespmem:$0x11000] =	vst v63  }
0x81: {  	_ =	swait.ge [sflag:s20], $0x4000  }
0x82: {  	[sflag:s20] =	ssyncset.done $0x0  }
0x83: {  	[sflag:s20] =	ssyncadd.s32 $0xFFFFC000  }
0x84: {  	[tilespmem:s14], [sflag:$0x1] =	stream.indirect.gather [hbm4b:s3+s13], $0x80, s21, s13, $0xb8;
	[tilespmem:$0x11000] =	vst v63  }
0x85: {  	_ =	swait.ge [sflag:s16], $0x4000  }
0x86: {  	[sflag:s16] =	ssyncset.done $0x0  }
0x87: {  	[sflag:s16] =	ssyncadd.s32 $0xFFFFC000  }
0x88: {  	[tilespmem:s15], [sflag:$0x2] =	stream.indirect.gather [hbm4b:s4+s13], $0x80, s22, s13, $0xb8;
	[tilespmem:$0x11000] =	vst v63  }
0x89: {  	_ =	swait.ge [sflag:s17], $0x4000  }
0x8a: {  	[sflag:s17] =	ssyncset.done $0x0  }
0x8b: {  	s24 =	simm.s32 $0x0;
	[sflag:s17] =	ssyncadd.s32 $0xFFFFC000  }
0x8c: {  	v7 =	vld [tilespmem:s24+$0xD000]  }
0x8d: {  	v11 =	vld [tilespmem:s24+$0xD010]  }
0x8e: {  	v5 =	vld [tilespmem:s24+$0xD020]  }
0x8f: {  	v4 =	vld [tilespmem:s24+$0xD030]  }
0x90: {  	v3 =	vld [tilespmem:s24+$0xD040]  }
0x91: {  	v2 =	vld [tilespmem:s24+$0xD050]  }
0x92: {  	v1 =	vld [tilespmem:s24+$0xD060]  }
0x93: {  	v0 =	vld [tilespmem:s24+$0xD070]  }
0x94: {  	v12 =	vld [tilespmem:s24+$0x5000]  }
0x95: {  	v13 =	vld [tilespmem:s24+$0x5010]  }
0x96: {  	v10 =	vld [tilespmem:s24+$0x5020]  }
0x97: {  	v9 =	vld [tilespmem:s24+$0x5030]  }
0x98: {  	v8 =	vld [tilespmem:s24+$0x5040]  }
0x99: {  	v6 =	vld [tilespmem:s24+$0x5050];
	v12 =	vadd.f32 v7, v12  }
0x9a: {  	s25 =	simm.s32 $0x200;
	v11 =	vadd.f32 v11, v13;
	v7 =	vld [tilespmem:s24+$0x5060]  }
.LBB2_8:
0x9b: {  	s26 =	sshra.s32 s25, $0x2;
	p0 =	sne.s32 s25, $0xFE00;
	[tilespmem:s24+$0x5000] =	vst v12;
	v5 =	vadd.f32 v5, v10;
	v10 =	vld [tilespmem:s24+$0x5070]  }
0x9c: {  	v12 =	vld [tilespmem:s26+$0xD000];
	[tilespmem:s24+$0x5010] =	vst v11;
	v4 =	vadd.f32 v4, v9  }
0x9d: {  	v11 =	vld [tilespmem:s26+$0xD010];
	[tilespmem:s24+$0x5020] =	vst v5;
	v3 =	vadd.f32 v3, v8  }
0x9e: {  	v5 =	vld [tilespmem:s26+$0xD020];
	[tilespmem:s24+$0x5030] =	vst v4;
	v2 =	vadd.f32 v2, v6  }
0x9f: {  	v4 =	vld [tilespmem:s26+$0xD030];
	[tilespmem:s24+$0x5040] =	vst v3;
	v1 =	vadd.f32 v1, v7  }
0xa0: {  	v3 =	vld [tilespmem:s26+$0xD040];
	[tilespmem:s24+$0x5050] =	vst v2;
	v0 =	vadd.f32 v0, v10  }
0xa1: {  	v2 =	vld [tilespmem:s26+$0xD050];
	[tilespmem:s24+$0x5060] =	vst v1  }
0xa2: {  	v1 =	vld [tilespmem:s26+$0xD060];
	[tilespmem:s24+$0x5070] =	vst v0;
	s24 =	smov.u32 s26  }
0xa3: {  	v0 =	vld [tilespmem:s24+$0xD070]  }
0xa4: {  	v6 =	vld [tilespmem:s24+$0x5000]  }
0xa5: {  	v7 =	vld [tilespmem:s24+$0x5010]  }
.Ltmp3:
0xa6: {  	v10 =	vld [tilespmem:s24+$0x5020];
	(pc) =	sbr.rel @p0 .LBB2_8-.Ltmp3, $4  }
0xa7: {  	v9 =	vld [tilespmem:s24+$0x5030]  }
0xa8: {  	v8 =	vld [tilespmem:s24+$0x5040]  }
0xa9: {  	v12 =	vadd.f32 v12, v6;
	v6 =	vld [tilespmem:s24+$0x5050]  }
0xaa: {  	s25 =	sadd.s32 $0x200, s25;
	v11 =	vadd.f32 v11, v7;
	v7 =	vld [tilespmem:s24+$0x5060]  }
0xab: {  	[tilespmem:s24+$0x5000] =	vst v12;
	v5 =	vadd.f32 v5, v10;
	v63 =	vld [tilespmem:s24+$0x5070]  }
0xac: {  	[tilespmem:s24+$0x5010] =	vst v11;
	v4 =	vadd.f32 v4, v9  }
0xad: {  	[tilespmem:s24+$0x5020] =	vst v5;
	v3 =	vadd.f32 v3, v8  }
0xae: {  	[tilespmem:s24+$0x5030] =	vst v4;
	v2 =	vadd.f32 v2, v6  }
0xaf: {  	[tilespmem:s24+$0x5040] =	vst v3;
	v1 =	vadd.f32 v1, v7  }
0xb0: {  	s23 =	sadd.s32 $0x1, s23;
	[tilespmem:s24+$0x5050] =	vst v2;
	v0 =	vadd.f32 v0, v63  }
0xb1: {  	p0 =	sne.s32 s23, s10;
	[tilespmem:s24+$0x5060] =	vst v1  }
.Ltmp4:
0xb2: {  	[tilespmem:s24+$0x5070] =	vst v0;
	(pc) =	sbr.rel @p0 .LBB2_1-.Ltmp4, $4  }
0xb3: {  	[hbm4b:s9+s2] =	stream.linear.scatter [tilespmem:s14], [sflag:$0x5], $0x4000, $0x38;
	[tilespmem:$0x11000] =	vst v63  }
0xb4: {  	_ =	swait.ge [sflag:s11], $0x4000  }
0xb5: {  	[sflag:s11] =	ssyncset.done $0x0  }
0xb6: {  	[sflag:s11] =	ssyncadd.s32 $0xFFFFC000  }
0xb7: {  	_ =	sfence.sel $0x180000  }
0xb8: {  	[bflag:$0x0] =	sbarrier.arrive $0xFFFF  }
0xb9: {  	p0 =	sne.s32 s1, $0x0;
	_ =	strace $0x90000056  }
0xba: {  	s0 =	sadd.s32 @!p0 $0x100000, s0;
	[bflag:$0x2] =	sbarrier.arrive $0xFFFF  }
0xbb: {  	[sflag:s0] =	ssyncadd.tile.s32 @!p0 $0x1;
	_ =	shalt  }
.Lfunc_end2:
_tile_overlayer_lowered:
.L_overlay_start_2:
0xbc: {  	(tag) =	ssettag $0x2  }
0xbd: {  	s0 =	rddreg [dreg:$0x0];
	s2 =	stileid.u32  }
0xbe: {  	s1 =	rddreg [dreg:$0x1];
	p0 =	sne.s32 s2, $0x0  }
0xbf: {  	s3 =	rddreg [dreg:$0x2];
	[bflag:$0x3] =	sbarrier.arrive $0xFFFF;
	s2 =	simm.s32 @!p0 $0x1C05  }
0xc0: {  	[timem:s3], [sflag:s2] =	dma.local @!p0 [hbm:s0], s1  }
0xc1: {  	s0 =	simm.s32 @!p0 $0x5  }
0xc2: {  	_ =	swait.ge @!p0 [sflag:s0], s1  }
0xc3: {  	s1 =	ssub.s32 @!p0 $0x0, s1;
	[sflag:s0] =	ssyncset.done @!p0 $0x0  }
0xc4: {  	[sflag:s0] =	ssyncadd.s32 @!p0 s1  }
0xc5: {  	[bflag:$0x3] =	sbarrier.arrive $0xFFFF  }
0xc6: {  	_ =	shalt  }

</sc_bundles>
